<compile_context>
chip_gen: v7x
topology: tpu7x:2x2x1
jax: 0.10.2.dev20260603
libtpu: 0.0.44.dev20260713+nightly
codegen_flags: <defaults>
</compile_context>

<pallas_src>
import functools

import jax
import jax.numpy as jnp
from jax import lax
from jax.experimental import pallas as pl
from jax.experimental.pallas import tpu as pltpu
from jax.experimental.pallas import tpu_sc as plsc

NUMEL = 4096 * 4096
K = 524288
NC = 2
NS = 16
NW = NC * NS
C = 32768
NCH = NUMEL // C
CPT = NCH // NW
B = 2048
L = 16
KS = K // NS
NP = 4
PS = KS // NP


def _scatter_block(chunk_ref, idx_ref, val_ref, gb, delta, ng):
  def group(j, _):
    iv = idx_ref[pl.ds(j * L, L)]
    vv = val_ref[pl.ds(j * L, L)]
    loc = iv - gb
    pos = lax.iota(jnp.int32, L) + (j * L)
    inb = (loc >= 0) & (loc < C) & (pos >= delta)
    lc = jnp.minimum(jnp.maximum(loc, 0), C - 1)
    r = lc >> 12
    col = lc & 4095
    vz = jnp.where(inb, vv, 0.0)
    plsc.addupdate_scatter(chunk_ref, [r, col], vz)
    return 0

  lax.fori_loop(0, ng, group, 0)


def _body(t2d_hbm, idx_hbm, val_hbm, o2d_hbm,
          pos_v, cnt_v, loc_v, stage_v, shared_cnt,
          cv0, cv1, cv2, ix0, ix1, ix2, vl0, vl1, vl2,
          isem0, isem1, isem2, osem0, osem1, osem2,
          xsem0, xsem1, xsem2, wsem0, wsem1, wsem2):
  flat_hbm = t2d_hbm.reshape(NCH, 8, 4096)
  out_hbm = o2d_hbm.reshape(NCH, 8, 4096)
  cid = lax.axis_index("c")
  sid = lax.axis_index("s")
  wid = sid * NC + cid
  cbase = wid * CPT
  lane = lax.iota(jnp.int32, L)

  pltpu.async_copy(flat_hbm.at[cbase], cv0, isem0)
  pltpu.async_copy(flat_hbm.at[cbase + 1], cv1, isem1)
  pltpu.async_copy(flat_hbm.at[cbase + 2], cv2, isem2)

  for np_ in range(NP):
    pltpu.sync_copy(
        idx_hbm.at[pl.ds(pl.multiple_of(sid * KS + np_ * PS, 8), PS)],
        cnt_v)

    def bs_body(g, _, np_=np_):
      bvec = (g * L + lane) * C
      lo = jnp.zeros((L,), jnp.int32)
      hi = jnp.full((L,), PS, jnp.int32)
      for _ in range(14):
        mid = jnp.minimum((lo + hi) >> 1, PS - 1)
        vals = plsc.load_gather(cnt_v, [mid])
        pred = vals < bvec
        lo = jnp.where(pred, mid + 1, lo)
        hi = jnp.where(pred, hi, mid)
      if np_ == 0:
        loc_v[pl.ds(g * L, L)] = lo
      else:
        loc_v[pl.ds(g * L, L)] = loc_v[pl.ds(g * L, L)] + lo
      return 0

    lax.fori_loop(0, NCH // L, bs_body, 0)

  pltpu.sync_copy(loc_v, shared_cnt.at[sid])
  plsc.subcore_barrier()
  pltpu.sync_copy(shared_cnt, stage_v)

  def sum_body(g, _):
    acc = jnp.zeros((L,), jnp.int32)
    for t in range(NS):
      acc = acc + stage_v[t, pl.ds(g * L, L)]
    pos_v[pl.ds(g * L, L)] = acc
    return 0

  lax.fori_loop(0, NCH // L, sum_body, 0)
  pos_v[pl.ds(NCH, L)] = jnp.full((L,), K, jnp.int32)

  bufs = (cv0, cv1, cv2)
  ixs = (ix0, ix1, ix2)
  vls = (vl0, vl1, vl2)
  isems = (isem0, isem1, isem2)
  osems = (osem0, osem1, osem2)
  xsems = (xsem0, xsem1, xsem2)
  wsems = (wsem0, wsem1, wsem2)

  def bound_of(c):
    return pos_v[pl.ds(cbase + c, L)][0]

  def gb_of(c):
    return pl.multiple_of((cbase + c) * C, C)

  def win_of(c):
    s8 = bound_of(c) & -8
    off = jnp.minimum(s8, K - B)
    return pl.multiple_of(off, 8), s8 - off

  def start_dense(c, p):
    pltpu.async_copy(flat_hbm.at[cbase + c], bufs[p], isems[p])

  def start_idx(c, p):
    off, _ = win_of(c)
    pltpu.async_copy(idx_hbm.at[pl.ds(off, B)], ixs[p], xsems[p])
    pltpu.async_copy(val_hbm.at[pl.ds(off, B)], vls[p], wsems[p])

  def wait_in(p):
    pltpu.make_async_copy(flat_hbm.at[0], bufs[p], isems[p]).wait()
    pltpu.make_async_copy(idx_hbm.at[pl.ds(0, B)], ixs[p], xsems[p]).wait()
    pltpu.make_async_copy(val_hbm.at[pl.ds(0, B)], vls[p], wsems[p]).wait()

  def wait_out(p):
    pltpu.make_async_copy(bufs[p], out_hbm.at[0], osems[p]).wait()

  def when_(cond, f):
    if isinstance(cond, bool):
      if cond:
        f()
    else:
      pl.when(cond)(f)

  def chunk_step(c, p):
    p1 = (p + 1) % 3
    when_(c >= 2, lambda: wait_out(p1))
    when_((c >= 2) & (c + 1 < CPT), lambda: start_dense(c + 1, p1))
    when_(c + 1 < CPT, lambda: start_idx(c + 1, p1))

    wait_in(p)

    gb = gb_of(c)
    off0, delta0 = win_of(c)
    end = bound_of(c + 1)
    nb = (end - off0 + (B - 1)) // B

    def groups_from(off):
      return jnp.clip((end - off + (L - 1)) // L, 0, B // L)

    _scatter_block(bufs[p], ixs[p], vls[p], gb, delta0, groups_from(off0))

    def blk(b, __):
      raw = off0 + b * B
      off = pl.multiple_of(jnp.minimum(raw, K - B), 8)
      pltpu.sync_copy(idx_hbm.at[pl.ds(off, B)], ixs[p])
      pltpu.sync_copy(val_hbm.at[pl.ds(off, B)], vls[p])
      _scatter_block(bufs[p], ixs[p], vls[p], gb, raw - off,
                     groups_from(off))
      return 0

    lax.fori_loop(1, nb, blk, 0)
    pltpu.async_copy(bufs[p], out_hbm.at[cbase + c], osems[p])

  start_idx(0, 0)

  def trip_body(g, _):
    for p in (0, 1, 2):
      chunk_step(g * 3 + p, p)
    return 0

  lax.fori_loop(0, (CPT - 1) // 3, trip_body, 0)
  chunk_step(CPT - 1, (CPT - 1) % 3)
  wait_out((CPT - 2) % 3)
  wait_out((CPT - 1) % 3)


_sc_call = functools.partial(
    pl.kernel,
    out_type=jax.ShapeDtypeStruct((4096, 4096), jnp.float32),
    mesh=plsc.VectorSubcoreMesh(
        core_axis_name="c", subcore_axis_name="s",
        num_cores=NC, num_subcores=NS),
    compiler_params=pltpu.CompilerParams(needs_layout_passes=False),
    scratch_types=[
        pltpu.VMEM((NCH + L,), jnp.int32),
        pltpu.VMEM((PS,), jnp.int32),
        pltpu.VMEM((NCH,), jnp.int32),
        pltpu.VMEM((NS, NCH), jnp.int32),
        pltpu.VMEM_SHARED((NS, NCH), jnp.int32),
        pltpu.VMEM((8, 4096), jnp.float32),
        pltpu.VMEM((8, 4096), jnp.float32),
        pltpu.VMEM((8, 4096), jnp.float32),
        pltpu.VMEM((B,), jnp.int32),
        pltpu.VMEM((B,), jnp.int32),
        pltpu.VMEM((B,), jnp.int32),
        pltpu.VMEM((B,), jnp.float32),
        pltpu.VMEM((B,), jnp.float32),
        pltpu.VMEM((B,), jnp.float32),
    ] + [pltpu.SemaphoreType.DMA] * 12,
)(_body)


def kernel(tensor, values, indices):
  idx32 = indices.astype(jnp.int32)
  return _sc_call(tensor, idx32, values)

# --- scband reference (transcript-rebuilt; emitter-appended) ---
"""Pipeline reference for scband-sparse-delta-78013785965121 (READ-ONLY COPY).

The authoritative reference and input builder live on the scoring server;
editing this copy changes nothing except your own understanding.
"""

import jax, jax.numpy as jnp
import numpy as np

K = 524288
SHAPE = (4096, 4096)
NUMEL = SHAPE[0] * SHAPE[1]

def setup_inputs(seed: int = 0) -> dict:
    key = jax.random.key(seed)
    k1, k2, k3 = jax.random.split(key, 3)
    tensor = jax.random.normal(k1, SHAPE, dtype=jnp.float32)
    # learned sparse delta values (parameter; init zeros in module, use randn for nontrivial test)
    values = jax.random.normal(k2, (K,), dtype=jnp.float32) * 0.02
    # random_subset: unique flat indices (topk of random scores => sample w/o replacement), sorted
    perm = jax.random.permutation(k3, NUMEL)
    indices = jnp.sort(perm[:K]).astype(jnp.int64)
    return {"tensor": tensor, "values": values, "indices": indices}

def reference(tensor, values, indices):
    # dropout p=0.0 -> identity
    deltas = values.astype(tensor.dtype)
    flat = tensor.reshape(-1)
    # torch_scatter.scatter(deltas, indices, dim_size=numel, reduce='sum') then add
    scattered = jnp.zeros((NUMEL,), dtype=tensor.dtype).at[indices].add(deltas)
    output = flat + scattered
    return output.reshape(tensor.shape)

if __name__ == "__main__":
    import jax
    _d = setup_inputs()
    print(jax.jit(kernel)(*tuple(_d.values())))

</pallas_src>

<mosaic_0001>
#map = affine_map<(d0, d1) -> (0, 0)>
#map1 = affine_map<(d0, d1) -> (0)>
module attributes {stable_mosaic.version = 14 : i64} {
  func.func @_body(%arg0: i32, %arg1: i32, %arg2: memref<4096x4096xf32, #tpu.memory_space<hbm>>, %arg3: memref<524288xi32, #tpu.memory_space<hbm>>, %arg4: memref<524288xf32, #tpu.memory_space<hbm>>, %arg5: memref<4096x4096xf32, #tpu.memory_space<hbm>>, %arg6: memref<528xi32, #tpu.memory_space<vmem>>, %arg7: memref<8192xi32, #tpu.memory_space<vmem>>, %arg8: memref<512xi32, #tpu.memory_space<vmem>>, %arg9: memref<16x512xi32, #tpu.memory_space<vmem>>, %arg10: memref<16x512xi32, #tpu.memory_space<vmem_shared>>, %arg11: memref<8x4096xf32, #tpu.memory_space<vmem>>, %arg12: memref<8x4096xf32, #tpu.memory_space<vmem>>, %arg13: memref<8x4096xf32, #tpu.memory_space<vmem>>, %arg14: memref<2048xi32, #tpu.memory_space<vmem>>, %arg15: memref<2048xi32, #tpu.memory_space<vmem>>, %arg16: memref<2048xi32, #tpu.memory_space<vmem>>, %arg17: memref<2048xf32, #tpu.memory_space<vmem>>, %arg18: memref<2048xf32, #tpu.memory_space<vmem>>, %arg19: memref<2048xf32, #tpu.memory_space<vmem>>, %arg20: memref<!tpu.dma_semaphore, #tpu.memory_space<semaphore_mem>>, %arg21: memref<!tpu.dma_semaphore, #tpu.memory_space<semaphore_mem>>, %arg22: memref<!tpu.dma_semaphore, #tpu.memory_space<semaphore_mem>>, %arg23: memref<!tpu.dma_semaphore, #tpu.memory_space<semaphore_mem>>, %arg24: memref<!tpu.dma_semaphore, #tpu.memory_space<semaphore_mem>>, %arg25: memref<!tpu.dma_semaphore, #tpu.memory_space<semaphore_mem>>, %arg26: memref<!tpu.dma_semaphore, #tpu.memory_space<semaphore_mem>>, %arg27: memref<!tpu.dma_semaphore, #tpu.memory_space<semaphore_mem>>, %arg28: memref<!tpu.dma_semaphore, #tpu.memory_space<semaphore_mem>>, %arg29: memref<!tpu.dma_semaphore, #tpu.memory_space<semaphore_mem>>, %arg30: memref<!tpu.dma_semaphore, #tpu.memory_space<semaphore_mem>>, %arg31: memref<!tpu.dma_semaphore, #tpu.memory_space<semaphore_mem>>) attributes {dimension_semantics = [#tpu.dimension_semantics<core_parallel>, #tpu.dimension_semantics<subcore_parallel>], iteration_bounds = array<i64: 2, 16>, scalar_prefetch = 0 : i64, scratch_operands = 26 : i64, tpu.core_type = #tpu.core_type<sc_vector_subcore>, window_params = [{transform_indices = #map}, {transform_indices = #map1}, {transform_indices = #map1}, {transform_indices = #map}]} {
    %mul3A = arith.constant 2 : i32
    %mul3A_0 = arith.muli %arg1, %mul3A : i32
    %add3A = arith.addi %mul3A_0, %arg0 : i32
    %mul3A_1 = arith.constant 16 : i32
    %mul3A_2 = arith.muli %add3A, %mul3A_1 : i32
    %iota3A = tpu.iota {dimensions = array<i32: 0>} : vector<16xi32>
    %dma_start3A = tpu.memref_reshape %arg2 : memref<4096x4096xf32, #tpu.memory_space<hbm>> -> memref<512x8x4096xf32, #tpu.memory_space<hbm>>
    %dma_start3A_3 = arith.constant 0 : i32
    %dma_start3A_4 = arith.constant 0 : i32
    %dma_start3A_5 = tpu.memref_slice %dma_start3A[%mul3A_2, %dma_start3A_3, %dma_start3A_4] : memref<512x8x4096xf32, #tpu.memory_space<hbm>> -> memref<1x8x4096xf32, #tpu.memory_space<hbm>>
    %dma_start3A_6 = tpu.memref_squeeze %dma_start3A_5 : memref<1x8x4096xf32, #tpu.memory_space<hbm>> -> memref<8x4096xf32, #tpu.memory_space<hbm>>
    %dma_start3A_7 = tpu.memref_reshape %arg2 : memref<4096x4096xf32, #tpu.memory_space<hbm>> -> memref<512x8x4096xf32, #tpu.memory_space<hbm>>
    %dma_start3A_8 = arith.constant 0 : i32
    %dma_start3A_9 = arith.constant 0 : i32
    %dma_start3A_10 = tpu.memref_slice %dma_start3A_7[%mul3A_2, %dma_start3A_8, %dma_start3A_9] : memref<512x8x4096xf32, #tpu.memory_space<hbm>> -> memref<1x8x4096xf32, #tpu.memory_space<hbm>>
    %dma_start3A_11 = tpu.memref_squeeze %dma_start3A_10 : memref<1x8x4096xf32, #tpu.memory_space<hbm>> -> memref<8x4096xf32, #tpu.memory_space<hbm>>
    tpu.enqueue_dma source(%dma_start3A_11 : memref<8x4096xf32, #tpu.memory_space<hbm>>) target(%arg11 : memref<8x4096xf32, #tpu.memory_space<vmem>>) target_semaphore(%arg20 : memref<!tpu.dma_semaphore, #tpu.memory_space<semaphore_mem>>)
    %add3A_12 = arith.constant 1 : i32
    %add3A_13 = arith.addi %mul3A_2, %add3A_12 : i32
    %dma_start3A_14 = tpu.memref_reshape %arg2 : memref<4096x4096xf32, #tpu.memory_space<hbm>> -> memref<512x8x4096xf32, #tpu.memory_space<hbm>>
    %dma_start3A_15 = arith.constant 0 : i32
    %dma_start3A_16 = arith.constant 0 : i32
    %dma_start3A_17 = tpu.memref_slice %dma_start3A_14[%add3A_13, %dma_start3A_15, %dma_start3A_16] : memref<512x8x4096xf32, #tpu.memory_space<hbm>> -> memref<1x8x4096xf32, #tpu.memory_space<hbm>>
    %dma_start3A_18 = tpu.memref_squeeze %dma_start3A_17 : memref<1x8x4096xf32, #tpu.memory_space<hbm>> -> memref<8x4096xf32, #tpu.memory_space<hbm>>
    %dma_start3A_19 = tpu.memref_reshape %arg2 : memref<4096x4096xf32, #tpu.memory_space<hbm>> -> memref<512x8x4096xf32, #tpu.memory_space<hbm>>
    %dma_start3A_20 = arith.constant 0 : i32
    %dma_start3A_21 = arith.constant 0 : i32
    %dma_start3A_22 = tpu.memref_slice %dma_start3A_19[%add3A_13, %dma_start3A_20, %dma_start3A_21] : memref<512x8x4096xf32, #tpu.memory_space<hbm>> -> memref<1x8x4096xf32, #tpu.memory_space<hbm>>
    %dma_start3A_23 = tpu.memref_squeeze %dma_start3A_22 : memref<1x8x4096xf32, #tpu.memory_space<hbm>> -> memref<8x4096xf32, #tpu.memory_space<hbm>>
    tpu.enqueue_dma source(%dma_start3A_23 : memref<8x4096xf32, #tpu.memory_space<hbm>>) target(%arg12 : memref<8x4096xf32, #tpu.memory_space<vmem>>) target_semaphore(%arg21 : memref<!tpu.dma_semaphore, #tpu.memory_space<semaphore_mem>>)
    %add3A_24 = arith.constant 2 : i32
    %add3A_25 = arith.addi %mul3A_2, %add3A_24 : i32
    %dma_start3A_26 = tpu.memref_reshape %arg2 : memref<4096x4096xf32, #tpu.memory_space<hbm>> -> memref<512x8x4096xf32, #tpu.memory_space<hbm>>
    %dma_start3A_27 = arith.constant 0 : i32
    %dma_start3A_28 = arith.constant 0 : i32
    %dma_start3A_29 = tpu.memref_slice %dma_start3A_26[%add3A_25, %dma_start3A_27, %dma_start3A_28] : memref<512x8x4096xf32, #tpu.memory_space<hbm>> -> memref<1x8x4096xf32, #tpu.memory_space<hbm>>
    %dma_start3A_30 = tpu.memref_squeeze %dma_start3A_29 : memref<1x8x4096xf32, #tpu.memory_space<hbm>> -> memref<8x4096xf32, #tpu.memory_space<hbm>>
    %dma_start3A_31 = tpu.memref_reshape %arg2 : memref<4096x4096xf32, #tpu.memory_space<hbm>> -> memref<512x8x4096xf32, #tpu.memory_space<hbm>>
    %dma_start3A_32 = arith.constant 0 : i32
    %dma_start3A_33 = arith.constant 0 : i32
    %dma_start3A_34 = tpu.memref_slice %dma_start3A_31[%add3A_25, %dma_start3A_32, %dma_start3A_33] : memref<512x8x4096xf32, #tpu.memory_space<hbm>> -> memref<1x8x4096xf32, #tpu.memory_space<hbm>>
    %dma_start3A_35 = tpu.memref_squeeze %dma_start3A_34 : memref<1x8x4096xf32, #tpu.memory_space<hbm>> -> memref<8x4096xf32, #tpu.memory_space<hbm>>
    tpu.enqueue_dma source(%dma_start3A_35 : memref<8x4096xf32, #tpu.memory_space<hbm>>) target(%arg13 : memref<8x4096xf32, #tpu.memory_space<vmem>>) target_semaphore(%arg22 : memref<!tpu.dma_semaphore, #tpu.memory_space<semaphore_mem>>)
    %mul3A_36 = arith.constant 32768 : i32
    %mul3A_37 = arith.muli %arg1, %mul3A_36 : i32
    %add3A_38 = arith.constant 0 : i32
    %add3A_39 = arith.addi %mul3A_37, %add3A_38 : i32
    %multiple_of3A = tpu.assume_multiple %add3A_39, 8 : i32
    "tpu.region"() ({
      %run_scoped3A = tpu.sem_alloc : memref<!tpu.dma_semaphore, #tpu.memory_space<semaphore_mem>>
      %dma_start3A_268 = tpu.memref_slice %arg3[%multiple_of3A] : memref<524288xi32, #tpu.memory_space<hbm>> -> memref<8192xi32, #tpu.memory_space<hbm>>
      %dma_start3A_269 = tpu.memref_slice %arg3[%multiple_of3A] : memref<524288xi32, #tpu.memory_space<hbm>> -> memref<8192xi32, #tpu.memory_space<hbm>>
      tpu.enqueue_dma source(%dma_start3A_269 : memref<8192xi32, #tpu.memory_space<hbm>>) target(%arg7 : memref<8192xi32, #tpu.memory_space<vmem>>) target_semaphore(%run_scoped3A : memref<!tpu.dma_semaphore, #tpu.memory_space<semaphore_mem>>)
      %dma_wait3A_270 = tpu.memref_slice %arg3[%multiple_of3A] : memref<524288xi32, #tpu.memory_space<hbm>> -> memref<8192xi32, #tpu.memory_space<hbm>>
      %dma_wait3A_271 = tpu.memref_slice %arg3[%multiple_of3A] : memref<524288xi32, #tpu.memory_space<hbm>> -> memref<8192xi32, #tpu.memory_space<hbm>>
      tpu.wait_dma2 semaphore(%run_scoped3A : memref<!tpu.dma_semaphore, #tpu.memory_space<semaphore_mem>>) src(%dma_wait3A_271 : memref<8192xi32, #tpu.memory_space<hbm>>) dst(%arg7 : memref<8192xi32, #tpu.memory_space<vmem>>)
      tpu.yield
    }) : () -> ()
    %scan3A = arith.constant 0 : i32
    %scan3A_40 = arith.constant 0 : i32
    %scan3A_41 = arith.constant 32 : i32
    %scan3A_42 = arith.addi %scan3A_40, %scan3A_41 : i32
    %scan3A_43 = arith.constant 1 : i32
    %scan3A_44 = scf.for %scan3A_268 = %scan3A_40 to %scan3A_42 step %scan3A_43 iter_args(%scan3A_269 = %scan3A) -> (i32)  : i32 {
      %mul3A_270 = arith.constant 16 : i32
      %mul3A_271 = arith.muli %scan3A_268, %mul3A_270 : i32
      %add3A_272 = vector.broadcast %mul3A_271 : i32 to vector<16xi32>
      %add3A_273 = arith.addi %add3A_272, %iota3A : vector<16xi32>
      %mul3A_274 = arith.constant 32768 : i32
      %mul3A_275 = vector.broadcast %mul3A_274 : i32 to vector<16xi32>
      %mul3A_276 = arith.muli %add3A_273, %mul3A_275 : vector<16xi32>
      %broadcast_in_dim3A_277 = arith.constant 0 : i32
      %broadcast_in_dim3A_278 = vector.broadcast %broadcast_in_dim3A_277 : i32 to vector<16xi32>
      %broadcast_in_dim3A_279 = arith.constant 8192 : i32
      %broadcast_in_dim3A_280 = vector.broadcast %broadcast_in_dim3A_279 : i32 to vector<16xi32>
      %add3A_281 = arith.addi %broadcast_in_dim3A_278, %broadcast_in_dim3A_280 : vector<16xi32>
      %shift_right_arithmetic3A = arith.constant 1 : i32
      %shift_right_arithmetic3A_282 = vector.broadcast %shift_right_arithmetic3A : i32 to vector<16xi32>
      %shift_right_arithmetic3A_283 = arith.shrsi %add3A_281, %shift_right_arithmetic3A_282 : vector<16xi32>
      %min3A_284 = arith.constant 8191 : i32
      %min3A_285 = vector.broadcast %min3A_284 : i32 to vector<16xi32>
      %min3A_286 = arith.minsi %shift_right_arithmetic3A_283, %min3A_285 : vector<16xi32>
      %gather3A = tpu.vector_load_idx %arg7[%min3A_286] : memref<8192xi32, #tpu.memory_space<vmem>>[vector<16xi32>], vector<16xi32>,
      %lt3A = arith.cmpi slt, %gather3A, %mul3A_276 : vector<16xi32>
      %add3A_287 = arith.constant 1 : i32
      %add3A_288 = vector.broadcast %add3A_287 : i32 to vector<16xi32>
      %add3A_289 = arith.addi %min3A_286, %add3A_288 : vector<16xi32>
      %select_n3A_290 = arith.select %lt3A, %add3A_289, %broadcast_in_dim3A_278 : vector<16xi1>, vector<16xi32>
      %select_n3A_291 = arith.select %lt3A, %broadcast_in_dim3A_280, %min3A_286 : vector<16xi1>, vector<16xi32>
      %add3A_292 = arith.addi %select_n3A_290, %select_n3A_291 : vector<16xi32>
      %shift_right_arithmetic3A_293 = arith.constant 1 : i32
      %shift_right_arithmetic3A_294 = vector.broadcast %shift_right_arithmetic3A_293 : i32 to vector<16xi32>
      %shift_right_arithmetic3A_295 = arith.shrsi %add3A_292, %shift_right_arithmetic3A_294 : vector<16xi32>
      %min3A_296 = arith.constant 8191 : i32
      %min3A_297 = vector.broadcast %min3A_296 : i32 to vector<16xi32>
      %min3A_298 = arith.minsi %shift_right_arithmetic3A_295, %min3A_297 : vector<16xi32>
      %gather3A_299 = tpu.vector_load_idx %arg7[%min3A_298] : memref<8192xi32, #tpu.memory_space<vmem>>[vector<16xi32>], vector<16xi32>,
      %lt3A_300 = arith.cmpi slt, %gather3A_299, %mul3A_276 : vector<16xi32>
      %add3A_301 = arith.constant 1 : i32
      %add3A_302 = vector.broadcast %add3A_301 : i32 to vector<16xi32>
      %add3A_303 = arith.addi %min3A_298, %add3A_302 : vector<16xi32>
      %select_n3A_304 = arith.select %lt3A_300, %add3A_303, %select_n3A_290 : vector<16xi1>, vector<16xi32>
      %select_n3A_305 = arith.select %lt3A_300, %select_n3A_291, %min3A_298 : vector<16xi1>, vector<16xi32>
      %add3A_306 = arith.addi %select_n3A_304, %select_n3A_305 : vector<16xi32>
      %shift_right_arithmetic3A_307 = arith.constant 1 : i32
      %shift_right_arithmetic3A_308 = vector.broadcast %shift_right_arithmetic3A_307 : i32 to vector<16xi32>
      %shift_right_arithmetic3A_309 = arith.shrsi %add3A_306, %shift_right_arithmetic3A_308 : vector<16xi32>
      %min3A_310 = arith.constant 8191 : i32
      %min3A_311 = vector.broadcast %min3A_310 : i32 to vector<16xi32>
      %min3A_312 = arith.minsi %shift_right_arithmetic3A_309, %min3A_311 : vector<16xi32>
      %gather3A_313 = tpu.vector_load_idx %arg7[%min3A_312] : memref<8192xi32, #tpu.memory_space<vmem>>[vector<16xi32>], vector<16xi32>,
      %lt3A_314 = arith.cmpi slt, %gather3A_313, %mul3A_276 : vector<16xi32>
      %add3A_315 = arith.constant 1 : i32
      %add3A_316 = vector.broadcast %add3A_315 : i32 to vector<16xi32>
      %add3A_317 = arith.addi %min3A_312, %add3A_316 : vector<16xi32>
      %select_n3A_318 = arith.select %lt3A_314, %add3A_317, %select_n3A_304 : vector<16xi1>, vector<16xi32>
      %select_n3A_319 = arith.select %lt3A_314, %select_n3A_305, %min3A_312 : vector<16xi1>, vector<16xi32>
      %add3A_320 = arith.addi %select_n3A_318, %select_n3A_319 : vector<16xi32>
      %shift_right_arithmetic3A_321 = arith.constant 1 : i32
      %shift_right_arithmetic3A_322 = vector.broadcast %shift_right_arithmetic3A_321 : i32 to vector<16xi32>
      %shift_right_arithmetic3A_323 = arith.shrsi %add3A_320, %shift_right_arithmetic3A_322 : vector<16xi32>
      %min3A_324 = arith.constant 8191 : i32
      %min3A_325 = vector.broadcast %min3A_324 : i32 to vector<16xi32>
      %min3A_326 = arith.minsi %shift_right_arithmetic3A_323, %min3A_325 : vector<16xi32>
      %gather3A_327 = tpu.vector_load_idx %arg7[%min3A_326] : memref<8192xi32, #tpu.memory_space<vmem>>[vector<16xi32>], vector<16xi32>,
      %lt3A_328 = arith.cmpi slt, %gather3A_327, %mul3A_276 : vector<16xi32>
      %add3A_329 = arith.constant 1 : i32
      %add3A_330 = vector.broadcast %add3A_329 : i32 to vector<16xi32>
      %add3A_331 = arith.addi %min3A_326, %add3A_330 : vector<16xi32>
      %select_n3A_332 = arith.select %lt3A_328, %add3A_331, %select_n3A_318 : vector<16xi1>, vector<16xi32>
      %select_n3A_333 = arith.select %lt3A_328, %select_n3A_319, %min3A_326 : vector<16xi1>, vector<16xi32>
      %add3A_334 = arith.addi %select_n3A_332, %select_n3A_333 : vector<16xi32>
      %shift_right_arithmetic3A_335 = arith.constant 1 : i32
      %shift_right_arithmetic3A_336 = vector.broadcast %shift_right_arithmetic3A_335 : i32 to vector<16xi32>
      %shift_right_arithmetic3A_337 = arith.shrsi %add3A_334, %shift_right_arithmetic3A_336 : vector<16xi32>
      %min3A_338 = arith.constant 8191 : i32
      %min3A_339 = vector.broadcast %min3A_338 : i32 to vector<16xi32>
      %min3A_340 = arith.minsi %shift_right_arithmetic3A_337, %min3A_339 : vector<16xi32>
      %gather3A_341 = tpu.vector_load_idx %arg7[%min3A_340] : memref<8192xi32, #tpu.memory_space<vmem>>[vector<16xi32>], vector<16xi32>,
      %lt3A_342 = arith.cmpi slt, %gather3A_341, %mul3A_276 : vector<16xi32>
      %add3A_343 = arith.constant 1 : i32
      %add3A_344 = vector.broadcast %add3A_343 : i32 to vector<16xi32>
      %add3A_345 = arith.addi %min3A_340, %add3A_344 : vector<16xi32>
      %select_n3A_346 = arith.select %lt3A_342, %add3A_345, %select_n3A_332 : vector<16xi1>, vector<16xi32>
      %select_n3A_347 = arith.select %lt3A_342, %select_n3A_333, %min3A_340 : vector<16xi1>, vector<16xi32>
      %add3A_348 = arith.addi %select_n3A_346, %select_n3A_347 : vector<16xi32>
      %shift_right_arithmetic3A_349 = arith.constant 1 : i32
      %shift_right_arithmetic3A_350 = vector.broadcast %shift_right_arithmetic3A_349 : i32 to vector<16xi32>
      %shift_right_arithmetic3A_351 = arith.shrsi %add3A_348, %shift_right_arithmetic3A_350 : vector<16xi32>
      %min3A_352 = arith.constant 8191 : i32
      %min3A_353 = vector.broadcast %min3A_352 : i32 to vector<16xi32>
      %min3A_354 = arith.minsi %shift_right_arithmetic3A_351, %min3A_353 : vector<16xi32>
      %gather3A_355 = tpu.vector_load_idx %arg7[%min3A_354] : memref<8192xi32, #tpu.memory_space<vmem>>[vector<16xi32>], vector<16xi32>,
      %lt3A_356 = arith.cmpi slt, %gather3A_355, %mul3A_276 : vector<16xi32>
      %add3A_357 = arith.constant 1 : i32
      %add3A_358 = vector.broadcast %add3A_357 : i32 to vector<16xi32>
      %add3A_359 = arith.addi %min3A_354, %add3A_358 : vector<16xi32>
      %select_n3A_360 = arith.select %lt3A_356, %add3A_359, %select_n3A_346 : vector<16xi1>, vector<16xi32>
      %select_n3A_361 = arith.select %lt3A_356, %select_n3A_347, %min3A_354 : vector<16xi1>, vector<16xi32>
      %add3A_362 = arith.addi %select_n3A_360, %select_n3A_361 : vector<16xi32>
      %shift_right_arithmetic3A_363 = arith.constant 1 : i32
      %shift_right_arithmetic3A_364 = vector.broadcast %shift_right_arithmetic3A_363 : i32 to vector<16xi32>
      %shift_right_arithmetic3A_365 = arith.shrsi %add3A_362, %shift_right_arithmetic3A_364 : vector<16xi32>
      %min3A_366 = arith.constant 8191 : i32
      %min3A_367 = vector.broadcast %min3A_366 : i32 to vector<16xi32>
      %min3A_368 = arith.minsi %shift_right_arithmetic3A_365, %min3A_367 : vector<16xi32>
      %gather3A_369 = tpu.vector_load_idx %arg7[%min3A_368] : memref<8192xi32, #tpu.memory_space<vmem>>[vector<16xi32>], vector<16xi32>,
      %lt3A_370 = arith.cmpi slt, %gather3A_369, %mul3A_276 : vector<16xi32>
      %add3A_371 = arith.constant 1 : i32
      %add3A_372 = vector.broadcast %add3A_371 : i32 to vector<16xi32>
      %add3A_373 = arith.addi %min3A_368, %add3A_372 : vector<16xi32>
      %select_n3A_374 = arith.select %lt3A_370, %add3A_373, %select_n3A_360 : vector<16xi1>, vector<16xi32>
      %select_n3A_375 = arith.select %lt3A_370, %select_n3A_361, %min3A_368 : vector<16xi1>, vector<16xi32>
      %add3A_376 = arith.addi %select_n3A_374, %select_n3A_375 : vector<16xi32>
      %shift_right_arithmetic3A_377 = arith.constant 1 : i32
      %shift_right_arithmetic3A_378 = vector.broadcast %shift_right_arithmetic3A_377 : i32 to vector<16xi32>
      %shift_right_arithmetic3A_379 = arith.shrsi %add3A_376, %shift_right_arithmetic3A_378 : vector<16xi32>
      %min3A_380 = arith.constant 8191 : i32
      %min3A_381 = vector.broadcast %min3A_380 : i32 to vector<16xi32>
      %min3A_382 = arith.minsi %shift_right_arithmetic3A_379, %min3A_381 : vector<16xi32>
      %gather3A_383 = tpu.vector_load_idx %arg7[%min3A_382] : memref<8192xi32, #tpu.memory_space<vmem>>[vector<16xi32>], vector<16xi32>,
      %lt3A_384 = arith.cmpi slt, %gather3A_383, %mul3A_276 : vector<16xi32>
      %add3A_385 = arith.constant 1 : i32
      %add3A_386 = vector.broadcast %add3A_385 : i32 to vector<16xi32>
      %add3A_387 = arith.addi %min3A_382, %add3A_386 : vector<16xi32>
      %select_n3A_388 = arith.select %lt3A_384, %add3A_387, %select_n3A_374 : vector<16xi1>, vector<16xi32>
      %select_n3A_389 = arith.select %lt3A_384, %select_n3A_375, %min3A_382 : vector<16xi1>, vector<16xi32>
      %add3A_390 = arith.addi %select_n3A_388, %select_n3A_389 : vector<16xi32>
      %shift_right_arithmetic3A_391 = arith.constant 1 : i32
      %shift_right_arithmetic3A_392 = vector.broadcast %shift_right_arithmetic3A_391 : i32 to vector<16xi32>
      %shift_right_arithmetic3A_393 = arith.shrsi %add3A_390, %shift_right_arithmetic3A_392 : vector<16xi32>
      %min3A_394 = arith.constant 8191 : i32
      %min3A_395 = vector.broadcast %min3A_394 : i32 to vector<16xi32>
      %min3A_396 = arith.minsi %shift_right_arithmetic3A_393, %min3A_395 : vector<16xi32>
      %gather3A_397 = tpu.vector_load_idx %arg7[%min3A_396] : memref<8192xi32, #tpu.memory_space<vmem>>[vector<16xi32>], vector<16xi32>,
      %lt3A_398 = arith.cmpi slt, %gather3A_397, %mul3A_276 : vector<16xi32>
      %add3A_399 = arith.constant 1 : i32
      %add3A_400 = vector.broadcast %add3A_399 : i32 to vector<16xi32>
      %add3A_401 = arith.addi %min3A_396, %add3A_400 : vector<16xi32>
      %select_n3A_402 = arith.select %lt3A_398, %add3A_401, %select_n3A_388 : vector<16xi1>, vector<16xi32>
      %select_n3A_403 = arith.select %lt3A_398, %select_n3A_389, %min3A_396 : vector<16xi1>, vector<16xi32>
      %add3A_404 = arith.addi %select_n3A_402, %select_n3A_403 : vector<16xi32>
      %shift_right_arithmetic3A_405 = arith.constant 1 : i32
      %shift_right_arithmetic3A_406 = vector.broadcast %shift_right_arithmetic3A_405 : i32 to vector<16xi32>
      %shift_right_arithmetic3A_407 = arith.shrsi %add3A_404, %shift_right_arithmetic3A_406 : vector<16xi32>
      %min3A_408 = arith.constant 8191 : i32
      %min3A_409 = vector.broadcast %min3A_408 : i32 to vector<16xi32>
      %min3A_410 = arith.minsi %shift_right_arithmetic3A_407, %min3A_409 : vector<16xi32>
      %gather3A_411 = tpu.vector_load_idx %arg7[%min3A_410] : memref<8192xi32, #tpu.memory_space<vmem>>[vector<16xi32>], vector<16xi32>,
      %lt3A_412 = arith.cmpi slt, %gather3A_411, %mul3A_276 : vector<16xi32>
      %add3A_413 = arith.constant 1 : i32
      %add3A_414 = vector.broadcast %add3A_413 : i32 to vector<16xi32>
      %add3A_415 = arith.addi %min3A_410, %add3A_414 : vector<16xi32>
      %select_n3A_416 = arith.select %lt3A_412, %add3A_415, %select_n3A_402 : vector<16xi1>, vector<16xi32>
      %select_n3A_417 = arith.select %lt3A_412, %select_n3A_403, %min3A_410 : vector<16xi1>, vector<16xi32>
      %add3A_418 = arith.addi %select_n3A_416, %select_n3A_417 : vector<16xi32>
      %shift_right_arithmetic3A_419 = arith.constant 1 : i32
      %shift_right_arithmetic3A_420 = vector.broadcast %shift_right_arithmetic3A_419 : i32 to vector<16xi32>
      %shift_right_arithmetic3A_421 = arith.shrsi %add3A_418, %shift_right_arithmetic3A_420 : vector<16xi32>
      %min3A_422 = arith.constant 8191 : i32
      %min3A_423 = vector.broadcast %min3A_422 : i32 to vector<16xi32>
      %min3A_424 = arith.minsi %shift_right_arithmetic3A_421, %min3A_423 : vector<16xi32>
      %gather3A_425 = tpu.vector_load_idx %arg7[%min3A_424] : memref<8192xi32, #tpu.memory_space<vmem>>[vector<16xi32>], vector<16xi32>,
      %lt3A_426 = arith.cmpi slt, %gather3A_425, %mul3A_276 : vector<16xi32>
      %add3A_427 = arith.constant 1 : i32
      %add3A_428 = vector.broadcast %add3A_427 : i32 to vector<16xi32>
      %add3A_429 = arith.addi %min3A_424, %add3A_428 : vector<16xi32>
      %select_n3A_430 = arith.select %lt3A_426, %add3A_429, %select_n3A_416 : vector<16xi1>, vector<16xi32>
      %select_n3A_431 = arith.select %lt3A_426, %select_n3A_417, %min3A_424 : vector<16xi1>, vector<16xi32>
      %add3A_432 = arith.addi %select_n3A_430, %select_n3A_431 : vector<16xi32>
      %shift_right_arithmetic3A_433 = arith.constant 1 : i32
      %shift_right_arithmetic3A_434 = vector.broadcast %shift_right_arithmetic3A_433 : i32 to vector<16xi32>
      %shift_right_arithmetic3A_435 = arith.shrsi %add3A_432, %shift_right_arithmetic3A_434 : vector<16xi32>
      %min3A_436 = arith.constant 8191 : i32
      %min3A_437 = vector.broadcast %min3A_436 : i32 to vector<16xi32>
      %min3A_438 = arith.minsi %shift_right_arithmetic3A_435, %min3A_437 : vector<16xi32>
      %gather3A_439 = tpu.vector_load_idx %arg7[%min3A_438] : memref<8192xi32, #tpu.memory_space<vmem>>[vector<16xi32>], vector<16xi32>,
      %lt3A_440 = arith.cmpi slt, %gather3A_439, %mul3A_276 : vector<16xi32>
      %add3A_441 = arith.constant 1 : i32
      %add3A_442 = vector.broadcast %add3A_441 : i32 to vector<16xi32>
      %add3A_443 = arith.addi %min3A_438, %add3A_442 : vector<16xi32>
      %select_n3A_444 = arith.select %lt3A_440, %add3A_443, %select_n3A_430 : vector<16xi1>, vector<16xi32>
      %select_n3A_445 = arith.select %lt3A_440, %select_n3A_431, %min3A_438 : vector<16xi1>, vector<16xi32>
      %add3A_446 = arith.addi %select_n3A_444, %select_n3A_445 : vector<16xi32>
      %shift_right_arithmetic3A_447 = arith.constant 1 : i32
      %shift_right_arithmetic3A_448 = vector.broadcast %shift_right_arithmetic3A_447 : i32 to vector<16xi32>
      %shift_right_arithmetic3A_449 = arith.shrsi %add3A_446, %shift_right_arithmetic3A_448 : vector<16xi32>
      %min3A_450 = arith.constant 8191 : i32
      %min3A_451 = vector.broadcast %min3A_450 : i32 to vector<16xi32>
      %min3A_452 = arith.minsi %shift_right_arithmetic3A_449, %min3A_451 : vector<16xi32>
      %gather3A_453 = tpu.vector_load_idx %arg7[%min3A_452] : memref<8192xi32, #tpu.memory_space<vmem>>[vector<16xi32>], vector<16xi32>,
      %lt3A_454 = arith.cmpi slt, %gather3A_453, %mul3A_276 : vector<16xi32>
      %add3A_455 = arith.constant 1 : i32
      %add3A_456 = vector.broadcast %add3A_455 : i32 to vector<16xi32>
      %add3A_457 = arith.addi %min3A_452, %add3A_456 : vector<16xi32>
      %select_n3A_458 = arith.select %lt3A_454, %add3A_457, %select_n3A_444 : vector<16xi1>, vector<16xi32>
      %select_n3A_459 = arith.select %lt3A_454, %select_n3A_445, %min3A_452 : vector<16xi1>, vector<16xi32>
      %add3A_460 = arith.addi %select_n3A_458, %select_n3A_459 : vector<16xi32>
      %shift_right_arithmetic3A_461 = arith.constant 1 : i32
      %shift_right_arithmetic3A_462 = vector.broadcast %shift_right_arithmetic3A_461 : i32 to vector<16xi32>
      %shift_right_arithmetic3A_463 = arith.shrsi %add3A_460, %shift_right_arithmetic3A_462 : vector<16xi32>
      %min3A_464 = arith.constant 8191 : i32
      %min3A_465 = vector.broadcast %min3A_464 : i32 to vector<16xi32>
      %min3A_466 = arith.minsi %shift_right_arithmetic3A_463, %min3A_465 : vector<16xi32>
      %gather3A_467 = tpu.vector_load_idx %arg7[%min3A_466] : memref<8192xi32, #tpu.memory_space<vmem>>[vector<16xi32>], vector<16xi32>,
      %lt3A_468 = arith.cmpi slt, %gather3A_467, %mul3A_276 : vector<16xi32>
      %add3A_469 = arith.constant 1 : i32
      %add3A_470 = vector.broadcast %add3A_469 : i32 to vector<16xi32>
      %add3A_471 = arith.addi %min3A_466, %add3A_470 : vector<16xi32>
      %select_n3A_472 = arith.select %lt3A_468, %add3A_471, %select_n3A_458 : vector<16xi1>, vector<16xi32>
      %select_n3A_473 = arith.select %lt3A_468, %select_n3A_459, %min3A_466 : vector<16xi1>, vector<16xi32>
      %mul3A_474 = arith.constant 16 : i32
      %mul3A_475 = arith.muli %scan3A_268, %mul3A_474 : i32
      %swap3A_476 = arith.index_cast %mul3A_475 : i32 to index
      %swap3A_477 = tpu.vector_load %arg8[%swap3A_476] {strides = array<i32>} : memref<512xi32, #tpu.memory_space<vmem>>, vector<16xi32>,
      tpu.vector_store %arg8[%swap3A_476], %select_n3A_472 {strides = array<i32>} : memref<512xi32, #tpu.memory_space<vmem>>, vector<16xi32>,
      %scan3A_478 = arith.constant 0 : i32
      scf.yield %scan3A_478 : i32
    }
    %scan3A_45 = arith.constant 32 : i32
    %mul3A_46 = arith.constant 32768 : i32
    %mul3A_47 = arith.muli %arg1, %mul3A_46 : i32
    %add3A_48 = arith.constant 8192 : i32
    %add3A_49 = arith.addi %mul3A_47, %add3A_48 : i32
    %multiple_of3A_50 = tpu.assume_multiple %add3A_49, 8 : i32
    "tpu.region"() ({
      %run_scoped3A = tpu.sem_alloc : memref<!tpu.dma_semaphore, #tpu.memory_space<semaphore_mem>>
      %dma_start3A_268 = tpu.memref_slice %arg3[%multiple_of3A_50] : memref<524288xi32, #tpu.memory_space<hbm>> -> memref<8192xi32, #tpu.memory_space<hbm>>
      %dma_start3A_269 = tpu.memref_slice %arg3[%multiple_of3A_50] : memref<524288xi32, #tpu.memory_space<hbm>> -> memref<8192xi32, #tpu.memory_space<hbm>>
      tpu.enqueue_dma source(%dma_start3A_269 : memref<8192xi32, #tpu.memory_space<hbm>>) target(%arg7 : memref<8192xi32, #tpu.memory_space<vmem>>) target_semaphore(%run_scoped3A : memref<!tpu.dma_semaphore, #tpu.memory_space<semaphore_mem>>)
      %dma_wait3A_270 = tpu.memref_slice %arg3[%multiple_of3A_50] : memref<524288xi32, #tpu.memory_space<hbm>> -> memref<8192xi32, #tpu.memory_space<hbm>>
      %dma_wait3A_271 = tpu.memref_slice %arg3[%multiple_of3A_50] : memref<524288xi32, #tpu.memory_space<hbm>> -> memref<8192xi32, #tpu.memory_space<hbm>>
      tpu.wait_dma2 semaphore(%run_scoped3A : memref<!tpu.dma_semaphore, #tpu.memory_space<semaphore_mem>>) src(%dma_wait3A_271 : memref<8192xi32, #tpu.memory_space<hbm>>) dst(%arg7 : memref<8192xi32, #tpu.memory_space<vmem>>)
      tpu.yield
    }) : () -> ()
    %scan3A_51 = arith.constant 0 : i32
    %scan3A_52 = arith.constant 0 : i32
    %scan3A_53 = arith.constant 32 : i32
    %scan3A_54 = arith.addi %scan3A_52, %scan3A_53 : i32
    %scan3A_55 = arith.constant 1 : i32
    %scan3A_56 = scf.for %scan3A_268 = %scan3A_52 to %scan3A_54 step %scan3A_55 iter_args(%scan3A_269 = %scan3A_51) -> (i32)  : i32 {
      %mul3A_270 = arith.constant 16 : i32
      %mul3A_271 = arith.muli %scan3A_268, %mul3A_270 : i32
      %add3A_272 = vector.broadcast %mul3A_271 : i32 to vector<16xi32>
      %add3A_273 = arith.addi %add3A_272, %iota3A : vector<16xi32>
      %mul3A_274 = arith.constant 32768 : i32
      %mul3A_275 = vector.broadcast %mul3A_274 : i32 to vector<16xi32>
      %mul3A_276 = arith.muli %add3A_273, %mul3A_275 : vector<16xi32>
      %broadcast_in_dim3A_277 = arith.constant 0 : i32
      %broadcast_in_dim3A_278 = vector.broadcast %broadcast_in_dim3A_277 : i32 to vector<16xi32>
      %broadcast_in_dim3A_279 = arith.constant 8192 : i32
      %broadcast_in_dim3A_280 = vector.broadcast %broadcast_in_dim3A_279 : i32 to vector<16xi32>
      %add3A_281 = arith.addi %broadcast_in_dim3A_278, %broadcast_in_dim3A_280 : vector<16xi32>
      %shift_right_arithmetic3A = arith.constant 1 : i32
      %shift_right_arithmetic3A_282 = vector.broadcast %shift_right_arithmetic3A : i32 to vector<16xi32>
      %shift_right_arithmetic3A_283 = arith.shrsi %add3A_281, %shift_right_arithmetic3A_282 : vector<16xi32>
      %min3A_284 = arith.constant 8191 : i32
      %min3A_285 = vector.broadcast %min3A_284 : i32 to vector<16xi32>
      %min3A_286 = arith.minsi %shift_right_arithmetic3A_283, %min3A_285 : vector<16xi32>
      %gather3A = tpu.vector_load_idx %arg7[%min3A_286] : memref<8192xi32, #tpu.memory_space<vmem>>[vector<16xi32>], vector<16xi32>,
      %lt3A = arith.cmpi slt, %gather3A, %mul3A_276 : vector<16xi32>
      %add3A_287 = arith.constant 1 : i32
      %add3A_288 = vector.broadcast %add3A_287 : i32 to vector<16xi32>
      %add3A_289 = arith.addi %min3A_286, %add3A_288 : vector<16xi32>
      %select_n3A_290 = arith.select %lt3A, %add3A_289, %broadcast_in_dim3A_278 : vector<16xi1>, vector<16xi32>
      %select_n3A_291 = arith.select %lt3A, %broadcast_in_dim3A_280, %min3A_286 : vector<16xi1>, vector<16xi32>
      %add3A_292 = arith.addi %select_n3A_290, %select_n3A_291 : vector<16xi32>
      %shift_right_arithmetic3A_293 = arith.constant 1 : i32
      %shift_right_arithmetic3A_294 = vector.broadcast %shift_right_arithmetic3A_293 : i32 to vector<16xi32>
      %shift_right_arithmetic3A_295 = arith.shrsi %add3A_292, %shift_right_arithmetic3A_294 : vector<16xi32>
      %min3A_296 = arith.constant 8191 : i32
      %min3A_297 = vector.broadcast %min3A_296 : i32 to vector<16xi32>
      %min3A_298 = arith.minsi %shift_right_arithmetic3A_295, %min3A_297 : vector<16xi32>
      %gather3A_299 = tpu.vector_load_idx %arg7[%min3A_298] : memref<8192xi32, #tpu.memory_space<vmem>>[vector<16xi32>], vector<16xi32>,
      %lt3A_300 = arith.cmpi slt, %gather3A_299, %mul3A_276 : vector<16xi32>
      %add3A_301 = arith.constant 1 : i32
      %add3A_302 = vector.broadcast %add3A_301 : i32 to vector<16xi32>
      %add3A_303 = arith.addi %min3A_298, %add3A_302 : vector<16xi32>
      %select_n3A_304 = arith.select %lt3A_300, %add3A_303, %select_n3A_290 : vector<16xi1>, vector<16xi32>
      %select_n3A_305 = arith.select %lt3A_300, %select_n3A_291, %min3A_298 : vector<16xi1>, vector<16xi32>
      %add3A_306 = arith.addi %select_n3A_304, %select_n3A_305 : vector<16xi32>
      %shift_right_arithmetic3A_307 = arith.constant 1 : i32
      %shift_right_arithmetic3A_308 = vector.broadcast %shift_right_arithmetic3A_307 : i32 to vector<16xi32>
      %shift_right_arithmetic3A_309 = arith.shrsi %add3A_306, %shift_right_arithmetic3A_308 : vector<16xi32>
      %min3A_310 = arith.constant 8191 : i32
      %min3A_311 = vector.broadcast %min3A_310 : i32 to vector<16xi32>
      %min3A_312 = arith.minsi %shift_right_arithmetic3A_309, %min3A_311 : vector<16xi32>
      %gather3A_313 = tpu.vector_load_idx %arg7[%min3A_312] : memref<8192xi32, #tpu.memory_space<vmem>>[vector<16xi32>], vector<16xi32>,
      %lt3A_314 = arith.cmpi slt, %gather3A_313, %mul3A_276 : vector<16xi32>
      %add3A_315 = arith.constant 1 : i32
      %add3A_316 = vector.broadcast %add3A_315 : i32 to vector<16xi32>
      %add3A_317 = arith.addi %min3A_312, %add3A_316 : vector<16xi32>
      %select_n3A_318 = arith.select %lt3A_314, %add3A_317, %select_n3A_304 : vector<16xi1>, vector<16xi32>
      %select_n3A_319 = arith.select %lt3A_314, %select_n3A_305, %min3A_312 : vector<16xi1>, vector<16xi32>
      %add3A_320 = arith.addi %select_n3A_318, %select_n3A_319 : vector<16xi32>
      %shift_right_arithmetic3A_321 = arith.constant 1 : i32
      %shift_right_arithmetic3A_322 = vector.broadcast %shift_right_arithmetic3A_321 : i32 to vector<16xi32>
      %shift_right_arithmetic3A_323 = arith.shrsi %add3A_320, %shift_right_arithmetic3A_322 : vector<16xi32>
      %min3A_324 = arith.constant 8191 : i32
      %min3A_325 = vector.broadcast %min3A_324 : i32 to vector<16xi32>
      %min3A_326 = arith.minsi %shift_right_arithmetic3A_323, %min3A_325 : vector<16xi32>
      %gather3A_327 = tpu.vector_load_idx %arg7[%min3A_326] : memref<8192xi32, #tpu.memory_space<vmem>>[vector<16xi32>], vector<16xi32>,
      %lt3A_328 = arith.cmpi slt, %gather3A_327, %mul3A_276 : vector<16xi32>
      %add3A_329 = arith.constant 1 : i32
      %add3A_330 = vector.broadcast %add3A_329 : i32 to vector<16xi32>
      %add3A_331 = arith.addi %min3A_326, %add3A_330 : vector<16xi32>
      %select_n3A_332 = arith.select %lt3A_328, %add3A_331, %select_n3A_318 : vector<16xi1>, vector<16xi32>
      %select_n3A_333 = arith.select %lt3A_328, %select_n3A_319, %min3A_326 : vector<16xi1>, vector<16xi32>
      %add3A_334 = arith.addi %select_n3A_332, %select_n3A_333 : vector<16xi32>
      %shift_right_arithmetic3A_335 = arith.constant 1 : i32
      %shift_right_arithmetic3A_336 = vector.broadcast %shift_right_arithmetic3A_335 : i32 to vector<16xi32>
      %shift_right_arithmetic3A_337 = arith.shrsi %add3A_334, %shift_right_arithmetic3A_336 : vector<16xi32>
      %min3A_338 = arith.constant 8191 : i32
      %min3A_339 = vector.broadcast %min3A_338 : i32 to vector<16xi32>
      %min3A_340 = arith.minsi %shift_right_arithmetic3A_337, %min3A_339 : vector<16xi32>
      %gather3A_341 = tpu.vector_load_idx %arg7[%min3A_340] : memref<8192xi32, #tpu.memory_space<vmem>>[vector<16xi32>], vector<16xi32>,
      %lt3A_342 = arith.cmpi slt, %gather3A_341, %mul3A_276 : vector<16xi32>
      %add3A_343 = arith.constant 1 : i32
      %add3A_344 = vector.broadcast %add3A_343 : i32 to vector<16xi32>
      %add3A_345 = arith.addi %min3A_340, %add3A_344 : vector<16xi32>
      %select_n3A_346 = arith.select %lt3A_342, %add3A_345, %select_n3A_332 : vector<16xi1>, vector<16xi32>
      %select_n3A_347 = arith.select %lt3A_342, %select_n3A_333, %min3A_340 : vector<16xi1>, vector<16xi32>
      %add3A_348 = arith.addi %select_n3A_346, %select_n3A_347 : vector<16xi32>
      %shift_right_arithmetic3A_349 = arith.constant 1 : i32
      %shift_right_arithmetic3A_350 = vector.broadcast %shift_right_arithmetic3A_349 : i32 to vector<16xi32>
      %shift_right_arithmetic3A_351 = arith.shrsi %add3A_348, %shift_right_arithmetic3A_350 : vector<16xi32>
      %min3A_352 = arith.constant 8191 : i32
      %min3A_353 = vector.broadcast %min3A_352 : i32 to vector<16xi32>
      %min3A_354 = arith.minsi %shift_right_arithmetic3A_351, %min3A_353 : vector<16xi32>
      %gather3A_355 = tpu.vector_load_idx %arg7[%min3A_354] : memref<8192xi32, #tpu.memory_space<vmem>>[vector<16xi32>], vector<16xi32>,
      %lt3A_356 = arith.cmpi slt, %gather3A_355, %mul3A_276 : vector<16xi32>
      %add3A_357 = arith.constant 1 : i32
      %add3A_358 = vector.broadcast %add3A_357 : i32 to vector<16xi32>
      %add3A_359 = arith.addi %min3A_354, %add3A_358 : vector<16xi32>
      %select_n3A_360 = arith.select %lt3A_356, %add3A_359, %select_n3A_346 : vector<16xi1>, vector<16xi32>
      %select_n3A_361 = arith.select %lt3A_356, %select_n3A_347, %min3A_354 : vector<16xi1>, vector<16xi32>
      %add3A_362 = arith.addi %select_n3A_360, %select_n3A_361 : vector<16xi32>
      %shift_right_arithmetic3A_363 = arith.constant 1 : i32
      %shift_right_arithmetic3A_364 = vector.broadcast %shift_right_arithmetic3A_363 : i32 to vector<16xi32>
      %shift_right_arithmetic3A_365 = arith.shrsi %add3A_362, %shift_right_arithmetic3A_364 : vector<16xi32>
      %min3A_366 = arith.constant 8191 : i32
      %min3A_367 = vector.broadcast %min3A_366 : i32 to vector<16xi32>
      %min3A_368 = arith.minsi %shift_right_arithmetic3A_365, %min3A_367 : vector<16xi32>
      %gather3A_369 = tpu.vector_load_idx %arg7[%min3A_368] : memref<8192xi32, #tpu.memory_space<vmem>>[vector<16xi32>], vector<16xi32>,
      %lt3A_370 = arith.cmpi slt, %gather3A_369, %mul3A_276 : vector<16xi32>
      %add3A_371 = arith.constant 1 : i32
      %add3A_372 = vector.broadcast %add3A_371 : i32 to vector<16xi32>
      %add3A_373 = arith.addi %min3A_368, %add3A_372 : vector<16xi32>
      %select_n3A_374 = arith.select %lt3A_370, %add3A_373, %select_n3A_360 : vector<16xi1>, vector<16xi32>
      %select_n3A_375 = arith.select %lt3A_370, %select_n3A_361, %min3A_368 : vector<16xi1>, vector<16xi32>
      %add3A_376 = arith.addi %select_n3A_374, %select_n3A_375 : vector<16xi32>
      %shift_right_arithmetic3A_377 = arith.constant 1 : i32
      %shift_right_arithmetic3A_378 = vector.broadcast %shift_right_arithmetic3A_377 : i32 to vector<16xi32>
      %shift_right_arithmetic3A_379 = arith.shrsi %add3A_376, %shift_right_arithmetic3A_378 : vector<16xi32>
      %min3A_380 = arith.constant 8191 : i32
      %min3A_381 = vector.broadcast %min3A_380 : i32 to vector<16xi32>
      %min3A_382 = arith.minsi %shift_right_arithmetic3A_379, %min3A_381 : vector<16xi32>
      %gather3A_383 = tpu.vector_load_idx %arg7[%min3A_382] : memref<8192xi32, #tpu.memory_space<vmem>>[vector<16xi32>], vector<16xi32>,
      %lt3A_384 = arith.cmpi slt, %gather3A_383, %mul3A_276 : vector<16xi32>
      %add3A_385 = arith.constant 1 : i32
      %add3A_386 = vector.broadcast %add3A_385 : i32 to vector<16xi32>
      %add3A_387 = arith.addi %min3A_382, %add3A_386 : vector<16xi32>
      %select_n3A_388 = arith.select %lt3A_384, %add3A_387, %select_n3A_374 : vector<16xi1>, vector<16xi32>
      %select_n3A_389 = arith.select %lt3A_384, %select_n3A_375, %min3A_382 : vector<16xi1>, vector<16xi32>
      %add3A_390 = arith.addi %select_n3A_388, %select_n3A_389 : vector<16xi32>
      %shift_right_arithmetic3A_391 = arith.constant 1 : i32
      %shift_right_arithmetic3A_392 = vector.broadcast %shift_right_arithmetic3A_391 : i32 to vector<16xi32>
      %shift_right_arithmetic3A_393 = arith.shrsi %add3A_390, %shift_right_arithmetic3A_392 : vector<16xi32>
      %min3A_394 = arith.constant 8191 : i32
      %min3A_395 = vector.broadcast %min3A_394 : i32 to vector<16xi32>
      %min3A_396 = arith.minsi %shift_right_arithmetic3A_393, %min3A_395 : vector<16xi32>
      %gather3A_397 = tpu.vector_load_idx %arg7[%min3A_396] : memref<8192xi32, #tpu.memory_space<vmem>>[vector<16xi32>], vector<16xi32>,
      %lt3A_398 = arith.cmpi slt, %gather3A_397, %mul3A_276 : vector<16xi32>
      %add3A_399 = arith.constant 1 : i32
      %add3A_400 = vector.broadcast %add3A_399 : i32 to vector<16xi32>
      %add3A_401 = arith.addi %min3A_396, %add3A_400 : vector<16xi32>
      %select_n3A_402 = arith.select %lt3A_398, %add3A_401, %select_n3A_388 : vector<16xi1>, vector<16xi32>
      %select_n3A_403 = arith.select %lt3A_398, %select_n3A_389, %min3A_396 : vector<16xi1>, vector<16xi32>
      %add3A_404 = arith.addi %select_n3A_402, %select_n3A_403 : vector<16xi32>
      %shift_right_arithmetic3A_405 = arith.constant 1 : i32
      %shift_right_arithmetic3A_406 = vector.broadcast %shift_right_arithmetic3A_405 : i32 to vector<16xi32>
      %shift_right_arithmetic3A_407 = arith.shrsi %add3A_404, %shift_right_arithmetic3A_406 : vector<16xi32>
      %min3A_408 = arith.constant 8191 : i32
      %min3A_409 = vector.broadcast %min3A_408 : i32 to vector<16xi32>
      %min3A_410 = arith.minsi %shift_right_arithmetic3A_407, %min3A_409 : vector<16xi32>
      %gather3A_411 = tpu.vector_load_idx %arg7[%min3A_410] : memref<8192xi32, #tpu.memory_space<vmem>>[vector<16xi32>], vector<16xi32>,
      %lt3A_412 = arith.cmpi slt, %gather3A_411, %mul3A_276 : vector<16xi32>
      %add3A_413 = arith.constant 1 : i32
      %add3A_414 = vector.broadcast %add3A_413 : i32 to vector<16xi32>
      %add3A_415 = arith.addi %min3A_410, %add3A_414 : vector<16xi32>
      %select_n3A_416 = arith.select %lt3A_412, %add3A_415, %select_n3A_402 : vector<16xi1>, vector<16xi32>
      %select_n3A_417 = arith.select %lt3A_412, %select_n3A_403, %min3A_410 : vector<16xi1>, vector<16xi32>
      %add3A_418 = arith.addi %select_n3A_416, %select_n3A_417 : vector<16xi32>
      %shift_right_arithmetic3A_419 = arith.constant 1 : i32
      %shift_right_arithmetic3A_420 = vector.broadcast %shift_right_arithmetic3A_419 : i32 to vector<16xi32>
      %shift_right_arithmetic3A_421 = arith.shrsi %add3A_418, %shift_right_arithmetic3A_420 : vector<16xi32>
      %min3A_422 = arith.constant 8191 : i32
      %min3A_423 = vector.broadcast %min3A_422 : i32 to vector<16xi32>
      %min3A_424 = arith.minsi %shift_right_arithmetic3A_421, %min3A_423 : vector<16xi32>
      %gather3A_425 = tpu.vector_load_idx %arg7[%min3A_424] : memref<8192xi32, #tpu.memory_space<vmem>>[vector<16xi32>], vector<16xi32>,
      %lt3A_426 = arith.cmpi slt, %gather3A_425, %mul3A_276 : vector<16xi32>
      %add3A_427 = arith.constant 1 : i32
      %add3A_428 = vector.broadcast %add3A_427 : i32 to vector<16xi32>
      %add3A_429 = arith.addi %min3A_424, %add3A_428 : vector<16xi32>
      %select_n3A_430 = arith.select %lt3A_426, %add3A_429, %select_n3A_416 : vector<16xi1>, vector<16xi32>
      %select_n3A_431 = arith.select %lt3A_426, %select_n3A_417, %min3A_424 : vector<16xi1>, vector<16xi32>
      %add3A_432 = arith.addi %select_n3A_430, %select_n3A_431 : vector<16xi32>
      %shift_right_arithmetic3A_433 = arith.constant 1 : i32
      %shift_right_arithmetic3A_434 = vector.broadcast %shift_right_arithmetic3A_433 : i32 to vector<16xi32>
      %shift_right_arithmetic3A_435 = arith.shrsi %add3A_432, %shift_right_arithmetic3A_434 : vector<16xi32>
      %min3A_436 = arith.constant 8191 : i32
      %min3A_437 = vector.broadcast %min3A_436 : i32 to vector<16xi32>
      %min3A_438 = arith.minsi %shift_right_arithmetic3A_435, %min3A_437 : vector<16xi32>
      %gather3A_439 = tpu.vector_load_idx %arg7[%min3A_438] : memref<8192xi32, #tpu.memory_space<vmem>>[vector<16xi32>], vector<16xi32>,
      %lt3A_440 = arith.cmpi slt, %gather3A_439, %mul3A_276 : vector<16xi32>
      %add3A_441 = arith.constant 1 : i32
      %add3A_442 = vector.broadcast %add3A_441 : i32 to vector<16xi32>
      %add3A_443 = arith.addi %min3A_438, %add3A_442 : vector<16xi32>
      %select_n3A_444 = arith.select %lt3A_440, %add3A_443, %select_n3A_430 : vector<16xi1>, vector<16xi32>
      %select_n3A_445 = arith.select %lt3A_440, %select_n3A_431, %min3A_438 : vector<16xi1>, vector<16xi32>
      %add3A_446 = arith.addi %select_n3A_444, %select_n3A_445 : vector<16xi32>
      %shift_right_arithmetic3A_447 = arith.constant 1 : i32
      %shift_right_arithmetic3A_448 = vector.broadcast %shift_right_arithmetic3A_447 : i32 to vector<16xi32>
      %shift_right_arithmetic3A_449 = arith.shrsi %add3A_446, %shift_right_arithmetic3A_448 : vector<16xi32>
      %min3A_450 = arith.constant 8191 : i32
      %min3A_451 = vector.broadcast %min3A_450 : i32 to vector<16xi32>
      %min3A_452 = arith.minsi %shift_right_arithmetic3A_449, %min3A_451 : vector<16xi32>
      %gather3A_453 = tpu.vector_load_idx %arg7[%min3A_452] : memref<8192xi32, #tpu.memory_space<vmem>>[vector<16xi32>], vector<16xi32>,
      %lt3A_454 = arith.cmpi slt, %gather3A_453, %mul3A_276 : vector<16xi32>
      %add3A_455 = arith.constant 1 : i32
      %add3A_456 = vector.broadcast %add3A_455 : i32 to vector<16xi32>
      %add3A_457 = arith.addi %min3A_452, %add3A_456 : vector<16xi32>
      %select_n3A_458 = arith.select %lt3A_454, %add3A_457, %select_n3A_444 : vector<16xi1>, vector<16xi32>
      %select_n3A_459 = arith.select %lt3A_454, %select_n3A_445, %min3A_452 : vector<16xi1>, vector<16xi32>
      %add3A_460 = arith.addi %select_n3A_458, %select_n3A_459 : vector<16xi32>
      %shift_right_arithmetic3A_461 = arith.constant 1 : i32
      %shift_right_arithmetic3A_462 = vector.broadcast %shift_right_arithmetic3A_461 : i32 to vector<16xi32>
      %shift_right_arithmetic3A_463 = arith.shrsi %add3A_460, %shift_right_arithmetic3A_462 : vector<16xi32>
      %min3A_464 = arith.constant 8191 : i32
      %min3A_465 = vector.broadcast %min3A_464 : i32 to vector<16xi32>
      %min3A_466 = arith.minsi %shift_right_arithmetic3A_463, %min3A_465 : vector<16xi32>
      %gather3A_467 = tpu.vector_load_idx %arg7[%min3A_466] : memref<8192xi32, #tpu.memory_space<vmem>>[vector<16xi32>], vector<16xi32>,
      %lt3A_468 = arith.cmpi slt, %gather3A_467, %mul3A_276 : vector<16xi32>
      %add3A_469 = arith.constant 1 : i32
      %add3A_470 = vector.broadcast %add3A_469 : i32 to vector<16xi32>
      %add3A_471 = arith.addi %min3A_466, %add3A_470 : vector<16xi32>
      %select_n3A_472 = arith.select %lt3A_468, %add3A_471, %select_n3A_458 : vector<16xi1>, vector<16xi32>
      %select_n3A_473 = arith.select %lt3A_468, %select_n3A_459, %min3A_466 : vector<16xi1>, vector<16xi32>
      %mul3A_474 = arith.constant 16 : i32
      %mul3A_475 = arith.muli %scan3A_268, %mul3A_474 : i32
      %get3A_476 = arith.index_cast %mul3A_475 : i32 to index
      %get3A_477 = tpu.vector_load %arg8[%get3A_476] {strides = array<i32>} : memref<512xi32, #tpu.memory_space<vmem>>, vector<16xi32>,
      %add3A_478 = arith.addi %get3A_477, %select_n3A_472 : vector<16xi32>
      %mul3A_479 = arith.constant 16 : i32
      %mul3A_480 = arith.muli %scan3A_268, %mul3A_479 : i32
      %swap3A_481 = arith.index_cast %mul3A_480 : i32 to index
      %swap3A_482 = tpu.vector_load %arg8[%swap3A_481] {strides = array<i32>} : memref<512xi32, #tpu.memory_space<vmem>>, vector<16xi32>,
      tpu.vector_store %arg8[%swap3A_481], %add3A_478 {strides = array<i32>} : memref<512xi32, #tpu.memory_space<vmem>>, vector<16xi32>,
      %scan3A_483 = arith.constant 0 : i32
      scf.yield %scan3A_483 : i32
    }
    %scan3A_57 = arith.constant 32 : i32
    %mul3A_58 = arith.constant 32768 : i32
    %mul3A_59 = arith.muli %arg1, %mul3A_58 : i32
    %add3A_60 = arith.constant 16384 : i32
    %add3A_61 = arith.addi %mul3A_59, %add3A_60 : i32
    %multiple_of3A_62 = tpu.assume_multiple %add3A_61, 8 : i32
    "tpu.region"() ({
      %run_scoped3A = tpu.sem_alloc : memref<!tpu.dma_semaphore, #tpu.memory_space<semaphore_mem>>
      %dma_start3A_268 = tpu.memref_slice %arg3[%multiple_of3A_62] : memref<524288xi32, #tpu.memory_space<hbm>> -> memref<8192xi32, #tpu.memory_space<hbm>>
      %dma_start3A_269 = tpu.memref_slice %arg3[%multiple_of3A_62] : memref<524288xi32, #tpu.memory_space<hbm>> -> memref<8192xi32, #tpu.memory_space<hbm>>
      tpu.enqueue_dma source(%dma_start3A_269 : memref<8192xi32, #tpu.memory_space<hbm>>) target(%arg7 : memref<8192xi32, #tpu.memory_space<vmem>>) target_semaphore(%run_scoped3A : memref<!tpu.dma_semaphore, #tpu.memory_space<semaphore_mem>>)
      %dma_wait3A_270 = tpu.memref_slice %arg3[%multiple_of3A_62] : memref<524288xi32, #tpu.memory_space<hbm>> -> memref<8192xi32, #tpu.memory_space<hbm>>
      %dma_wait3A_271 = tpu.memref_slice %arg3[%multiple_of3A_62] : memref<524288xi32, #tpu.memory_space<hbm>> -> memref<8192xi32, #tpu.memory_space<hbm>>
      tpu.wait_dma2 semaphore(%run_scoped3A : memref<!tpu.dma_semaphore, #tpu.memory_space<semaphore_mem>>) src(%dma_wait3A_271 : memref<8192xi32, #tpu.memory_space<hbm>>) dst(%arg7 : memref<8192xi32, #tpu.memory_space<vmem>>)
      tpu.yield
    }) : () -> ()
    %scan3A_63 = arith.constant 0 : i32
    %scan3A_64 = arith.constant 0 : i32
    %scan3A_65 = arith.constant 32 : i32
    %scan3A_66 = arith.addi %scan3A_64, %scan3A_65 : i32
    %scan3A_67 = arith.constant 1 : i32
    %scan3A_68 = scf.for %scan3A_268 = %scan3A_64 to %scan3A_66 step %scan3A_67 iter_args(%scan3A_269 = %scan3A_63) -> (i32)  : i32 {
      %mul3A_270 = arith.constant 16 : i32
      %mul3A_271 = arith.muli %scan3A_268, %mul3A_270 : i32
      %add3A_272 = vector.broadcast %mul3A_271 : i32 to vector<16xi32>
      %add3A_273 = arith.addi %add3A_272, %iota3A : vector<16xi32>
      %mul3A_274 = arith.constant 32768 : i32
      %mul3A_275 = vector.broadcast %mul3A_274 : i32 to vector<16xi32>
      %mul3A_276 = arith.muli %add3A_273, %mul3A_275 : vector<16xi32>
      %broadcast_in_dim3A_277 = arith.constant 0 : i32
      %broadcast_in_dim3A_278 = vector.broadcast %broadcast_in_dim3A_277 : i32 to vector<16xi32>
      %broadcast_in_dim3A_279 = arith.constant 8192 : i32
      %broadcast_in_dim3A_280 = vector.broadcast %broadcast_in_dim3A_279 : i32 to vector<16xi32>
      %add3A_281 = arith.addi %broadcast_in_dim3A_278, %broadcast_in_dim3A_280 : vector<16xi32>
      %shift_right_arithmetic3A = arith.constant 1 : i32
      %shift_right_arithmetic3A_282 = vector.broadcast %shift_right_arithmetic3A : i32 to vector<16xi32>
      %shift_right_arithmetic3A_283 = arith.shrsi %add3A_281, %shift_right_arithmetic3A_282 : vector<16xi32>
      %min3A_284 = arith.constant 8191 : i32
      %min3A_285 = vector.broadcast %min3A_284 : i32 to vector<16xi32>
      %min3A_286 = arith.minsi %shift_right_arithmetic3A_283, %min3A_285 : vector<16xi32>
      %gather3A = tpu.vector_load_idx %arg7[%min3A_286] : memref<8192xi32, #tpu.memory_space<vmem>>[vector<16xi32>], vector<16xi32>,
      %lt3A = arith.cmpi slt, %gather3A, %mul3A_276 : vector<16xi32>
      %add3A_287 = arith.constant 1 : i32
      %add3A_288 = vector.broadcast %add3A_287 : i32 to vector<16xi32>
      %add3A_289 = arith.addi %min3A_286, %add3A_288 : vector<16xi32>
      %select_n3A_290 = arith.select %lt3A, %add3A_289, %broadcast_in_dim3A_278 : vector<16xi1>, vector<16xi32>
      %select_n3A_291 = arith.select %lt3A, %broadcast_in_dim3A_280, %min3A_286 : vector<16xi1>, vector<16xi32>
      %add3A_292 = arith.addi %select_n3A_290, %select_n3A_291 : vector<16xi32>
      %shift_right_arithmetic3A_293 = arith.constant 1 : i32
      %shift_right_arithmetic3A_294 = vector.broadcast %shift_right_arithmetic3A_293 : i32 to vector<16xi32>
      %shift_right_arithmetic3A_295 = arith.shrsi %add3A_292, %shift_right_arithmetic3A_294 : vector<16xi32>
      %min3A_296 = arith.constant 8191 : i32
      %min3A_297 = vector.broadcast %min3A_296 : i32 to vector<16xi32>
      %min3A_298 = arith.minsi %shift_right_arithmetic3A_295, %min3A_297 : vector<16xi32>
      %gather3A_299 = tpu.vector_load_idx %arg7[%min3A_298] : memref<8192xi32, #tpu.memory_space<vmem>>[vector<16xi32>], vector<16xi32>,
      %lt3A_300 = arith.cmpi slt, %gather3A_299, %mul3A_276 : vector<16xi32>
      %add3A_301 = arith.constant 1 : i32
      %add3A_302 = vector.broadcast %add3A_301 : i32 to vector<16xi32>
      %add3A_303 = arith.addi %min3A_298, %add3A_302 : vector<16xi32>
      %select_n3A_304 = arith.select %lt3A_300, %add3A_303, %select_n3A_290 : vector<16xi1>, vector<16xi32>
      %select_n3A_305 = arith.select %lt3A_300, %select_n3A_291, %min3A_298 : vector<16xi1>, vector<16xi32>
      %add3A_306 = arith.addi %select_n3A_304, %select_n3A_305 : vector<16xi32>
      %shift_right_arithmetic3A_307 = arith.constant 1 : i32
      %shift_right_arithmetic3A_308 = vector.broadcast %shift_right_arithmetic3A_307 : i32 to vector<16xi32>
      %shift_right_arithmetic3A_309 = arith.shrsi %add3A_306, %shift_right_arithmetic3A_308 : vector<16xi32>
      %min3A_310 = arith.constant 8191 : i32
      %min3A_311 = vector.broadcast %min3A_310 : i32 to vector<16xi32>
      %min3A_312 = arith.minsi %shift_right_arithmetic3A_309, %min3A_311 : vector<16xi32>
      %gather3A_313 = tpu.vector_load_idx %arg7[%min3A_312] : memref<8192xi32, #tpu.memory_space<vmem>>[vector<16xi32>], vector<16xi32>,
      %lt3A_314 = arith.cmpi slt, %gather3A_313, %mul3A_276 : vector<16xi32>
      %add3A_315 = arith.constant 1 : i32
      %add3A_316 = vector.broadcast %add3A_315 : i32 to vector<16xi32>
      %add3A_317 = arith.addi %min3A_312, %add3A_316 : vector<16xi32>
      %select_n3A_318 = arith.select %lt3A_314, %add3A_317, %select_n3A_304 : vector<16xi1>, vector<16xi32>
      %select_n3A_319 = arith.select %lt3A_314, %select_n3A_305, %min3A_312 : vector<16xi1>, vector<16xi32>
      %add3A_320 = arith.addi %select_n3A_318, %select_n3A_319 : vector<16xi32>
      %shift_right_arithmetic3A_321 = arith.constant 1 : i32
      %shift_right_arithmetic3A_322 = vector.broadcast %shift_right_arithmetic3A_321 : i32 to vector<16xi32>
      %shift_right_arithmetic3A_323 = arith.shrsi %add3A_320, %shift_right_arithmetic3A_322 : vector<16xi32>
      %min3A_324 = arith.constant 8191 : i32
      %min3A_325 = vector.broadcast %min3A_324 : i32 to vector<16xi32>
      %min3A_326 = arith.minsi %shift_right_arithmetic3A_323, %min3A_325 : vector<16xi32>
      %gather3A_327 = tpu.vector_load_idx %arg7[%min3A_326] : memref<8192xi32, #tpu.memory_space<vmem>>[vector<16xi32>], vector<16xi32>,
      %lt3A_328 = arith.cmpi slt, %gather3A_327, %mul3A_276 : vector<16xi32>
      %add3A_329 = arith.constant 1 : i32
      %add3A_330 = vector.broadcast %add3A_329 : i32 to vector<16xi32>
      %add3A_331 = arith.addi %min3A_326, %add3A_330 : vector<16xi32>
      %select_n3A_332 = arith.select %lt3A_328, %add3A_331, %select_n3A_318 : vector<16xi1>, vector<16xi32>
      %select_n3A_333 = arith.select %lt3A_328, %select_n3A_319, %min3A_326 : vector<16xi1>, vector<16xi32>
      %add3A_334 = arith.addi %select_n3A_332, %select_n3A_333 : vector<16xi32>
      %shift_right_arithmetic3A_335 = arith.constant 1 : i32
      %shift_right_arithmetic3A_336 = vector.broadcast %shift_right_arithmetic3A_335 : i32 to vector<16xi32>
      %shift_right_arithmetic3A_337 = arith.shrsi %add3A_334, %shift_right_arithmetic3A_336 : vector<16xi32>
      %min3A_338 = arith.constant 8191 : i32
      %min3A_339 = vector.broadcast %min3A_338 : i32 to vector<16xi32>
      %min3A_340 = arith.minsi %shift_right_arithmetic3A_337, %min3A_339 : vector<16xi32>
      %gather3A_341 = tpu.vector_load_idx %arg7[%min3A_340] : memref<8192xi32, #tpu.memory_space<vmem>>[vector<16xi32>], vector<16xi32>,
      %lt3A_342 = arith.cmpi slt, %gather3A_341, %mul3A_276 : vector<16xi32>
      %add3A_343 = arith.constant 1 : i32
      %add3A_344 = vector.broadcast %add3A_343 : i32 to vector<16xi32>
      %add3A_345 = arith.addi %min3A_340, %add3A_344 : vector<16xi32>
      %select_n3A_346 = arith.select %lt3A_342, %add3A_345, %select_n3A_332 : vector<16xi1>, vector<16xi32>
      %select_n3A_347 = arith.select %lt3A_342, %select_n3A_333, %min3A_340 : vector<16xi1>, vector<16xi32>
      %add3A_348 = arith.addi %select_n3A_346, %select_n3A_347 : vector<16xi32>
      %shift_right_arithmetic3A_349 = arith.constant 1 : i32
      %shift_right_arithmetic3A_350 = vector.broadcast %shift_right_arithmetic3A_349 : i32 to vector<16xi32>
      %shift_right_arithmetic3A_351 = arith.shrsi %add3A_348, %shift_right_arithmetic3A_350 : vector<16xi32>
      %min3A_352 = arith.constant 8191 : i32
      %min3A_353 = vector.broadcast %min3A_352 : i32 to vector<16xi32>
      %min3A_354 = arith.minsi %shift_right_arithmetic3A_351, %min3A_353 : vector<16xi32>
      %gather3A_355 = tpu.vector_load_idx %arg7[%min3A_354] : memref<8192xi32, #tpu.memory_space<vmem>>[vector<16xi32>], vector<16xi32>,
      %lt3A_356 = arith.cmpi slt, %gather3A_355, %mul3A_276 : vector<16xi32>
      %add3A_357 = arith.constant 1 : i32
      %add3A_358 = vector.broadcast %add3A_357 : i32 to vector<16xi32>
      %add3A_359 = arith.addi %min3A_354, %add3A_358 : vector<16xi32>
      %select_n3A_360 = arith.select %lt3A_356, %add3A_359, %select_n3A_346 : vector<16xi1>, vector<16xi32>
      %select_n3A_361 = arith.select %lt3A_356, %select_n3A_347, %min3A_354 : vector<16xi1>, vector<16xi32>
      %add3A_362 = arith.addi %select_n3A_360, %select_n3A_361 : vector<16xi32>
      %shift_right_arithmetic3A_363 = arith.constant 1 : i32
      %shift_right_arithmetic3A_364 = vector.broadcast %shift_right_arithmetic3A_363 : i32 to vector<16xi32>
      %shift_right_arithmetic3A_365 = arith.shrsi %add3A_362, %shift_right_arithmetic3A_364 : vector<16xi32>
      %min3A_366 = arith.constant 8191 : i32
      %min3A_367 = vector.broadcast %min3A_366 : i32 to vector<16xi32>
      %min3A_368 = arith.minsi %shift_right_arithmetic3A_365, %min3A_367 : vector<16xi32>
      %gather3A_369 = tpu.vector_load_idx %arg7[%min3A_368] : memref<8192xi32, #tpu.memory_space<vmem>>[vector<16xi32>], vector<16xi32>,
      %lt3A_370 = arith.cmpi slt, %gather3A_369, %mul3A_276 : vector<16xi32>
      %add3A_371 = arith.constant 1 : i32
      %add3A_372 = vector.broadcast %add3A_371 : i32 to vector<16xi32>
      %add3A_373 = arith.addi %min3A_368, %add3A_372 : vector<16xi32>
      %select_n3A_374 = arith.select %lt3A_370, %add3A_373, %select_n3A_360 : vector<16xi1>, vector<16xi32>
      %select_n3A_375 = arith.select %lt3A_370, %select_n3A_361, %min3A_368 : vector<16xi1>, vector<16xi32>
      %add3A_376 = arith.addi %select_n3A_374, %select_n3A_375 : vector<16xi32>
      %shift_right_arithmetic3A_377 = arith.constant 1 : i32
      %shift_right_arithmetic3A_378 = vector.broadcast %shift_right_arithmetic3A_377 : i32 to vector<16xi32>
      %shift_right_arithmetic3A_379 = arith.shrsi %add3A_376, %shift_right_arithmetic3A_378 : vector<16xi32>
      %min3A_380 = arith.constant 8191 : i32
      %min3A_381 = vector.broadcast %min3A_380 : i32 to vector<16xi32>
      %min3A_382 = arith.minsi %shift_right_arithmetic3A_379, %min3A_381 : vector<16xi32>
      %gather3A_383 = tpu.vector_load_idx %arg7[%min3A_382] : memref<8192xi32, #tpu.memory_space<vmem>>[vector<16xi32>], vector<16xi32>,
      %lt3A_384 = arith.cmpi slt, %gather3A_383, %mul3A_276 : vector<16xi32>
      %add3A_385 = arith.constant 1 : i32
      %add3A_386 = vector.broadcast %add3A_385 : i32 to vector<16xi32>
      %add3A_387 = arith.addi %min3A_382, %add3A_386 : vector<16xi32>
      %select_n3A_388 = arith.select %lt3A_384, %add3A_387, %select_n3A_374 : vector<16xi1>, vector<16xi32>
      %select_n3A_389 = arith.select %lt3A_384, %select_n3A_375, %min3A_382 : vector<16xi1>, vector<16xi32>
      %add3A_390 = arith.addi %select_n3A_388, %select_n3A_389 : vector<16xi32>
      %shift_right_arithmetic3A_391 = arith.constant 1 : i32
      %shift_right_arithmetic3A_392 = vector.broadcast %shift_right_arithmetic3A_391 : i32 to vector<16xi32>
      %shift_right_arithmetic3A_393 = arith.shrsi %add3A_390, %shift_right_arithmetic3A_392 : vector<16xi32>
      %min3A_394 = arith.constant 8191 : i32
      %min3A_395 = vector.broadcast %min3A_394 : i32 to vector<16xi32>
      %min3A_396 = arith.minsi %shift_right_arithmetic3A_393, %min3A_395 : vector<16xi32>
      %gather3A_397 = tpu.vector_load_idx %arg7[%min3A_396] : memref<8192xi32, #tpu.memory_space<vmem>>[vector<16xi32>], vector<16xi32>,
      %lt3A_398 = arith.cmpi slt, %gather3A_397, %mul3A_276 : vector<16xi32>
      %add3A_399 = arith.constant 1 : i32
      %add3A_400 = vector.broadcast %add3A_399 : i32 to vector<16xi32>
      %add3A_401 = arith.addi %min3A_396, %add3A_400 : vector<16xi32>
      %select_n3A_402 = arith.select %lt3A_398, %add3A_401, %select_n3A_388 : vector<16xi1>, vector<16xi32>
      %select_n3A_403 = arith.select %lt3A_398, %select_n3A_389, %min3A_396 : vector<16xi1>, vector<16xi32>
      %add3A_404 = arith.addi %select_n3A_402, %select_n3A_403 : vector<16xi32>
      %shift_right_arithmetic3A_405 = arith.constant 1 : i32
      %shift_right_arithmetic3A_406 = vector.broadcast %shift_right_arithmetic3A_405 : i32 to vector<16xi32>
      %shift_right_arithmetic3A_407 = arith.shrsi %add3A_404, %shift_right_arithmetic3A_406 : vector<16xi32>
      %min3A_408 = arith.constant 8191 : i32
      %min3A_409 = vector.broadcast %min3A_408 : i32 to vector<16xi32>
      %min3A_410 = arith.minsi %shift_right_arithmetic3A_407, %min3A_409 : vector<16xi32>
      %gather3A_411 = tpu.vector_load_idx %arg7[%min3A_410] : memref<8192xi32, #tpu.memory_space<vmem>>[vector<16xi32>], vector<16xi32>,
      %lt3A_412 = arith.cmpi slt, %gather3A_411, %mul3A_276 : vector<16xi32>
      %add3A_413 = arith.constant 1 : i32
      %add3A_414 = vector.broadcast %add3A_413 : i32 to vector<16xi32>
      %add3A_415 = arith.addi %min3A_410, %add3A_414 : vector<16xi32>
      %select_n3A_416 = arith.select %lt3A_412, %add3A_415, %select_n3A_402 : vector<16xi1>, vector<16xi32>
      %select_n3A_417 = arith.select %lt3A_412, %select_n3A_403, %min3A_410 : vector<16xi1>, vector<16xi32>
      %add3A_418 = arith.addi %select_n3A_416, %select_n3A_417 : vector<16xi32>
      %shift_right_arithmetic3A_419 = arith.constant 1 : i32
      %shift_right_arithmetic3A_420 = vector.broadcast %shift_right_arithmetic3A_419 : i32 to vector<16xi32>
      %shift_right_arithmetic3A_421 = arith.shrsi %add3A_418, %shift_right_arithmetic3A_420 : vector<16xi32>
      %min3A_422 = arith.constant 8191 : i32
      %min3A_423 = vector.broadcast %min3A_422 : i32 to vector<16xi32>
      %min3A_424 = arith.minsi %shift_right_arithmetic3A_421, %min3A_423 : vector<16xi32>
      %gather3A_425 = tpu.vector_load_idx %arg7[%min3A_424] : memref<8192xi32, #tpu.memory_space<vmem>>[vector<16xi32>], vector<16xi32>,
      %lt3A_426 = arith.cmpi slt, %gather3A_425, %mul3A_276 : vector<16xi32>
      %add3A_427 = arith.constant 1 : i32
      %add3A_428 = vector.broadcast %add3A_427 : i32 to vector<16xi32>
      %add3A_429 = arith.addi %min3A_424, %add3A_428 : vector<16xi32>
      %select_n3A_430 = arith.select %lt3A_426, %add3A_429, %select_n3A_416 : vector<16xi1>, vector<16xi32>
      %select_n3A_431 = arith.select %lt3A_426, %select_n3A_417, %min3A_424 : vector<16xi1>, vector<16xi32>
      %add3A_432 = arith.addi %select_n3A_430, %select_n3A_431 : vector<16xi32>
      %shift_right_arithmetic3A_433 = arith.constant 1 : i32
      %shift_right_arithmetic3A_434 = vector.broadcast %shift_right_arithmetic3A_433 : i32 to vector<16xi32>
      %shift_right_arithmetic3A_435 = arith.shrsi %add3A_432, %shift_right_arithmetic3A_434 : vector<16xi32>
      %min3A_436 = arith.constant 8191 : i32
      %min3A_437 = vector.broadcast %min3A_436 : i32 to vector<16xi32>
      %min3A_438 = arith.minsi %shift_right_arithmetic3A_435, %min3A_437 : vector<16xi32>
      %gather3A_439 = tpu.vector_load_idx %arg7[%min3A_438] : memref<8192xi32, #tpu.memory_space<vmem>>[vector<16xi32>], vector<16xi32>,
      %lt3A_440 = arith.cmpi slt, %gather3A_439, %mul3A_276 : vector<16xi32>
      %add3A_441 = arith.constant 1 : i32
      %add3A_442 = vector.broadcast %add3A_441 : i32 to vector<16xi32>
      %add3A_443 = arith.addi %min3A_438, %add3A_442 : vector<16xi32>
      %select_n3A_444 = arith.select %lt3A_440, %add3A_443, %select_n3A_430 : vector<16xi1>, vector<16xi32>
      %select_n3A_445 = arith.select %lt3A_440, %select_n3A_431, %min3A_438 : vector<16xi1>, vector<16xi32>
      %add3A_446 = arith.addi %select_n3A_444, %select_n3A_445 : vector<16xi32>
      %shift_right_arithmetic3A_447 = arith.constant 1 : i32
      %shift_right_arithmetic3A_448 = vector.broadcast %shift_right_arithmetic3A_447 : i32 to vector<16xi32>
      %shift_right_arithmetic3A_449 = arith.shrsi %add3A_446, %shift_right_arithmetic3A_448 : vector<16xi32>
      %min3A_450 = arith.constant 8191 : i32
      %min3A_451 = vector.broadcast %min3A_450 : i32 to vector<16xi32>
      %min3A_452 = arith.minsi %shift_right_arithmetic3A_449, %min3A_451 : vector<16xi32>
      %gather3A_453 = tpu.vector_load_idx %arg7[%min3A_452] : memref<8192xi32, #tpu.memory_space<vmem>>[vector<16xi32>], vector<16xi32>,
      %lt3A_454 = arith.cmpi slt, %gather3A_453, %mul3A_276 : vector<16xi32>
      %add3A_455 = arith.constant 1 : i32
      %add3A_456 = vector.broadcast %add3A_455 : i32 to vector<16xi32>
      %add3A_457 = arith.addi %min3A_452, %add3A_456 : vector<16xi32>
      %select_n3A_458 = arith.select %lt3A_454, %add3A_457, %select_n3A_444 : vector<16xi1>, vector<16xi32>
      %select_n3A_459 = arith.select %lt3A_454, %select_n3A_445, %min3A_452 : vector<16xi1>, vector<16xi32>
      %add3A_460 = arith.addi %select_n3A_458, %select_n3A_459 : vector<16xi32>
      %shift_right_arithmetic3A_461 = arith.constant 1 : i32
      %shift_right_arithmetic3A_462 = vector.broadcast %shift_right_arithmetic3A_461 : i32 to vector<16xi32>
      %shift_right_arithmetic3A_463 = arith.shrsi %add3A_460, %shift_right_arithmetic3A_462 : vector<16xi32>
      %min3A_464 = arith.constant 8191 : i32
      %min3A_465 = vector.broadcast %min3A_464 : i32 to vector<16xi32>
      %min3A_466 = arith.minsi %shift_right_arithmetic3A_463, %min3A_465 : vector<16xi32>
      %gather3A_467 = tpu.vector_load_idx %arg7[%min3A_466] : memref<8192xi32, #tpu.memory_space<vmem>>[vector<16xi32>], vector<16xi32>,
      %lt3A_468 = arith.cmpi slt, %gather3A_467, %mul3A_276 : vector<16xi32>
      %add3A_469 = arith.constant 1 : i32
      %add3A_470 = vector.broadcast %add3A_469 : i32 to vector<16xi32>
      %add3A_471 = arith.addi %min3A_466, %add3A_470 : vector<16xi32>
      %select_n3A_472 = arith.select %lt3A_468, %add3A_471, %select_n3A_458 : vector<16xi1>, vector<16xi32>
      %select_n3A_473 = arith.select %lt3A_468, %select_n3A_459, %min3A_466 : vector<16xi1>, vector<16xi32>
      %mul3A_474 = arith.constant 16 : i32
      %mul3A_475 = arith.muli %scan3A_268, %mul3A_474 : i32
      %get3A_476 = arith.index_cast %mul3A_475 : i32 to index
      %get3A_477 = tpu.vector_load %arg8[%get3A_476] {strides = array<i32>} : memref<512xi32, #tpu.memory_space<vmem>>, vector<16xi32>,
      %add3A_478 = arith.addi %get3A_477, %select_n3A_472 : vector<16xi32>
      %mul3A_479 = arith.constant 16 : i32
      %mul3A_480 = arith.muli %scan3A_268, %mul3A_479 : i32
      %swap3A_481 = arith.index_cast %mul3A_480 : i32 to index
      %swap3A_482 = tpu.vector_load %arg8[%swap3A_481] {strides = array<i32>} : memref<512xi32, #tpu.memory_space<vmem>>, vector<16xi32>,
      tpu.vector_store %arg8[%swap3A_481], %add3A_478 {strides = array<i32>} : memref<512xi32, #tpu.memory_space<vmem>>, vector<16xi32>,
      %scan3A_483 = arith.constant 0 : i32
      scf.yield %scan3A_483 : i32
    }
    %scan3A_69 = arith.constant 32 : i32
    %mul3A_70 = arith.constant 32768 : i32
    %mul3A_71 = arith.muli %arg1, %mul3A_70 : i32
    %add3A_72 = arith.constant 24576 : i32
    %add3A_73 = arith.addi %mul3A_71, %add3A_72 : i32
    %multiple_of3A_74 = tpu.assume_multiple %add3A_73, 8 : i32
    "tpu.region"() ({
      %run_scoped3A = tpu.sem_alloc : memref<!tpu.dma_semaphore, #tpu.memory_space<semaphore_mem>>
      %dma_start3A_268 = tpu.memref_slice %arg3[%multiple_of3A_74] : memref<524288xi32, #tpu.memory_space<hbm>> -> memref<8192xi32, #tpu.memory_space<hbm>>
      %dma_start3A_269 = tpu.memref_slice %arg3[%multiple_of3A_74] : memref<524288xi32, #tpu.memory_space<hbm>> -> memref<8192xi32, #tpu.memory_space<hbm>>
      tpu.enqueue_dma source(%dma_start3A_269 : memref<8192xi32, #tpu.memory_space<hbm>>) target(%arg7 : memref<8192xi32, #tpu.memory_space<vmem>>) target_semaphore(%run_scoped3A : memref<!tpu.dma_semaphore, #tpu.memory_space<semaphore_mem>>)
      %dma_wait3A_270 = tpu.memref_slice %arg3[%multiple_of3A_74] : memref<524288xi32, #tpu.memory_space<hbm>> -> memref<8192xi32, #tpu.memory_space<hbm>>
      %dma_wait3A_271 = tpu.memref_slice %arg3[%multiple_of3A_74] : memref<524288xi32, #tpu.memory_space<hbm>> -> memref<8192xi32, #tpu.memory_space<hbm>>
      tpu.wait_dma2 semaphore(%run_scoped3A : memref<!tpu.dma_semaphore, #tpu.memory_space<semaphore_mem>>) src(%dma_wait3A_271 : memref<8192xi32, #tpu.memory_space<hbm>>) dst(%arg7 : memref<8192xi32, #tpu.memory_space<vmem>>)
      tpu.yield
    }) : () -> ()
    %scan3A_75 = arith.constant 0 : i32
    %scan3A_76 = arith.constant 0 : i32
    %scan3A_77 = arith.constant 32 : i32
    %scan3A_78 = arith.addi %scan3A_76, %scan3A_77 : i32
    %scan3A_79 = arith.constant 1 : i32
    %scan3A_80 = scf.for %scan3A_268 = %scan3A_76 to %scan3A_78 step %scan3A_79 iter_args(%scan3A_269 = %scan3A_75) -> (i32)  : i32 {
      %mul3A_270 = arith.constant 16 : i32
      %mul3A_271 = arith.muli %scan3A_268, %mul3A_270 : i32
      %add3A_272 = vector.broadcast %mul3A_271 : i32 to vector<16xi32>
      %add3A_273 = arith.addi %add3A_272, %iota3A : vector<16xi32>
      %mul3A_274 = arith.constant 32768 : i32
      %mul3A_275 = vector.broadcast %mul3A_274 : i32 to vector<16xi32>
      %mul3A_276 = arith.muli %add3A_273, %mul3A_275 : vector<16xi32>
      %broadcast_in_dim3A_277 = arith.constant 0 : i32
      %broadcast_in_dim3A_278 = vector.broadcast %broadcast_in_dim3A_277 : i32 to vector<16xi32>
      %broadcast_in_dim3A_279 = arith.constant 8192 : i32
      %broadcast_in_dim3A_280 = vector.broadcast %broadcast_in_dim3A_279 : i32 to vector<16xi32>
      %add3A_281 = arith.addi %broadcast_in_dim3A_278, %broadcast_in_dim3A_280 : vector<16xi32>
      %shift_right_arithmetic3A = arith.constant 1 : i32
      %shift_right_arithmetic3A_282 = vector.broadcast %shift_right_arithmetic3A : i32 to vector<16xi32>
      %shift_right_arithmetic3A_283 = arith.shrsi %add3A_281, %shift_right_arithmetic3A_282 : vector<16xi32>
      %min3A_284 = arith.constant 8191 : i32
      %min3A_285 = vector.broadcast %min3A_284 : i32 to vector<16xi32>
      %min3A_286 = arith.minsi %shift_right_arithmetic3A_283, %min3A_285 : vector<16xi32>
      %gather3A = tpu.vector_load_idx %arg7[%min3A_286] : memref<8192xi32, #tpu.memory_space<vmem>>[vector<16xi32>], vector<16xi32>,
      %lt3A = arith.cmpi slt, %gather3A, %mul3A_276 : vector<16xi32>
      %add3A_287 = arith.constant 1 : i32
      %add3A_288 = vector.broadcast %add3A_287 : i32 to vector<16xi32>
      %add3A_289 = arith.addi %min3A_286, %add3A_288 : vector<16xi32>
      %select_n3A_290 = arith.select %lt3A, %add3A_289, %broadcast_in_dim3A_278 : vector<16xi1>, vector<16xi32>
      %select_n3A_291 = arith.select %lt3A, %broadcast_in_dim3A_280, %min3A_286 : vector<16xi1>, vector<16xi32>
      %add3A_292 = arith.addi %select_n3A_290, %select_n3A_291 : vector<16xi32>
      %shift_right_arithmetic3A_293 = arith.constant 1 : i32
      %shift_right_arithmetic3A_294 = vector.broadcast %shift_right_arithmetic3A_293 : i32 to vector<16xi32>
      %shift_right_arithmetic3A_295 = arith.shrsi %add3A_292, %shift_right_arithmetic3A_294 : vector<16xi32>
      %min3A_296 = arith.constant 8191 : i32
      %min3A_297 = vector.broadcast %min3A_296 : i32 to vector<16xi32>
      %min3A_298 = arith.minsi %shift_right_arithmetic3A_295, %min3A_297 : vector<16xi32>
      %gather3A_299 = tpu.vector_load_idx %arg7[%min3A_298] : memref<8192xi32, #tpu.memory_space<vmem>>[vector<16xi32>], vector<16xi32>,
      %lt3A_300 = arith.cmpi slt, %gather3A_299, %mul3A_276 : vector<16xi32>
      %add3A_301 = arith.constant 1 : i32
      %add3A_302 = vector.broadcast %add3A_301 : i32 to vector<16xi32>
      %add3A_303 = arith.addi %min3A_298, %add3A_302 : vector<16xi32>
      %select_n3A_304 = arith.select %lt3A_300, %add3A_303, %select_n3A_290 : vector<16xi1>, vector<16xi32>
      %select_n3A_305 = arith.select %lt3A_300, %select_n3A_291, %min3A_298 : vector<16xi1>, vector<16xi32>
      %add3A_306 = arith.addi %select_n3A_304, %select_n3A_305 : vector<16xi32>
      %shift_right_arithmetic3A_307 = arith.constant 1 : i32
      %shift_right_arithmetic3A_308 = vector.broadcast %shift_right_arithmetic3A_307 : i32 to vector<16xi32>
      %shift_right_arithmetic3A_309 = arith.shrsi %add3A_306, %shift_right_arithmetic3A_308 : vector<16xi32>
      %min3A_310 = arith.constant 8191 : i32
      %min3A_311 = vector.broadcast %min3A_310 : i32 to vector<16xi32>
      %min3A_312 = arith.minsi %shift_right_arithmetic3A_309, %min3A_311 : vector<16xi32>
      %gather3A_313 = tpu.vector_load_idx %arg7[%min3A_312] : memref<8192xi32, #tpu.memory_space<vmem>>[vector<16xi32>], vector<16xi32>,
      %lt3A_314 = arith.cmpi slt, %gather3A_313, %mul3A_276 : vector<16xi32>
      %add3A_315 = arith.constant 1 : i32
      %add3A_316 = vector.broadcast %add3A_315 : i32 to vector<16xi32>
      %add3A_317 = arith.addi %min3A_312, %add3A_316 : vector<16xi32>
      %select_n3A_318 = arith.select %lt3A_314, %add3A_317, %select_n3A_304 : vector<16xi1>, vector<16xi32>
      %select_n3A_319 = arith.select %lt3A_314, %select_n3A_305, %min3A_312 : vector<16xi1>, vector<16xi32>
      %add3A_320 = arith.addi %select_n3A_318, %select_n3A_319 : vector<16xi32>
      %shift_right_arithmetic3A_321 = arith.constant 1 : i32
      %shift_right_arithmetic3A_322 = vector.broadcast %shift_right_arithmetic3A_321 : i32 to vector<16xi32>
      %shift_right_arithmetic3A_323 = arith.shrsi %add3A_320, %shift_right_arithmetic3A_322 : vector<16xi32>
      %min3A_324 = arith.constant 8191 : i32
      %min3A_325 = vector.broadcast %min3A_324 : i32 to vector<16xi32>
      %min3A_326 = arith.minsi %shift_right_arithmetic3A_323, %min3A_325 : vector<16xi32>
      %gather3A_327 = tpu.vector_load_idx %arg7[%min3A_326] : memref<8192xi32, #tpu.memory_space<vmem>>[vector<16xi32>], vector<16xi32>,
      %lt3A_328 = arith.cmpi slt, %gather3A_327, %mul3A_276 : vector<16xi32>
      %add3A_329 = arith.constant 1 : i32
      %add3A_330 = vector.broadcast %add3A_329 : i32 to vector<16xi32>
      %add3A_331 = arith.addi %min3A_326, %add3A_330 : vector<16xi32>
      %select_n3A_332 = arith.select %lt3A_328, %add3A_331, %select_n3A_318 : vector<16xi1>, vector<16xi32>
      %select_n3A_333 = arith.select %lt3A_328, %select_n3A_319, %min3A_326 : vector<16xi1>, vector<16xi32>
      %add3A_334 = arith.addi %select_n3A_332, %select_n3A_333 : vector<16xi32>
      %shift_right_arithmetic3A_335 = arith.constant 1 : i32
      %shift_right_arithmetic3A_336 = vector.broadcast %shift_right_arithmetic3A_335 : i32 to vector<16xi32>
      %shift_right_arithmetic3A_337 = arith.shrsi %add3A_334, %shift_right_arithmetic3A_336 : vector<16xi32>
      %min3A_338 = arith.constant 8191 : i32
      %min3A_339 = vector.broadcast %min3A_338 : i32 to vector<16xi32>
      %min3A_340 = arith.minsi %shift_right_arithmetic3A_337, %min3A_339 : vector<16xi32>
      %gather3A_341 = tpu.vector_load_idx %arg7[%min3A_340] : memref<8192xi32, #tpu.memory_space<vmem>>[vector<16xi32>], vector<16xi32>,
      %lt3A_342 = arith.cmpi slt, %gather3A_341, %mul3A_276 : vector<16xi32>
      %add3A_343 = arith.constant 1 : i32
      %add3A_344 = vector.broadcast %add3A_343 : i32 to vector<16xi32>
      %add3A_345 = arith.addi %min3A_340, %add3A_344 : vector<16xi32>
      %select_n3A_346 = arith.select %lt3A_342, %add3A_345, %select_n3A_332 : vector<16xi1>, vector<16xi32>
      %select_n3A_347 = arith.select %lt3A_342, %select_n3A_333, %min3A_340 : vector<16xi1>, vector<16xi32>
      %add3A_348 = arith.addi %select_n3A_346, %select_n3A_347 : vector<16xi32>
      %shift_right_arithmetic3A_349 = arith.constant 1 : i32
      %shift_right_arithmetic3A_350 = vector.broadcast %shift_right_arithmetic3A_349 : i32 to vector<16xi32>
      %shift_right_arithmetic3A_351 = arith.shrsi %add3A_348, %shift_right_arithmetic3A_350 : vector<16xi32>
      %min3A_352 = arith.constant 8191 : i32
      %min3A_353 = vector.broadcast %min3A_352 : i32 to vector<16xi32>
      %min3A_354 = arith.minsi %shift_right_arithmetic3A_351, %min3A_353 : vector<16xi32>
      %gather3A_355 = tpu.vector_load_idx %arg7[%min3A_354] : memref<8192xi32, #tpu.memory_space<vmem>>[vector<16xi32>], vector<16xi32>,
      %lt3A_356 = arith.cmpi slt, %gather3A_355, %mul3A_276 : vector<16xi32>
      %add3A_357 = arith.constant 1 : i32
      %add3A_358 = vector.broadcast %add3A_357 : i32 to vector<16xi32>
      %add3A_359 = arith.addi %min3A_354, %add3A_358 : vector<16xi32>
      %select_n3A_360 = arith.select %lt3A_356, %add3A_359, %select_n3A_346 : vector<16xi1>, vector<16xi32>
      %select_n3A_361 = arith.select %lt3A_356, %select_n3A_347, %min3A_354 : vector<16xi1>, vector<16xi32>
      %add3A_362 = arith.addi %select_n3A_360, %select_n3A_361 : vector<16xi32>
      %shift_right_arithmetic3A_363 = arith.constant 1 : i32
      %shift_right_arithmetic3A_364 = vector.broadcast %shift_right_arithmetic3A_363 : i32 to vector<16xi32>
      %shift_right_arithmetic3A_365 = arith.shrsi %add3A_362, %shift_right_arithmetic3A_364 : vector<16xi32>
      %min3A_366 = arith.constant 8191 : i32
      %min3A_367 = vector.broadcast %min3A_366 : i32 to vector<16xi32>
      %min3A_368 = arith.minsi %shift_right_arithmetic3A_365, %min3A_367 : vector<16xi32>
      %gather3A_369 = tpu.vector_load_idx %arg7[%min3A_368] : memref<8192xi32, #tpu.memory_space<vmem>>[vector<16xi32>], vector<16xi32>,
      %lt3A_370 = arith.cmpi slt, %gather3A_369, %mul3A_276 : vector<16xi32>
      %add3A_371 = arith.constant 1 : i32
      %add3A_372 = vector.broadcast %add3A_371 : i32 to vector<16xi32>
      %add3A_373 = arith.addi %min3A_368, %add3A_372 : vector<16xi32>
      %select_n3A_374 = arith.select %lt3A_370, %add3A_373, %select_n3A_360 : vector<16xi1>, vector<16xi32>
      %select_n3A_375 = arith.select %lt3A_370, %select_n3A_361, %min3A_368 : vector<16xi1>, vector<16xi32>
      %add3A_376 = arith.addi %select_n3A_374, %select_n3A_375 : vector<16xi32>
      %shift_right_arithmetic3A_377 = arith.constant 1 : i32
      %shift_right_arithmetic3A_378 = vector.broadcast %shift_right_arithmetic3A_377 : i32 to vector<16xi32>
      %shift_right_arithmetic3A_379 = arith.shrsi %add3A_376, %shift_right_arithmetic3A_378 : vector<16xi32>
      %min3A_380 = arith.constant 8191 : i32
      %min3A_381 = vector.broadcast %min3A_380 : i32 to vector<16xi32>
      %min3A_382 = arith.minsi %shift_right_arithmetic3A_379, %min3A_381 : vector<16xi32>
      %gather3A_383 = tpu.vector_load_idx %arg7[%min3A_382] : memref<8192xi32, #tpu.memory_space<vmem>>[vector<16xi32>], vector<16xi32>,
      %lt3A_384 = arith.cmpi slt, %gather3A_383, %mul3A_276 : vector<16xi32>
      %add3A_385 = arith.constant 1 : i32
      %add3A_386 = vector.broadcast %add3A_385 : i32 to vector<16xi32>
      %add3A_387 = arith.addi %min3A_382, %add3A_386 : vector<16xi32>
      %select_n3A_388 = arith.select %lt3A_384, %add3A_387, %select_n3A_374 : vector<16xi1>, vector<16xi32>
      %select_n3A_389 = arith.select %lt3A_384, %select_n3A_375, %min3A_382 : vector<16xi1>, vector<16xi32>
      %add3A_390 = arith.addi %select_n3A_388, %select_n3A_389 : vector<16xi32>
      %shift_right_arithmetic3A_391 = arith.constant 1 : i32
      %shift_right_arithmetic3A_392 = vector.broadcast %shift_right_arithmetic3A_391 : i32 to vector<16xi32>
      %shift_right_arithmetic3A_393 = arith.shrsi %add3A_390, %shift_right_arithmetic3A_392 : vector<16xi32>
      %min3A_394 = arith.constant 8191 : i32
      %min3A_395 = vector.broadcast %min3A_394 : i32 to vector<16xi32>
      %min3A_396 = arith.minsi %shift_right_arithmetic3A_393, %min3A_395 : vector<16xi32>
      %gather3A_397 = tpu.vector_load_idx %arg7[%min3A_396] : memref<8192xi32, #tpu.memory_space<vmem>>[vector<16xi32>], vector<16xi32>,
      %lt3A_398 = arith.cmpi slt, %gather3A_397, %mul3A_276 : vector<16xi32>
      %add3A_399 = arith.constant 1 : i32
      %add3A_400 = vector.broadcast %add3A_399 : i32 to vector<16xi32>
      %add3A_401 = arith.addi %min3A_396, %add3A_400 : vector<16xi32>
      %select_n3A_402 = arith.select %lt3A_398, %add3A_401, %select_n3A_388 : vector<16xi1>, vector<16xi32>
      %select_n3A_403 = arith.select %lt3A_398, %select_n3A_389, %min3A_396 : vector<16xi1>, vector<16xi32>
      %add3A_404 = arith.addi %select_n3A_402, %select_n3A_403 : vector<16xi32>
      %shift_right_arithmetic3A_405 = arith.constant 1 : i32
      %shift_right_arithmetic3A_406 = vector.broadcast %shift_right_arithmetic3A_405 : i32 to vector<16xi32>
      %shift_right_arithmetic3A_407 = arith.shrsi %add3A_404, %shift_right_arithmetic3A_406 : vector<16xi32>
      %min3A_408 = arith.constant 8191 : i32
      %min3A_409 = vector.broadcast %min3A_408 : i32 to vector<16xi32>
      %min3A_410 = arith.minsi %shift_right_arithmetic3A_407, %min3A_409 : vector<16xi32>
      %gather3A_411 = tpu.vector_load_idx %arg7[%min3A_410] : memref<8192xi32, #tpu.memory_space<vmem>>[vector<16xi32>], vector<16xi32>,
      %lt3A_412 = arith.cmpi slt, %gather3A_411, %mul3A_276 : vector<16xi32>
      %add3A_413 = arith.constant 1 : i32
      %add3A_414 = vector.broadcast %add3A_413 : i32 to vector<16xi32>
      %add3A_415 = arith.addi %min3A_410, %add3A_414 : vector<16xi32>
      %select_n3A_416 = arith.select %lt3A_412, %add3A_415, %select_n3A_402 : vector<16xi1>, vector<16xi32>
      %select_n3A_417 = arith.select %lt3A_412, %select_n3A_403, %min3A_410 : vector<16xi1>, vector<16xi32>
      %add3A_418 = arith.addi %select_n3A_416, %select_n3A_417 : vector<16xi32>
      %shift_right_arithmetic3A_419 = arith.constant 1 : i32
      %shift_right_arithmetic3A_420 = vector.broadcast %shift_right_arithmetic3A_419 : i32 to vector<16xi32>
      %shift_right_arithmetic3A_421 = arith.shrsi %add3A_418, %shift_right_arithmetic3A_420 : vector<16xi32>
      %min3A_422 = arith.constant 8191 : i32
      %min3A_423 = vector.broadcast %min3A_422 : i32 to vector<16xi32>
      %min3A_424 = arith.minsi %shift_right_arithmetic3A_421, %min3A_423 : vector<16xi32>
      %gather3A_425 = tpu.vector_load_idx %arg7[%min3A_424] : memref<8192xi32, #tpu.memory_space<vmem>>[vector<16xi32>], vector<16xi32>,
      %lt3A_426 = arith.cmpi slt, %gather3A_425, %mul3A_276 : vector<16xi32>
      %add3A_427 = arith.constant 1 : i32
      %add3A_428 = vector.broadcast %add3A_427 : i32 to vector<16xi32>
      %add3A_429 = arith.addi %min3A_424, %add3A_428 : vector<16xi32>
      %select_n3A_430 = arith.select %lt3A_426, %add3A_429, %select_n3A_416 : vector<16xi1>, vector<16xi32>
      %select_n3A_431 = arith.select %lt3A_426, %select_n3A_417, %min3A_424 : vector<16xi1>, vector<16xi32>
      %add3A_432 = arith.addi %select_n3A_430, %select_n3A_431 : vector<16xi32>
      %shift_right_arithmetic3A_433 = arith.constant 1 : i32
      %shift_right_arithmetic3A_434 = vector.broadcast %shift_right_arithmetic3A_433 : i32 to vector<16xi32>
      %shift_right_arithmetic3A_435 = arith.shrsi %add3A_432, %shift_right_arithmetic3A_434 : vector<16xi32>
      %min3A_436 = arith.constant 8191 : i32
      %min3A_437 = vector.broadcast %min3A_436 : i32 to vector<16xi32>
      %min3A_438 = arith.minsi %shift_right_arithmetic3A_435, %min3A_437 : vector<16xi32>
      %gather3A_439 = tpu.vector_load_idx %arg7[%min3A_438] : memref<8192xi32, #tpu.memory_space<vmem>>[vector<16xi32>], vector<16xi32>,
      %lt3A_440 = arith.cmpi slt, %gather3A_439, %mul3A_276 : vector<16xi32>
      %add3A_441 = arith.constant 1 : i32
      %add3A_442 = vector.broadcast %add3A_441 : i32 to vector<16xi32>
      %add3A_443 = arith.addi %min3A_438, %add3A_442 : vector<16xi32>
      %select_n3A_444 = arith.select %lt3A_440, %add3A_443, %select_n3A_430 : vector<16xi1>, vector<16xi32>
      %select_n3A_445 = arith.select %lt3A_440, %select_n3A_431, %min3A_438 : vector<16xi1>, vector<16xi32>
      %add3A_446 = arith.addi %select_n3A_444, %select_n3A_445 : vector<16xi32>
      %shift_right_arithmetic3A_447 = arith.constant 1 : i32
      %shift_right_arithmetic3A_448 = vector.broadcast %shift_right_arithmetic3A_447 : i32 to vector<16xi32>
      %shift_right_arithmetic3A_449 = arith.shrsi %add3A_446, %shift_right_arithmetic3A_448 : vector<16xi32>
      %min3A_450 = arith.constant 8191 : i32
      %min3A_451 = vector.broadcast %min3A_450 : i32 to vector<16xi32>
      %min3A_452 = arith.minsi %shift_right_arithmetic3A_449, %min3A_451 : vector<16xi32>
      %gather3A_453 = tpu.vector_load_idx %arg7[%min3A_452] : memref<8192xi32, #tpu.memory_space<vmem>>[vector<16xi32>], vector<16xi32>,
      %lt3A_454 = arith.cmpi slt, %gather3A_453, %mul3A_276 : vector<16xi32>
      %add3A_455 = arith.constant 1 : i32
      %add3A_456 = vector.broadcast %add3A_455 : i32 to vector<16xi32>
      %add3A_457 = arith.addi %min3A_452, %add3A_456 : vector<16xi32>
      %select_n3A_458 = arith.select %lt3A_454, %add3A_457, %select_n3A_444 : vector<16xi1>, vector<16xi32>
      %select_n3A_459 = arith.select %lt3A_454, %select_n3A_445, %min3A_452 : vector<16xi1>, vector<16xi32>
      %add3A_460 = arith.addi %select_n3A_458, %select_n3A_459 : vector<16xi32>
      %shift_right_arithmetic3A_461 = arith.constant 1 : i32
      %shift_right_arithmetic3A_462 = vector.broadcast %shift_right_arithmetic3A_461 : i32 to vector<16xi32>
      %shift_right_arithmetic3A_463 = arith.shrsi %add3A_460, %shift_right_arithmetic3A_462 : vector<16xi32>
      %min3A_464 = arith.constant 8191 : i32
      %min3A_465 = vector.broadcast %min3A_464 : i32 to vector<16xi32>
      %min3A_466 = arith.minsi %shift_right_arithmetic3A_463, %min3A_465 : vector<16xi32>
      %gather3A_467 = tpu.vector_load_idx %arg7[%min3A_466] : memref<8192xi32, #tpu.memory_space<vmem>>[vector<16xi32>], vector<16xi32>,
      %lt3A_468 = arith.cmpi slt, %gather3A_467, %mul3A_276 : vector<16xi32>
      %add3A_469 = arith.constant 1 : i32
      %add3A_470 = vector.broadcast %add3A_469 : i32 to vector<16xi32>
      %add3A_471 = arith.addi %min3A_466, %add3A_470 : vector<16xi32>
      %select_n3A_472 = arith.select %lt3A_468, %add3A_471, %select_n3A_458 : vector<16xi1>, vector<16xi32>
      %select_n3A_473 = arith.select %lt3A_468, %select_n3A_459, %min3A_466 : vector<16xi1>, vector<16xi32>
      %mul3A_474 = arith.constant 16 : i32
      %mul3A_475 = arith.muli %scan3A_268, %mul3A_474 : i32
      %get3A_476 = arith.index_cast %mul3A_475 : i32 to index
      %get3A_477 = tpu.vector_load %arg8[%get3A_476] {strides = array<i32>} : memref<512xi32, #tpu.memory_space<vmem>>, vector<16xi32>,
      %add3A_478 = arith.addi %get3A_477, %select_n3A_472 : vector<16xi32>
      %mul3A_479 = arith.constant 16 : i32
      %mul3A_480 = arith.muli %scan3A_268, %mul3A_479 : i32
      %swap3A_481 = arith.index_cast %mul3A_480 : i32 to index
      %swap3A_482 = tpu.vector_load %arg8[%swap3A_481] {strides = array<i32>} : memref<512xi32, #tpu.memory_space<vmem>>, vector<16xi32>,
      tpu.vector_store %arg8[%swap3A_481], %add3A_478 {strides = array<i32>} : memref<512xi32, #tpu.memory_space<vmem>>, vector<16xi32>,
      %scan3A_483 = arith.constant 0 : i32
      scf.yield %scan3A_483 : i32
    }
    %scan3A_81 = arith.constant 32 : i32
    "tpu.region"() ({
      %run_scoped3A = tpu.sem_alloc : memref<!tpu.dma_semaphore, #tpu.memory_space<semaphore_mem>>
      %dma_start3A_268 = arith.constant 0 : i32
      %dma_start3A_269 = tpu.memref_slice %arg10[%arg1, %dma_start3A_268] : memref<16x512xi32, #tpu.memory_space<vmem_shared>> -> memref<1x512xi32, #tpu.memory_space<vmem_shared>>
      %dma_start3A_270 = tpu.memref_squeeze %dma_start3A_269 : memref<1x512xi32, #tpu.memory_space<vmem_shared>> -> memref<512xi32, #tpu.memory_space<vmem_shared>>
      %dma_start3A_271 = arith.constant 0 : i32
      %dma_start3A_272 = tpu.memref_slice %arg10[%arg1, %dma_start3A_271] : memref<16x512xi32, #tpu.memory_space<vmem_shared>> -> memref<1x512xi32, #tpu.memory_space<vmem_shared>>
      %dma_start3A_273 = tpu.memref_squeeze %dma_start3A_272 : memref<1x512xi32, #tpu.memory_space<vmem_shared>> -> memref<512xi32, #tpu.memory_space<vmem_shared>>
      tpu.enqueue_dma source(%arg8 : memref<512xi32, #tpu.memory_space<vmem>>) target(%dma_start3A_273 : memref<512xi32, #tpu.memory_space<vmem_shared>>) target_semaphore(%run_scoped3A : memref<!tpu.dma_semaphore, #tpu.memory_space<semaphore_mem>>)
      %dma_wait3A_274 = arith.constant 0 : i32
      %dma_wait3A_275 = tpu.memref_slice %arg10[%arg1, %dma_wait3A_274] : memref<16x512xi32, #tpu.memory_space<vmem_shared>> -> memref<1x512xi32, #tpu.memory_space<vmem_shared>>
      %dma_wait3A_276 = tpu.memref_squeeze %dma_wait3A_275 : memref<1x512xi32, #tpu.memory_space<vmem_shared>> -> memref<512xi32, #tpu.memory_space<vmem_shared>>
      %dma_wait3A_277 = arith.constant 0 : i32
      %dma_wait3A_278 = tpu.memref_slice %arg10[%arg1, %dma_wait3A_277] : memref<16x512xi32, #tpu.memory_space<vmem_shared>> -> memref<1x512xi32, #tpu.memory_space<vmem_shared>>
      %dma_wait3A_279 = tpu.memref_squeeze %dma_wait3A_278 : memref<1x512xi32, #tpu.memory_space<vmem_shared>> -> memref<512xi32, #tpu.memory_space<vmem_shared>>
      tpu.wait_dma2 semaphore(%run_scoped3A : memref<!tpu.dma_semaphore, #tpu.memory_space<semaphore_mem>>) src(%arg8 : memref<512xi32, #tpu.memory_space<vmem>>) dst(%dma_wait3A_279 : memref<512xi32, #tpu.memory_space<vmem_shared>>)
      tpu.yield
    }) : () -> ()
    %barrier3A = arith.constant 0 : index
    tpu.barrier barrier_id(%barrier3A)
    "tpu.region"() ({
      %run_scoped3A = tpu.sem_alloc : memref<!tpu.dma_semaphore, #tpu.memory_space<semaphore_mem>>
      tpu.enqueue_dma source(%arg10 : memref<16x512xi32, #tpu.memory_space<vmem_shared>>) target(%arg9 : memref<16x512xi32, #tpu.memory_space<vmem>>) target_semaphore(%run_scoped3A : memref<!tpu.dma_semaphore, #tpu.memory_space<semaphore_mem>>)
      tpu.wait_dma2 semaphore(%run_scoped3A : memref<!tpu.dma_semaphore, #tpu.memory_space<semaphore_mem>>) src(%arg10 : memref<16x512xi32, #tpu.memory_space<vmem_shared>>) dst(%arg9 : memref<16x512xi32, #tpu.memory_space<vmem>>)
      tpu.yield
    }) : () -> ()
    %scan3A_82 = arith.constant 0 : i32
    %scan3A_83 = arith.constant 0 : i32
    %scan3A_84 = arith.constant 32 : i32
    %scan3A_85 = arith.addi %scan3A_83, %scan3A_84 : i32
    %scan3A_86 = arith.constant 1 : i32
    %scan3A_87 = scf.for %scan3A_268 = %scan3A_83 to %scan3A_85 step %scan3A_86 iter_args(%scan3A_269 = %scan3A_82) -> (i32)  : i32 {
      %broadcast_in_dim3A_270 = arith.constant 0 : i32
      %broadcast_in_dim3A_271 = vector.broadcast %broadcast_in_dim3A_270 : i32 to vector<16xi32>
      %mul3A_272 = arith.constant 16 : i32
      %mul3A_273 = arith.muli %scan3A_268, %mul3A_272 : i32
      %get3A_274 = arith.constant 0 : i32
      %get3A_275 = arith.index_cast %get3A_274 : i32 to index
      %get3A_276 = arith.index_cast %mul3A_273 : i32 to index
      %get3A_277 = tpu.vector_load %arg9[%get3A_275, %get3A_276] {strides = array<i32>} : memref<16x512xi32, #tpu.memory_space<vmem>>, vector<16xi32>,
      %add3A_278 = arith.addi %broadcast_in_dim3A_271, %get3A_277 : vector<16xi32>
      %mul3A_279 = arith.constant 16 : i32
      %mul3A_280 = arith.muli %scan3A_268, %mul3A_279 : i32
      %get3A_281 = arith.constant 1 : i32
      %get3A_282 = arith.index_cast %get3A_281 : i32 to index
      %get3A_283 = arith.index_cast %mul3A_280 : i32 to index
      %get3A_284 = tpu.vector_load %arg9[%get3A_282, %get3A_283] {strides = array<i32>} : memref<16x512xi32, #tpu.memory_space<vmem>>, vector<16xi32>,
      %add3A_285 = arith.addi %add3A_278, %get3A_284 : vector<16xi32>
      %mul3A_286 = arith.constant 16 : i32
      %mul3A_287 = arith.muli %scan3A_268, %mul3A_286 : i32
      %get3A_288 = arith.constant 2 : i32
      %get3A_289 = arith.index_cast %get3A_288 : i32 to index
      %get3A_290 = arith.index_cast %mul3A_287 : i32 to index
      %get3A_291 = tpu.vector_load %arg9[%get3A_289, %get3A_290] {strides = array<i32>} : memref<16x512xi32, #tpu.memory_space<vmem>>, vector<16xi32>,
      %add3A_292 = arith.addi %add3A_285, %get3A_291 : vector<16xi32>
      %mul3A_293 = arith.constant 16 : i32
      %mul3A_294 = arith.muli %scan3A_268, %mul3A_293 : i32
      %get3A_295 = arith.constant 3 : i32
      %get3A_296 = arith.index_cast %get3A_295 : i32 to index
      %get3A_297 = arith.index_cast %mul3A_294 : i32 to index
      %get3A_298 = tpu.vector_load %arg9[%get3A_296, %get3A_297] {strides = array<i32>} : memref<16x512xi32, #tpu.memory_space<vmem>>, vector<16xi32>,
      %add3A_299 = arith.addi %add3A_292, %get3A_298 : vector<16xi32>
      %mul3A_300 = arith.constant 16 : i32
      %mul3A_301 = arith.muli %scan3A_268, %mul3A_300 : i32
      %get3A_302 = arith.constant 4 : i32
      %get3A_303 = arith.index_cast %get3A_302 : i32 to index
      %get3A_304 = arith.index_cast %mul3A_301 : i32 to index
      %get3A_305 = tpu.vector_load %arg9[%get3A_303, %get3A_304] {strides = array<i32>} : memref<16x512xi32, #tpu.memory_space<vmem>>, vector<16xi32>,
      %add3A_306 = arith.addi %add3A_299, %get3A_305 : vector<16xi32>
      %mul3A_307 = arith.constant 16 : i32
      %mul3A_308 = arith.muli %scan3A_268, %mul3A_307 : i32
      %get3A_309 = arith.constant 5 : i32
      %get3A_310 = arith.index_cast %get3A_309 : i32 to index
      %get3A_311 = arith.index_cast %mul3A_308 : i32 to index
      %get3A_312 = tpu.vector_load %arg9[%get3A_310, %get3A_311] {strides = array<i32>} : memref<16x512xi32, #tpu.memory_space<vmem>>, vector<16xi32>,
      %add3A_313 = arith.addi %add3A_306, %get3A_312 : vector<16xi32>
      %mul3A_314 = arith.constant 16 : i32
      %mul3A_315 = arith.muli %scan3A_268, %mul3A_314 : i32
      %get3A_316 = arith.constant 6 : i32
      %get3A_317 = arith.index_cast %get3A_316 : i32 to index
      %get3A_318 = arith.index_cast %mul3A_315 : i32 to index
      %get3A_319 = tpu.vector_load %arg9[%get3A_317, %get3A_318] {strides = array<i32>} : memref<16x512xi32, #tpu.memory_space<vmem>>, vector<16xi32>,
      %add3A_320 = arith.addi %add3A_313, %get3A_319 : vector<16xi32>
      %mul3A_321 = arith.constant 16 : i32
      %mul3A_322 = arith.muli %scan3A_268, %mul3A_321 : i32
      %get3A_323 = arith.constant 7 : i32
      %get3A_324 = arith.index_cast %get3A_323 : i32 to index
      %get3A_325 = arith.index_cast %mul3A_322 : i32 to index
      %get3A_326 = tpu.vector_load %arg9[%get3A_324, %get3A_325] {strides = array<i32>} : memref<16x512xi32, #tpu.memory_space<vmem>>, vector<16xi32>,
      %add3A_327 = arith.addi %add3A_320, %get3A_326 : vector<16xi32>
      %mul3A_328 = arith.constant 16 : i32
      %mul3A_329 = arith.muli %scan3A_268, %mul3A_328 : i32
      %get3A_330 = arith.constant 8 : i32
      %get3A_331 = arith.index_cast %get3A_330 : i32 to index
      %get3A_332 = arith.index_cast %mul3A_329 : i32 to index
      %get3A_333 = tpu.vector_load %arg9[%get3A_331, %get3A_332] {strides = array<i32>} : memref<16x512xi32, #tpu.memory_space<vmem>>, vector<16xi32>,
      %add3A_334 = arith.addi %add3A_327, %get3A_333 : vector<16xi32>
      %mul3A_335 = arith.constant 16 : i32
      %mul3A_336 = arith.muli %scan3A_268, %mul3A_335 : i32
      %get3A_337 = arith.constant 9 : i32
      %get3A_338 = arith.index_cast %get3A_337 : i32 to index
      %get3A_339 = arith.index_cast %mul3A_336 : i32 to index
      %get3A_340 = tpu.vector_load %arg9[%get3A_338, %get3A_339] {strides = array<i32>} : memref<16x512xi32, #tpu.memory_space<vmem>>, vector<16xi32>,
      %add3A_341 = arith.addi %add3A_334, %get3A_340 : vector<16xi32>
      %mul3A_342 = arith.constant 16 : i32
      %mul3A_343 = arith.muli %scan3A_268, %mul3A_342 : i32
      %get3A_344 = arith.constant 10 : i32
      %get3A_345 = arith.index_cast %get3A_344 : i32 to index
      %get3A_346 = arith.index_cast %mul3A_343 : i32 to index
      %get3A_347 = tpu.vector_load %arg9[%get3A_345, %get3A_346] {strides = array<i32>} : memref<16x512xi32, #tpu.memory_space<vmem>>, vector<16xi32>,
      %add3A_348 = arith.addi %add3A_341, %get3A_347 : vector<16xi32>
      %mul3A_349 = arith.constant 16 : i32
      %mul3A_350 = arith.muli %scan3A_268, %mul3A_349 : i32
      %get3A_351 = arith.constant 11 : i32
      %get3A_352 = arith.index_cast %get3A_351 : i32 to index
      %get3A_353 = arith.index_cast %mul3A_350 : i32 to index
      %get3A_354 = tpu.vector_load %arg9[%get3A_352, %get3A_353] {strides = array<i32>} : memref<16x512xi32, #tpu.memory_space<vmem>>, vector<16xi32>,
      %add3A_355 = arith.addi %add3A_348, %get3A_354 : vector<16xi32>
      %mul3A_356 = arith.constant 16 : i32
      %mul3A_357 = arith.muli %scan3A_268, %mul3A_356 : i32
      %get3A_358 = arith.constant 12 : i32
      %get3A_359 = arith.index_cast %get3A_358 : i32 to index
      %get3A_360 = arith.index_cast %mul3A_357 : i32 to index
      %get3A_361 = tpu.vector_load %arg9[%get3A_359, %get3A_360] {strides = array<i32>} : memref<16x512xi32, #tpu.memory_space<vmem>>, vector<16xi32>,
      %add3A_362 = arith.addi %add3A_355, %get3A_361 : vector<16xi32>
      %mul3A_363 = arith.constant 16 : i32
      %mul3A_364 = arith.muli %scan3A_268, %mul3A_363 : i32
      %get3A_365 = arith.constant 13 : i32
      %get3A_366 = arith.index_cast %get3A_365 : i32 to index
      %get3A_367 = arith.index_cast %mul3A_364 : i32 to index
      %get3A_368 = tpu.vector_load %arg9[%get3A_366, %get3A_367] {strides = array<i32>} : memref<16x512xi32, #tpu.memory_space<vmem>>, vector<16xi32>,
      %add3A_369 = arith.addi %add3A_362, %get3A_368 : vector<16xi32>
      %mul3A_370 = arith.constant 16 : i32
      %mul3A_371 = arith.muli %scan3A_268, %mul3A_370 : i32
      %get3A_372 = arith.constant 14 : i32
      %get3A_373 = arith.index_cast %get3A_372 : i32 to index
      %get3A_374 = arith.index_cast %mul3A_371 : i32 to index
      %get3A_375 = tpu.vector_load %arg9[%get3A_373, %get3A_374] {strides = array<i32>} : memref<16x512xi32, #tpu.memory_space<vmem>>, vector<16xi32>,
      %add3A_376 = arith.addi %add3A_369, %get3A_375 : vector<16xi32>
      %mul3A_377 = arith.constant 16 : i32
      %mul3A_378 = arith.muli %scan3A_268, %mul3A_377 : i32
      %get3A_379 = arith.constant 15 : i32
      %get3A_380 = arith.index_cast %get3A_379 : i32 to index
      %get3A_381 = arith.index_cast %mul3A_378 : i32 to index
      %get3A_382 = tpu.vector_load %arg9[%get3A_380, %get3A_381] {strides = array<i32>} : memref<16x512xi32, #tpu.memory_space<vmem>>, vector<16xi32>,
      %add3A_383 = arith.addi %add3A_376, %get3A_382 : vector<16xi32>
      %mul3A_384 = arith.constant 16 : i32
      %mul3A_385 = arith.muli %scan3A_268, %mul3A_384 : i32
      %swap3A_386 = arith.index_cast %mul3A_385 : i32 to index
      %swap3A_387 = tpu.vector_load %arg6[%swap3A_386] {strides = array<i32>} : memref<528xi32, #tpu.memory_space<vmem>>, vector<16xi32>,
      tpu.vector_store %arg6[%swap3A_386], %add3A_383 {strides = array<i32>} : memref<528xi32, #tpu.memory_space<vmem>>, vector<16xi32>,
      %scan3A_388 = arith.constant 0 : i32
      scf.yield %scan3A_388 : i32
    }
    %scan3A_88 = arith.constant 32 : i32
    %broadcast_in_dim3A = arith.constant 524288 : i32
    %broadcast_in_dim3A_89 = vector.broadcast %broadcast_in_dim3A : i32 to vector<16xi32>
    %swap3A = arith.constant 512 : index
    %swap3A_90 = tpu.vector_load %arg6[%swap3A] {strides = array<i32>} : memref<528xi32, #tpu.memory_space<vmem>>, vector<16xi32>,
    tpu.vector_store %arg6[%swap3A], %broadcast_in_dim3A_89 {strides = array<i32>} : memref<528xi32, #tpu.memory_space<vmem>>, vector<16xi32>,
    %add3A_91 = arith.constant 0 : i32
    %add3A_92 = arith.addi %mul3A_2, %add3A_91 : i32
    %get3A = arith.index_cast %add3A_92 : i32 to index
    %get3A_93 = tpu.vector_load %arg6[%get3A] {strides = array<i32>} : memref<528xi32, #tpu.memory_space<vmem>>, vector<16xi32>,
    %slice3A = vector.extract_strided_slice %get3A_93 {offsets = [0], sizes = [1], strides = [1]} : vector<16xi32> to vector<1xi32>
    %squeeze3A = vector.extract %slice3A[0] : i32 from vector<1xi32>
    %and3A = arith.constant -8 : i32
    %and3A_94 = arith.andi %squeeze3A, %and3A : i32
    %min3A = arith.constant 522240 : i32
    %min3A_95 = arith.minsi %and3A_94, %min3A : i32
    %multiple_of3A_96 = tpu.assume_multiple %min3A_95, 8 : i32
    %sub3A = arith.subi %and3A_94, %min3A_95 : i32
    %dma_start3A_97 = tpu.memref_slice %arg3[%multiple_of3A_96] : memref<524288xi32, #tpu.memory_space<hbm>> -> memref<2048xi32, #tpu.memory_space<hbm>>
    %dma_start3A_98 = tpu.memref_slice %arg3[%multiple_of3A_96] : memref<524288xi32, #tpu.memory_space<hbm>> -> memref<2048xi32, #tpu.memory_space<hbm>>
    tpu.enqueue_dma source(%dma_start3A_98 : memref<2048xi32, #tpu.memory_space<hbm>>) target(%arg14 : memref<2048xi32, #tpu.memory_space<vmem>>) target_semaphore(%arg26 : memref<!tpu.dma_semaphore, #tpu.memory_space<semaphore_mem>>)
    %dma_start3A_99 = tpu.memref_slice %arg4[%multiple_of3A_96] : memref<524288xf32, #tpu.memory_space<hbm>> -> memref<2048xf32, #tpu.memory_space<hbm>>
    %dma_start3A_100 = tpu.memref_slice %arg4[%multiple_of3A_96] : memref<524288xf32, #tpu.memory_space<hbm>> -> memref<2048xf32, #tpu.memory_space<hbm>>
    tpu.enqueue_dma source(%dma_start3A_100 : memref<2048xf32, #tpu.memory_space<hbm>>) target(%arg17 : memref<2048xf32, #tpu.memory_space<vmem>>) target_semaphore(%arg29 : memref<!tpu.dma_semaphore, #tpu.memory_space<semaphore_mem>>)
    %scan3A_101 = arith.constant 0 : i32
    %scan3A_102 = arith.constant 0 : i32
    %scan3A_103 = arith.constant 5 : i32
    %scan3A_104 = arith.addi %scan3A_102, %scan3A_103 : i32
    %scan3A_105 = arith.constant 1 : i32
    %scan3A_106 = scf.for %scan3A_268 = %scan3A_102 to %scan3A_104 step %scan3A_105 iter_args(%scan3A_269 = %scan3A_101) -> (i32)  : i32 {
      %mul3A_270 = arith.constant 3 : i32
      %mul3A_271 = arith.muli %scan3A_268, %mul3A_270 : i32
      %add3A_272 = arith.constant 0 : i32
      %add3A_273 = arith.addi %mul3A_271, %add3A_272 : i32
      %ge3A = arith.constant 2 : i32
      %ge3A_274 = arith.cmpi sge, %add3A_273, %ge3A : i32
      %convert_element_type3A = arith.extui %ge3A_274 : i1 to i32
      %cond3A = arith.constant 0 : i32
      %cond3A_275 = arith.cmpi ne, %convert_element_type3A, %cond3A : i32
      scf.if %cond3A_275 {
        %dma_wait3A_747 = arith.constant 0 : i32
        %dma_wait3A_748 = tpu.memref_reshape %arg5 : memref<4096x4096xf32, #tpu.memory_space<hbm>> -> memref<512x8x4096xf32, #tpu.memory_space<hbm>>
        %dma_wait3A_749 = arith.constant 0 : i32
        %dma_wait3A_750 = arith.constant 0 : i32
        %dma_wait3A_751 = tpu.memref_slice %dma_wait3A_748[%dma_wait3A_747, %dma_wait3A_749, %dma_wait3A_750] : memref<512x8x4096xf32, #tpu.memory_space<hbm>> -> memref<1x8x4096xf32, #tpu.memory_space<hbm>>
        %dma_wait3A_752 = tpu.memref_squeeze %dma_wait3A_751 : memref<1x8x4096xf32, #tpu.memory_space<hbm>> -> memref<8x4096xf32, #tpu.memory_space<hbm>>
        %dma_wait3A_753 = tpu.memref_reshape %arg5 : memref<4096x4096xf32, #tpu.memory_space<hbm>> -> memref<512x8x4096xf32, #tpu.memory_space<hbm>>
        %dma_wait3A_754 = arith.constant 0 : i32
        %dma_wait3A_755 = arith.constant 0 : i32
        %dma_wait3A_756 = tpu.memref_slice %dma_wait3A_753[%dma_wait3A_747, %dma_wait3A_754, %dma_wait3A_755] : memref<512x8x4096xf32, #tpu.memory_space<hbm>> -> memref<1x8x4096xf32, #tpu.memory_space<hbm>>
        %dma_wait3A_757 = tpu.memref_squeeze %dma_wait3A_756 : memref<1x8x4096xf32, #tpu.memory_space<hbm>> -> memref<8x4096xf32, #tpu.memory_space<hbm>>
        tpu.wait_dma2 semaphore(%arg24 : memref<!tpu.dma_semaphore, #tpu.memory_space<semaphore_mem>>) src(%arg12 : memref<8x4096xf32, #tpu.memory_space<vmem>>) dst(%dma_wait3A_757 : memref<8x4096xf32, #tpu.memory_space<hbm>>)
      } else {
      }
      %ge3A_276 = arith.constant 2 : i32
      %ge3A_277 = arith.cmpi sge, %add3A_273, %ge3A_276 : i32
      %add3A_278 = arith.constant 1 : i32
      %add3A_279 = arith.addi %add3A_273, %add3A_278 : i32
      %lt3A = arith.constant 16 : i32
      %lt3A_280 = arith.cmpi slt, %add3A_279, %lt3A : i32
      %and3A_281 = arith.andi %ge3A_277, %lt3A_280 : i1
      %convert_element_type3A_282 = arith.extui %and3A_281 : i1 to i32
      %cond3A_283 = arith.constant 0 : i32
      %cond3A_284 = arith.cmpi ne, %convert_element_type3A_282, %cond3A_283 : i32
      scf.if %cond3A_284 {
        %add3A_747 = arith.constant 1 : i32
        %add3A_748 = arith.addi %add3A_273, %add3A_747 : i32
        %add3A_749 = arith.addi %mul3A_2, %add3A_748 : i32
        %dma_start3A_750 = tpu.memref_reshape %arg2 : memref<4096x4096xf32, #tpu.memory_space<hbm>> -> memref<512x8x4096xf32, #tpu.memory_space<hbm>>
        %dma_start3A_751 = arith.constant 0 : i32
        %dma_start3A_752 = arith.constant 0 : i32
        %dma_start3A_753 = tpu.memref_slice %dma_start3A_750[%add3A_749, %dma_start3A_751, %dma_start3A_752] : memref<512x8x4096xf32, #tpu.memory_space<hbm>> -> memref<1x8x4096xf32, #tpu.memory_space<hbm>>
        %dma_start3A_754 = tpu.memref_squeeze %dma_start3A_753 : memref<1x8x4096xf32, #tpu.memory_space<hbm>> -> memref<8x4096xf32, #tpu.memory_space<hbm>>
        %dma_start3A_755 = tpu.memref_reshape %arg2 : memref<4096x4096xf32, #tpu.memory_space<hbm>> -> memref<512x8x4096xf32, #tpu.memory_space<hbm>>
        %dma_start3A_756 = arith.constant 0 : i32
        %dma_start3A_757 = arith.constant 0 : i32
        %dma_start3A_758 = tpu.memref_slice %dma_start3A_755[%add3A_749, %dma_start3A_756, %dma_start3A_757] : memref<512x8x4096xf32, #tpu.memory_space<hbm>> -> memref<1x8x4096xf32, #tpu.memory_space<hbm>>
        %dma_start3A_759 = tpu.memref_squeeze %dma_start3A_758 : memref<1x8x4096xf32, #tpu.memory_space<hbm>> -> memref<8x4096xf32, #tpu.memory_space<hbm>>
        tpu.enqueue_dma source(%dma_start3A_759 : memref<8x4096xf32, #tpu.memory_space<hbm>>) target(%arg12 : memref<8x4096xf32, #tpu.memory_space<vmem>>) target_semaphore(%arg21 : memref<!tpu.dma_semaphore, #tpu.memory_space<semaphore_mem>>)
      } else {
      }
      %add3A_285 = arith.constant 1 : i32
      %add3A_286 = arith.addi %add3A_273, %add3A_285 : i32
      %lt3A_287 = arith.constant 16 : i32
      %lt3A_288 = arith.cmpi slt, %add3A_286, %lt3A_287 : i32
      %convert_element_type3A_289 = arith.extui %lt3A_288 : i1 to i32
      %cond3A_290 = arith.constant 0 : i32
      %cond3A_291 = arith.cmpi ne, %convert_element_type3A_289, %cond3A_290 : i32
      scf.if %cond3A_291 {
        %add3A_747 = arith.constant 1 : i32
        %add3A_748 = arith.addi %add3A_273, %add3A_747 : i32
        %add3A_749 = arith.addi %mul3A_2, %add3A_748 : i32
        %get3A_750 = arith.index_cast %add3A_749 : i32 to index
        %get3A_751 = tpu.vector_load %arg6[%get3A_750] {strides = array<i32>} : memref<528xi32, #tpu.memory_space<vmem>>, vector<16xi32>,
        %slice3A_752 = vector.extract_strided_slice %get3A_751 {offsets = [0], sizes = [1], strides = [1]} : vector<16xi32> to vector<1xi32>
        %squeeze3A_753 = vector.extract %slice3A_752[0] : i32 from vector<1xi32>
        %and3A_754 = arith.constant -8 : i32
        %and3A_755 = arith.andi %squeeze3A_753, %and3A_754 : i32
        %min3A_756 = arith.constant 522240 : i32
        %min3A_757 = arith.minsi %and3A_755, %min3A_756 : i32
        %multiple_of3A_758 = tpu.assume_multiple %min3A_757, 8 : i32
        %sub3A_759 = arith.subi %and3A_755, %min3A_757 : i32
        %dma_start3A_760 = tpu.memref_slice %arg3[%multiple_of3A_758] : memref<524288xi32, #tpu.memory_space<hbm>> -> memref<2048xi32, #tpu.memory_space<hbm>>
        %dma_start3A_761 = tpu.memref_slice %arg3[%multiple_of3A_758] : memref<524288xi32, #tpu.memory_space<hbm>> -> memref<2048xi32, #tpu.memory_space<hbm>>
        tpu.enqueue_dma source(%dma_start3A_761 : memref<2048xi32, #tpu.memory_space<hbm>>) target(%arg15 : memref<2048xi32, #tpu.memory_space<vmem>>) target_semaphore(%arg27 : memref<!tpu.dma_semaphore, #tpu.memory_space<semaphore_mem>>)
        %dma_start3A_762 = tpu.memref_slice %arg4[%multiple_of3A_758] : memref<524288xf32, #tpu.memory_space<hbm>> -> memref<2048xf32, #tpu.memory_space<hbm>>
        %dma_start3A_763 = tpu.memref_slice %arg4[%multiple_of3A_758] : memref<524288xf32, #tpu.memory_space<hbm>> -> memref<2048xf32, #tpu.memory_space<hbm>>
        tpu.enqueue_dma source(%dma_start3A_763 : memref<2048xf32, #tpu.memory_space<hbm>>) target(%arg18 : memref<2048xf32, #tpu.memory_space<vmem>>) target_semaphore(%arg30 : memref<!tpu.dma_semaphore, #tpu.memory_space<semaphore_mem>>)
      } else {
      }
      %dma_wait3A_292 = arith.constant 0 : i32
      %dma_wait3A_293 = tpu.memref_reshape %arg2 : memref<4096x4096xf32, #tpu.memory_space<hbm>> -> memref<512x8x4096xf32, #tpu.memory_space<hbm>>
      %dma_wait3A_294 = arith.constant 0 : i32
      %dma_wait3A_295 = arith.constant 0 : i32
      %dma_wait3A_296 = tpu.memref_slice %dma_wait3A_293[%dma_wait3A_292, %dma_wait3A_294, %dma_wait3A_295] : memref<512x8x4096xf32, #tpu.memory_space<hbm>> -> memref<1x8x4096xf32, #tpu.memory_space<hbm>>
      %dma_wait3A_297 = tpu.memref_squeeze %dma_wait3A_296 : memref<1x8x4096xf32, #tpu.memory_space<hbm>> -> memref<8x4096xf32, #tpu.memory_space<hbm>>
      %dma_wait3A_298 = tpu.memref_reshape %arg2 : memref<4096x4096xf32, #tpu.memory_space<hbm>> -> memref<512x8x4096xf32, #tpu.memory_space<hbm>>
      %dma_wait3A_299 = arith.constant 0 : i32
      %dma_wait3A_300 = arith.constant 0 : i32
      %dma_wait3A_301 = tpu.memref_slice %dma_wait3A_298[%dma_wait3A_292, %dma_wait3A_299, %dma_wait3A_300] : memref<512x8x4096xf32, #tpu.memory_space<hbm>> -> memref<1x8x4096xf32, #tpu.memory_space<hbm>>
      %dma_wait3A_302 = tpu.memref_squeeze %dma_wait3A_301 : memref<1x8x4096xf32, #tpu.memory_space<hbm>> -> memref<8x4096xf32, #tpu.memory_space<hbm>>
      tpu.wait_dma2 semaphore(%arg20 : memref<!tpu.dma_semaphore, #tpu.memory_space<semaphore_mem>>) src(%dma_wait3A_302 : memref<8x4096xf32, #tpu.memory_space<hbm>>) dst(%arg11 : memref<8x4096xf32, #tpu.memory_space<vmem>>)
      %dma_wait3A_303 = arith.constant 0 : i32
      %dma_wait3A_304 = tpu.memref_slice %arg3[%dma_wait3A_303] : memref<524288xi32, #tpu.memory_space<hbm>> -> memref<2048xi32, #tpu.memory_space<hbm>>
      %dma_wait3A_305 = arith.constant 0 : i32
      %dma_wait3A_306 = tpu.memref_slice %arg3[%dma_wait3A_305] : memref<524288xi32, #tpu.memory_space<hbm>> -> memref<2048xi32, #tpu.memory_space<hbm>>
      tpu.wait_dma2 semaphore(%arg26 : memref<!tpu.dma_semaphore, #tpu.memory_space<semaphore_mem>>) src(%dma_wait3A_306 : memref<2048xi32, #tpu.memory_space<hbm>>) dst(%arg14 : memref<2048xi32, #tpu.memory_space<vmem>>)
      %dma_wait3A_307 = arith.constant 0 : i32
      %dma_wait3A_308 = tpu.memref_slice %arg4[%dma_wait3A_307] : memref<524288xf32, #tpu.memory_space<hbm>> -> memref<2048xf32, #tpu.memory_space<hbm>>
      %dma_wait3A_309 = arith.constant 0 : i32
      %dma_wait3A_310 = tpu.memref_slice %arg4[%dma_wait3A_309] : memref<524288xf32, #tpu.memory_space<hbm>> -> memref<2048xf32, #tpu.memory_space<hbm>>
      tpu.wait_dma2 semaphore(%arg29 : memref<!tpu.dma_semaphore, #tpu.memory_space<semaphore_mem>>) src(%dma_wait3A_310 : memref<2048xf32, #tpu.memory_space<hbm>>) dst(%arg17 : memref<2048xf32, #tpu.memory_space<vmem>>)
      %add3A_311 = arith.addi %mul3A_2, %add3A_273 : i32
      %mul3A_312 = arith.constant 32768 : i32
      %mul3A_313 = arith.muli %add3A_311, %mul3A_312 : i32
      %multiple_of3A_314 = tpu.assume_multiple %mul3A_313, 32768 : i32
      %add3A_315 = arith.addi %mul3A_2, %add3A_273 : i32
      %get3A_316 = arith.index_cast %add3A_315 : i32 to index
      %get3A_317 = tpu.vector_load %arg6[%get3A_316] {strides = array<i32>} : memref<528xi32, #tpu.memory_space<vmem>>, vector<16xi32>,
      %slice3A_318 = vector.extract_strided_slice %get3A_317 {offsets = [0], sizes = [1], strides = [1]} : vector<16xi32> to vector<1xi32>
      %squeeze3A_319 = vector.extract %slice3A_318[0] : i32 from vector<1xi32>
      %and3A_320 = arith.constant -8 : i32
      %and3A_321 = arith.andi %squeeze3A_319, %and3A_320 : i32
      %min3A_322 = arith.constant 522240 : i32
      %min3A_323 = arith.minsi %and3A_321, %min3A_322 : i32
      %multiple_of3A_324 = tpu.assume_multiple %min3A_323, 8 : i32
      %sub3A_325 = arith.subi %and3A_321, %min3A_323 : i32
      %add3A_326 = arith.constant 1 : i32
      %add3A_327 = arith.addi %add3A_273, %add3A_326 : i32
      %add3A_328 = arith.addi %mul3A_2, %add3A_327 : i32
      %get3A_329 = arith.index_cast %add3A_328 : i32 to index
      %get3A_330 = tpu.vector_load %arg6[%get3A_329] {strides = array<i32>} : memref<528xi32, #tpu.memory_space<vmem>>, vector<16xi32>,
      %slice3A_331 = vector.extract_strided_slice %get3A_330 {offsets = [0], sizes = [1], strides = [1]} : vector<16xi32> to vector<1xi32>
      %squeeze3A_332 = vector.extract %slice3A_331[0] : i32 from vector<1xi32>
      %sub3A_333 = arith.subi %squeeze3A_332, %multiple_of3A_324 : i32
      %add3A_334 = arith.constant 2047 : i32
      %add3A_335 = arith.addi %sub3A_333, %add3A_334 : i32
      %jit3A_336 = arith.constant 2048 : i32
      %div3A_337 = arith.divsi %add3A_335, %jit3A_336 : i32
      %sign3A_338 = arith.constant 0 : i32
      %sign3A_339 = arith.cmpi sgt, %add3A_335, %sign3A_338 : i32
      %sign3A_340 = arith.extui %sign3A_339 : i1 to i32
      %sign3A_341 = arith.constant 0 : i32
      %sign3A_342 = arith.cmpi slt, %add3A_335, %sign3A_341 : i32
      %sign3A_343 = arith.extui %sign3A_342 : i1 to i32
      %sign3A_344 = arith.subi %sign3A_340, %sign3A_343 : i32
      %sign3A_345 = arith.constant 0 : i32
      %sign3A_346 = arith.cmpi sgt, %jit3A_336, %sign3A_345 : i32
      %sign3A_347 = arith.extui %sign3A_346 : i1 to i32
      %sign3A_348 = arith.constant 0 : i32
      %sign3A_349 = arith.cmpi slt, %jit3A_336, %sign3A_348 : i32
      %sign3A_350 = arith.extui %sign3A_349 : i1 to i32
      %sign3A_351 = arith.subi %sign3A_347, %sign3A_350 : i32
      %ne3A_352 = arith.cmpi ne, %sign3A_344, %sign3A_351 : i32
      %rem3A_353 = arith.remsi %add3A_335, %jit3A_336 : i32
      %ne3A_354 = arith.constant 0 : i32
      %ne3A_355 = arith.cmpi ne, %rem3A_353, %ne3A_354 : i32
      %and3A_356 = arith.andi %ne3A_352, %ne3A_355 : i1
      %sub3A_357 = arith.constant 1 : i32
      %sub3A_358 = arith.subi %div3A_337, %sub3A_357 : i32
      %select_n3A_359 = arith.select %and3A_356, %sub3A_358, %div3A_337 : i32
      %sub3A_360 = arith.subi %squeeze3A_332, %multiple_of3A_324 : i32
      %add3A_361 = arith.constant 15 : i32
      %add3A_362 = arith.addi %sub3A_360, %add3A_361 : i32
      %jit3A_363 = arith.constant 16 : i32
      %div3A_364 = arith.divsi %add3A_362, %jit3A_363 : i32
      %sign3A_365 = arith.constant 0 : i32
      %sign3A_366 = arith.cmpi sgt, %add3A_362, %sign3A_365 : i32
      %sign3A_367 = arith.extui %sign3A_366 : i1 to i32
      %sign3A_368 = arith.constant 0 : i32
      %sign3A_369 = arith.cmpi slt, %add3A_362, %sign3A_368 : i32
      %sign3A_370 = arith.extui %sign3A_369 : i1 to i32
      %sign3A_371 = arith.subi %sign3A_367, %sign3A_370 : i32
      %sign3A_372 = arith.constant 0 : i32
      %sign3A_373 = arith.cmpi sgt, %jit3A_363, %sign3A_372 : i32
      %sign3A_374 = arith.extui %sign3A_373 : i1 to i32
      %sign3A_375 = arith.constant 0 : i32
      %sign3A_376 = arith.cmpi slt, %jit3A_363, %sign3A_375 : i32
      %sign3A_377 = arith.extui %sign3A_376 : i1 to i32
      %sign3A_378 = arith.subi %sign3A_374, %sign3A_377 : i32
      %ne3A_379 = arith.cmpi ne, %sign3A_371, %sign3A_378 : i32
      %rem3A_380 = arith.remsi %add3A_362, %jit3A_363 : i32
      %ne3A_381 = arith.constant 0 : i32
      %ne3A_382 = arith.cmpi ne, %rem3A_380, %ne3A_381 : i32
      %and3A_383 = arith.andi %ne3A_379, %ne3A_382 : i1
      %sub3A_384 = arith.constant 1 : i32
      %sub3A_385 = arith.subi %div3A_364, %sub3A_384 : i32
      %select_n3A_386 = arith.select %and3A_383, %sub3A_385, %div3A_364 : i32
      %jit3A_387 = arith.constant 0 : i32
      %jit3A_388 = arith.constant 128 : i32
      %max3A_389 = arith.maxsi %jit3A_387, %select_n3A_386 : i32
      %min3A_390 = arith.minsi %jit3A_388, %max3A_389 : i32
      %while3A_391 = arith.constant 0 : i32
      %while3A_392 = arith.constant 0 : i32
      %while3A_393 = arith.subi %min3A_390, %while3A_391 : i32
      %while3A_394 = arith.addi %while3A_391, %while3A_393 : i32
      %while3A_395 = arith.constant 1 : i32
      %while3A_396 = arith.divsi %while3A_393, %while3A_395 : i32
      %while3A_397 = arith.muli %while3A_396, %while3A_395 : i32
      %while3A_398 = arith.addi %while3A_391, %while3A_397 : i32
      %while3A_399 = arith.constant 1 : i32
      %while3A_400 = scf.for %while3A_747 = %while3A_391 to %while3A_398 step %while3A_399 iter_args(%while3A_748 = %while3A_392) -> (i32)  : i32 {
        %mul3A_749 = arith.constant 16 : i32
        %mul3A_750 = arith.muli %while3A_747, %mul3A_749 : i32
        %get3A_751 = arith.index_cast %mul3A_750 : i32 to index
        %get3A_752 = tpu.vector_load %arg14[%get3A_751] {strides = array<i32>} : memref<2048xi32, #tpu.memory_space<vmem>>, vector<16xi32>,
        %mul3A_753 = arith.constant 16 : i32
        %mul3A_754 = arith.muli %while3A_747, %mul3A_753 : i32
        %get3A_755 = arith.index_cast %mul3A_754 : i32 to index
        %get3A_756 = tpu.vector_load %arg17[%get3A_755] {strides = array<i32>} : memref<2048xf32, #tpu.memory_space<vmem>>, vector<16xf32>,
        %sub3A_757 = vector.broadcast %multiple_of3A_314 : i32 to vector<16xi32>
        %sub3A_758 = arith.subi %get3A_752, %sub3A_757 : vector<16xi32>
        %iota3A_759 = tpu.iota {dimensions = array<i32: 0>} : vector<16xi32>
        %mul3A_760 = arith.constant 16 : i32
        %mul3A_761 = arith.muli %while3A_747, %mul3A_760 : i32
        %add3A_762 = vector.broadcast %mul3A_761 : i32 to vector<16xi32>
        %add3A_763 = arith.addi %iota3A_759, %add3A_762 : vector<16xi32>
        %ge3A_764 = arith.constant 0 : i32
        %ge3A_765 = vector.broadcast %ge3A_764 : i32 to vector<16xi32>
        %ge3A_766 = arith.cmpi sge, %sub3A_758, %ge3A_765 : vector<16xi32>
        %lt3A_767 = arith.constant 32768 : i32
        %lt3A_768 = vector.broadcast %lt3A_767 : i32 to vector<16xi32>
        %lt3A_769 = arith.cmpi slt, %sub3A_758, %lt3A_768 : vector<16xi32>
        %and3A_770 = arith.andi %ge3A_766, %lt3A_769 : vector<16xi1>
        %ge3A_771 = vector.broadcast %sub3A_325 : i32 to vector<16xi32>
        %ge3A_772 = arith.cmpi sge, %add3A_763, %ge3A_771 : vector<16xi32>
        %and3A_773 = arith.andi %and3A_770, %ge3A_772 : vector<16xi1>
        %max3A_774 = arith.constant 0 : i32
        %max3A_775 = vector.broadcast %max3A_774 : i32 to vector<16xi32>
        %max3A_776 = arith.maxsi %sub3A_758, %max3A_775 : vector<16xi32>
        %min3A_777 = arith.constant 32767 : i32
        %min3A_778 = vector.broadcast %min3A_777 : i32 to vector<16xi32>
        %min3A_779 = arith.minsi %max3A_776, %min3A_778 : vector<16xi32>
        %shift_right_arithmetic3A = arith.constant 12 : i32
        %shift_right_arithmetic3A_780 = vector.broadcast %shift_right_arithmetic3A : i32 to vector<16xi32>
        %shift_right_arithmetic3A_781 = arith.shrsi %min3A_779, %shift_right_arithmetic3A_780 : vector<16xi32>
        %and3A_782 = arith.constant 4095 : i32
        %and3A_783 = vector.broadcast %and3A_782 : i32 to vector<16xi32>
        %and3A_784 = arith.andi %min3A_779, %and3A_783 : vector<16xi32>
        %jit3A_785 = arith.constant 0.000000e+00 : f32
        %broadcast_in_dim3A_786 = vector.broadcast %jit3A_785 : f32 to vector<16xf32>
        %select_n3A_787 = arith.select %and3A_773, %get3A_756, %broadcast_in_dim3A_786 : vector<16xi1>, vector<16xf32>
        tpu.vector_store_idx %arg11[%shift_right_arithmetic3A_781, %and3A_784], %select_n3A_787 {add = true} : memref<8x4096xf32, #tpu.memory_space<vmem>>[vector<16xi32>, vector<16xi32>], vector<16xf32>,
        %while3A_788 = arith.constant 0 : i32
        scf.yield %while3A_788 : i32
      }
      %while3A_401 = arith.constant 1 : i32
      %while3A_402 = scf.for %while3A_747 = %while3A_398 to %while3A_394 step %while3A_401 iter_args(%while3A_748 = %while3A_400) -> (i32)  : i32 {
        %mul3A_749 = arith.constant 16 : i32
        %mul3A_750 = arith.muli %while3A_747, %mul3A_749 : i32
        %get3A_751 = arith.index_cast %mul3A_750 : i32 to index
        %get3A_752 = tpu.vector_load %arg14[%get3A_751] {strides = array<i32>} : memref<2048xi32, #tpu.memory_space<vmem>>, vector<16xi32>,
        %mul3A_753 = arith.constant 16 : i32
        %mul3A_754 = arith.muli %while3A_747, %mul3A_753 : i32
        %get3A_755 = arith.index_cast %mul3A_754 : i32 to index
        %get3A_756 = tpu.vector_load %arg17[%get3A_755] {strides = array<i32>} : memref<2048xf32, #tpu.memory_space<vmem>>, vector<16xf32>,
        %sub3A_757 = vector.broadcast %multiple_of3A_314 : i32 to vector<16xi32>
        %sub3A_758 = arith.subi %get3A_752, %sub3A_757 : vector<16xi32>
        %iota3A_759 = tpu.iota {dimensions = array<i32: 0>} : vector<16xi32>
        %mul3A_760 = arith.constant 16 : i32
        %mul3A_761 = arith.muli %while3A_747, %mul3A_760 : i32
        %add3A_762 = vector.broadcast %mul3A_761 : i32 to vector<16xi32>
        %add3A_763 = arith.addi %iota3A_759, %add3A_762 : vector<16xi32>
        %ge3A_764 = arith.constant 0 : i32
        %ge3A_765 = vector.broadcast %ge3A_764 : i32 to vector<16xi32>
        %ge3A_766 = arith.cmpi sge, %sub3A_758, %ge3A_765 : vector<16xi32>
        %lt3A_767 = arith.constant 32768 : i32
        %lt3A_768 = vector.broadcast %lt3A_767 : i32 to vector<16xi32>
        %lt3A_769 = arith.cmpi slt, %sub3A_758, %lt3A_768 : vector<16xi32>
        %and3A_770 = arith.andi %ge3A_766, %lt3A_769 : vector<16xi1>
        %ge3A_771 = vector.broadcast %sub3A_325 : i32 to vector<16xi32>
        %ge3A_772 = arith.cmpi sge, %add3A_763, %ge3A_771 : vector<16xi32>
        %and3A_773 = arith.andi %and3A_770, %ge3A_772 : vector<16xi1>
        %max3A_774 = arith.constant 0 : i32
        %max3A_775 = vector.broadcast %max3A_774 : i32 to vector<16xi32>
        %max3A_776 = arith.maxsi %sub3A_758, %max3A_775 : vector<16xi32>
        %min3A_777 = arith.constant 32767 : i32
        %min3A_778 = vector.broadcast %min3A_777 : i32 to vector<16xi32>
        %min3A_779 = arith.minsi %max3A_776, %min3A_778 : vector<16xi32>
        %shift_right_arithmetic3A = arith.constant 12 : i32
        %shift_right_arithmetic3A_780 = vector.broadcast %shift_right_arithmetic3A : i32 to vector<16xi32>
        %shift_right_arithmetic3A_781 = arith.shrsi %min3A_779, %shift_right_arithmetic3A_780 : vector<16xi32>
        %and3A_782 = arith.constant 4095 : i32
        %and3A_783 = vector.broadcast %and3A_782 : i32 to vector<16xi32>
        %and3A_784 = arith.andi %min3A_779, %and3A_783 : vector<16xi32>
        %jit3A_785 = arith.constant 0.000000e+00 : f32
        %broadcast_in_dim3A_786 = vector.broadcast %jit3A_785 : f32 to vector<16xf32>
        %select_n3A_787 = arith.select %and3A_773, %get3A_756, %broadcast_in_dim3A_786 : vector<16xi1>, vector<16xf32>
        tpu.vector_store_idx %arg11[%shift_right_arithmetic3A_781, %and3A_784], %select_n3A_787 {add = true} : memref<8x4096xf32, #tpu.memory_space<vmem>>[vector<16xi32>, vector<16xi32>], vector<16xf32>,
        %while3A_788 = arith.constant 0 : i32
        scf.yield %while3A_788 : i32
      }
      %while3A_403 = arith.constant 1 : i32
      %while3A_404 = arith.constant 0 : i32
      %while3A_405 = arith.subi %select_n3A_359, %while3A_403 : i32
      %while3A_406 = arith.addi %while3A_403, %while3A_405 : i32
      %while3A_407 = arith.constant 1 : i32
      %while3A_408 = arith.divsi %while3A_405, %while3A_407 : i32
      %while3A_409 = arith.muli %while3A_408, %while3A_407 : i32
      %while3A_410 = arith.addi %while3A_403, %while3A_409 : i32
      %while3A_411 = arith.constant 1 : i32
      %while3A_412 = scf.for %while3A_747 = %while3A_403 to %while3A_410 step %while3A_411 iter_args(%while3A_748 = %while3A_404) -> (i32)  : i32 {
        %mul3A_749 = arith.constant 2048 : i32
        %mul3A_750 = arith.muli %while3A_747, %mul3A_749 : i32
        %add3A_751 = arith.addi %multiple_of3A_324, %mul3A_750 : i32
        %min3A_752 = arith.constant 522240 : i32
        %min3A_753 = arith.minsi %add3A_751, %min3A_752 : i32
        %multiple_of3A_754 = tpu.assume_multiple %min3A_753, 8 : i32
        "tpu.region"() ({
          %run_scoped3A = tpu.sem_alloc : memref<!tpu.dma_semaphore, #tpu.memory_space<semaphore_mem>>
          %dma_start3A_800 = tpu.memref_slice %arg3[%multiple_of3A_754] : memref<524288xi32, #tpu.memory_space<hbm>> -> memref<2048xi32, #tpu.memory_space<hbm>>
          %dma_start3A_801 = tpu.memref_slice %arg3[%multiple_of3A_754] : memref<524288xi32, #tpu.memory_space<hbm>> -> memref<2048xi32, #tpu.memory_space<hbm>>
          tpu.enqueue_dma source(%dma_start3A_801 : memref<2048xi32, #tpu.memory_space<hbm>>) target(%arg14 : memref<2048xi32, #tpu.memory_space<vmem>>) target_semaphore(%run_scoped3A : memref<!tpu.dma_semaphore, #tpu.memory_space<semaphore_mem>>)
          %dma_wait3A_802 = tpu.memref_slice %arg3[%multiple_of3A_754] : memref<524288xi32, #tpu.memory_space<hbm>> -> memref<2048xi32, #tpu.memory_space<hbm>>
          %dma_wait3A_803 = tpu.memref_slice %arg3[%multiple_of3A_754] : memref<524288xi32, #tpu.memory_space<hbm>> -> memref<2048xi32, #tpu.memory_space<hbm>>
          tpu.wait_dma2 semaphore(%run_scoped3A : memref<!tpu.dma_semaphore, #tpu.memory_space<semaphore_mem>>) src(%dma_wait3A_803 : memref<2048xi32, #tpu.memory_space<hbm>>) dst(%arg14 : memref<2048xi32, #tpu.memory_space<vmem>>)
          tpu.yield
        }) : () -> ()
        "tpu.region"() ({
          %run_scoped3A = tpu.sem_alloc : memref<!tpu.dma_semaphore, #tpu.memory_space<semaphore_mem>>
          %dma_start3A_800 = tpu.memref_slice %arg4[%multiple_of3A_754] : memref<524288xf32, #tpu.memory_space<hbm>> -> memref<2048xf32, #tpu.memory_space<hbm>>
          %dma_start3A_801 = tpu.memref_slice %arg4[%multiple_of3A_754] : memref<524288xf32, #tpu.memory_space<hbm>> -> memref<2048xf32, #tpu.memory_space<hbm>>
          tpu.enqueue_dma source(%dma_start3A_801 : memref<2048xf32, #tpu.memory_space<hbm>>) target(%arg17 : memref<2048xf32, #tpu.memory_space<vmem>>) target_semaphore(%run_scoped3A : memref<!tpu.dma_semaphore, #tpu.memory_space<semaphore_mem>>)
          %dma_wait3A_802 = tpu.memref_slice %arg4[%multiple_of3A_754] : memref<524288xf32, #tpu.memory_space<hbm>> -> memref<2048xf32, #tpu.memory_space<hbm>>
          %dma_wait3A_803 = tpu.memref_slice %arg4[%multiple_of3A_754] : memref<524288xf32, #tpu.memory_space<hbm>> -> memref<2048xf32, #tpu.memory_space<hbm>>
          tpu.wait_dma2 semaphore(%run_scoped3A : memref<!tpu.dma_semaphore, #tpu.memory_space<semaphore_mem>>) src(%dma_wait3A_803 : memref<2048xf32, #tpu.memory_space<hbm>>) dst(%arg17 : memref<2048xf32, #tpu.memory_space<vmem>>)
          tpu.yield
        }) : () -> ()
        %sub3A_755 = arith.subi %add3A_751, %multiple_of3A_754 : i32
        %sub3A_756 = arith.subi %squeeze3A_332, %multiple_of3A_754 : i32
        %add3A_757 = arith.constant 15 : i32
        %add3A_758 = arith.addi %sub3A_756, %add3A_757 : i32
        %jit3A_759 = arith.constant 16 : i32
        %div3A_760 = arith.divsi %add3A_758, %jit3A_759 : i32
        %sign3A_761 = arith.constant 0 : i32
        %sign3A_762 = arith.cmpi sgt, %add3A_758, %sign3A_761 : i32
        %sign3A_763 = arith.extui %sign3A_762 : i1 to i32
        %sign3A_764 = arith.constant 0 : i32
        %sign3A_765 = arith.cmpi slt, %add3A_758, %sign3A_764 : i32
        %sign3A_766 = arith.extui %sign3A_765 : i1 to i32
        %sign3A_767 = arith.subi %sign3A_763, %sign3A_766 : i32
        %sign3A_768 = arith.constant 0 : i32
        %sign3A_769 = arith.cmpi sgt, %jit3A_759, %sign3A_768 : i32
        %sign3A_770 = arith.extui %sign3A_769 : i1 to i32
        %sign3A_771 = arith.constant 0 : i32
        %sign3A_772 = arith.cmpi slt, %jit3A_759, %sign3A_771 : i32
        %sign3A_773 = arith.extui %sign3A_772 : i1 to i32
        %sign3A_774 = arith.subi %sign3A_770, %sign3A_773 : i32
        %ne3A_775 = arith.cmpi ne, %sign3A_767, %sign3A_774 : i32
        %rem3A_776 = arith.remsi %add3A_758, %jit3A_759 : i32
        %ne3A_777 = arith.constant 0 : i32
        %ne3A_778 = arith.cmpi ne, %rem3A_776, %ne3A_777 : i32
        %and3A_779 = arith.andi %ne3A_775, %ne3A_778 : i1
        %sub3A_780 = arith.constant 1 : i32
        %sub3A_781 = arith.subi %div3A_760, %sub3A_780 : i32
        %select_n3A_782 = arith.select %and3A_779, %sub3A_781, %div3A_760 : i32
        %jit3A_783 = arith.constant 0 : i32
        %jit3A_784 = arith.constant 128 : i32
        %max3A_785 = arith.maxsi %jit3A_783, %select_n3A_782 : i32
        %min3A_786 = arith.minsi %jit3A_784, %max3A_785 : i32
        %while3A_787 = arith.constant 0 : i32
        %while3A_788 = arith.constant 0 : i32
        %while3A_789 = arith.subi %min3A_786, %while3A_787 : i32
        %while3A_790 = arith.addi %while3A_787, %while3A_789 : i32
        %while3A_791 = arith.constant 1 : i32
        %while3A_792 = arith.divsi %while3A_789, %while3A_791 : i32
        %while3A_793 = arith.muli %while3A_792, %while3A_791 : i32
        %while3A_794 = arith.addi %while3A_787, %while3A_793 : i32
        %while3A_795 = arith.constant 1 : i32
        %while3A_796 = scf.for %while3A_800 = %while3A_787 to %while3A_794 step %while3A_795 iter_args(%while3A_801 = %while3A_788) -> (i32)  : i32 {
          %mul3A_802 = arith.constant 16 : i32
          %mul3A_803 = arith.muli %while3A_800, %mul3A_802 : i32
          %get3A_804 = arith.index_cast %mul3A_803 : i32 to index
          %get3A_805 = tpu.vector_load %arg14[%get3A_804] {strides = array<i32>} : memref<2048xi32, #tpu.memory_space<vmem>>, vector<16xi32>,
          %mul3A_806 = arith.constant 16 : i32
          %mul3A_807 = arith.muli %while3A_800, %mul3A_806 : i32
          %get3A_808 = arith.index_cast %mul3A_807 : i32 to index
          %get3A_809 = tpu.vector_load %arg17[%get3A_808] {strides = array<i32>} : memref<2048xf32, #tpu.memory_space<vmem>>, vector<16xf32>,
          %sub3A_810 = vector.broadcast %multiple_of3A_314 : i32 to vector<16xi32>
          %sub3A_811 = arith.subi %get3A_805, %sub3A_810 : vector<16xi32>
          %iota3A_812 = tpu.iota {dimensions = array<i32: 0>} : vector<16xi32>
          %mul3A_813 = arith.constant 16 : i32
          %mul3A_814 = arith.muli %while3A_800, %mul3A_813 : i32
          %add3A_815 = vector.broadcast %mul3A_814 : i32 to vector<16xi32>
          %add3A_816 = arith.addi %iota3A_812, %add3A_815 : vector<16xi32>
          %ge3A_817 = arith.constant 0 : i32
          %ge3A_818 = vector.broadcast %ge3A_817 : i32 to vector<16xi32>
          %ge3A_819 = arith.cmpi sge, %sub3A_811, %ge3A_818 : vector<16xi32>
          %lt3A_820 = arith.constant 32768 : i32
          %lt3A_821 = vector.broadcast %lt3A_820 : i32 to vector<16xi32>
          %lt3A_822 = arith.cmpi slt, %sub3A_811, %lt3A_821 : vector<16xi32>
          %and3A_823 = arith.andi %ge3A_819, %lt3A_822 : vector<16xi1>
          %ge3A_824 = vector.broadcast %sub3A_755 : i32 to vector<16xi32>
          %ge3A_825 = arith.cmpi sge, %add3A_816, %ge3A_824 : vector<16xi32>
          %and3A_826 = arith.andi %and3A_823, %ge3A_825 : vector<16xi1>
          %max3A_827 = arith.constant 0 : i32
          %max3A_828 = vector.broadcast %max3A_827 : i32 to vector<16xi32>
          %max3A_829 = arith.maxsi %sub3A_811, %max3A_828 : vector<16xi32>
          %min3A_830 = arith.constant 32767 : i32
          %min3A_831 = vector.broadcast %min3A_830 : i32 to vector<16xi32>
          %min3A_832 = arith.minsi %max3A_829, %min3A_831 : vector<16xi32>
          %shift_right_arithmetic3A = arith.constant 12 : i32
          %shift_right_arithmetic3A_833 = vector.broadcast %shift_right_arithmetic3A : i32 to vector<16xi32>
          %shift_right_arithmetic3A_834 = arith.shrsi %min3A_832, %shift_right_arithmetic3A_833 : vector<16xi32>
          %and3A_835 = arith.constant 4095 : i32
          %and3A_836 = vector.broadcast %and3A_835 : i32 to vector<16xi32>
          %and3A_837 = arith.andi %min3A_832, %and3A_836 : vector<16xi32>
          %jit3A_838 = arith.constant 0.000000e+00 : f32
          %broadcast_in_dim3A_839 = vector.broadcast %jit3A_838 : f32 to vector<16xf32>
          %select_n3A_840 = arith.select %and3A_826, %get3A_809, %broadcast_in_dim3A_839 : vector<16xi1>, vector<16xf32>
          tpu.vector_store_idx %arg11[%shift_right_arithmetic3A_834, %and3A_837], %select_n3A_840 {add = true} : memref<8x4096xf32, #tpu.memory_space<vmem>>[vector<16xi32>, vector<16xi32>], vector<16xf32>,
          %while3A_841 = arith.constant 0 : i32
          scf.yield %while3A_841 : i32
        }
        %while3A_797 = arith.constant 1 : i32
        %while3A_798 = scf.for %while3A_800 = %while3A_794 to %while3A_790 step %while3A_797 iter_args(%while3A_801 = %while3A_796) -> (i32)  : i32 {
          %mul3A_802 = arith.constant 16 : i32
          %mul3A_803 = arith.muli %while3A_800, %mul3A_802 : i32
          %get3A_804 = arith.index_cast %mul3A_803 : i32 to index
          %get3A_805 = tpu.vector_load %arg14[%get3A_804] {strides = array<i32>} : memref<2048xi32, #tpu.memory_space<vmem>>, vector<16xi32>,
          %mul3A_806 = arith.constant 16 : i32
          %mul3A_807 = arith.muli %while3A_800, %mul3A_806 : i32
          %get3A_808 = arith.index_cast %mul3A_807 : i32 to index
          %get3A_809 = tpu.vector_load %arg17[%get3A_808] {strides = array<i32>} : memref<2048xf32, #tpu.memory_space<vmem>>, vector<16xf32>,
          %sub3A_810 = vector.broadcast %multiple_of3A_314 : i32 to vector<16xi32>
          %sub3A_811 = arith.subi %get3A_805, %sub3A_810 : vector<16xi32>
          %iota3A_812 = tpu.iota {dimensions = array<i32: 0>} : vector<16xi32>
          %mul3A_813 = arith.constant 16 : i32
          %mul3A_814 = arith.muli %while3A_800, %mul3A_813 : i32
          %add3A_815 = vector.broadcast %mul3A_814 : i32 to vector<16xi32>
          %add3A_816 = arith.addi %iota3A_812, %add3A_815 : vector<16xi32>
          %ge3A_817 = arith.constant 0 : i32
          %ge3A_818 = vector.broadcast %ge3A_817 : i32 to vector<16xi32>
          %ge3A_819 = arith.cmpi sge, %sub3A_811, %ge3A_818 : vector<16xi32>
          %lt3A_820 = arith.constant 32768 : i32
          %lt3A_821 = vector.broadcast %lt3A_820 : i32 to vector<16xi32>
          %lt3A_822 = arith.cmpi slt, %sub3A_811, %lt3A_821 : vector<16xi32>
          %and3A_823 = arith.andi %ge3A_819, %lt3A_822 : vector<16xi1>
          %ge3A_824 = vector.broadcast %sub3A_755 : i32 to vector<16xi32>
          %ge3A_825 = arith.cmpi sge, %add3A_816, %ge3A_824 : vector<16xi32>
          %and3A_826 = arith.andi %and3A_823, %ge3A_825 : vector<16xi1>
          %max3A_827 = arith.constant 0 : i32
          %max3A_828 = vector.broadcast %max3A_827 : i32 to vector<16xi32>
          %max3A_829 = arith.maxsi %sub3A_811, %max3A_828 : vector<16xi32>
          %min3A_830 = arith.constant 32767 : i32
          %min3A_831 = vector.broadcast %min3A_830 : i32 to vector<16xi32>
          %min3A_832 = arith.minsi %max3A_829, %min3A_831 : vector<16xi32>
          %shift_right_arithmetic3A = arith.constant 12 : i32
          %shift_right_arithmetic3A_833 = vector.broadcast %shift_right_arithmetic3A : i32 to vector<16xi32>
          %shift_right_arithmetic3A_834 = arith.shrsi %min3A_832, %shift_right_arithmetic3A_833 : vector<16xi32>
          %and3A_835 = arith.constant 4095 : i32
          %and3A_836 = vector.broadcast %and3A_835 : i32 to vector<16xi32>
          %and3A_837 = arith.andi %min3A_832, %and3A_836 : vector<16xi32>
          %jit3A_838 = arith.constant 0.000000e+00 : f32
          %broadcast_in_dim3A_839 = vector.broadcast %jit3A_838 : f32 to vector<16xf32>
          %select_n3A_840 = arith.select %and3A_826, %get3A_809, %broadcast_in_dim3A_839 : vector<16xi1>, vector<16xf32>
          tpu.vector_store_idx %arg11[%shift_right_arithmetic3A_834, %and3A_837], %select_n3A_840 {add = true} : memref<8x4096xf32, #tpu.memory_space<vmem>>[vector<16xi32>, vector<16xi32>], vector<16xf32>,
          %while3A_841 = arith.constant 0 : i32
          scf.yield %while3A_841 : i32
        }
        %while3A_799 = arith.constant 0 : i32
        scf.yield %while3A_799 : i32
      }
      %while3A_413 = arith.constant 1 : i32
      %while3A_414 = scf.for %while3A_747 = %while3A_410 to %while3A_406 step %while3A_413 iter_args(%while3A_748 = %while3A_412) -> (i32)  : i32 {
        %mul3A_749 = arith.constant 2048 : i32
        %mul3A_750 = arith.muli %while3A_747, %mul3A_749 : i32
        %add3A_751 = arith.addi %multiple_of3A_324, %mul3A_750 : i32
        %min3A_752 = arith.constant 522240 : i32
        %min3A_753 = arith.minsi %add3A_751, %min3A_752 : i32
        %multiple_of3A_754 = tpu.assume_multiple %min3A_753, 8 : i32
        "tpu.region"() ({
          %run_scoped3A = tpu.sem_alloc : memref<!tpu.dma_semaphore, #tpu.memory_space<semaphore_mem>>
          %dma_start3A_800 = tpu.memref_slice %arg3[%multiple_of3A_754] : memref<524288xi32, #tpu.memory_space<hbm>> -> memref<2048xi32, #tpu.memory_space<hbm>>
          %dma_start3A_801 = tpu.memref_slice %arg3[%multiple_of3A_754] : memref<524288xi32, #tpu.memory_space<hbm>> -> memref<2048xi32, #tpu.memory_space<hbm>>
          tpu.enqueue_dma source(%dma_start3A_801 : memref<2048xi32, #tpu.memory_space<hbm>>) target(%arg14 : memref<2048xi32, #tpu.memory_space<vmem>>) target_semaphore(%run_scoped3A : memref<!tpu.dma_semaphore, #tpu.memory_space<semaphore_mem>>)
          %dma_wait3A_802 = tpu.memref_slice %arg3[%multiple_of3A_754] : memref<524288xi32, #tpu.memory_space<hbm>> -> memref<2048xi32, #tpu.memory_space<hbm>>
          %dma_wait3A_803 = tpu.memref_slice %arg3[%multiple_of3A_754] : memref<524288xi32, #tpu.memory_space<hbm>> -> memref<2048xi32, #tpu.memory_space<hbm>>
          tpu.wait_dma2 semaphore(%run_scoped3A : memref<!tpu.dma_semaphore, #tpu.memory_space<semaphore_mem>>) src(%dma_wait3A_803 : memref<2048xi32, #tpu.memory_space<hbm>>) dst(%arg14 : memref<2048xi32, #tpu.memory_space<vmem>>)
          tpu.yield
        }) : () -> ()
        "tpu.region"() ({
          %run_scoped3A = tpu.sem_alloc : memref<!tpu.dma_semaphore, #tpu.memory_space<semaphore_mem>>
          %dma_start3A_800 = tpu.memref_slice %arg4[%multiple_of3A_754] : memref<524288xf32, #tpu.memory_space<hbm>> -> memref<2048xf32, #tpu.memory_space<hbm>>
          %dma_start3A_801 = tpu.memref_slice %arg4[%multiple_of3A_754] : memref<524288xf32, #tpu.memory_space<hbm>> -> memref<2048xf32, #tpu.memory_space<hbm>>
          tpu.enqueue_dma source(%dma_start3A_801 : memref<2048xf32, #tpu.memory_space<hbm>>) target(%arg17 : memref<2048xf32, #tpu.memory_space<vmem>>) target_semaphore(%run_scoped3A : memref<!tpu.dma_semaphore, #tpu.memory_space<semaphore_mem>>)
          %dma_wait3A_802 = tpu.memref_slice %arg4[%multiple_of3A_754] : memref<524288xf32, #tpu.memory_space<hbm>> -> memref<2048xf32, #tpu.memory_space<hbm>>
          %dma_wait3A_803 = tpu.memref_slice %arg4[%multiple_of3A_754] : memref<524288xf32, #tpu.memory_space<hbm>> -> memref<2048xf32, #tpu.memory_space<hbm>>
          tpu.wait_dma2 semaphore(%run_scoped3A : memref<!tpu.dma_semaphore, #tpu.memory_space<semaphore_mem>>) src(%dma_wait3A_803 : memref<2048xf32, #tpu.memory_space<hbm>>) dst(%arg17 : memref<2048xf32, #tpu.memory_space<vmem>>)
          tpu.yield
        }) : () -> ()
        %sub3A_755 = arith.subi %add3A_751, %multiple_of3A_754 : i32
        %sub3A_756 = arith.subi %squeeze3A_332, %multiple_of3A_754 : i32
        %add3A_757 = arith.constant 15 : i32
        %add3A_758 = arith.addi %sub3A_756, %add3A_757 : i32
        %jit3A_759 = arith.constant 16 : i32
        %div3A_760 = arith.divsi %add3A_758, %jit3A_759 : i32
        %sign3A_761 = arith.constant 0 : i32
        %sign3A_762 = arith.cmpi sgt, %add3A_758, %sign3A_761 : i32
        %sign3A_763 = arith.extui %sign3A_762 : i1 to i32
        %sign3A_764 = arith.constant 0 : i32
        %sign3A_765 = arith.cmpi slt, %add3A_758, %sign3A_764 : i32
        %sign3A_766 = arith.extui %sign3A_765 : i1 to i32
        %sign3A_767 = arith.subi %sign3A_763, %sign3A_766 : i32
        %sign3A_768 = arith.constant 0 : i32
        %sign3A_769 = arith.cmpi sgt, %jit3A_759, %sign3A_768 : i32
        %sign3A_770 = arith.extui %sign3A_769 : i1 to i32
        %sign3A_771 = arith.constant 0 : i32
        %sign3A_772 = arith.cmpi slt, %jit3A_759, %sign3A_771 : i32
        %sign3A_773 = arith.extui %sign3A_772 : i1 to i32
        %sign3A_774 = arith.subi %sign3A_770, %sign3A_773 : i32
        %ne3A_775 = arith.cmpi ne, %sign3A_767, %sign3A_774 : i32
        %rem3A_776 = arith.remsi %add3A_758, %jit3A_759 : i32
        %ne3A_777 = arith.constant 0 : i32
        %ne3A_778 = arith.cmpi ne, %rem3A_776, %ne3A_777 : i32
        %and3A_779 = arith.andi %ne3A_775, %ne3A_778 : i1
        %sub3A_780 = arith.constant 1 : i32
        %sub3A_781 = arith.subi %div3A_760, %sub3A_780 : i32
        %select_n3A_782 = arith.select %and3A_779, %sub3A_781, %div3A_760 : i32
        %jit3A_783 = arith.constant 0 : i32
        %jit3A_784 = arith.constant 128 : i32
        %max3A_785 = arith.maxsi %jit3A_783, %select_n3A_782 : i32
        %min3A_786 = arith.minsi %jit3A_784, %max3A_785 : i32
        %while3A_787 = arith.constant 0 : i32
        %while3A_788 = arith.constant 0 : i32
        %while3A_789 = arith.subi %min3A_786, %while3A_787 : i32
        %while3A_790 = arith.addi %while3A_787, %while3A_789 : i32
        %while3A_791 = arith.constant 1 : i32
        %while3A_792 = arith.divsi %while3A_789, %while3A_791 : i32
        %while3A_793 = arith.muli %while3A_792, %while3A_791 : i32
        %while3A_794 = arith.addi %while3A_787, %while3A_793 : i32
        %while3A_795 = arith.constant 1 : i32
        %while3A_796 = scf.for %while3A_800 = %while3A_787 to %while3A_794 step %while3A_795 iter_args(%while3A_801 = %while3A_788) -> (i32)  : i32 {
          %mul3A_802 = arith.constant 16 : i32
          %mul3A_803 = arith.muli %while3A_800, %mul3A_802 : i32
          %get3A_804 = arith.index_cast %mul3A_803 : i32 to index
          %get3A_805 = tpu.vector_load %arg14[%get3A_804] {strides = array<i32>} : memref<2048xi32, #tpu.memory_space<vmem>>, vector<16xi32>,
          %mul3A_806 = arith.constant 16 : i32
          %mul3A_807 = arith.muli %while3A_800, %mul3A_806 : i32
          %get3A_808 = arith.index_cast %mul3A_807 : i32 to index
          %get3A_809 = tpu.vector_load %arg17[%get3A_808] {strides = array<i32>} : memref<2048xf32, #tpu.memory_space<vmem>>, vector<16xf32>,
          %sub3A_810 = vector.broadcast %multiple_of3A_314 : i32 to vector<16xi32>
          %sub3A_811 = arith.subi %get3A_805, %sub3A_810 : vector<16xi32>
          %iota3A_812 = tpu.iota {dimensions = array<i32: 0>} : vector<16xi32>
          %mul3A_813 = arith.constant 16 : i32
          %mul3A_814 = arith.muli %while3A_800, %mul3A_813 : i32
          %add3A_815 = vector.broadcast %mul3A_814 : i32 to vector<16xi32>
          %add3A_816 = arith.addi %iota3A_812, %add3A_815 : vector<16xi32>
          %ge3A_817 = arith.constant 0 : i32
          %ge3A_818 = vector.broadcast %ge3A_817 : i32 to vector<16xi32>
          %ge3A_819 = arith.cmpi sge, %sub3A_811, %ge3A_818 : vector<16xi32>
          %lt3A_820 = arith.constant 32768 : i32
          %lt3A_821 = vector.broadcast %lt3A_820 : i32 to vector<16xi32>
          %lt3A_822 = arith.cmpi slt, %sub3A_811, %lt3A_821 : vector<16xi32>
          %and3A_823 = arith.andi %ge3A_819, %lt3A_822 : vector<16xi1>
          %ge3A_824 = vector.broadcast %sub3A_755 : i32 to vector<16xi32>
          %ge3A_825 = arith.cmpi sge, %add3A_816, %ge3A_824 : vector<16xi32>
          %and3A_826 = arith.andi %and3A_823, %ge3A_825 : vector<16xi1>
          %max3A_827 = arith.constant 0 : i32
          %max3A_828 = vector.broadcast %max3A_827 : i32 to vector<16xi32>
          %max3A_829 = arith.maxsi %sub3A_811, %max3A_828 : vector<16xi32>
          %min3A_830 = arith.constant 32767 : i32
          %min3A_831 = vector.broadcast %min3A_830 : i32 to vector<16xi32>
          %min3A_832 = arith.minsi %max3A_829, %min3A_831 : vector<16xi32>
          %shift_right_arithmetic3A = arith.constant 12 : i32
          %shift_right_arithmetic3A_833 = vector.broadcast %shift_right_arithmetic3A : i32 to vector<16xi32>
          %shift_right_arithmetic3A_834 = arith.shrsi %min3A_832, %shift_right_arithmetic3A_833 : vector<16xi32>
          %and3A_835 = arith.constant 4095 : i32
          %and3A_836 = vector.broadcast %and3A_835 : i32 to vector<16xi32>
          %and3A_837 = arith.andi %min3A_832, %and3A_836 : vector<16xi32>
          %jit3A_838 = arith.constant 0.000000e+00 : f32
          %broadcast_in_dim3A_839 = vector.broadcast %jit3A_838 : f32 to vector<16xf32>
          %select_n3A_840 = arith.select %and3A_826, %get3A_809, %broadcast_in_dim3A_839 : vector<16xi1>, vector<16xf32>
          tpu.vector_store_idx %arg11[%shift_right_arithmetic3A_834, %and3A_837], %select_n3A_840 {add = true} : memref<8x4096xf32, #tpu.memory_space<vmem>>[vector<16xi32>, vector<16xi32>], vector<16xf32>,
          %while3A_841 = arith.constant 0 : i32
          scf.yield %while3A_841 : i32
        }
        %while3A_797 = arith.constant 1 : i32
        %while3A_798 = scf.for %while3A_800 = %while3A_794 to %while3A_790 step %while3A_797 iter_args(%while3A_801 = %while3A_796) -> (i32)  : i32 {
          %mul3A_802 = arith.constant 16 : i32
          %mul3A_803 = arith.muli %while3A_800, %mul3A_802 : i32
          %get3A_804 = arith.index_cast %mul3A_803 : i32 to index
          %get3A_805 = tpu.vector_load %arg14[%get3A_804] {strides = array<i32>} : memref<2048xi32, #tpu.memory_space<vmem>>, vector<16xi32>,
          %mul3A_806 = arith.constant 16 : i32
          %mul3A_807 = arith.muli %while3A_800, %mul3A_806 : i32
          %get3A_808 = arith.index_cast %mul3A_807 : i32 to index
          %get3A_809 = tpu.vector_load %arg17[%get3A_808] {strides = array<i32>} : memref<2048xf32, #tpu.memory_space<vmem>>, vector<16xf32>,
          %sub3A_810 = vector.broadcast %multiple_of3A_314 : i32 to vector<16xi32>
          %sub3A_811 = arith.subi %get3A_805, %sub3A_810 : vector<16xi32>
          %iota3A_812 = tpu.iota {dimensions = array<i32: 0>} : vector<16xi32>
          %mul3A_813 = arith.constant 16 : i32
          %mul3A_814 = arith.muli %while3A_800, %mul3A_813 : i32
          %add3A_815 = vector.broadcast %mul3A_814 : i32 to vector<16xi32>
          %add3A_816 = arith.addi %iota3A_812, %add3A_815 : vector<16xi32>
          %ge3A_817 = arith.constant 0 : i32
          %ge3A_818 = vector.broadcast %ge3A_817 : i32 to vector<16xi32>
          %ge3A_819 = arith.cmpi sge, %sub3A_811, %ge3A_818 : vector<16xi32>
          %lt3A_820 = arith.constant 32768 : i32
          %lt3A_821 = vector.broadcast %lt3A_820 : i32 to vector<16xi32>
          %lt3A_822 = arith.cmpi slt, %sub3A_811, %lt3A_821 : vector<16xi32>
          %and3A_823 = arith.andi %ge3A_819, %lt3A_822 : vector<16xi1>
          %ge3A_824 = vector.broadcast %sub3A_755 : i32 to vector<16xi32>
          %ge3A_825 = arith.cmpi sge, %add3A_816, %ge3A_824 : vector<16xi32>
          %and3A_826 = arith.andi %and3A_823, %ge3A_825 : vector<16xi1>
          %max3A_827 = arith.constant 0 : i32
          %max3A_828 = vector.broadcast %max3A_827 : i32 to vector<16xi32>
          %max3A_829 = arith.maxsi %sub3A_811, %max3A_828 : vector<16xi32>
          %min3A_830 = arith.constant 32767 : i32
          %min3A_831 = vector.broadcast %min3A_830 : i32 to vector<16xi32>
          %min3A_832 = arith.minsi %max3A_829, %min3A_831 : vector<16xi32>
          %shift_right_arithmetic3A = arith.constant 12 : i32
          %shift_right_arithmetic3A_833 = vector.broadcast %shift_right_arithmetic3A : i32 to vector<16xi32>
          %shift_right_arithmetic3A_834 = arith.shrsi %min3A_832, %shift_right_arithmetic3A_833 : vector<16xi32>
          %and3A_835 = arith.constant 4095 : i32
          %and3A_836 = vector.broadcast %and3A_835 : i32 to vector<16xi32>
          %and3A_837 = arith.andi %min3A_832, %and3A_836 : vector<16xi32>
          %jit3A_838 = arith.constant 0.000000e+00 : f32
          %broadcast_in_dim3A_839 = vector.broadcast %jit3A_838 : f32 to vector<16xf32>
          %select_n3A_840 = arith.select %and3A_826, %get3A_809, %broadcast_in_dim3A_839 : vector<16xi1>, vector<16xf32>
          tpu.vector_store_idx %arg11[%shift_right_arithmetic3A_834, %and3A_837], %select_n3A_840 {add = true} : memref<8x4096xf32, #tpu.memory_space<vmem>>[vector<16xi32>, vector<16xi32>], vector<16xf32>,
          %while3A_841 = arith.constant 0 : i32
          scf.yield %while3A_841 : i32
        }
        %while3A_799 = arith.constant 0 : i32
        scf.yield %while3A_799 : i32
      }
      %add3A_415 = arith.addi %mul3A_2, %add3A_273 : i32
      %dma_start3A_416 = tpu.memref_reshape %arg5 : memref<4096x4096xf32, #tpu.memory_space<hbm>> -> memref<512x8x4096xf32, #tpu.memory_space<hbm>>
      %dma_start3A_417 = arith.constant 0 : i32
      %dma_start3A_418 = arith.constant 0 : i32
      %dma_start3A_419 = tpu.memref_slice %dma_start3A_416[%add3A_415, %dma_start3A_417, %dma_start3A_418] : memref<512x8x4096xf32, #tpu.memory_space<hbm>> -> memref<1x8x4096xf32, #tpu.memory_space<hbm>>
      %dma_start3A_420 = tpu.memref_squeeze %dma_start3A_419 : memref<1x8x4096xf32, #tpu.memory_space<hbm>> -> memref<8x4096xf32, #tpu.memory_space<hbm>>
      %dma_start3A_421 = tpu.memref_reshape %arg5 : memref<4096x4096xf32, #tpu.memory_space<hbm>> -> memref<512x8x4096xf32, #tpu.memory_space<hbm>>
      %dma_start3A_422 = arith.constant 0 : i32
      %dma_start3A_423 = arith.constant 0 : i32
      %dma_start3A_424 = tpu.memref_slice %dma_start3A_421[%add3A_415, %dma_start3A_422, %dma_start3A_423] : memref<512x8x4096xf32, #tpu.memory_space<hbm>> -> memref<1x8x4096xf32, #tpu.memory_space<hbm>>
      %dma_start3A_425 = tpu.memref_squeeze %dma_start3A_424 : memref<1x8x4096xf32, #tpu.memory_space<hbm>> -> memref<8x4096xf32, #tpu.memory_space<hbm>>
      tpu.enqueue_dma source(%arg11 : memref<8x4096xf32, #tpu.memory_space<vmem>>) target(%dma_start3A_425 : memref<8x4096xf32, #tpu.memory_space<hbm>>) target_semaphore(%arg23 : memref<!tpu.dma_semaphore, #tpu.memory_space<semaphore_mem>>)
      %mul3A_426 = arith.constant 3 : i32
      %mul3A_427 = arith.muli %scan3A_268, %mul3A_426 : i32
      %add3A_428 = arith.constant 1 : i32
      %add3A_429 = arith.addi %mul3A_427, %add3A_428 : i32
      %ge3A_430 = arith.constant 2 : i32
      %ge3A_431 = arith.cmpi sge, %add3A_429, %ge3A_430 : i32
      %convert_element_type3A_432 = arith.extui %ge3A_431 : i1 to i32
      %cond3A_433 = arith.constant 0 : i32
      %cond3A_434 = arith.cmpi ne, %convert_element_type3A_432, %cond3A_433 : i32
      scf.if %cond3A_434 {
        %dma_wait3A_747 = arith.constant 0 : i32
        %dma_wait3A_748 = tpu.memref_reshape %arg5 : memref<4096x4096xf32, #tpu.memory_space<hbm>> -> memref<512x8x4096xf32, #tpu.memory_space<hbm>>
        %dma_wait3A_749 = arith.constant 0 : i32
        %dma_wait3A_750 = arith.constant 0 : i32
        %dma_wait3A_751 = tpu.memref_slice %dma_wait3A_748[%dma_wait3A_747, %dma_wait3A_749, %dma_wait3A_750] : memref<512x8x4096xf32, #tpu.memory_space<hbm>> -> memref<1x8x4096xf32, #tpu.memory_space<hbm>>
        %dma_wait3A_752 = tpu.memref_squeeze %dma_wait3A_751 : memref<1x8x4096xf32, #tpu.memory_space<hbm>> -> memref<8x4096xf32, #tpu.memory_space<hbm>>
        %dma_wait3A_753 = tpu.memref_reshape %arg5 : memref<4096x4096xf32, #tpu.memory_space<hbm>> -> memref<512x8x4096xf32, #tpu.memory_space<hbm>>
        %dma_wait3A_754 = arith.constant 0 : i32
        %dma_wait3A_755 = arith.constant 0 : i32
        %dma_wait3A_756 = tpu.memref_slice %dma_wait3A_753[%dma_wait3A_747, %dma_wait3A_754, %dma_wait3A_755] : memref<512x8x4096xf32, #tpu.memory_space<hbm>> -> memref<1x8x4096xf32, #tpu.memory_space<hbm>>
        %dma_wait3A_757 = tpu.memref_squeeze %dma_wait3A_756 : memref<1x8x4096xf32, #tpu.memory_space<hbm>> -> memref<8x4096xf32, #tpu.memory_space<hbm>>
        tpu.wait_dma2 semaphore(%arg25 : memref<!tpu.dma_semaphore, #tpu.memory_space<semaphore_mem>>) src(%arg13 : memref<8x4096xf32, #tpu.memory_space<vmem>>) dst(%dma_wait3A_757 : memref<8x4096xf32, #tpu.memory_space<hbm>>)
      } else {
      }
      %ge3A_435 = arith.constant 2 : i32
      %ge3A_436 = arith.cmpi sge, %add3A_429, %ge3A_435 : i32
      %add3A_437 = arith.constant 1 : i32
      %add3A_438 = arith.addi %add3A_429, %add3A_437 : i32
      %lt3A_439 = arith.constant 16 : i32
      %lt3A_440 = arith.cmpi slt, %add3A_438, %lt3A_439 : i32
      %and3A_441 = arith.andi %ge3A_436, %lt3A_440 : i1
      %convert_element_type3A_442 = arith.extui %and3A_441 : i1 to i32
      %cond3A_443 = arith.constant 0 : i32
      %cond3A_444 = arith.cmpi ne, %convert_element_type3A_442, %cond3A_443 : i32
      scf.if %cond3A_444 {
        %add3A_747 = arith.constant 1 : i32
        %add3A_748 = arith.addi %add3A_429, %add3A_747 : i32
        %add3A_749 = arith.addi %mul3A_2, %add3A_748 : i32
        %dma_start3A_750 = tpu.memref_reshape %arg2 : memref<4096x4096xf32, #tpu.memory_space<hbm>> -> memref<512x8x4096xf32, #tpu.memory_space<hbm>>
        %dma_start3A_751 = arith.constant 0 : i32
        %dma_start3A_752 = arith.constant 0 : i32
        %dma_start3A_753 = tpu.memref_slice %dma_start3A_750[%add3A_749, %dma_start3A_751, %dma_start3A_752] : memref<512x8x4096xf32, #tpu.memory_space<hbm>> -> memref<1x8x4096xf32, #tpu.memory_space<hbm>>
        %dma_start3A_754 = tpu.memref_squeeze %dma_start3A_753 : memref<1x8x4096xf32, #tpu.memory_space<hbm>> -> memref<8x4096xf32, #tpu.memory_space<hbm>>
        %dma_start3A_755 = tpu.memref_reshape %arg2 : memref<4096x4096xf32, #tpu.memory_space<hbm>> -> memref<512x8x4096xf32, #tpu.memory_space<hbm>>
        %dma_start3A_756 = arith.constant 0 : i32
        %dma_start3A_757 = arith.constant 0 : i32
        %dma_start3A_758 = tpu.memref_slice %dma_start3A_755[%add3A_749, %dma_start3A_756, %dma_start3A_757] : memref<512x8x4096xf32, #tpu.memory_space<hbm>> -> memref<1x8x4096xf32, #tpu.memory_space<hbm>>
        %dma_start3A_759 = tpu.memref_squeeze %dma_start3A_758 : memref<1x8x4096xf32, #tpu.memory_space<hbm>> -> memref<8x4096xf32, #tpu.memory_space<hbm>>
        tpu.enqueue_dma source(%dma_start3A_759 : memref<8x4096xf32, #tpu.memory_space<hbm>>) target(%arg13 : memref<8x4096xf32, #tpu.memory_space<vmem>>) target_semaphore(%arg22 : memref<!tpu.dma_semaphore, #tpu.memory_space<semaphore_mem>>)
      } else {
      }
      %add3A_445 = arith.constant 1 : i32
      %add3A_446 = arith.addi %add3A_429, %add3A_445 : i32
      %lt3A_447 = arith.constant 16 : i32
      %lt3A_448 = arith.cmpi slt, %add3A_446, %lt3A_447 : i32
      %convert_element_type3A_449 = arith.extui %lt3A_448 : i1 to i32
      %cond3A_450 = arith.constant 0 : i32
      %cond3A_451 = arith.cmpi ne, %convert_element_type3A_449, %cond3A_450 : i32
      scf.if %cond3A_451 {
        %add3A_747 = arith.constant 1 : i32
        %add3A_748 = arith.addi %add3A_429, %add3A_747 : i32
        %add3A_749 = arith.addi %mul3A_2, %add3A_748 : i32
        %get3A_750 = arith.index_cast %add3A_749 : i32 to index
        %get3A_751 = tpu.vector_load %arg6[%get3A_750] {strides = array<i32>} : memref<528xi32, #tpu.memory_space<vmem>>, vector<16xi32>,
        %slice3A_752 = vector.extract_strided_slice %get3A_751 {offsets = [0], sizes = [1], strides = [1]} : vector<16xi32> to vector<1xi32>
        %squeeze3A_753 = vector.extract %slice3A_752[0] : i32 from vector<1xi32>
        %and3A_754 = arith.constant -8 : i32
        %and3A_755 = arith.andi %squeeze3A_753, %and3A_754 : i32
        %min3A_756 = arith.constant 522240 : i32
        %min3A_757 = arith.minsi %and3A_755, %min3A_756 : i32
        %multiple_of3A_758 = tpu.assume_multiple %min3A_757, 8 : i32
        %sub3A_759 = arith.subi %and3A_755, %min3A_757 : i32
        %dma_start3A_760 = tpu.memref_slice %arg3[%multiple_of3A_758] : memref<524288xi32, #tpu.memory_space<hbm>> -> memref<2048xi32, #tpu.memory_space<hbm>>
        %dma_start3A_761 = tpu.memref_slice %arg3[%multiple_of3A_758] : memref<524288xi32, #tpu.memory_space<hbm>> -> memref<2048xi32, #tpu.memory_space<hbm>>
        tpu.enqueue_dma source(%dma_start3A_761 : memref<2048xi32, #tpu.memory_space<hbm>>) target(%arg16 : memref<2048xi32, #tpu.memory_space<vmem>>) target_semaphore(%arg28 : memref<!tpu.dma_semaphore, #tpu.memory_space<semaphore_mem>>)
        %dma_start3A_762 = tpu.memref_slice %arg4[%multiple_of3A_758] : memref<524288xf32, #tpu.memory_space<hbm>> -> memref<2048xf32, #tpu.memory_space<hbm>>
        %dma_start3A_763 = tpu.memref_slice %arg4[%multiple_of3A_758] : memref<524288xf32, #tpu.memory_space<hbm>> -> memref<2048xf32, #tpu.memory_space<hbm>>
        tpu.enqueue_dma source(%dma_start3A_763 : memref<2048xf32, #tpu.memory_space<hbm>>) target(%arg19 : memref<2048xf32, #tpu.memory_space<vmem>>) target_semaphore(%arg31 : memref<!tpu.dma_semaphore, #tpu.memory_space<semaphore_mem>>)
      } else {
      }
      %dma_wait3A_452 = arith.constant 0 : i32
      %dma_wait3A_453 = tpu.memref_reshape %arg2 : memref<4096x4096xf32, #tpu.memory_space<hbm>> -> memref<512x8x4096xf32, #tpu.memory_space<hbm>>
      %dma_wait3A_454 = arith.constant 0 : i32
      %dma_wait3A_455 = arith.constant 0 : i32
      %dma_wait3A_456 = tpu.memref_slice %dma_wait3A_453[%dma_wait3A_452, %dma_wait3A_454, %dma_wait3A_455] : memref<512x8x4096xf32, #tpu.memory_space<hbm>> -> memref<1x8x4096xf32, #tpu.memory_space<hbm>>
      %dma_wait3A_457 = tpu.memref_squeeze %dma_wait3A_456 : memref<1x8x4096xf32, #tpu.memory_space<hbm>> -> memref<8x4096xf32, #tpu.memory_space<hbm>>
      %dma_wait3A_458 = tpu.memref_reshape %arg2 : memref<4096x4096xf32, #tpu.memory_space<hbm>> -> memref<512x8x4096xf32, #tpu.memory_space<hbm>>
      %dma_wait3A_459 = arith.constant 0 : i32
      %dma_wait3A_460 = arith.constant 0 : i32
      %dma_wait3A_461 = tpu.memref_slice %dma_wait3A_458[%dma_wait3A_452, %dma_wait3A_459, %dma_wait3A_460] : memref<512x8x4096xf32, #tpu.memory_space<hbm>> -> memref<1x8x4096xf32, #tpu.memory_space<hbm>>
      %dma_wait3A_462 = tpu.memref_squeeze %dma_wait3A_461 : memref<1x8x4096xf32, #tpu.memory_space<hbm>> -> memref<8x4096xf32, #tpu.memory_space<hbm>>
      tpu.wait_dma2 semaphore(%arg21 : memref<!tpu.dma_semaphore, #tpu.memory_space<semaphore_mem>>) src(%dma_wait3A_462 : memref<8x4096xf32, #tpu.memory_space<hbm>>) dst(%arg12 : memref<8x4096xf32, #tpu.memory_space<vmem>>)
      %dma_wait3A_463 = arith.constant 0 : i32
      %dma_wait3A_464 = tpu.memref_slice %arg3[%dma_wait3A_463] : memref<524288xi32, #tpu.memory_space<hbm>> -> memref<2048xi32, #tpu.memory_space<hbm>>
      %dma_wait3A_465 = arith.constant 0 : i32
      %dma_wait3A_466 = tpu.memref_slice %arg3[%dma_wait3A_465] : memref<524288xi32, #tpu.memory_space<hbm>> -> memref<2048xi32, #tpu.memory_space<hbm>>
      tpu.wait_dma2 semaphore(%arg27 : memref<!tpu.dma_semaphore, #tpu.memory_space<semaphore_mem>>) src(%dma_wait3A_466 : memref<2048xi32, #tpu.memory_space<hbm>>) dst(%arg15 : memref<2048xi32, #tpu.memory_space<vmem>>)
      %dma_wait3A_467 = arith.constant 0 : i32
      %dma_wait3A_468 = tpu.memref_slice %arg4[%dma_wait3A_467] : memref<524288xf32, #tpu.memory_space<hbm>> -> memref<2048xf32, #tpu.memory_space<hbm>>
      %dma_wait3A_469 = arith.constant 0 : i32
      %dma_wait3A_470 = tpu.memref_slice %arg4[%dma_wait3A_469] : memref<524288xf32, #tpu.memory_space<hbm>> -> memref<2048xf32, #tpu.memory_space<hbm>>
      tpu.wait_dma2 semaphore(%arg30 : memref<!tpu.dma_semaphore, #tpu.memory_space<semaphore_mem>>) src(%dma_wait3A_470 : memref<2048xf32, #tpu.memory_space<hbm>>) dst(%arg18 : memref<2048xf32, #tpu.memory_space<vmem>>)
      %add3A_471 = arith.addi %mul3A_2, %add3A_429 : i32
      %mul3A_472 = arith.constant 32768 : i32
      %mul3A_473 = arith.muli %add3A_471, %mul3A_472 : i32
      %multiple_of3A_474 = tpu.assume_multiple %mul3A_473, 32768 : i32
      %add3A_475 = arith.addi %mul3A_2, %add3A_429 : i32
      %get3A_476 = arith.index_cast %add3A_475 : i32 to index
      %get3A_477 = tpu.vector_load %arg6[%get3A_476] {strides = array<i32>} : memref<528xi32, #tpu.memory_space<vmem>>, vector<16xi32>,
      %slice3A_478 = vector.extract_strided_slice %get3A_477 {offsets = [0], sizes = [1], strides = [1]} : vector<16xi32> to vector<1xi32>
      %squeeze3A_479 = vector.extract %slice3A_478[0] : i32 from vector<1xi32>
      %and3A_480 = arith.constant -8 : i32
      %and3A_481 = arith.andi %squeeze3A_479, %and3A_480 : i32
      %min3A_482 = arith.constant 522240 : i32
      %min3A_483 = arith.minsi %and3A_481, %min3A_482 : i32
      %multiple_of3A_484 = tpu.assume_multiple %min3A_483, 8 : i32
      %sub3A_485 = arith.subi %and3A_481, %min3A_483 : i32
      %add3A_486 = arith.constant 1 : i32
      %add3A_487 = arith.addi %add3A_429, %add3A_486 : i32
      %add3A_488 = arith.addi %mul3A_2, %add3A_487 : i32
      %get3A_489 = arith.index_cast %add3A_488 : i32 to index
      %get3A_490 = tpu.vector_load %arg6[%get3A_489] {strides = array<i32>} : memref<528xi32, #tpu.memory_space<vmem>>, vector<16xi32>,
      %slice3A_491 = vector.extract_strided_slice %get3A_490 {offsets = [0], sizes = [1], strides = [1]} : vector<16xi32> to vector<1xi32>
      %squeeze3A_492 = vector.extract %slice3A_491[0] : i32 from vector<1xi32>
      %sub3A_493 = arith.subi %squeeze3A_492, %multiple_of3A_484 : i32
      %add3A_494 = arith.constant 2047 : i32
      %add3A_495 = arith.addi %sub3A_493, %add3A_494 : i32
      %jit3A_496 = arith.constant 2048 : i32
      %div3A_497 = arith.divsi %add3A_495, %jit3A_496 : i32
      %sign3A_498 = arith.constant 0 : i32
      %sign3A_499 = arith.cmpi sgt, %add3A_495, %sign3A_498 : i32
      %sign3A_500 = arith.extui %sign3A_499 : i1 to i32
      %sign3A_501 = arith.constant 0 : i32
      %sign3A_502 = arith.cmpi slt, %add3A_495, %sign3A_501 : i32
      %sign3A_503 = arith.extui %sign3A_502 : i1 to i32
      %sign3A_504 = arith.subi %sign3A_500, %sign3A_503 : i32
      %sign3A_505 = arith.constant 0 : i32
      %sign3A_506 = arith.cmpi sgt, %jit3A_496, %sign3A_505 : i32
      %sign3A_507 = arith.extui %sign3A_506 : i1 to i32
      %sign3A_508 = arith.constant 0 : i32
      %sign3A_509 = arith.cmpi slt, %jit3A_496, %sign3A_508 : i32
      %sign3A_510 = arith.extui %sign3A_509 : i1 to i32
      %sign3A_511 = arith.subi %sign3A_507, %sign3A_510 : i32
      %ne3A_512 = arith.cmpi ne, %sign3A_504, %sign3A_511 : i32
      %rem3A_513 = arith.remsi %add3A_495, %jit3A_496 : i32
      %ne3A_514 = arith.constant 0 : i32
      %ne3A_515 = arith.cmpi ne, %rem3A_513, %ne3A_514 : i32
      %and3A_516 = arith.andi %ne3A_512, %ne3A_515 : i1
      %sub3A_517 = arith.constant 1 : i32
      %sub3A_518 = arith.subi %div3A_497, %sub3A_517 : i32
      %select_n3A_519 = arith.select %and3A_516, %sub3A_518, %div3A_497 : i32
      %sub3A_520 = arith.subi %squeeze3A_492, %multiple_of3A_484 : i32
      %add3A_521 = arith.constant 15 : i32
      %add3A_522 = arith.addi %sub3A_520, %add3A_521 : i32
      %jit3A_523 = arith.constant 16 : i32
      %div3A_524 = arith.divsi %add3A_522, %jit3A_523 : i32
      %sign3A_525 = arith.constant 0 : i32
      %sign3A_526 = arith.cmpi sgt, %add3A_522, %sign3A_525 : i32
      %sign3A_527 = arith.extui %sign3A_526 : i1 to i32
      %sign3A_528 = arith.constant 0 : i32
      %sign3A_529 = arith.cmpi slt, %add3A_522, %sign3A_528 : i32
      %sign3A_530 = arith.extui %sign3A_529 : i1 to i32
      %sign3A_531 = arith.subi %sign3A_527, %sign3A_530 : i32
      %sign3A_532 = arith.constant 0 : i32
      %sign3A_533 = arith.cmpi sgt, %jit3A_523, %sign3A_532 : i32
      %sign3A_534 = arith.extui %sign3A_533 : i1 to i32
      %sign3A_535 = arith.constant 0 : i32
      %sign3A_536 = arith.cmpi slt, %jit3A_523, %sign3A_535 : i32
      %sign3A_537 = arith.extui %sign3A_536 : i1 to i32
      %sign3A_538 = arith.subi %sign3A_534, %sign3A_537 : i32
      %ne3A_539 = arith.cmpi ne, %sign3A_531, %sign3A_538 : i32
      %rem3A_540 = arith.remsi %add3A_522, %jit3A_523 : i32
      %ne3A_541 = arith.constant 0 : i32
      %ne3A_542 = arith.cmpi ne, %rem3A_540, %ne3A_541 : i32
      %and3A_543 = arith.andi %ne3A_539, %ne3A_542 : i1
      %sub3A_544 = arith.constant 1 : i32
      %sub3A_545 = arith.subi %div3A_524, %sub3A_544 : i32
      %select_n3A_546 = arith.select %and3A_543, %sub3A_545, %div3A_524 : i32
      %jit3A_547 = arith.constant 0 : i32
      %jit3A_548 = arith.constant 128 : i32
      %max3A_549 = arith.maxsi %jit3A_547, %select_n3A_546 : i32
      %min3A_550 = arith.minsi %jit3A_548, %max3A_549 : i32
      %while3A_551 = arith.constant 0 : i32
      %while3A_552 = arith.constant 0 : i32
      %while3A_553 = arith.subi %min3A_550, %while3A_551 : i32
      %while3A_554 = arith.addi %while3A_551, %while3A_553 : i32
      %while3A_555 = arith.constant 1 : i32
      %while3A_556 = arith.divsi %while3A_553, %while3A_555 : i32
      %while3A_557 = arith.muli %while3A_556, %while3A_555 : i32
      %while3A_558 = arith.addi %while3A_551, %while3A_557 : i32
      %while3A_559 = arith.constant 1 : i32
      %while3A_560 = scf.for %while3A_747 = %while3A_551 to %while3A_558 step %while3A_559 iter_args(%while3A_748 = %while3A_552) -> (i32)  : i32 {
        %mul3A_749 = arith.constant 16 : i32
        %mul3A_750 = arith.muli %while3A_747, %mul3A_749 : i32
        %get3A_751 = arith.index_cast %mul3A_750 : i32 to index
        %get3A_752 = tpu.vector_load %arg15[%get3A_751] {strides = array<i32>} : memref<2048xi32, #tpu.memory_space<vmem>>, vector<16xi32>,
        %mul3A_753 = arith.constant 16 : i32
        %mul3A_754 = arith.muli %while3A_747, %mul3A_753 : i32
        %get3A_755 = arith.index_cast %mul3A_754 : i32 to index
        %get3A_756 = tpu.vector_load %arg18[%get3A_755] {strides = array<i32>} : memref<2048xf32, #tpu.memory_space<vmem>>, vector<16xf32>,
        %sub3A_757 = vector.broadcast %multiple_of3A_474 : i32 to vector<16xi32>
        %sub3A_758 = arith.subi %get3A_752, %sub3A_757 : vector<16xi32>
        %iota3A_759 = tpu.iota {dimensions = array<i32: 0>} : vector<16xi32>
        %mul3A_760 = arith.constant 16 : i32
        %mul3A_761 = arith.muli %while3A_747, %mul3A_760 : i32
        %add3A_762 = vector.broadcast %mul3A_761 : i32 to vector<16xi32>
        %add3A_763 = arith.addi %iota3A_759, %add3A_762 : vector<16xi32>
        %ge3A_764 = arith.constant 0 : i32
        %ge3A_765 = vector.broadcast %ge3A_764 : i32 to vector<16xi32>
        %ge3A_766 = arith.cmpi sge, %sub3A_758, %ge3A_765 : vector<16xi32>
        %lt3A_767 = arith.constant 32768 : i32
        %lt3A_768 = vector.broadcast %lt3A_767 : i32 to vector<16xi32>
        %lt3A_769 = arith.cmpi slt, %sub3A_758, %lt3A_768 : vector<16xi32>
        %and3A_770 = arith.andi %ge3A_766, %lt3A_769 : vector<16xi1>
        %ge3A_771 = vector.broadcast %sub3A_485 : i32 to vector<16xi32>
        %ge3A_772 = arith.cmpi sge, %add3A_763, %ge3A_771 : vector<16xi32>
        %and3A_773 = arith.andi %and3A_770, %ge3A_772 : vector<16xi1>
        %max3A_774 = arith.constant 0 : i32
        %max3A_775 = vector.broadcast %max3A_774 : i32 to vector<16xi32>
        %max3A_776 = arith.maxsi %sub3A_758, %max3A_775 : vector<16xi32>
        %min3A_777 = arith.constant 32767 : i32
        %min3A_778 = vector.broadcast %min3A_777 : i32 to vector<16xi32>
        %min3A_779 = arith.minsi %max3A_776, %min3A_778 : vector<16xi32>
        %shift_right_arithmetic3A = arith.constant 12 : i32
        %shift_right_arithmetic3A_780 = vector.broadcast %shift_right_arithmetic3A : i32 to vector<16xi32>
        %shift_right_arithmetic3A_781 = arith.shrsi %min3A_779, %shift_right_arithmetic3A_780 : vector<16xi32>
        %and3A_782 = arith.constant 4095 : i32
        %and3A_783 = vector.broadcast %and3A_782 : i32 to vector<16xi32>
        %and3A_784 = arith.andi %min3A_779, %and3A_783 : vector<16xi32>
        %jit3A_785 = arith.constant 0.000000e+00 : f32
        %broadcast_in_dim3A_786 = vector.broadcast %jit3A_785 : f32 to vector<16xf32>
        %select_n3A_787 = arith.select %and3A_773, %get3A_756, %broadcast_in_dim3A_786 : vector<16xi1>, vector<16xf32>
        tpu.vector_store_idx %arg12[%shift_right_arithmetic3A_781, %and3A_784], %select_n3A_787 {add = true} : memref<8x4096xf32, #tpu.memory_space<vmem>>[vector<16xi32>, vector<16xi32>], vector<16xf32>,
        %while3A_788 = arith.constant 0 : i32
        scf.yield %while3A_788 : i32
      }
      %while3A_561 = arith.constant 1 : i32
      %while3A_562 = scf.for %while3A_747 = %while3A_558 to %while3A_554 step %while3A_561 iter_args(%while3A_748 = %while3A_560) -> (i32)  : i32 {
        %mul3A_749 = arith.constant 16 : i32
        %mul3A_750 = arith.muli %while3A_747, %mul3A_749 : i32
        %get3A_751 = arith.index_cast %mul3A_750 : i32 to index
        %get3A_752 = tpu.vector_load %arg15[%get3A_751] {strides = array<i32>} : memref<2048xi32, #tpu.memory_space<vmem>>, vector<16xi32>,
        %mul3A_753 = arith.constant 16 : i32
        %mul3A_754 = arith.muli %while3A_747, %mul3A_753 : i32
        %get3A_755 = arith.index_cast %mul3A_754 : i32 to index
        %get3A_756 = tpu.vector_load %arg18[%get3A_755] {strides = array<i32>} : memref<2048xf32, #tpu.memory_space<vmem>>, vector<16xf32>,
        %sub3A_757 = vector.broadcast %multiple_of3A_474 : i32 to vector<16xi32>
        %sub3A_758 = arith.subi %get3A_752, %sub3A_757 : vector<16xi32>
        %iota3A_759 = tpu.iota {dimensions = array<i32: 0>} : vector<16xi32>
        %mul3A_760 = arith.constant 16 : i32
        %mul3A_761 = arith.muli %while3A_747, %mul3A_760 : i32
        %add3A_762 = vector.broadcast %mul3A_761 : i32 to vector<16xi32>
        %add3A_763 = arith.addi %iota3A_759, %add3A_762 : vector<16xi32>
        %ge3A_764 = arith.constant 0 : i32
        %ge3A_765 = vector.broadcast %ge3A_764 : i32 to vector<16xi32>
        %ge3A_766 = arith.cmpi sge, %sub3A_758, %ge3A_765 : vector<16xi32>
        %lt3A_767 = arith.constant 32768 : i32
        %lt3A_768 = vector.broadcast %lt3A_767 : i32 to vector<16xi32>
        %lt3A_769 = arith.cmpi slt, %sub3A_758, %lt3A_768 : vector<16xi32>
        %and3A_770 = arith.andi %ge3A_766, %lt3A_769 : vector<16xi1>
        %ge3A_771 = vector.broadcast %sub3A_485 : i32 to vector<16xi32>
        %ge3A_772 = arith.cmpi sge, %add3A_763, %ge3A_771 : vector<16xi32>
        %and3A_773 = arith.andi %and3A_770, %ge3A_772 : vector<16xi1>
        %max3A_774 = arith.constant 0 : i32
        %max3A_775 = vector.broadcast %max3A_774 : i32 to vector<16xi32>
        %max3A_776 = arith.maxsi %sub3A_758, %max3A_775 : vector<16xi32>
        %min3A_777 = arith.constant 32767 : i32
        %min3A_778 = vector.broadcast %min3A_777 : i32 to vector<16xi32>
        %min3A_779 = arith.minsi %max3A_776, %min3A_778 : vector<16xi32>
        %shift_right_arithmetic3A = arith.constant 12 : i32
        %shift_right_arithmetic3A_780 = vector.broadcast %shift_right_arithmetic3A : i32 to vector<16xi32>
        %shift_right_arithmetic3A_781 = arith.shrsi %min3A_779, %shift_right_arithmetic3A_780 : vector<16xi32>
        %and3A_782 = arith.constant 4095 : i32
        %and3A_783 = vector.broadcast %and3A_782 : i32 to vector<16xi32>
        %and3A_784 = arith.andi %min3A_779, %and3A_783 : vector<16xi32>
        %jit3A_785 = arith.constant 0.000000e+00 : f32
        %broadcast_in_dim3A_786 = vector.broadcast %jit3A_785 : f32 to vector<16xf32>
        %select_n3A_787 = arith.select %and3A_773, %get3A_756, %broadcast_in_dim3A_786 : vector<16xi1>, vector<16xf32>
        tpu.vector_store_idx %arg12[%shift_right_arithmetic3A_781, %and3A_784], %select_n3A_787 {add = true} : memref<8x4096xf32, #tpu.memory_space<vmem>>[vector<16xi32>, vector<16xi32>], vector<16xf32>,
        %while3A_788 = arith.constant 0 : i32
        scf.yield %while3A_788 : i32
      }
      %while3A_563 = arith.constant 1 : i32
      %while3A_564 = arith.constant 0 : i32
      %while3A_565 = arith.subi %select_n3A_519, %while3A_563 : i32
      %while3A_566 = arith.addi %while3A_563, %while3A_565 : i32
      %while3A_567 = arith.constant 1 : i32
      %while3A_568 = arith.divsi %while3A_565, %while3A_567 : i32
      %while3A_569 = arith.muli %while3A_568, %while3A_567 : i32
      %while3A_570 = arith.addi %while3A_563, %while3A_569 : i32
      %while3A_571 = arith.constant 1 : i32
      %while3A_572 = scf.for %while3A_747 = %while3A_563 to %while3A_570 step %while3A_571 iter_args(%while3A_748 = %while3A_564) -> (i32)  : i32 {
        %mul3A_749 = arith.constant 2048 : i32
        %mul3A_750 = arith.muli %while3A_747, %mul3A_749 : i32
        %add3A_751 = arith.addi %multiple_of3A_484, %mul3A_750 : i32
        %min3A_752 = arith.constant 522240 : i32
        %min3A_753 = arith.minsi %add3A_751, %min3A_752 : i32
        %multiple_of3A_754 = tpu.assume_multiple %min3A_753, 8 : i32
        "tpu.region"() ({
          %run_scoped3A = tpu.sem_alloc : memref<!tpu.dma_semaphore, #tpu.memory_space<semaphore_mem>>
          %dma_start3A_800 = tpu.memref_slice %arg3[%multiple_of3A_754] : memref<524288xi32, #tpu.memory_space<hbm>> -> memref<2048xi32, #tpu.memory_space<hbm>>
          %dma_start3A_801 = tpu.memref_slice %arg3[%multiple_of3A_754] : memref<524288xi32, #tpu.memory_space<hbm>> -> memref<2048xi32, #tpu.memory_space<hbm>>
          tpu.enqueue_dma source(%dma_start3A_801 : memref<2048xi32, #tpu.memory_space<hbm>>) target(%arg15 : memref<2048xi32, #tpu.memory_space<vmem>>) target_semaphore(%run_scoped3A : memref<!tpu.dma_semaphore, #tpu.memory_space<semaphore_mem>>)
          %dma_wait3A_802 = tpu.memref_slice %arg3[%multiple_of3A_754] : memref<524288xi32, #tpu.memory_space<hbm>> -> memref<2048xi32, #tpu.memory_space<hbm>>
          %dma_wait3A_803 = tpu.memref_slice %arg3[%multiple_of3A_754] : memref<524288xi32, #tpu.memory_space<hbm>> -> memref<2048xi32, #tpu.memory_space<hbm>>
          tpu.wait_dma2 semaphore(%run_scoped3A : memref<!tpu.dma_semaphore, #tpu.memory_space<semaphore_mem>>) src(%dma_wait3A_803 : memref<2048xi32, #tpu.memory_space<hbm>>) dst(%arg15 : memref<2048xi32, #tpu.memory_space<vmem>>)
          tpu.yield
        }) : () -> ()
        "tpu.region"() ({
          %run_scoped3A = tpu.sem_alloc : memref<!tpu.dma_semaphore, #tpu.memory_space<semaphore_mem>>
          %dma_start3A_800 = tpu.memref_slice %arg4[%multiple_of3A_754] : memref<524288xf32, #tpu.memory_space<hbm>> -> memref<2048xf32, #tpu.memory_space<hbm>>
          %dma_start3A_801 = tpu.memref_slice %arg4[%multiple_of3A_754] : memref<524288xf32, #tpu.memory_space<hbm>> -> memref<2048xf32, #tpu.memory_space<hbm>>
          tpu.enqueue_dma source(%dma_start3A_801 : memref<2048xf32, #tpu.memory_space<hbm>>) target(%arg18 : memref<2048xf32, #tpu.memory_space<vmem>>) target_semaphore(%run_scoped3A : memref<!tpu.dma_semaphore, #tpu.memory_space<semaphore_mem>>)
          %dma_wait3A_802 = tpu.memref_slice %arg4[%multiple_of3A_754] : memref<524288xf32, #tpu.memory_space<hbm>> -> memref<2048xf32, #tpu.memory_space<hbm>>
          %dma_wait3A_803 = tpu.memref_slice %arg4[%multiple_of3A_754] : memref<524288xf32, #tpu.memory_space<hbm>> -> memref<2048xf32, #tpu.memory_space<hbm>>
          tpu.wait_dma2 semaphore(%run_scoped3A : memref<!tpu.dma_semaphore, #tpu.memory_space<semaphore_mem>>) src(%dma_wait3A_803 : memref<2048xf32, #tpu.memory_space<hbm>>) dst(%arg18 : memref<2048xf32, #tpu.memory_space<vmem>>)
          tpu.yield
        }) : () -> ()
        %sub3A_755 = arith.subi %add3A_751, %multiple_of3A_754 : i32
        %sub3A_756 = arith.subi %squeeze3A_492, %multiple_of3A_754 : i32
        %add3A_757 = arith.constant 15 : i32
        %add3A_758 = arith.addi %sub3A_756, %add3A_757 : i32
        %jit3A_759 = arith.constant 16 : i32
        %div3A_760 = arith.divsi %add3A_758, %jit3A_759 : i32
        %sign3A_761 = arith.constant 0 : i32
        %sign3A_762 = arith.cmpi sgt, %add3A_758, %sign3A_761 : i32
        %sign3A_763 = arith.extui %sign3A_762 : i1 to i32
        %sign3A_764 = arith.constant 0 : i32
        %sign3A_765 = arith.cmpi slt, %add3A_758, %sign3A_764 : i32
        %sign3A_766 = arith.extui %sign3A_765 : i1 to i32
        %sign3A_767 = arith.subi %sign3A_763, %sign3A_766 : i32
        %sign3A_768 = arith.constant 0 : i32
        %sign3A_769 = arith.cmpi sgt, %jit3A_759, %sign3A_768 : i32
        %sign3A_770 = arith.extui %sign3A_769 : i1 to i32
        %sign3A_771 = arith.constant 0 : i32
        %sign3A_772 = arith.cmpi slt, %jit3A_759, %sign3A_771 : i32
        %sign3A_773 = arith.extui %sign3A_772 : i1 to i32
        %sign3A_774 = arith.subi %sign3A_770, %sign3A_773 : i32
        %ne3A_775 = arith.cmpi ne, %sign3A_767, %sign3A_774 : i32
        %rem3A_776 = arith.remsi %add3A_758, %jit3A_759 : i32
        %ne3A_777 = arith.constant 0 : i32
        %ne3A_778 = arith.cmpi ne, %rem3A_776, %ne3A_777 : i32
        %and3A_779 = arith.andi %ne3A_775, %ne3A_778 : i1
        %sub3A_780 = arith.constant 1 : i32
        %sub3A_781 = arith.subi %div3A_760, %sub3A_780 : i32
        %select_n3A_782 = arith.select %and3A_779, %sub3A_781, %div3A_760 : i32
        %jit3A_783 = arith.constant 0 : i32
        %jit3A_784 = arith.constant 128 : i32
        %max3A_785 = arith.maxsi %jit3A_783, %select_n3A_782 : i32
        %min3A_786 = arith.minsi %jit3A_784, %max3A_785 : i32
        %while3A_787 = arith.constant 0 : i32
        %while3A_788 = arith.constant 0 : i32
        %while3A_789 = arith.subi %min3A_786, %while3A_787 : i32
        %while3A_790 = arith.addi %while3A_787, %while3A_789 : i32
        %while3A_791 = arith.constant 1 : i32
        %while3A_792 = arith.divsi %while3A_789, %while3A_791 : i32
        %while3A_793 = arith.muli %while3A_792, %while3A_791 : i32
        %while3A_794 = arith.addi %while3A_787, %while3A_793 : i32
        %while3A_795 = arith.constant 1 : i32
        %while3A_796 = scf.for %while3A_800 = %while3A_787 to %while3A_794 step %while3A_795 iter_args(%while3A_801 = %while3A_788) -> (i32)  : i32 {
          %mul3A_802 = arith.constant 16 : i32
          %mul3A_803 = arith.muli %while3A_800, %mul3A_802 : i32
          %get3A_804 = arith.index_cast %mul3A_803 : i32 to index
          %get3A_805 = tpu.vector_load %arg15[%get3A_804] {strides = array<i32>} : memref<2048xi32, #tpu.memory_space<vmem>>, vector<16xi32>,
          %mul3A_806 = arith.constant 16 : i32
          %mul3A_807 = arith.muli %while3A_800, %mul3A_806 : i32
          %get3A_808 = arith.index_cast %mul3A_807 : i32 to index
          %get3A_809 = tpu.vector_load %arg18[%get3A_808] {strides = array<i32>} : memref<2048xf32, #tpu.memory_space<vmem>>, vector<16xf32>,
          %sub3A_810 = vector.broadcast %multiple_of3A_474 : i32 to vector<16xi32>
          %sub3A_811 = arith.subi %get3A_805, %sub3A_810 : vector<16xi32>
          %iota3A_812 = tpu.iota {dimensions = array<i32: 0>} : vector<16xi32>
          %mul3A_813 = arith.constant 16 : i32
          %mul3A_814 = arith.muli %while3A_800, %mul3A_813 : i32
          %add3A_815 = vector.broadcast %mul3A_814 : i32 to vector<16xi32>
          %add3A_816 = arith.addi %iota3A_812, %add3A_815 : vector<16xi32>
          %ge3A_817 = arith.constant 0 : i32
          %ge3A_818 = vector.broadcast %ge3A_817 : i32 to vector<16xi32>
          %ge3A_819 = arith.cmpi sge, %sub3A_811, %ge3A_818 : vector<16xi32>
          %lt3A_820 = arith.constant 32768 : i32
          %lt3A_821 = vector.broadcast %lt3A_820 : i32 to vector<16xi32>
          %lt3A_822 = arith.cmpi slt, %sub3A_811, %lt3A_821 : vector<16xi32>
          %and3A_823 = arith.andi %ge3A_819, %lt3A_822 : vector<16xi1>
          %ge3A_824 = vector.broadcast %sub3A_755 : i32 to vector<16xi32>
          %ge3A_825 = arith.cmpi sge, %add3A_816, %ge3A_824 : vector<16xi32>
          %and3A_826 = arith.andi %and3A_823, %ge3A_825 : vector<16xi1>
          %max3A_827 = arith.constant 0 : i32
          %max3A_828 = vector.broadcast %max3A_827 : i32 to vector<16xi32>
          %max3A_829 = arith.maxsi %sub3A_811, %max3A_828 : vector<16xi32>
          %min3A_830 = arith.constant 32767 : i32
          %min3A_831 = vector.broadcast %min3A_830 : i32 to vector<16xi32>
          %min3A_832 = arith.minsi %max3A_829, %min3A_831 : vector<16xi32>
          %shift_right_arithmetic3A = arith.constant 12 : i32
          %shift_right_arithmetic3A_833 = vector.broadcast %shift_right_arithmetic3A : i32 to vector<16xi32>
          %shift_right_arithmetic3A_834 = arith.shrsi %min3A_832, %shift_right_arithmetic3A_833 : vector<16xi32>
          %and3A_835 = arith.constant 4095 : i32
          %and3A_836 = vector.broadcast %and3A_835 : i32 to vector<16xi32>
          %and3A_837 = arith.andi %min3A_832, %and3A_836 : vector<16xi32>
          %jit3A_838 = arith.constant 0.000000e+00 : f32
          %broadcast_in_dim3A_839 = vector.broadcast %jit3A_838 : f32 to vector<16xf32>
          %select_n3A_840 = arith.select %and3A_826, %get3A_809, %broadcast_in_dim3A_839 : vector<16xi1>, vector<16xf32>
          tpu.vector_store_idx %arg12[%shift_right_arithmetic3A_834, %and3A_837], %select_n3A_840 {add = true} : memref<8x4096xf32, #tpu.memory_space<vmem>>[vector<16xi32>, vector<16xi32>], vector<16xf32>,
          %while3A_841 = arith.constant 0 : i32
          scf.yield %while3A_841 : i32
        }
        %while3A_797 = arith.constant 1 : i32
        %while3A_798 = scf.for %while3A_800 = %while3A_794 to %while3A_790 step %while3A_797 iter_args(%while3A_801 = %while3A_796) -> (i32)  : i32 {
          %mul3A_802 = arith.constant 16 : i32
          %mul3A_803 = arith.muli %while3A_800, %mul3A_802 : i32
          %get3A_804 = arith.index_cast %mul3A_803 : i32 to index
          %get3A_805 = tpu.vector_load %arg15[%get3A_804] {strides = array<i32>} : memref<2048xi32, #tpu.memory_space<vmem>>, vector<16xi32>,
          %mul3A_806 = arith.constant 16 : i32
          %mul3A_807 = arith.muli %while3A_800, %mul3A_806 : i32
          %get3A_808 = arith.index_cast %mul3A_807 : i32 to index
          %get3A_809 = tpu.vector_load %arg18[%get3A_808] {strides = array<i32>} : memref<2048xf32, #tpu.memory_space<vmem>>, vector<16xf32>,
          %sub3A_810 = vector.broadcast %multiple_of3A_474 : i32 to vector<16xi32>
          %sub3A_811 = arith.subi %get3A_805, %sub3A_810 : vector<16xi32>
          %iota3A_812 = tpu.iota {dimensions = array<i32: 0>} : vector<16xi32>
          %mul3A_813 = arith.constant 16 : i32
          %mul3A_814 = arith.muli %while3A_800, %mul3A_813 : i32
          %add3A_815 = vector.broadcast %mul3A_814 : i32 to vector<16xi32>
          %add3A_816 = arith.addi %iota3A_812, %add3A_815 : vector<16xi32>
          %ge3A_817 = arith.constant 0 : i32
          %ge3A_818 = vector.broadcast %ge3A_817 : i32 to vector<16xi32>
          %ge3A_819 = arith.cmpi sge, %sub3A_811, %ge3A_818 : vector<16xi32>
          %lt3A_820 = arith.constant 32768 : i32
          %lt3A_821 = vector.broadcast %lt3A_820 : i32 to vector<16xi32>
          %lt3A_822 = arith.cmpi slt, %sub3A_811, %lt3A_821 : vector<16xi32>
          %and3A_823 = arith.andi %ge3A_819, %lt3A_822 : vector<16xi1>
          %ge3A_824 = vector.broadcast %sub3A_755 : i32 to vector<16xi32>
          %ge3A_825 = arith.cmpi sge, %add3A_816, %ge3A_824 : vector<16xi32>
          %and3A_826 = arith.andi %and3A_823, %ge3A_825 : vector<16xi1>
          %max3A_827 = arith.constant 0 : i32
          %max3A_828 = vector.broadcast %max3A_827 : i32 to vector<16xi32>
          %max3A_829 = arith.maxsi %sub3A_811, %max3A_828 : vector<16xi32>
          %min3A_830 = arith.constant 32767 : i32
          %min3A_831 = vector.broadcast %min3A_830 : i32 to vector<16xi32>
          %min3A_832 = arith.minsi %max3A_829, %min3A_831 : vector<16xi32>
          %shift_right_arithmetic3A = arith.constant 12 : i32
          %shift_right_arithmetic3A_833 = vector.broadcast %shift_right_arithmetic3A : i32 to vector<16xi32>
          %shift_right_arithmetic3A_834 = arith.shrsi %min3A_832, %shift_right_arithmetic3A_833 : vector<16xi32>
          %and3A_835 = arith.constant 4095 : i32
          %and3A_836 = vector.broadcast %and3A_835 : i32 to vector<16xi32>
          %and3A_837 = arith.andi %min3A_832, %and3A_836 : vector<16xi32>
          %jit3A_838 = arith.constant 0.000000e+00 : f32
          %broadcast_in_dim3A_839 = vector.broadcast %jit3A_838 : f32 to vector<16xf32>
          %select_n3A_840 = arith.select %and3A_826, %get3A_809, %broadcast_in_dim3A_839 : vector<16xi1>, vector<16xf32>
          tpu.vector_store_idx %arg12[%shift_right_arithmetic3A_834, %and3A_837], %select_n3A_840 {add = true} : memref<8x4096xf32, #tpu.memory_space<vmem>>[vector<16xi32>, vector<16xi32>], vector<16xf32>,
          %while3A_841 = arith.constant 0 : i32
          scf.yield %while3A_841 : i32
        }
        %while3A_799 = arith.constant 0 : i32
        scf.yield %while3A_799 : i32
      }
      %while3A_573 = arith.constant 1 : i32
      %while3A_574 = scf.for %while3A_747 = %while3A_570 to %while3A_566 step %while3A_573 iter_args(%while3A_748 = %while3A_572) -> (i32)  : i32 {
        %mul3A_749 = arith.constant 2048 : i32
        %mul3A_750 = arith.muli %while3A_747, %mul3A_749 : i32
        %add3A_751 = arith.addi %multiple_of3A_484, %mul3A_750 : i32
        %min3A_752 = arith.constant 522240 : i32
        %min3A_753 = arith.minsi %add3A_751, %min3A_752 : i32
        %multiple_of3A_754 = tpu.assume_multiple %min3A_753, 8 : i32
        "tpu.region"() ({
          %run_scoped3A = tpu.sem_alloc : memref<!tpu.dma_semaphore, #tpu.memory_space<semaphore_mem>>
          %dma_start3A_800 = tpu.memref_slice %arg3[%multiple_of3A_754] : memref<524288xi32, #tpu.memory_space<hbm>> -> memref<2048xi32, #tpu.memory_space<hbm>>
          %dma_start3A_801 = tpu.memref_slice %arg3[%multiple_of3A_754] : memref<524288xi32, #tpu.memory_space<hbm>> -> memref<2048xi32, #tpu.memory_space<hbm>>
          tpu.enqueue_dma source(%dma_start3A_801 : memref<2048xi32, #tpu.memory_space<hbm>>) target(%arg15 : memref<2048xi32, #tpu.memory_space<vmem>>) target_semaphore(%run_scoped3A : memref<!tpu.dma_semaphore, #tpu.memory_space<semaphore_mem>>)
          %dma_wait3A_802 = tpu.memref_slice %arg3[%multiple_of3A_754] : memref<524288xi32, #tpu.memory_space<hbm>> -> memref<2048xi32, #tpu.memory_space<hbm>>
          %dma_wait3A_803 = tpu.memref_slice %arg3[%multiple_of3A_754] : memref<524288xi32, #tpu.memory_space<hbm>> -> memref<2048xi32, #tpu.memory_space<hbm>>
          tpu.wait_dma2 semaphore(%run_scoped3A : memref<!tpu.dma_semaphore, #tpu.memory_space<semaphore_mem>>) src(%dma_wait3A_803 : memref<2048xi32, #tpu.memory_space<hbm>>) dst(%arg15 : memref<2048xi32, #tpu.memory_space<vmem>>)
          tpu.yield
        }) : () -> ()
        "tpu.region"() ({
          %run_scoped3A = tpu.sem_alloc : memref<!tpu.dma_semaphore, #tpu.memory_space<semaphore_mem>>
          %dma_start3A_800 = tpu.memref_slice %arg4[%multiple_of3A_754] : memref<524288xf32, #tpu.memory_space<hbm>> -> memref<2048xf32, #tpu.memory_space<hbm>>
          %dma_start3A_801 = tpu.memref_slice %arg4[%multiple_of3A_754] : memref<524288xf32, #tpu.memory_space<hbm>> -> memref<2048xf32, #tpu.memory_space<hbm>>
          tpu.enqueue_dma source(%dma_start3A_801 : memref<2048xf32, #tpu.memory_space<hbm>>) target(%arg18 : memref<2048xf32, #tpu.memory_space<vmem>>) target_semaphore(%run_scoped3A : memref<!tpu.dma_semaphore, #tpu.memory_space<semaphore_mem>>)
          %dma_wait3A_802 = tpu.memref_slice %arg4[%multiple_of3A_754] : memref<524288xf32, #tpu.memory_space<hbm>> -> memref<2048xf32, #tpu.memory_space<hbm>>
          %dma_wait3A_803 = tpu.memref_slice %arg4[%multiple_of3A_754] : memref<524288xf32, #tpu.memory_space<hbm>> -> memref<2048xf32, #tpu.memory_space<hbm>>
          tpu.wait_dma2 semaphore(%run_scoped3A : memref<!tpu.dma_semaphore, #tpu.memory_space<semaphore_mem>>) src(%dma_wait3A_803 : memref<2048xf32, #tpu.memory_space<hbm>>) dst(%arg18 : memref<2048xf32, #tpu.memory_space<vmem>>)
          tpu.yield
        }) : () -> ()
        %sub3A_755 = arith.subi %add3A_751, %multiple_of3A_754 : i32
        %sub3A_756 = arith.subi %squeeze3A_492, %multiple_of3A_754 : i32
        %add3A_757 = arith.constant 15 : i32
        %add3A_758 = arith.addi %sub3A_756, %add3A_757 : i32
        %jit3A_759 = arith.constant 16 : i32
        %div3A_760 = arith.divsi %add3A_758, %jit3A_759 : i32
        %sign3A_761 = arith.constant 0 : i32
        %sign3A_762 = arith.cmpi sgt, %add3A_758, %sign3A_761 : i32
        %sign3A_763 = arith.extui %sign3A_762 : i1 to i32
        %sign3A_764 = arith.constant 0 : i32
        %sign3A_765 = arith.cmpi slt, %add3A_758, %sign3A_764 : i32
        %sign3A_766 = arith.extui %sign3A_765 : i1 to i32
        %sign3A_767 = arith.subi %sign3A_763, %sign3A_766 : i32
        %sign3A_768 = arith.constant 0 : i32
        %sign3A_769 = arith.cmpi sgt, %jit3A_759, %sign3A_768 : i32
        %sign3A_770 = arith.extui %sign3A_769 : i1 to i32
        %sign3A_771 = arith.constant 0 : i32
        %sign3A_772 = arith.cmpi slt, %jit3A_759, %sign3A_771 : i32
        %sign3A_773 = arith.extui %sign3A_772 : i1 to i32
        %sign3A_774 = arith.subi %sign3A_770, %sign3A_773 : i32
        %ne3A_775 = arith.cmpi ne, %sign3A_767, %sign3A_774 : i32
        %rem3A_776 = arith.remsi %add3A_758, %jit3A_759 : i32
        %ne3A_777 = arith.constant 0 : i32
        %ne3A_778 = arith.cmpi ne, %rem3A_776, %ne3A_777 : i32
        %and3A_779 = arith.andi %ne3A_775, %ne3A_778 : i1
        %sub3A_780 = arith.constant 1 : i32
        %sub3A_781 = arith.subi %div3A_760, %sub3A_780 : i32
        %select_n3A_782 = arith.select %and3A_779, %sub3A_781, %div3A_760 : i32
        %jit3A_783 = arith.constant 0 : i32
        %jit3A_784 = arith.constant 128 : i32
        %max3A_785 = arith.maxsi %jit3A_783, %select_n3A_782 : i32
        %min3A_786 = arith.minsi %jit3A_784, %max3A_785 : i32
        %while3A_787 = arith.constant 0 : i32
        %while3A_788 = arith.constant 0 : i32
        %while3A_789 = arith.subi %min3A_786, %while3A_787 : i32
        %while3A_790 = arith.addi %while3A_787, %while3A_789 : i32
        %while3A_791 = arith.constant 1 : i32
        %while3A_792 = arith.divsi %while3A_789, %while3A_791 : i32
        %while3A_793 = arith.muli %while3A_792, %while3A_791 : i32
        %while3A_794 = arith.addi %while3A_787, %while3A_793 : i32
        %while3A_795 = arith.constant 1 : i32
        %while3A_796 = scf.for %while3A_800 = %while3A_787 to %while3A_794 step %while3A_795 iter_args(%while3A_801 = %while3A_788) -> (i32)  : i32 {
          %mul3A_802 = arith.constant 16 : i32
          %mul3A_803 = arith.muli %while3A_800, %mul3A_802 : i32
          %get3A_804 = arith.index_cast %mul3A_803 : i32 to index
          %get3A_805 = tpu.vector_load %arg15[%get3A_804] {strides = array<i32>} : memref<2048xi32, #tpu.memory_space<vmem>>, vector<16xi32>,
          %mul3A_806 = arith.constant 16 : i32
          %mul3A_807 = arith.muli %while3A_800, %mul3A_806 : i32
          %get3A_808 = arith.index_cast %mul3A_807 : i32 to index
          %get3A_809 = tpu.vector_load %arg18[%get3A_808] {strides = array<i32>} : memref<2048xf32, #tpu.memory_space<vmem>>, vector<16xf32>,
          %sub3A_810 = vector.broadcast %multiple_of3A_474 : i32 to vector<16xi32>
          %sub3A_811 = arith.subi %get3A_805, %sub3A_810 : vector<16xi32>
          %iota3A_812 = tpu.iota {dimensions = array<i32: 0>} : vector<16xi32>
          %mul3A_813 = arith.constant 16 : i32
          %mul3A_814 = arith.muli %while3A_800, %mul3A_813 : i32
          %add3A_815 = vector.broadcast %mul3A_814 : i32 to vector<16xi32>
          %add3A_816 = arith.addi %iota3A_812, %add3A_815 : vector<16xi32>
          %ge3A_817 = arith.constant 0 : i32
          %ge3A_818 = vector.broadcast %ge3A_817 : i32 to vector<16xi32>
          %ge3A_819 = arith.cmpi sge, %sub3A_811, %ge3A_818 : vector<16xi32>
          %lt3A_820 = arith.constant 32768 : i32
          %lt3A_821 = vector.broadcast %lt3A_820 : i32 to vector<16xi32>
          %lt3A_822 = arith.cmpi slt, %sub3A_811, %lt3A_821 : vector<16xi32>
          %and3A_823 = arith.andi %ge3A_819, %lt3A_822 : vector<16xi1>
          %ge3A_824 = vector.broadcast %sub3A_755 : i32 to vector<16xi32>
          %ge3A_825 = arith.cmpi sge, %add3A_816, %ge3A_824 : vector<16xi32>
          %and3A_826 = arith.andi %and3A_823, %ge3A_825 : vector<16xi1>
          %max3A_827 = arith.constant 0 : i32
          %max3A_828 = vector.broadcast %max3A_827 : i32 to vector<16xi32>
          %max3A_829 = arith.maxsi %sub3A_811, %max3A_828 : vector<16xi32>
          %min3A_830 = arith.constant 32767 : i32
          %min3A_831 = vector.broadcast %min3A_830 : i32 to vector<16xi32>
          %min3A_832 = arith.minsi %max3A_829, %min3A_831 : vector<16xi32>
          %shift_right_arithmetic3A = arith.constant 12 : i32
          %shift_right_arithmetic3A_833 = vector.broadcast %shift_right_arithmetic3A : i32 to vector<16xi32>
          %shift_right_arithmetic3A_834 = arith.shrsi %min3A_832, %shift_right_arithmetic3A_833 : vector<16xi32>
          %and3A_835 = arith.constant 4095 : i32
          %and3A_836 = vector.broadcast %and3A_835 : i32 to vector<16xi32>
          %and3A_837 = arith.andi %min3A_832, %and3A_836 : vector<16xi32>
          %jit3A_838 = arith.constant 0.000000e+00 : f32
          %broadcast_in_dim3A_839 = vector.broadcast %jit3A_838 : f32 to vector<16xf32>
          %select_n3A_840 = arith.select %and3A_826, %get3A_809, %broadcast_in_dim3A_839 : vector<16xi1>, vector<16xf32>
          tpu.vector_store_idx %arg12[%shift_right_arithmetic3A_834, %and3A_837], %select_n3A_840 {add = true} : memref<8x4096xf32, #tpu.memory_space<vmem>>[vector<16xi32>, vector<16xi32>], vector<16xf32>,
          %while3A_841 = arith.constant 0 : i32
          scf.yield %while3A_841 : i32
        }
        %while3A_797 = arith.constant 1 : i32
        %while3A_798 = scf.for %while3A_800 = %while3A_794 to %while3A_790 step %while3A_797 iter_args(%while3A_801 = %while3A_796) -> (i32)  : i32 {
          %mul3A_802 = arith.constant 16 : i32
          %mul3A_803 = arith.muli %while3A_800, %mul3A_802 : i32
          %get3A_804 = arith.index_cast %mul3A_803 : i32 to index
          %get3A_805 = tpu.vector_load %arg15[%get3A_804] {strides = array<i32>} : memref<2048xi32, #tpu.memory_space<vmem>>, vector<16xi32>,
          %mul3A_806 = arith.constant 16 : i32
          %mul3A_807 = arith.muli %while3A_800, %mul3A_806 : i32
          %get3A_808 = arith.index_cast %mul3A_807 : i32 to index
          %get3A_809 = tpu.vector_load %arg18[%get3A_808] {strides = array<i32>} : memref<2048xf32, #tpu.memory_space<vmem>>, vector<16xf32>,
          %sub3A_810 = vector.broadcast %multiple_of3A_474 : i32 to vector<16xi32>
          %sub3A_811 = arith.subi %get3A_805, %sub3A_810 : vector<16xi32>
          %iota3A_812 = tpu.iota {dimensions = array<i32: 0>} : vector<16xi32>
          %mul3A_813 = arith.constant 16 : i32
          %mul3A_814 = arith.muli %while3A_800, %mul3A_813 : i32
          %add3A_815 = vector.broadcast %mul3A_814 : i32 to vector<16xi32>
          %add3A_816 = arith.addi %iota3A_812, %add3A_815 : vector<16xi32>
          %ge3A_817 = arith.constant 0 : i32
          %ge3A_818 = vector.broadcast %ge3A_817 : i32 to vector<16xi32>
          %ge3A_819 = arith.cmpi sge, %sub3A_811, %ge3A_818 : vector<16xi32>
          %lt3A_820 = arith.constant 32768 : i32
          %lt3A_821 = vector.broadcast %lt3A_820 : i32 to vector<16xi32>
          %lt3A_822 = arith.cmpi slt, %sub3A_811, %lt3A_821 : vector<16xi32>
          %and3A_823 = arith.andi %ge3A_819, %lt3A_822 : vector<16xi1>
          %ge3A_824 = vector.broadcast %sub3A_755 : i32 to vector<16xi32>
          %ge3A_825 = arith.cmpi sge, %add3A_816, %ge3A_824 : vector<16xi32>
          %and3A_826 = arith.andi %and3A_823, %ge3A_825 : vector<16xi1>
          %max3A_827 = arith.constant 0 : i32
          %max3A_828 = vector.broadcast %max3A_827 : i32 to vector<16xi32>
          %max3A_829 = arith.maxsi %sub3A_811, %max3A_828 : vector<16xi32>
          %min3A_830 = arith.constant 32767 : i32
          %min3A_831 = vector.broadcast %min3A_830 : i32 to vector<16xi32>
          %min3A_832 = arith.minsi %max3A_829, %min3A_831 : vector<16xi32>
          %shift_right_arithmetic3A = arith.constant 12 : i32
          %shift_right_arithmetic3A_833 = vector.broadcast %shift_right_arithmetic3A : i32 to vector<16xi32>
          %shift_right_arithmetic3A_834 = arith.shrsi %min3A_832, %shift_right_arithmetic3A_833 : vector<16xi32>
          %and3A_835 = arith.constant 4095 : i32
          %and3A_836 = vector.broadcast %and3A_835 : i32 to vector<16xi32>
          %and3A_837 = arith.andi %min3A_832, %and3A_836 : vector<16xi32>
          %jit3A_838 = arith.constant 0.000000e+00 : f32
          %broadcast_in_dim3A_839 = vector.broadcast %jit3A_838 : f32 to vector<16xf32>
          %select_n3A_840 = arith.select %and3A_826, %get3A_809, %broadcast_in_dim3A_839 : vector<16xi1>, vector<16xf32>
          tpu.vector_store_idx %arg12[%shift_right_arithmetic3A_834, %and3A_837], %select_n3A_840 {add = true} : memref<8x4096xf32, #tpu.memory_space<vmem>>[vector<16xi32>, vector<16xi32>], vector<16xf32>,
          %while3A_841 = arith.constant 0 : i32
          scf.yield %while3A_841 : i32
        }
        %while3A_799 = arith.constant 0 : i32
        scf.yield %while3A_799 : i32
      }
      %add3A_575 = arith.addi %mul3A_2, %add3A_429 : i32
      %dma_start3A_576 = tpu.memref_reshape %arg5 : memref<4096x4096xf32, #tpu.memory_space<hbm>> -> memref<512x8x4096xf32, #tpu.memory_space<hbm>>
      %dma_start3A_577 = arith.constant 0 : i32
      %dma_start3A_578 = arith.constant 0 : i32
      %dma_start3A_579 = tpu.memref_slice %dma_start3A_576[%add3A_575, %dma_start3A_577, %dma_start3A_578] : memref<512x8x4096xf32, #tpu.memory_space<hbm>> -> memref<1x8x4096xf32, #tpu.memory_space<hbm>>
      %dma_start3A_580 = tpu.memref_squeeze %dma_start3A_579 : memref<1x8x4096xf32, #tpu.memory_space<hbm>> -> memref<8x4096xf32, #tpu.memory_space<hbm>>
      %dma_start3A_581 = tpu.memref_reshape %arg5 : memref<4096x4096xf32, #tpu.memory_space<hbm>> -> memref<512x8x4096xf32, #tpu.memory_space<hbm>>
      %dma_start3A_582 = arith.constant 0 : i32
      %dma_start3A_583 = arith.constant 0 : i32
      %dma_start3A_584 = tpu.memref_slice %dma_start3A_581[%add3A_575, %dma_start3A_582, %dma_start3A_583] : memref<512x8x4096xf32, #tpu.memory_space<hbm>> -> memref<1x8x4096xf32, #tpu.memory_space<hbm>>
      %dma_start3A_585 = tpu.memref_squeeze %dma_start3A_584 : memref<1x8x4096xf32, #tpu.memory_space<hbm>> -> memref<8x4096xf32, #tpu.memory_space<hbm>>
      tpu.enqueue_dma source(%arg12 : memref<8x4096xf32, #tpu.memory_space<vmem>>) target(%dma_start3A_585 : memref<8x4096xf32, #tpu.memory_space<hbm>>) target_semaphore(%arg24 : memref<!tpu.dma_semaphore, #tpu.memory_space<semaphore_mem>>)
      %mul3A_586 = arith.constant 3 : i32
      %mul3A_587 = arith.muli %scan3A_268, %mul3A_586 : i32
      %add3A_588 = arith.constant 2 : i32
      %add3A_589 = arith.addi %mul3A_587, %add3A_588 : i32
      %ge3A_590 = arith.constant 2 : i32
      %ge3A_591 = arith.cmpi sge, %add3A_589, %ge3A_590 : i32
      %convert_element_type3A_592 = arith.extui %ge3A_591 : i1 to i32
      %cond3A_593 = arith.constant 0 : i32
      %cond3A_594 = arith.cmpi ne, %convert_element_type3A_592, %cond3A_593 : i32
      scf.if %cond3A_594 {
        %dma_wait3A_747 = arith.constant 0 : i32
        %dma_wait3A_748 = tpu.memref_reshape %arg5 : memref<4096x4096xf32, #tpu.memory_space<hbm>> -> memref<512x8x4096xf32, #tpu.memory_space<hbm>>
        %dma_wait3A_749 = arith.constant 0 : i32
        %dma_wait3A_750 = arith.constant 0 : i32
        %dma_wait3A_751 = tpu.memref_slice %dma_wait3A_748[%dma_wait3A_747, %dma_wait3A_749, %dma_wait3A_750] : memref<512x8x4096xf32, #tpu.memory_space<hbm>> -> memref<1x8x4096xf32, #tpu.memory_space<hbm>>
        %dma_wait3A_752 = tpu.memref_squeeze %dma_wait3A_751 : memref<1x8x4096xf32, #tpu.memory_space<hbm>> -> memref<8x4096xf32, #tpu.memory_space<hbm>>
        %dma_wait3A_753 = tpu.memref_reshape %arg5 : memref<4096x4096xf32, #tpu.memory_space<hbm>> -> memref<512x8x4096xf32, #tpu.memory_space<hbm>>
        %dma_wait3A_754 = arith.constant 0 : i32
        %dma_wait3A_755 = arith.constant 0 : i32
        %dma_wait3A_756 = tpu.memref_slice %dma_wait3A_753[%dma_wait3A_747, %dma_wait3A_754, %dma_wait3A_755] : memref<512x8x4096xf32, #tpu.memory_space<hbm>> -> memref<1x8x4096xf32, #tpu.memory_space<hbm>>
        %dma_wait3A_757 = tpu.memref_squeeze %dma_wait3A_756 : memref<1x8x4096xf32, #tpu.memory_space<hbm>> -> memref<8x4096xf32, #tpu.memory_space<hbm>>
        tpu.wait_dma2 semaphore(%arg23 : memref<!tpu.dma_semaphore, #tpu.memory_space<semaphore_mem>>) src(%arg11 : memref<8x4096xf32, #tpu.memory_space<vmem>>) dst(%dma_wait3A_757 : memref<8x4096xf32, #tpu.memory_space<hbm>>)
      } else {
      }
      %ge3A_595 = arith.constant 2 : i32
      %ge3A_596 = arith.cmpi sge, %add3A_589, %ge3A_595 : i32
      %add3A_597 = arith.constant 1 : i32
      %add3A_598 = arith.addi %add3A_589, %add3A_597 : i32
      %lt3A_599 = arith.constant 16 : i32
      %lt3A_600 = arith.cmpi slt, %add3A_598, %lt3A_599 : i32
      %and3A_601 = arith.andi %ge3A_596, %lt3A_600 : i1
      %convert_element_type3A_602 = arith.extui %and3A_601 : i1 to i32
      %cond3A_603 = arith.constant 0 : i32
      %cond3A_604 = arith.cmpi ne, %convert_element_type3A_602, %cond3A_603 : i32
      scf.if %cond3A_604 {
        %add3A_747 = arith.constant 1 : i32
        %add3A_748 = arith.addi %add3A_589, %add3A_747 : i32
        %add3A_749 = arith.addi %mul3A_2, %add3A_748 : i32
        %dma_start3A_750 = tpu.memref_reshape %arg2 : memref<4096x4096xf32, #tpu.memory_space<hbm>> -> memref<512x8x4096xf32, #tpu.memory_space<hbm>>
        %dma_start3A_751 = arith.constant 0 : i32
        %dma_start3A_752 = arith.constant 0 : i32
        %dma_start3A_753 = tpu.memref_slice %dma_start3A_750[%add3A_749, %dma_start3A_751, %dma_start3A_752] : memref<512x8x4096xf32, #tpu.memory_space<hbm>> -> memref<1x8x4096xf32, #tpu.memory_space<hbm>>
        %dma_start3A_754 = tpu.memref_squeeze %dma_start3A_753 : memref<1x8x4096xf32, #tpu.memory_space<hbm>> -> memref<8x4096xf32, #tpu.memory_space<hbm>>
        %dma_start3A_755 = tpu.memref_reshape %arg2 : memref<4096x4096xf32, #tpu.memory_space<hbm>> -> memref<512x8x4096xf32, #tpu.memory_space<hbm>>
        %dma_start3A_756 = arith.constant 0 : i32
        %dma_start3A_757 = arith.constant 0 : i32
        %dma_start3A_758 = tpu.memref_slice %dma_start3A_755[%add3A_749, %dma_start3A_756, %dma_start3A_757] : memref<512x8x4096xf32, #tpu.memory_space<hbm>> -> memref<1x8x4096xf32, #tpu.memory_space<hbm>>
        %dma_start3A_759 = tpu.memref_squeeze %dma_start3A_758 : memref<1x8x4096xf32, #tpu.memory_space<hbm>> -> memref<8x4096xf32, #tpu.memory_space<hbm>>
        tpu.enqueue_dma source(%dma_start3A_759 : memref<8x4096xf32, #tpu.memory_space<hbm>>) target(%arg11 : memref<8x4096xf32, #tpu.memory_space<vmem>>) target_semaphore(%arg20 : memref<!tpu.dma_semaphore, #tpu.memory_space<semaphore_mem>>)
      } else {
      }
      %add3A_605 = arith.constant 1 : i32
      %add3A_606 = arith.addi %add3A_589, %add3A_605 : i32
      %lt3A_607 = arith.constant 16 : i32
      %lt3A_608 = arith.cmpi slt, %add3A_606, %lt3A_607 : i32
      %convert_element_type3A_609 = arith.extui %lt3A_608 : i1 to i32
      %cond3A_610 = arith.constant 0 : i32
      %cond3A_611 = arith.cmpi ne, %convert_element_type3A_609, %cond3A_610 : i32
      scf.if %cond3A_611 {
        %add3A_747 = arith.constant 1 : i32
        %add3A_748 = arith.addi %add3A_589, %add3A_747 : i32
        %add3A_749 = arith.addi %mul3A_2, %add3A_748 : i32
        %get3A_750 = arith.index_cast %add3A_749 : i32 to index
        %get3A_751 = tpu.vector_load %arg6[%get3A_750] {strides = array<i32>} : memref<528xi32, #tpu.memory_space<vmem>>, vector<16xi32>,
        %slice3A_752 = vector.extract_strided_slice %get3A_751 {offsets = [0], sizes = [1], strides = [1]} : vector<16xi32> to vector<1xi32>
        %squeeze3A_753 = vector.extract %slice3A_752[0] : i32 from vector<1xi32>
        %and3A_754 = arith.constant -8 : i32
        %and3A_755 = arith.andi %squeeze3A_753, %and3A_754 : i32
        %min3A_756 = arith.constant 522240 : i32
        %min3A_757 = arith.minsi %and3A_755, %min3A_756 : i32
        %multiple_of3A_758 = tpu.assume_multiple %min3A_757, 8 : i32
        %sub3A_759 = arith.subi %and3A_755, %min3A_757 : i32
        %dma_start3A_760 = tpu.memref_slice %arg3[%multiple_of3A_758] : memref<524288xi32, #tpu.memory_space<hbm>> -> memref<2048xi32, #tpu.memory_space<hbm>>
        %dma_start3A_761 = tpu.memref_slice %arg3[%multiple_of3A_758] : memref<524288xi32, #tpu.memory_space<hbm>> -> memref<2048xi32, #tpu.memory_space<hbm>>
        tpu.enqueue_dma source(%dma_start3A_761 : memref<2048xi32, #tpu.memory_space<hbm>>) target(%arg14 : memref<2048xi32, #tpu.memory_space<vmem>>) target_semaphore(%arg26 : memref<!tpu.dma_semaphore, #tpu.memory_space<semaphore_mem>>)
        %dma_start3A_762 = tpu.memref_slice %arg4[%multiple_of3A_758] : memref<524288xf32, #tpu.memory_space<hbm>> -> memref<2048xf32, #tpu.memory_space<hbm>>
        %dma_start3A_763 = tpu.memref_slice %arg4[%multiple_of3A_758] : memref<524288xf32, #tpu.memory_space<hbm>> -> memref<2048xf32, #tpu.memory_space<hbm>>
        tpu.enqueue_dma source(%dma_start3A_763 : memref<2048xf32, #tpu.memory_space<hbm>>) target(%arg17 : memref<2048xf32, #tpu.memory_space<vmem>>) target_semaphore(%arg29 : memref<!tpu.dma_semaphore, #tpu.memory_space<semaphore_mem>>)
      } else {
      }
      %dma_wait3A_612 = arith.constant 0 : i32
      %dma_wait3A_613 = tpu.memref_reshape %arg2 : memref<4096x4096xf32, #tpu.memory_space<hbm>> -> memref<512x8x4096xf32, #tpu.memory_space<hbm>>
      %dma_wait3A_614 = arith.constant 0 : i32
      %dma_wait3A_615 = arith.constant 0 : i32
      %dma_wait3A_616 = tpu.memref_slice %dma_wait3A_613[%dma_wait3A_612, %dma_wait3A_614, %dma_wait3A_615] : memref<512x8x4096xf32, #tpu.memory_space<hbm>> -> memref<1x8x4096xf32, #tpu.memory_space<hbm>>
      %dma_wait3A_617 = tpu.memref_squeeze %dma_wait3A_616 : memref<1x8x4096xf32, #tpu.memory_space<hbm>> -> memref<8x4096xf32, #tpu.memory_space<hbm>>
      %dma_wait3A_618 = tpu.memref_reshape %arg2 : memref<4096x4096xf32, #tpu.memory_space<hbm>> -> memref<512x8x4096xf32, #tpu.memory_space<hbm>>
      %dma_wait3A_619 = arith.constant 0 : i32
      %dma_wait3A_620 = arith.constant 0 : i32
      %dma_wait3A_621 = tpu.memref_slice %dma_wait3A_618[%dma_wait3A_612, %dma_wait3A_619, %dma_wait3A_620] : memref<512x8x4096xf32, #tpu.memory_space<hbm>> -> memref<1x8x4096xf32, #tpu.memory_space<hbm>>
      %dma_wait3A_622 = tpu.memref_squeeze %dma_wait3A_621 : memref<1x8x4096xf32, #tpu.memory_space<hbm>> -> memref<8x4096xf32, #tpu.memory_space<hbm>>
      tpu.wait_dma2 semaphore(%arg22 : memref<!tpu.dma_semaphore, #tpu.memory_space<semaphore_mem>>) src(%dma_wait3A_622 : memref<8x4096xf32, #tpu.memory_space<hbm>>) dst(%arg13 : memref<8x4096xf32, #tpu.memory_space<vmem>>)
      %dma_wait3A_623 = arith.constant 0 : i32
      %dma_wait3A_624 = tpu.memref_slice %arg3[%dma_wait3A_623] : memref<524288xi32, #tpu.memory_space<hbm>> -> memref<2048xi32, #tpu.memory_space<hbm>>
      %dma_wait3A_625 = arith.constant 0 : i32
      %dma_wait3A_626 = tpu.memref_slice %arg3[%dma_wait3A_625] : memref<524288xi32, #tpu.memory_space<hbm>> -> memref<2048xi32, #tpu.memory_space<hbm>>
      tpu.wait_dma2 semaphore(%arg28 : memref<!tpu.dma_semaphore, #tpu.memory_space<semaphore_mem>>) src(%dma_wait3A_626 : memref<2048xi32, #tpu.memory_space<hbm>>) dst(%arg16 : memref<2048xi32, #tpu.memory_space<vmem>>)
      %dma_wait3A_627 = arith.constant 0 : i32
      %dma_wait3A_628 = tpu.memref_slice %arg4[%dma_wait3A_627] : memref<524288xf32, #tpu.memory_space<hbm>> -> memref<2048xf32, #tpu.memory_space<hbm>>
      %dma_wait3A_629 = arith.constant 0 : i32
      %dma_wait3A_630 = tpu.memref_slice %arg4[%dma_wait3A_629] : memref<524288xf32, #tpu.memory_space<hbm>> -> memref<2048xf32, #tpu.memory_space<hbm>>
      tpu.wait_dma2 semaphore(%arg31 : memref<!tpu.dma_semaphore, #tpu.memory_space<semaphore_mem>>) src(%dma_wait3A_630 : memref<2048xf32, #tpu.memory_space<hbm>>) dst(%arg19 : memref<2048xf32, #tpu.memory_space<vmem>>)
      %add3A_631 = arith.addi %mul3A_2, %add3A_589 : i32
      %mul3A_632 = arith.constant 32768 : i32
      %mul3A_633 = arith.muli %add3A_631, %mul3A_632 : i32
      %multiple_of3A_634 = tpu.assume_multiple %mul3A_633, 32768 : i32
      %add3A_635 = arith.addi %mul3A_2, %add3A_589 : i32
      %get3A_636 = arith.index_cast %add3A_635 : i32 to index
      %get3A_637 = tpu.vector_load %arg6[%get3A_636] {strides = array<i32>} : memref<528xi32, #tpu.memory_space<vmem>>, vector<16xi32>,
      %slice3A_638 = vector.extract_strided_slice %get3A_637 {offsets = [0], sizes = [1], strides = [1]} : vector<16xi32> to vector<1xi32>
      %squeeze3A_639 = vector.extract %slice3A_638[0] : i32 from vector<1xi32>
      %and3A_640 = arith.constant -8 : i32
      %and3A_641 = arith.andi %squeeze3A_639, %and3A_640 : i32
      %min3A_642 = arith.constant 522240 : i32
      %min3A_643 = arith.minsi %and3A_641, %min3A_642 : i32
      %multiple_of3A_644 = tpu.assume_multiple %min3A_643, 8 : i32
      %sub3A_645 = arith.subi %and3A_641, %min3A_643 : i32
      %add3A_646 = arith.constant 1 : i32
      %add3A_647 = arith.addi %add3A_589, %add3A_646 : i32
      %add3A_648 = arith.addi %mul3A_2, %add3A_647 : i32
      %get3A_649 = arith.index_cast %add3A_648 : i32 to index
      %get3A_650 = tpu.vector_load %arg6[%get3A_649] {strides = array<i32>} : memref<528xi32, #tpu.memory_space<vmem>>, vector<16xi32>,
      %slice3A_651 = vector.extract_strided_slice %get3A_650 {offsets = [0], sizes = [1], strides = [1]} : vector<16xi32> to vector<1xi32>
      %squeeze3A_652 = vector.extract %slice3A_651[0] : i32 from vector<1xi32>
      %sub3A_653 = arith.subi %squeeze3A_652, %multiple_of3A_644 : i32
      %add3A_654 = arith.constant 2047 : i32
      %add3A_655 = arith.addi %sub3A_653, %add3A_654 : i32
      %jit3A_656 = arith.constant 2048 : i32
      %div3A_657 = arith.divsi %add3A_655, %jit3A_656 : i32
      %sign3A_658 = arith.constant 0 : i32
      %sign3A_659 = arith.cmpi sgt, %add3A_655, %sign3A_658 : i32
      %sign3A_660 = arith.extui %sign3A_659 : i1 to i32
      %sign3A_661 = arith.constant 0 : i32
      %sign3A_662 = arith.cmpi slt, %add3A_655, %sign3A_661 : i32
      %sign3A_663 = arith.extui %sign3A_662 : i1 to i32
      %sign3A_664 = arith.subi %sign3A_660, %sign3A_663 : i32
      %sign3A_665 = arith.constant 0 : i32
      %sign3A_666 = arith.cmpi sgt, %jit3A_656, %sign3A_665 : i32
      %sign3A_667 = arith.extui %sign3A_666 : i1 to i32
      %sign3A_668 = arith.constant 0 : i32
      %sign3A_669 = arith.cmpi slt, %jit3A_656, %sign3A_668 : i32
      %sign3A_670 = arith.extui %sign3A_669 : i1 to i32
      %sign3A_671 = arith.subi %sign3A_667, %sign3A_670 : i32
      %ne3A_672 = arith.cmpi ne, %sign3A_664, %sign3A_671 : i32
      %rem3A_673 = arith.remsi %add3A_655, %jit3A_656 : i32
      %ne3A_674 = arith.constant 0 : i32
      %ne3A_675 = arith.cmpi ne, %rem3A_673, %ne3A_674 : i32
      %and3A_676 = arith.andi %ne3A_672, %ne3A_675 : i1
      %sub3A_677 = arith.constant 1 : i32
      %sub3A_678 = arith.subi %div3A_657, %sub3A_677 : i32
      %select_n3A_679 = arith.select %and3A_676, %sub3A_678, %div3A_657 : i32
      %sub3A_680 = arith.subi %squeeze3A_652, %multiple_of3A_644 : i32
      %add3A_681 = arith.constant 15 : i32
      %add3A_682 = arith.addi %sub3A_680, %add3A_681 : i32
      %jit3A_683 = arith.constant 16 : i32
      %div3A_684 = arith.divsi %add3A_682, %jit3A_683 : i32
      %sign3A_685 = arith.constant 0 : i32
      %sign3A_686 = arith.cmpi sgt, %add3A_682, %sign3A_685 : i32
      %sign3A_687 = arith.extui %sign3A_686 : i1 to i32
      %sign3A_688 = arith.constant 0 : i32
      %sign3A_689 = arith.cmpi slt, %add3A_682, %sign3A_688 : i32
      %sign3A_690 = arith.extui %sign3A_689 : i1 to i32
      %sign3A_691 = arith.subi %sign3A_687, %sign3A_690 : i32
      %sign3A_692 = arith.constant 0 : i32
      %sign3A_693 = arith.cmpi sgt, %jit3A_683, %sign3A_692 : i32
      %sign3A_694 = arith.extui %sign3A_693 : i1 to i32
      %sign3A_695 = arith.constant 0 : i32
      %sign3A_696 = arith.cmpi slt, %jit3A_683, %sign3A_695 : i32
      %sign3A_697 = arith.extui %sign3A_696 : i1 to i32
      %sign3A_698 = arith.subi %sign3A_694, %sign3A_697 : i32
      %ne3A_699 = arith.cmpi ne, %sign3A_691, %sign3A_698 : i32
      %rem3A_700 = arith.remsi %add3A_682, %jit3A_683 : i32
      %ne3A_701 = arith.constant 0 : i32
      %ne3A_702 = arith.cmpi ne, %rem3A_700, %ne3A_701 : i32
      %and3A_703 = arith.andi %ne3A_699, %ne3A_702 : i1
      %sub3A_704 = arith.constant 1 : i32
      %sub3A_705 = arith.subi %div3A_684, %sub3A_704 : i32
      %select_n3A_706 = arith.select %and3A_703, %sub3A_705, %div3A_684 : i32
      %jit3A_707 = arith.constant 0 : i32
      %jit3A_708 = arith.constant 128 : i32
      %max3A_709 = arith.maxsi %jit3A_707, %select_n3A_706 : i32
      %min3A_710 = arith.minsi %jit3A_708, %max3A_709 : i32
      %while3A_711 = arith.constant 0 : i32
      %while3A_712 = arith.constant 0 : i32
      %while3A_713 = arith.subi %min3A_710, %while3A_711 : i32
      %while3A_714 = arith.addi %while3A_711, %while3A_713 : i32
      %while3A_715 = arith.constant 1 : i32
      %while3A_716 = arith.divsi %while3A_713, %while3A_715 : i32
      %while3A_717 = arith.muli %while3A_716, %while3A_715 : i32
      %while3A_718 = arith.addi %while3A_711, %while3A_717 : i32
      %while3A_719 = arith.constant 1 : i32
      %while3A_720 = scf.for %while3A_747 = %while3A_711 to %while3A_718 step %while3A_719 iter_args(%while3A_748 = %while3A_712) -> (i32)  : i32 {
        %mul3A_749 = arith.constant 16 : i32
        %mul3A_750 = arith.muli %while3A_747, %mul3A_749 : i32
        %get3A_751 = arith.index_cast %mul3A_750 : i32 to index
        %get3A_752 = tpu.vector_load %arg16[%get3A_751] {strides = array<i32>} : memref<2048xi32, #tpu.memory_space<vmem>>, vector<16xi32>,
        %mul3A_753 = arith.constant 16 : i32
        %mul3A_754 = arith.muli %while3A_747, %mul3A_753 : i32
        %get3A_755 = arith.index_cast %mul3A_754 : i32 to index
        %get3A_756 = tpu.vector_load %arg19[%get3A_755] {strides = array<i32>} : memref<2048xf32, #tpu.memory_space<vmem>>, vector<16xf32>,
        %sub3A_757 = vector.broadcast %multiple_of3A_634 : i32 to vector<16xi32>
        %sub3A_758 = arith.subi %get3A_752, %sub3A_757 : vector<16xi32>
        %iota3A_759 = tpu.iota {dimensions = array<i32: 0>} : vector<16xi32>
        %mul3A_760 = arith.constant 16 : i32
        %mul3A_761 = arith.muli %while3A_747, %mul3A_760 : i32
        %add3A_762 = vector.broadcast %mul3A_761 : i32 to vector<16xi32>
        %add3A_763 = arith.addi %iota3A_759, %add3A_762 : vector<16xi32>
        %ge3A_764 = arith.constant 0 : i32
        %ge3A_765 = vector.broadcast %ge3A_764 : i32 to vector<16xi32>
        %ge3A_766 = arith.cmpi sge, %sub3A_758, %ge3A_765 : vector<16xi32>
        %lt3A_767 = arith.constant 32768 : i32
        %lt3A_768 = vector.broadcast %lt3A_767 : i32 to vector<16xi32>
        %lt3A_769 = arith.cmpi slt, %sub3A_758, %lt3A_768 : vector<16xi32>
        %and3A_770 = arith.andi %ge3A_766, %lt3A_769 : vector<16xi1>
        %ge3A_771 = vector.broadcast %sub3A_645 : i32 to vector<16xi32>
        %ge3A_772 = arith.cmpi sge, %add3A_763, %ge3A_771 : vector<16xi32>
        %and3A_773 = arith.andi %and3A_770, %ge3A_772 : vector<16xi1>
        %max3A_774 = arith.constant 0 : i32
        %max3A_775 = vector.broadcast %max3A_774 : i32 to vector<16xi32>
        %max3A_776 = arith.maxsi %sub3A_758, %max3A_775 : vector<16xi32>
        %min3A_777 = arith.constant 32767 : i32
        %min3A_778 = vector.broadcast %min3A_777 : i32 to vector<16xi32>
        %min3A_779 = arith.minsi %max3A_776, %min3A_778 : vector<16xi32>
        %shift_right_arithmetic3A = arith.constant 12 : i32
        %shift_right_arithmetic3A_780 = vector.broadcast %shift_right_arithmetic3A : i32 to vector<16xi32>
        %shift_right_arithmetic3A_781 = arith.shrsi %min3A_779, %shift_right_arithmetic3A_780 : vector<16xi32>
        %and3A_782 = arith.constant 4095 : i32
        %and3A_783 = vector.broadcast %and3A_782 : i32 to vector<16xi32>
        %and3A_784 = arith.andi %min3A_779, %and3A_783 : vector<16xi32>
        %jit3A_785 = arith.constant 0.000000e+00 : f32
        %broadcast_in_dim3A_786 = vector.broadcast %jit3A_785 : f32 to vector<16xf32>
        %select_n3A_787 = arith.select %and3A_773, %get3A_756, %broadcast_in_dim3A_786 : vector<16xi1>, vector<16xf32>
        tpu.vector_store_idx %arg13[%shift_right_arithmetic3A_781, %and3A_784], %select_n3A_787 {add = true} : memref<8x4096xf32, #tpu.memory_space<vmem>>[vector<16xi32>, vector<16xi32>], vector<16xf32>,
        %while3A_788 = arith.constant 0 : i32
        scf.yield %while3A_788 : i32
      }
      %while3A_721 = arith.constant 1 : i32
      %while3A_722 = scf.for %while3A_747 = %while3A_718 to %while3A_714 step %while3A_721 iter_args(%while3A_748 = %while3A_720) -> (i32)  : i32 {
        %mul3A_749 = arith.constant 16 : i32
        %mul3A_750 = arith.muli %while3A_747, %mul3A_749 : i32
        %get3A_751 = arith.index_cast %mul3A_750 : i32 to index
        %get3A_752 = tpu.vector_load %arg16[%get3A_751] {strides = array<i32>} : memref<2048xi32, #tpu.memory_space<vmem>>, vector<16xi32>,
        %mul3A_753 = arith.constant 16 : i32
        %mul3A_754 = arith.muli %while3A_747, %mul3A_753 : i32
        %get3A_755 = arith.index_cast %mul3A_754 : i32 to index
        %get3A_756 = tpu.vector_load %arg19[%get3A_755] {strides = array<i32>} : memref<2048xf32, #tpu.memory_space<vmem>>, vector<16xf32>,
        %sub3A_757 = vector.broadcast %multiple_of3A_634 : i32 to vector<16xi32>
        %sub3A_758 = arith.subi %get3A_752, %sub3A_757 : vector<16xi32>
        %iota3A_759 = tpu.iota {dimensions = array<i32: 0>} : vector<16xi32>
        %mul3A_760 = arith.constant 16 : i32
        %mul3A_761 = arith.muli %while3A_747, %mul3A_760 : i32
        %add3A_762 = vector.broadcast %mul3A_761 : i32 to vector<16xi32>
        %add3A_763 = arith.addi %iota3A_759, %add3A_762 : vector<16xi32>
        %ge3A_764 = arith.constant 0 : i32
        %ge3A_765 = vector.broadcast %ge3A_764 : i32 to vector<16xi32>
        %ge3A_766 = arith.cmpi sge, %sub3A_758, %ge3A_765 : vector<16xi32>
        %lt3A_767 = arith.constant 32768 : i32
        %lt3A_768 = vector.broadcast %lt3A_767 : i32 to vector<16xi32>
        %lt3A_769 = arith.cmpi slt, %sub3A_758, %lt3A_768 : vector<16xi32>
        %and3A_770 = arith.andi %ge3A_766, %lt3A_769 : vector<16xi1>
        %ge3A_771 = vector.broadcast %sub3A_645 : i32 to vector<16xi32>
        %ge3A_772 = arith.cmpi sge, %add3A_763, %ge3A_771 : vector<16xi32>
        %and3A_773 = arith.andi %and3A_770, %ge3A_772 : vector<16xi1>
        %max3A_774 = arith.constant 0 : i32
        %max3A_775 = vector.broadcast %max3A_774 : i32 to vector<16xi32>
        %max3A_776 = arith.maxsi %sub3A_758, %max3A_775 : vector<16xi32>
        %min3A_777 = arith.constant 32767 : i32
        %min3A_778 = vector.broadcast %min3A_777 : i32 to vector<16xi32>
        %min3A_779 = arith.minsi %max3A_776, %min3A_778 : vector<16xi32>
        %shift_right_arithmetic3A = arith.constant 12 : i32
        %shift_right_arithmetic3A_780 = vector.broadcast %shift_right_arithmetic3A : i32 to vector<16xi32>
        %shift_right_arithmetic3A_781 = arith.shrsi %min3A_779, %shift_right_arithmetic3A_780 : vector<16xi32>
        %and3A_782 = arith.constant 4095 : i32
        %and3A_783 = vector.broadcast %and3A_782 : i32 to vector<16xi32>
        %and3A_784 = arith.andi %min3A_779, %and3A_783 : vector<16xi32>
        %jit3A_785 = arith.constant 0.000000e+00 : f32
        %broadcast_in_dim3A_786 = vector.broadcast %jit3A_785 : f32 to vector<16xf32>
        %select_n3A_787 = arith.select %and3A_773, %get3A_756, %broadcast_in_dim3A_786 : vector<16xi1>, vector<16xf32>
        tpu.vector_store_idx %arg13[%shift_right_arithmetic3A_781, %and3A_784], %select_n3A_787 {add = true} : memref<8x4096xf32, #tpu.memory_space<vmem>>[vector<16xi32>, vector<16xi32>], vector<16xf32>,
        %while3A_788 = arith.constant 0 : i32
        scf.yield %while3A_788 : i32
      }
      %while3A_723 = arith.constant 1 : i32
      %while3A_724 = arith.constant 0 : i32
      %while3A_725 = arith.subi %select_n3A_679, %while3A_723 : i32
      %while3A_726 = arith.addi %while3A_723, %while3A_725 : i32
      %while3A_727 = arith.constant 1 : i32
      %while3A_728 = arith.divsi %while3A_725, %while3A_727 : i32
      %while3A_729 = arith.muli %while3A_728, %while3A_727 : i32
      %while3A_730 = arith.addi %while3A_723, %while3A_729 : i32
      %while3A_731 = arith.constant 1 : i32
      %while3A_732 = scf.for %while3A_747 = %while3A_723 to %while3A_730 step %while3A_731 iter_args(%while3A_748 = %while3A_724) -> (i32)  : i32 {
        %mul3A_749 = arith.constant 2048 : i32
        %mul3A_750 = arith.muli %while3A_747, %mul3A_749 : i32
        %add3A_751 = arith.addi %multiple_of3A_644, %mul3A_750 : i32
        %min3A_752 = arith.constant 522240 : i32
        %min3A_753 = arith.minsi %add3A_751, %min3A_752 : i32
        %multiple_of3A_754 = tpu.assume_multiple %min3A_753, 8 : i32
        "tpu.region"() ({
          %run_scoped3A = tpu.sem_alloc : memref<!tpu.dma_semaphore, #tpu.memory_space<semaphore_mem>>
          %dma_start3A_800 = tpu.memref_slice %arg3[%multiple_of3A_754] : memref<524288xi32, #tpu.memory_space<hbm>> -> memref<2048xi32, #tpu.memory_space<hbm>>
          %dma_start3A_801 = tpu.memref_slice %arg3[%multiple_of3A_754] : memref<524288xi32, #tpu.memory_space<hbm>> -> memref<2048xi32, #tpu.memory_space<hbm>>
          tpu.enqueue_dma source(%dma_start3A_801 : memref<2048xi32, #tpu.memory_space<hbm>>) target(%arg16 : memref<2048xi32, #tpu.memory_space<vmem>>) target_semaphore(%run_scoped3A : memref<!tpu.dma_semaphore, #tpu.memory_space<semaphore_mem>>)
          %dma_wait3A_802 = tpu.memref_slice %arg3[%multiple_of3A_754] : memref<524288xi32, #tpu.memory_space<hbm>> -> memref<2048xi32, #tpu.memory_space<hbm>>
          %dma_wait3A_803 = tpu.memref_slice %arg3[%multiple_of3A_754] : memref<524288xi32, #tpu.memory_space<hbm>> -> memref<2048xi32, #tpu.memory_space<hbm>>
          tpu.wait_dma2 semaphore(%run_scoped3A : memref<!tpu.dma_semaphore, #tpu.memory_space<semaphore_mem>>) src(%dma_wait3A_803 : memref<2048xi32, #tpu.memory_space<hbm>>) dst(%arg16 : memref<2048xi32, #tpu.memory_space<vmem>>)
          tpu.yield
        }) : () -> ()
        "tpu.region"() ({
          %run_scoped3A = tpu.sem_alloc : memref<!tpu.dma_semaphore, #tpu.memory_space<semaphore_mem>>
          %dma_start3A_800 = tpu.memref_slice %arg4[%multiple_of3A_754] : memref<524288xf32, #tpu.memory_space<hbm>> -> memref<2048xf32, #tpu.memory_space<hbm>>
          %dma_start3A_801 = tpu.memref_slice %arg4[%multiple_of3A_754] : memref<524288xf32, #tpu.memory_space<hbm>> -> memref<2048xf32, #tpu.memory_space<hbm>>
          tpu.enqueue_dma source(%dma_start3A_801 : memref<2048xf32, #tpu.memory_space<hbm>>) target(%arg19 : memref<2048xf32, #tpu.memory_space<vmem>>) target_semaphore(%run_scoped3A : memref<!tpu.dma_semaphore, #tpu.memory_space<semaphore_mem>>)
          %dma_wait3A_802 = tpu.memref_slice %arg4[%multiple_of3A_754] : memref<524288xf32, #tpu.memory_space<hbm>> -> memref<2048xf32, #tpu.memory_space<hbm>>
          %dma_wait3A_803 = tpu.memref_slice %arg4[%multiple_of3A_754] : memref<524288xf32, #tpu.memory_space<hbm>> -> memref<2048xf32, #tpu.memory_space<hbm>>
          tpu.wait_dma2 semaphore(%run_scoped3A : memref<!tpu.dma_semaphore, #tpu.memory_space<semaphore_mem>>) src(%dma_wait3A_803 : memref<2048xf32, #tpu.memory_space<hbm>>) dst(%arg19 : memref<2048xf32, #tpu.memory_space<vmem>>)
          tpu.yield
        }) : () -> ()
        %sub3A_755 = arith.subi %add3A_751, %multiple_of3A_754 : i32
        %sub3A_756 = arith.subi %squeeze3A_652, %multiple_of3A_754 : i32
        %add3A_757 = arith.constant 15 : i32
        %add3A_758 = arith.addi %sub3A_756, %add3A_757 : i32
        %jit3A_759 = arith.constant 16 : i32
        %div3A_760 = arith.divsi %add3A_758, %jit3A_759 : i32
        %sign3A_761 = arith.constant 0 : i32
        %sign3A_762 = arith.cmpi sgt, %add3A_758, %sign3A_761 : i32
        %sign3A_763 = arith.extui %sign3A_762 : i1 to i32
        %sign3A_764 = arith.constant 0 : i32
        %sign3A_765 = arith.cmpi slt, %add3A_758, %sign3A_764 : i32
        %sign3A_766 = arith.extui %sign3A_765 : i1 to i32
        %sign3A_767 = arith.subi %sign3A_763, %sign3A_766 : i32
        %sign3A_768 = arith.constant 0 : i32
        %sign3A_769 = arith.cmpi sgt, %jit3A_759, %sign3A_768 : i32
        %sign3A_770 = arith.extui %sign3A_769 : i1 to i32
        %sign3A_771 = arith.constant 0 : i32
        %sign3A_772 = arith.cmpi slt, %jit3A_759, %sign3A_771 : i32
        %sign3A_773 = arith.extui %sign3A_772 : i1 to i32
        %sign3A_774 = arith.subi %sign3A_770, %sign3A_773 : i32
        %ne3A_775 = arith.cmpi ne, %sign3A_767, %sign3A_774 : i32
        %rem3A_776 = arith.remsi %add3A_758, %jit3A_759 : i32
        %ne3A_777 = arith.constant 0 : i32
        %ne3A_778 = arith.cmpi ne, %rem3A_776, %ne3A_777 : i32
        %and3A_779 = arith.andi %ne3A_775, %ne3A_778 : i1
        %sub3A_780 = arith.constant 1 : i32
        %sub3A_781 = arith.subi %div3A_760, %sub3A_780 : i32
        %select_n3A_782 = arith.select %and3A_779, %sub3A_781, %div3A_760 : i32
        %jit3A_783 = arith.constant 0 : i32
        %jit3A_784 = arith.constant 128 : i32
        %max3A_785 = arith.maxsi %jit3A_783, %select_n3A_782 : i32
        %min3A_786 = arith.minsi %jit3A_784, %max3A_785 : i32
        %while3A_787 = arith.constant 0 : i32
        %while3A_788 = arith.constant 0 : i32
        %while3A_789 = arith.subi %min3A_786, %while3A_787 : i32
        %while3A_790 = arith.addi %while3A_787, %while3A_789 : i32
        %while3A_791 = arith.constant 1 : i32
        %while3A_792 = arith.divsi %while3A_789, %while3A_791 : i32
        %while3A_793 = arith.muli %while3A_792, %while3A_791 : i32
        %while3A_794 = arith.addi %while3A_787, %while3A_793 : i32
        %while3A_795 = arith.constant 1 : i32
        %while3A_796 = scf.for %while3A_800 = %while3A_787 to %while3A_794 step %while3A_795 iter_args(%while3A_801 = %while3A_788) -> (i32)  : i32 {
          %mul3A_802 = arith.constant 16 : i32
          %mul3A_803 = arith.muli %while3A_800, %mul3A_802 : i32
          %get3A_804 = arith.index_cast %mul3A_803 : i32 to index
          %get3A_805 = tpu.vector_load %arg16[%get3A_804] {strides = array<i32>} : memref<2048xi32, #tpu.memory_space<vmem>>, vector<16xi32>,
          %mul3A_806 = arith.constant 16 : i32
          %mul3A_807 = arith.muli %while3A_800, %mul3A_806 : i32
          %get3A_808 = arith.index_cast %mul3A_807 : i32 to index
          %get3A_809 = tpu.vector_load %arg19[%get3A_808] {strides = array<i32>} : memref<2048xf32, #tpu.memory_space<vmem>>, vector<16xf32>,
          %sub3A_810 = vector.broadcast %multiple_of3A_634 : i32 to vector<16xi32>
          %sub3A_811 = arith.subi %get3A_805, %sub3A_810 : vector<16xi32>
          %iota3A_812 = tpu.iota {dimensions = array<i32: 0>} : vector<16xi32>
          %mul3A_813 = arith.constant 16 : i32
          %mul3A_814 = arith.muli %while3A_800, %mul3A_813 : i32
          %add3A_815 = vector.broadcast %mul3A_814 : i32 to vector<16xi32>
          %add3A_816 = arith.addi %iota3A_812, %add3A_815 : vector<16xi32>
          %ge3A_817 = arith.constant 0 : i32
          %ge3A_818 = vector.broadcast %ge3A_817 : i32 to vector<16xi32>
          %ge3A_819 = arith.cmpi sge, %sub3A_811, %ge3A_818 : vector<16xi32>
          %lt3A_820 = arith.constant 32768 : i32
          %lt3A_821 = vector.broadcast %lt3A_820 : i32 to vector<16xi32>
          %lt3A_822 = arith.cmpi slt, %sub3A_811, %lt3A_821 : vector<16xi32>
          %and3A_823 = arith.andi %ge3A_819, %lt3A_822 : vector<16xi1>
          %ge3A_824 = vector.broadcast %sub3A_755 : i32 to vector<16xi32>
          %ge3A_825 = arith.cmpi sge, %add3A_816, %ge3A_824 : vector<16xi32>
          %and3A_826 = arith.andi %and3A_823, %ge3A_825 : vector<16xi1>
          %max3A_827 = arith.constant 0 : i32
          %max3A_828 = vector.broadcast %max3A_827 : i32 to vector<16xi32>
          %max3A_829 = arith.maxsi %sub3A_811, %max3A_828 : vector<16xi32>
          %min3A_830 = arith.constant 32767 : i32
          %min3A_831 = vector.broadcast %min3A_830 : i32 to vector<16xi32>
          %min3A_832 = arith.minsi %max3A_829, %min3A_831 : vector<16xi32>
          %shift_right_arithmetic3A = arith.constant 12 : i32
          %shift_right_arithmetic3A_833 = vector.broadcast %shift_right_arithmetic3A : i32 to vector<16xi32>
          %shift_right_arithmetic3A_834 = arith.shrsi %min3A_832, %shift_right_arithmetic3A_833 : vector<16xi32>
          %and3A_835 = arith.constant 4095 : i32
          %and3A_836 = vector.broadcast %and3A_835 : i32 to vector<16xi32>
          %and3A_837 = arith.andi %min3A_832, %and3A_836 : vector<16xi32>
          %jit3A_838 = arith.constant 0.000000e+00 : f32
          %broadcast_in_dim3A_839 = vector.broadcast %jit3A_838 : f32 to vector<16xf32>
          %select_n3A_840 = arith.select %and3A_826, %get3A_809, %broadcast_in_dim3A_839 : vector<16xi1>, vector<16xf32>
          tpu.vector_store_idx %arg13[%shift_right_arithmetic3A_834, %and3A_837], %select_n3A_840 {add = true} : memref<8x4096xf32, #tpu.memory_space<vmem>>[vector<16xi32>, vector<16xi32>], vector<16xf32>,
          %while3A_841 = arith.constant 0 : i32
          scf.yield %while3A_841 : i32
        }
        %while3A_797 = arith.constant 1 : i32
        %while3A_798 = scf.for %while3A_800 = %while3A_794 to %while3A_790 step %while3A_797 iter_args(%while3A_801 = %while3A_796) -> (i32)  : i32 {
          %mul3A_802 = arith.constant 16 : i32
          %mul3A_803 = arith.muli %while3A_800, %mul3A_802 : i32
          %get3A_804 = arith.index_cast %mul3A_803 : i32 to index
          %get3A_805 = tpu.vector_load %arg16[%get3A_804] {strides = array<i32>} : memref<2048xi32, #tpu.memory_space<vmem>>, vector<16xi32>,
          %mul3A_806 = arith.constant 16 : i32
          %mul3A_807 = arith.muli %while3A_800, %mul3A_806 : i32
          %get3A_808 = arith.index_cast %mul3A_807 : i32 to index
          %get3A_809 = tpu.vector_load %arg19[%get3A_808] {strides = array<i32>} : memref<2048xf32, #tpu.memory_space<vmem>>, vector<16xf32>,
          %sub3A_810 = vector.broadcast %multiple_of3A_634 : i32 to vector<16xi32>
          %sub3A_811 = arith.subi %get3A_805, %sub3A_810 : vector<16xi32>
          %iota3A_812 = tpu.iota {dimensions = array<i32: 0>} : vector<16xi32>
          %mul3A_813 = arith.constant 16 : i32
          %mul3A_814 = arith.muli %while3A_800, %mul3A_813 : i32
          %add3A_815 = vector.broadcast %mul3A_814 : i32 to vector<16xi32>
          %add3A_816 = arith.addi %iota3A_812, %add3A_815 : vector<16xi32>
          %ge3A_817 = arith.constant 0 : i32
          %ge3A_818 = vector.broadcast %ge3A_817 : i32 to vector<16xi32>
          %ge3A_819 = arith.cmpi sge, %sub3A_811, %ge3A_818 : vector<16xi32>
          %lt3A_820 = arith.constant 32768 : i32
          %lt3A_821 = vector.broadcast %lt3A_820 : i32 to vector<16xi32>
          %lt3A_822 = arith.cmpi slt, %sub3A_811, %lt3A_821 : vector<16xi32>
          %and3A_823 = arith.andi %ge3A_819, %lt3A_822 : vector<16xi1>
          %ge3A_824 = vector.broadcast %sub3A_755 : i32 to vector<16xi32>
          %ge3A_825 = arith.cmpi sge, %add3A_816, %ge3A_824 : vector<16xi32>
          %and3A_826 = arith.andi %and3A_823, %ge3A_825 : vector<16xi1>
          %max3A_827 = arith.constant 0 : i32
          %max3A_828 = vector.broadcast %max3A_827 : i32 to vector<16xi32>
          %max3A_829 = arith.maxsi %sub3A_811, %max3A_828 : vector<16xi32>
          %min3A_830 = arith.constant 32767 : i32
          %min3A_831 = vector.broadcast %min3A_830 : i32 to vector<16xi32>
          %min3A_832 = arith.minsi %max3A_829, %min3A_831 : vector<16xi32>
          %shift_right_arithmetic3A = arith.constant 12 : i32
          %shift_right_arithmetic3A_833 = vector.broadcast %shift_right_arithmetic3A : i32 to vector<16xi32>
          %shift_right_arithmetic3A_834 = arith.shrsi %min3A_832, %shift_right_arithmetic3A_833 : vector<16xi32>
          %and3A_835 = arith.constant 4095 : i32
          %and3A_836 = vector.broadcast %and3A_835 : i32 to vector<16xi32>
          %and3A_837 = arith.andi %min3A_832, %and3A_836 : vector<16xi32>
          %jit3A_838 = arith.constant 0.000000e+00 : f32
          %broadcast_in_dim3A_839 = vector.broadcast %jit3A_838 : f32 to vector<16xf32>
          %select_n3A_840 = arith.select %and3A_826, %get3A_809, %broadcast_in_dim3A_839 : vector<16xi1>, vector<16xf32>
          tpu.vector_store_idx %arg13[%shift_right_arithmetic3A_834, %and3A_837], %select_n3A_840 {add = true} : memref<8x4096xf32, #tpu.memory_space<vmem>>[vector<16xi32>, vector<16xi32>], vector<16xf32>,
          %while3A_841 = arith.constant 0 : i32
          scf.yield %while3A_841 : i32
        }
        %while3A_799 = arith.constant 0 : i32
        scf.yield %while3A_799 : i32
      }
      %while3A_733 = arith.constant 1 : i32
      %while3A_734 = scf.for %while3A_747 = %while3A_730 to %while3A_726 step %while3A_733 iter_args(%while3A_748 = %while3A_732) -> (i32)  : i32 {
        %mul3A_749 = arith.constant 2048 : i32
        %mul3A_750 = arith.muli %while3A_747, %mul3A_749 : i32
        %add3A_751 = arith.addi %multiple_of3A_644, %mul3A_750 : i32
        %min3A_752 = arith.constant 522240 : i32
        %min3A_753 = arith.minsi %add3A_751, %min3A_752 : i32
        %multiple_of3A_754 = tpu.assume_multiple %min3A_753, 8 : i32
        "tpu.region"() ({
          %run_scoped3A = tpu.sem_alloc : memref<!tpu.dma_semaphore, #tpu.memory_space<semaphore_mem>>
          %dma_start3A_800 = tpu.memref_slice %arg3[%multiple_of3A_754] : memref<524288xi32, #tpu.memory_space<hbm>> -> memref<2048xi32, #tpu.memory_space<hbm>>
          %dma_start3A_801 = tpu.memref_slice %arg3[%multiple_of3A_754] : memref<524288xi32, #tpu.memory_space<hbm>> -> memref<2048xi32, #tpu.memory_space<hbm>>
          tpu.enqueue_dma source(%dma_start3A_801 : memref<2048xi32, #tpu.memory_space<hbm>>) target(%arg16 : memref<2048xi32, #tpu.memory_space<vmem>>) target_semaphore(%run_scoped3A : memref<!tpu.dma_semaphore, #tpu.memory_space<semaphore_mem>>)
          %dma_wait3A_802 = tpu.memref_slice %arg3[%multiple_of3A_754] : memref<524288xi32, #tpu.memory_space<hbm>> -> memref<2048xi32, #tpu.memory_space<hbm>>
          %dma_wait3A_803 = tpu.memref_slice %arg3[%multiple_of3A_754] : memref<524288xi32, #tpu.memory_space<hbm>> -> memref<2048xi32, #tpu.memory_space<hbm>>
          tpu.wait_dma2 semaphore(%run_scoped3A : memref<!tpu.dma_semaphore, #tpu.memory_space<semaphore_mem>>) src(%dma_wait3A_803 : memref<2048xi32, #tpu.memory_space<hbm>>) dst(%arg16 : memref<2048xi32, #tpu.memory_space<vmem>>)
          tpu.yield
        }) : () -> ()
        "tpu.region"() ({
          %run_scoped3A = tpu.sem_alloc : memref<!tpu.dma_semaphore, #tpu.memory_space<semaphore_mem>>
          %dma_start3A_800 = tpu.memref_slice %arg4[%multiple_of3A_754] : memref<524288xf32, #tpu.memory_space<hbm>> -> memref<2048xf32, #tpu.memory_space<hbm>>
          %dma_start3A_801 = tpu.memref_slice %arg4[%multiple_of3A_754] : memref<524288xf32, #tpu.memory_space<hbm>> -> memref<2048xf32, #tpu.memory_space<hbm>>
          tpu.enqueue_dma source(%dma_start3A_801 : memref<2048xf32, #tpu.memory_space<hbm>>) target(%arg19 : memref<2048xf32, #tpu.memory_space<vmem>>) target_semaphore(%run_scoped3A : memref<!tpu.dma_semaphore, #tpu.memory_space<semaphore_mem>>)
          %dma_wait3A_802 = tpu.memref_slice %arg4[%multiple_of3A_754] : memref<524288xf32, #tpu.memory_space<hbm>> -> memref<2048xf32, #tpu.memory_space<hbm>>
          %dma_wait3A_803 = tpu.memref_slice %arg4[%multiple_of3A_754] : memref<524288xf32, #tpu.memory_space<hbm>> -> memref<2048xf32, #tpu.memory_space<hbm>>
          tpu.wait_dma2 semaphore(%run_scoped3A : memref<!tpu.dma_semaphore, #tpu.memory_space<semaphore_mem>>) src(%dma_wait3A_803 : memref<2048xf32, #tpu.memory_space<hbm>>) dst(%arg19 : memref<2048xf32, #tpu.memory_space<vmem>>)
          tpu.yield
        }) : () -> ()
        %sub3A_755 = arith.subi %add3A_751, %multiple_of3A_754 : i32
        %sub3A_756 = arith.subi %squeeze3A_652, %multiple_of3A_754 : i32
        %add3A_757 = arith.constant 15 : i32
        %add3A_758 = arith.addi %sub3A_756, %add3A_757 : i32
        %jit3A_759 = arith.constant 16 : i32
        %div3A_760 = arith.divsi %add3A_758, %jit3A_759 : i32
        %sign3A_761 = arith.constant 0 : i32
        %sign3A_762 = arith.cmpi sgt, %add3A_758, %sign3A_761 : i32
        %sign3A_763 = arith.extui %sign3A_762 : i1 to i32
        %sign3A_764 = arith.constant 0 : i32
        %sign3A_765 = arith.cmpi slt, %add3A_758, %sign3A_764 : i32
        %sign3A_766 = arith.extui %sign3A_765 : i1 to i32
        %sign3A_767 = arith.subi %sign3A_763, %sign3A_766 : i32
        %sign3A_768 = arith.constant 0 : i32
        %sign3A_769 = arith.cmpi sgt, %jit3A_759, %sign3A_768 : i32
        %sign3A_770 = arith.extui %sign3A_769 : i1 to i32
        %sign3A_771 = arith.constant 0 : i32
        %sign3A_772 = arith.cmpi slt, %jit3A_759, %sign3A_771 : i32
        %sign3A_773 = arith.extui %sign3A_772 : i1 to i32
        %sign3A_774 = arith.subi %sign3A_770, %sign3A_773 : i32
        %ne3A_775 = arith.cmpi ne, %sign3A_767, %sign3A_774 : i32
        %rem3A_776 = arith.remsi %add3A_758, %jit3A_759 : i32
        %ne3A_777 = arith.constant 0 : i32
        %ne3A_778 = arith.cmpi ne, %rem3A_776, %ne3A_777 : i32
        %and3A_779 = arith.andi %ne3A_775, %ne3A_778 : i1
        %sub3A_780 = arith.constant 1 : i32
        %sub3A_781 = arith.subi %div3A_760, %sub3A_780 : i32
        %select_n3A_782 = arith.select %and3A_779, %sub3A_781, %div3A_760 : i32
        %jit3A_783 = arith.constant 0 : i32
        %jit3A_784 = arith.constant 128 : i32
        %max3A_785 = arith.maxsi %jit3A_783, %select_n3A_782 : i32
        %min3A_786 = arith.minsi %jit3A_784, %max3A_785 : i32
        %while3A_787 = arith.constant 0 : i32
        %while3A_788 = arith.constant 0 : i32
        %while3A_789 = arith.subi %min3A_786, %while3A_787 : i32
        %while3A_790 = arith.addi %while3A_787, %while3A_789 : i32
        %while3A_791 = arith.constant 1 : i32
        %while3A_792 = arith.divsi %while3A_789, %while3A_791 : i32
        %while3A_793 = arith.muli %while3A_792, %while3A_791 : i32
        %while3A_794 = arith.addi %while3A_787, %while3A_793 : i32
        %while3A_795 = arith.constant 1 : i32
        %while3A_796 = scf.for %while3A_800 = %while3A_787 to %while3A_794 step %while3A_795 iter_args(%while3A_801 = %while3A_788) -> (i32)  : i32 {
          %mul3A_802 = arith.constant 16 : i32
          %mul3A_803 = arith.muli %while3A_800, %mul3A_802 : i32
          %get3A_804 = arith.index_cast %mul3A_803 : i32 to index
          %get3A_805 = tpu.vector_load %arg16[%get3A_804] {strides = array<i32>} : memref<2048xi32, #tpu.memory_space<vmem>>, vector<16xi32>,
          %mul3A_806 = arith.constant 16 : i32
          %mul3A_807 = arith.muli %while3A_800, %mul3A_806 : i32
          %get3A_808 = arith.index_cast %mul3A_807 : i32 to index
          %get3A_809 = tpu.vector_load %arg19[%get3A_808] {strides = array<i32>} : memref<2048xf32, #tpu.memory_space<vmem>>, vector<16xf32>,
          %sub3A_810 = vector.broadcast %multiple_of3A_634 : i32 to vector<16xi32>
          %sub3A_811 = arith.subi %get3A_805, %sub3A_810 : vector<16xi32>
          %iota3A_812 = tpu.iota {dimensions = array<i32: 0>} : vector<16xi32>
          %mul3A_813 = arith.constant 16 : i32
          %mul3A_814 = arith.muli %while3A_800, %mul3A_813 : i32
          %add3A_815 = vector.broadcast %mul3A_814 : i32 to vector<16xi32>
          %add3A_816 = arith.addi %iota3A_812, %add3A_815 : vector<16xi32>
          %ge3A_817 = arith.constant 0 : i32
          %ge3A_818 = vector.broadcast %ge3A_817 : i32 to vector<16xi32>
          %ge3A_819 = arith.cmpi sge, %sub3A_811, %ge3A_818 : vector<16xi32>
          %lt3A_820 = arith.constant 32768 : i32
          %lt3A_821 = vector.broadcast %lt3A_820 : i32 to vector<16xi32>
          %lt3A_822 = arith.cmpi slt, %sub3A_811, %lt3A_821 : vector<16xi32>
          %and3A_823 = arith.andi %ge3A_819, %lt3A_822 : vector<16xi1>
          %ge3A_824 = vector.broadcast %sub3A_755 : i32 to vector<16xi32>
          %ge3A_825 = arith.cmpi sge, %add3A_816, %ge3A_824 : vector<16xi32>
          %and3A_826 = arith.andi %and3A_823, %ge3A_825 : vector<16xi1>
          %max3A_827 = arith.constant 0 : i32
          %max3A_828 = vector.broadcast %max3A_827 : i32 to vector<16xi32>
          %max3A_829 = arith.maxsi %sub3A_811, %max3A_828 : vector<16xi32>
          %min3A_830 = arith.constant 32767 : i32
          %min3A_831 = vector.broadcast %min3A_830 : i32 to vector<16xi32>
          %min3A_832 = arith.minsi %max3A_829, %min3A_831 : vector<16xi32>
          %shift_right_arithmetic3A = arith.constant 12 : i32
          %shift_right_arithmetic3A_833 = vector.broadcast %shift_right_arithmetic3A : i32 to vector<16xi32>
          %shift_right_arithmetic3A_834 = arith.shrsi %min3A_832, %shift_right_arithmetic3A_833 : vector<16xi32>
          %and3A_835 = arith.constant 4095 : i32
          %and3A_836 = vector.broadcast %and3A_835 : i32 to vector<16xi32>
          %and3A_837 = arith.andi %min3A_832, %and3A_836 : vector<16xi32>
          %jit3A_838 = arith.constant 0.000000e+00 : f32
          %broadcast_in_dim3A_839 = vector.broadcast %jit3A_838 : f32 to vector<16xf32>
          %select_n3A_840 = arith.select %and3A_826, %get3A_809, %broadcast_in_dim3A_839 : vector<16xi1>, vector<16xf32>
          tpu.vector_store_idx %arg13[%shift_right_arithmetic3A_834, %and3A_837], %select_n3A_840 {add = true} : memref<8x4096xf32, #tpu.memory_space<vmem>>[vector<16xi32>, vector<16xi32>], vector<16xf32>,
          %while3A_841 = arith.constant 0 : i32
          scf.yield %while3A_841 : i32
        }
        %while3A_797 = arith.constant 1 : i32
        %while3A_798 = scf.for %while3A_800 = %while3A_794 to %while3A_790 step %while3A_797 iter_args(%while3A_801 = %while3A_796) -> (i32)  : i32 {
          %mul3A_802 = arith.constant 16 : i32
          %mul3A_803 = arith.muli %while3A_800, %mul3A_802 : i32
          %get3A_804 = arith.index_cast %mul3A_803 : i32 to index
          %get3A_805 = tpu.vector_load %arg16[%get3A_804] {strides = array<i32>} : memref<2048xi32, #tpu.memory_space<vmem>>, vector<16xi32>,
          %mul3A_806 = arith.constant 16 : i32
          %mul3A_807 = arith.muli %while3A_800, %mul3A_806 : i32
          %get3A_808 = arith.index_cast %mul3A_807 : i32 to index
          %get3A_809 = tpu.vector_load %arg19[%get3A_808] {strides = array<i32>} : memref<2048xf32, #tpu.memory_space<vmem>>, vector<16xf32>,
          %sub3A_810 = vector.broadcast %multiple_of3A_634 : i32 to vector<16xi32>
          %sub3A_811 = arith.subi %get3A_805, %sub3A_810 : vector<16xi32>
          %iota3A_812 = tpu.iota {dimensions = array<i32: 0>} : vector<16xi32>
          %mul3A_813 = arith.constant 16 : i32
          %mul3A_814 = arith.muli %while3A_800, %mul3A_813 : i32
          %add3A_815 = vector.broadcast %mul3A_814 : i32 to vector<16xi32>
          %add3A_816 = arith.addi %iota3A_812, %add3A_815 : vector<16xi32>
          %ge3A_817 = arith.constant 0 : i32
          %ge3A_818 = vector.broadcast %ge3A_817 : i32 to vector<16xi32>
          %ge3A_819 = arith.cmpi sge, %sub3A_811, %ge3A_818 : vector<16xi32>
          %lt3A_820 = arith.constant 32768 : i32
          %lt3A_821 = vector.broadcast %lt3A_820 : i32 to vector<16xi32>
          %lt3A_822 = arith.cmpi slt, %sub3A_811, %lt3A_821 : vector<16xi32>
          %and3A_823 = arith.andi %ge3A_819, %lt3A_822 : vector<16xi1>
          %ge3A_824 = vector.broadcast %sub3A_755 : i32 to vector<16xi32>
          %ge3A_825 = arith.cmpi sge, %add3A_816, %ge3A_824 : vector<16xi32>
          %and3A_826 = arith.andi %and3A_823, %ge3A_825 : vector<16xi1>
          %max3A_827 = arith.constant 0 : i32
          %max3A_828 = vector.broadcast %max3A_827 : i32 to vector<16xi32>
          %max3A_829 = arith.maxsi %sub3A_811, %max3A_828 : vector<16xi32>
          %min3A_830 = arith.constant 32767 : i32
          %min3A_831 = vector.broadcast %min3A_830 : i32 to vector<16xi32>
          %min3A_832 = arith.minsi %max3A_829, %min3A_831 : vector<16xi32>
          %shift_right_arithmetic3A = arith.constant 12 : i32
          %shift_right_arithmetic3A_833 = vector.broadcast %shift_right_arithmetic3A : i32 to vector<16xi32>
          %shift_right_arithmetic3A_834 = arith.shrsi %min3A_832, %shift_right_arithmetic3A_833 : vector<16xi32>
          %and3A_835 = arith.constant 4095 : i32
          %and3A_836 = vector.broadcast %and3A_835 : i32 to vector<16xi32>
          %and3A_837 = arith.andi %min3A_832, %and3A_836 : vector<16xi32>
          %jit3A_838 = arith.constant 0.000000e+00 : f32
          %broadcast_in_dim3A_839 = vector.broadcast %jit3A_838 : f32 to vector<16xf32>
          %select_n3A_840 = arith.select %and3A_826, %get3A_809, %broadcast_in_dim3A_839 : vector<16xi1>, vector<16xf32>
          tpu.vector_store_idx %arg13[%shift_right_arithmetic3A_834, %and3A_837], %select_n3A_840 {add = true} : memref<8x4096xf32, #tpu.memory_space<vmem>>[vector<16xi32>, vector<16xi32>], vector<16xf32>,
          %while3A_841 = arith.constant 0 : i32
          scf.yield %while3A_841 : i32
        }
        %while3A_799 = arith.constant 0 : i32
        scf.yield %while3A_799 : i32
      }
      %add3A_735 = arith.addi %mul3A_2, %add3A_589 : i32
      %dma_start3A_736 = tpu.memref_reshape %arg5 : memref<4096x4096xf32, #tpu.memory_space<hbm>> -> memref<512x8x4096xf32, #tpu.memory_space<hbm>>
      %dma_start3A_737 = arith.constant 0 : i32
      %dma_start3A_738 = arith.constant 0 : i32
      %dma_start3A_739 = tpu.memref_slice %dma_start3A_736[%add3A_735, %dma_start3A_737, %dma_start3A_738] : memref<512x8x4096xf32, #tpu.memory_space<hbm>> -> memref<1x8x4096xf32, #tpu.memory_space<hbm>>
      %dma_start3A_740 = tpu.memref_squeeze %dma_start3A_739 : memref<1x8x4096xf32, #tpu.memory_space<hbm>> -> memref<8x4096xf32, #tpu.memory_space<hbm>>
      %dma_start3A_741 = tpu.memref_reshape %arg5 : memref<4096x4096xf32, #tpu.memory_space<hbm>> -> memref<512x8x4096xf32, #tpu.memory_space<hbm>>
      %dma_start3A_742 = arith.constant 0 : i32
      %dma_start3A_743 = arith.constant 0 : i32
      %dma_start3A_744 = tpu.memref_slice %dma_start3A_741[%add3A_735, %dma_start3A_742, %dma_start3A_743] : memref<512x8x4096xf32, #tpu.memory_space<hbm>> -> memref<1x8x4096xf32, #tpu.memory_space<hbm>>
      %dma_start3A_745 = tpu.memref_squeeze %dma_start3A_744 : memref<1x8x4096xf32, #tpu.memory_space<hbm>> -> memref<8x4096xf32, #tpu.memory_space<hbm>>
      tpu.enqueue_dma source(%arg13 : memref<8x4096xf32, #tpu.memory_space<vmem>>) target(%dma_start3A_745 : memref<8x4096xf32, #tpu.memory_space<hbm>>) target_semaphore(%arg25 : memref<!tpu.dma_semaphore, #tpu.memory_space<semaphore_mem>>)
      %scan3A_746 = arith.constant 0 : i32
      scf.yield %scan3A_746 : i32
    }
    %scan3A_107 = arith.constant 5 : i32
    %dma_wait3A = arith.constant 0 : i32
    %dma_wait3A_108 = tpu.memref_reshape %arg5 : memref<4096x4096xf32, #tpu.memory_space<hbm>> -> memref<512x8x4096xf32, #tpu.memory_space<hbm>>
    %dma_wait3A_109 = arith.constant 0 : i32
    %dma_wait3A_110 = arith.constant 0 : i32
    %dma_wait3A_111 = tpu.memref_slice %dma_wait3A_108[%dma_wait3A, %dma_wait3A_109, %dma_wait3A_110] : memref<512x8x4096xf32, #tpu.memory_space<hbm>> -> memref<1x8x4096xf32, #tpu.memory_space<hbm>>
    %dma_wait3A_112 = tpu.memref_squeeze %dma_wait3A_111 : memref<1x8x4096xf32, #tpu.memory_space<hbm>> -> memref<8x4096xf32, #tpu.memory_space<hbm>>
    %dma_wait3A_113 = tpu.memref_reshape %arg5 : memref<4096x4096xf32, #tpu.memory_space<hbm>> -> memref<512x8x4096xf32, #tpu.memory_space<hbm>>
    %dma_wait3A_114 = arith.constant 0 : i32
    %dma_wait3A_115 = arith.constant 0 : i32
    %dma_wait3A_116 = tpu.memref_slice %dma_wait3A_113[%dma_wait3A, %dma_wait3A_114, %dma_wait3A_115] : memref<512x8x4096xf32, #tpu.memory_space<hbm>> -> memref<1x8x4096xf32, #tpu.memory_space<hbm>>
    %dma_wait3A_117 = tpu.memref_squeeze %dma_wait3A_116 : memref<1x8x4096xf32, #tpu.memory_space<hbm>> -> memref<8x4096xf32, #tpu.memory_space<hbm>>
    tpu.wait_dma2 semaphore(%arg24 : memref<!tpu.dma_semaphore, #tpu.memory_space<semaphore_mem>>) src(%arg12 : memref<8x4096xf32, #tpu.memory_space<vmem>>) dst(%dma_wait3A_117 : memref<8x4096xf32, #tpu.memory_space<hbm>>)
    %dma_wait3A_118 = arith.constant 0 : i32
    %dma_wait3A_119 = tpu.memref_reshape %arg2 : memref<4096x4096xf32, #tpu.memory_space<hbm>> -> memref<512x8x4096xf32, #tpu.memory_space<hbm>>
    %dma_wait3A_120 = arith.constant 0 : i32
    %dma_wait3A_121 = arith.constant 0 : i32
    %dma_wait3A_122 = tpu.memref_slice %dma_wait3A_119[%dma_wait3A_118, %dma_wait3A_120, %dma_wait3A_121] : memref<512x8x4096xf32, #tpu.memory_space<hbm>> -> memref<1x8x4096xf32, #tpu.memory_space<hbm>>
    %dma_wait3A_123 = tpu.memref_squeeze %dma_wait3A_122 : memref<1x8x4096xf32, #tpu.memory_space<hbm>> -> memref<8x4096xf32, #tpu.memory_space<hbm>>
    %dma_wait3A_124 = tpu.memref_reshape %arg2 : memref<4096x4096xf32, #tpu.memory_space<hbm>> -> memref<512x8x4096xf32, #tpu.memory_space<hbm>>
    %dma_wait3A_125 = arith.constant 0 : i32
    %dma_wait3A_126 = arith.constant 0 : i32
    %dma_wait3A_127 = tpu.memref_slice %dma_wait3A_124[%dma_wait3A_118, %dma_wait3A_125, %dma_wait3A_126] : memref<512x8x4096xf32, #tpu.memory_space<hbm>> -> memref<1x8x4096xf32, #tpu.memory_space<hbm>>
    %dma_wait3A_128 = tpu.memref_squeeze %dma_wait3A_127 : memref<1x8x4096xf32, #tpu.memory_space<hbm>> -> memref<8x4096xf32, #tpu.memory_space<hbm>>
    tpu.wait_dma2 semaphore(%arg20 : memref<!tpu.dma_semaphore, #tpu.memory_space<semaphore_mem>>) src(%dma_wait3A_128 : memref<8x4096xf32, #tpu.memory_space<hbm>>) dst(%arg11 : memref<8x4096xf32, #tpu.memory_space<vmem>>)
    %dma_wait3A_129 = arith.constant 0 : i32
    %dma_wait3A_130 = tpu.memref_slice %arg3[%dma_wait3A_129] : memref<524288xi32, #tpu.memory_space<hbm>> -> memref<2048xi32, #tpu.memory_space<hbm>>
    %dma_wait3A_131 = arith.constant 0 : i32
    %dma_wait3A_132 = tpu.memref_slice %arg3[%dma_wait3A_131] : memref<524288xi32, #tpu.memory_space<hbm>> -> memref<2048xi32, #tpu.memory_space<hbm>>
    tpu.wait_dma2 semaphore(%arg26 : memref<!tpu.dma_semaphore, #tpu.memory_space<semaphore_mem>>) src(%dma_wait3A_132 : memref<2048xi32, #tpu.memory_space<hbm>>) dst(%arg14 : memref<2048xi32, #tpu.memory_space<vmem>>)
    %dma_wait3A_133 = arith.constant 0 : i32
    %dma_wait3A_134 = tpu.memref_slice %arg4[%dma_wait3A_133] : memref<524288xf32, #tpu.memory_space<hbm>> -> memref<2048xf32, #tpu.memory_space<hbm>>
    %dma_wait3A_135 = arith.constant 0 : i32
    %dma_wait3A_136 = tpu.memref_slice %arg4[%dma_wait3A_135] : memref<524288xf32, #tpu.memory_space<hbm>> -> memref<2048xf32, #tpu.memory_space<hbm>>
    tpu.wait_dma2 semaphore(%arg29 : memref<!tpu.dma_semaphore, #tpu.memory_space<semaphore_mem>>) src(%dma_wait3A_136 : memref<2048xf32, #tpu.memory_space<hbm>>) dst(%arg17 : memref<2048xf32, #tpu.memory_space<vmem>>)
    %add3A_137 = arith.constant 15 : i32
    %add3A_138 = arith.addi %mul3A_2, %add3A_137 : i32
    %mul3A_139 = arith.constant 32768 : i32
    %mul3A_140 = arith.muli %add3A_138, %mul3A_139 : i32
    %multiple_of3A_141 = tpu.assume_multiple %mul3A_140, 32768 : i32
    %add3A_142 = arith.constant 15 : i32
    %add3A_143 = arith.addi %mul3A_2, %add3A_142 : i32
    %get3A_144 = arith.index_cast %add3A_143 : i32 to index
    %get3A_145 = tpu.vector_load %arg6[%get3A_144] {strides = array<i32>} : memref<528xi32, #tpu.memory_space<vmem>>, vector<16xi32>,
    %slice3A_146 = vector.extract_strided_slice %get3A_145 {offsets = [0], sizes = [1], strides = [1]} : vector<16xi32> to vector<1xi32>
    %squeeze3A_147 = vector.extract %slice3A_146[0] : i32 from vector<1xi32>
    %and3A_148 = arith.constant -8 : i32
    %and3A_149 = arith.andi %squeeze3A_147, %and3A_148 : i32
    %min3A_150 = arith.constant 522240 : i32
    %min3A_151 = arith.minsi %and3A_149, %min3A_150 : i32
    %multiple_of3A_152 = tpu.assume_multiple %min3A_151, 8 : i32
    %sub3A_153 = arith.subi %and3A_149, %min3A_151 : i32
    %add3A_154 = arith.constant 16 : i32
    %add3A_155 = arith.addi %mul3A_2, %add3A_154 : i32
    %get3A_156 = arith.index_cast %add3A_155 : i32 to index
    %get3A_157 = tpu.vector_load %arg6[%get3A_156] {strides = array<i32>} : memref<528xi32, #tpu.memory_space<vmem>>, vector<16xi32>,
    %slice3A_158 = vector.extract_strided_slice %get3A_157 {offsets = [0], sizes = [1], strides = [1]} : vector<16xi32> to vector<1xi32>
    %squeeze3A_159 = vector.extract %slice3A_158[0] : i32 from vector<1xi32>
    %sub3A_160 = arith.subi %squeeze3A_159, %multiple_of3A_152 : i32
    %add3A_161 = arith.constant 2047 : i32
    %add3A_162 = arith.addi %sub3A_160, %add3A_161 : i32
    %jit3A = arith.constant 2048 : i32
    %div3A = arith.divsi %add3A_162, %jit3A : i32
    %sign3A = arith.constant 0 : i32
    %sign3A_163 = arith.cmpi sgt, %add3A_162, %sign3A : i32
    %sign3A_164 = arith.extui %sign3A_163 : i1 to i32
    %sign3A_165 = arith.constant 0 : i32
    %sign3A_166 = arith.cmpi slt, %add3A_162, %sign3A_165 : i32
    %sign3A_167 = arith.extui %sign3A_166 : i1 to i32
    %sign3A_168 = arith.subi %sign3A_164, %sign3A_167 : i32
    %sign3A_169 = arith.constant 0 : i32
    %sign3A_170 = arith.cmpi sgt, %jit3A, %sign3A_169 : i32
    %sign3A_171 = arith.extui %sign3A_170 : i1 to i32
    %sign3A_172 = arith.constant 0 : i32
    %sign3A_173 = arith.cmpi slt, %jit3A, %sign3A_172 : i32
    %sign3A_174 = arith.extui %sign3A_173 : i1 to i32
    %sign3A_175 = arith.subi %sign3A_171, %sign3A_174 : i32
    %ne3A = arith.cmpi ne, %sign3A_168, %sign3A_175 : i32
    %rem3A = arith.remsi %add3A_162, %jit3A : i32
    %ne3A_176 = arith.constant 0 : i32
    %ne3A_177 = arith.cmpi ne, %rem3A, %ne3A_176 : i32
    %and3A_178 = arith.andi %ne3A, %ne3A_177 : i1
    %sub3A_179 = arith.constant 1 : i32
    %sub3A_180 = arith.subi %div3A, %sub3A_179 : i32
    %select_n3A = arith.select %and3A_178, %sub3A_180, %div3A : i32
    %sub3A_181 = arith.subi %squeeze3A_159, %multiple_of3A_152 : i32
    %add3A_182 = arith.constant 15 : i32
    %add3A_183 = arith.addi %sub3A_181, %add3A_182 : i32
    %jit3A_184 = arith.constant 16 : i32
    %div3A_185 = arith.divsi %add3A_183, %jit3A_184 : i32
    %sign3A_186 = arith.constant 0 : i32
    %sign3A_187 = arith.cmpi sgt, %add3A_183, %sign3A_186 : i32
    %sign3A_188 = arith.extui %sign3A_187 : i1 to i32
    %sign3A_189 = arith.constant 0 : i32
    %sign3A_190 = arith.cmpi slt, %add3A_183, %sign3A_189 : i32
    %sign3A_191 = arith.extui %sign3A_190 : i1 to i32
    %sign3A_192 = arith.subi %sign3A_188, %sign3A_191 : i32
    %sign3A_193 = arith.constant 0 : i32
    %sign3A_194 = arith.cmpi sgt, %jit3A_184, %sign3A_193 : i32
    %sign3A_195 = arith.extui %sign3A_194 : i1 to i32
    %sign3A_196 = arith.constant 0 : i32
    %sign3A_197 = arith.cmpi slt, %jit3A_184, %sign3A_196 : i32
    %sign3A_198 = arith.extui %sign3A_197 : i1 to i32
    %sign3A_199 = arith.subi %sign3A_195, %sign3A_198 : i32
    %ne3A_200 = arith.cmpi ne, %sign3A_192, %sign3A_199 : i32
    %rem3A_201 = arith.remsi %add3A_183, %jit3A_184 : i32
    %ne3A_202 = arith.constant 0 : i32
    %ne3A_203 = arith.cmpi ne, %rem3A_201, %ne3A_202 : i32
    %and3A_204 = arith.andi %ne3A_200, %ne3A_203 : i1
    %sub3A_205 = arith.constant 1 : i32
    %sub3A_206 = arith.subi %div3A_185, %sub3A_205 : i32
    %select_n3A_207 = arith.select %and3A_204, %sub3A_206, %div3A_185 : i32
    %jit3A_208 = arith.constant 0 : i32
    %jit3A_209 = arith.constant 128 : i32
    %max3A = arith.maxsi %jit3A_208, %select_n3A_207 : i32
    %min3A_210 = arith.minsi %jit3A_209, %max3A : i32
    %while3A = arith.constant 0 : i32
    %while3A_211 = arith.constant 0 : i32
    %while3A_212 = arith.subi %min3A_210, %while3A : i32
    %while3A_213 = arith.addi %while3A, %while3A_212 : i32
    %while3A_214 = arith.constant 1 : i32
    %while3A_215 = arith.divsi %while3A_212, %while3A_214 : i32
    %while3A_216 = arith.muli %while3A_215, %while3A_214 : i32
    %while3A_217 = arith.addi %while3A, %while3A_216 : i32
    %while3A_218 = arith.constant 1 : i32
    %while3A_219 = scf.for %while3A_268 = %while3A to %while3A_217 step %while3A_218 iter_args(%while3A_269 = %while3A_211) -> (i32)  : i32 {
      %mul3A_270 = arith.constant 16 : i32
      %mul3A_271 = arith.muli %while3A_268, %mul3A_270 : i32
      %get3A_272 = arith.index_cast %mul3A_271 : i32 to index
      %get3A_273 = tpu.vector_load %arg14[%get3A_272] {strides = array<i32>} : memref<2048xi32, #tpu.memory_space<vmem>>, vector<16xi32>,
      %mul3A_274 = arith.constant 16 : i32
      %mul3A_275 = arith.muli %while3A_268, %mul3A_274 : i32
      %get3A_276 = arith.index_cast %mul3A_275 : i32 to index
      %get3A_277 = tpu.vector_load %arg17[%get3A_276] {strides = array<i32>} : memref<2048xf32, #tpu.memory_space<vmem>>, vector<16xf32>,
      %sub3A_278 = vector.broadcast %multiple_of3A_141 : i32 to vector<16xi32>
      %sub3A_279 = arith.subi %get3A_273, %sub3A_278 : vector<16xi32>
      %iota3A_280 = tpu.iota {dimensions = array<i32: 0>} : vector<16xi32>
      %mul3A_281 = arith.constant 16 : i32
      %mul3A_282 = arith.muli %while3A_268, %mul3A_281 : i32
      %add3A_283 = vector.broadcast %mul3A_282 : i32 to vector<16xi32>
      %add3A_284 = arith.addi %iota3A_280, %add3A_283 : vector<16xi32>
      %ge3A = arith.constant 0 : i32
      %ge3A_285 = vector.broadcast %ge3A : i32 to vector<16xi32>
      %ge3A_286 = arith.cmpi sge, %sub3A_279, %ge3A_285 : vector<16xi32>
      %lt3A = arith.constant 32768 : i32
      %lt3A_287 = vector.broadcast %lt3A : i32 to vector<16xi32>
      %lt3A_288 = arith.cmpi slt, %sub3A_279, %lt3A_287 : vector<16xi32>
      %and3A_289 = arith.andi %ge3A_286, %lt3A_288 : vector<16xi1>
      %ge3A_290 = vector.broadcast %sub3A_153 : i32 to vector<16xi32>
      %ge3A_291 = arith.cmpi sge, %add3A_284, %ge3A_290 : vector<16xi32>
      %and3A_292 = arith.andi %and3A_289, %ge3A_291 : vector<16xi1>
      %max3A_293 = arith.constant 0 : i32
      %max3A_294 = vector.broadcast %max3A_293 : i32 to vector<16xi32>
      %max3A_295 = arith.maxsi %sub3A_279, %max3A_294 : vector<16xi32>
      %min3A_296 = arith.constant 32767 : i32
      %min3A_297 = vector.broadcast %min3A_296 : i32 to vector<16xi32>
      %min3A_298 = arith.minsi %max3A_295, %min3A_297 : vector<16xi32>
      %shift_right_arithmetic3A = arith.constant 12 : i32
      %shift_right_arithmetic3A_299 = vector.broadcast %shift_right_arithmetic3A : i32 to vector<16xi32>
      %shift_right_arithmetic3A_300 = arith.shrsi %min3A_298, %shift_right_arithmetic3A_299 : vector<16xi32>
      %and3A_301 = arith.constant 4095 : i32
      %and3A_302 = vector.broadcast %and3A_301 : i32 to vector<16xi32>
      %and3A_303 = arith.andi %min3A_298, %and3A_302 : vector<16xi32>
      %jit3A_304 = arith.constant 0.000000e+00 : f32
      %broadcast_in_dim3A_305 = vector.broadcast %jit3A_304 : f32 to vector<16xf32>
      %select_n3A_306 = arith.select %and3A_292, %get3A_277, %broadcast_in_dim3A_305 : vector<16xi1>, vector<16xf32>
      tpu.vector_store_idx %arg11[%shift_right_arithmetic3A_300, %and3A_303], %select_n3A_306 {add = true} : memref<8x4096xf32, #tpu.memory_space<vmem>>[vector<16xi32>, vector<16xi32>], vector<16xf32>,
      %while3A_307 = arith.constant 0 : i32
      scf.yield %while3A_307 : i32
    }
    %while3A_220 = arith.constant 1 : i32
    %while3A_221 = scf.for %while3A_268 = %while3A_217 to %while3A_213 step %while3A_220 iter_args(%while3A_269 = %while3A_219) -> (i32)  : i32 {
      %mul3A_270 = arith.constant 16 : i32
      %mul3A_271 = arith.muli %while3A_268, %mul3A_270 : i32
      %get3A_272 = arith.index_cast %mul3A_271 : i32 to index
      %get3A_273 = tpu.vector_load %arg14[%get3A_272] {strides = array<i32>} : memref<2048xi32, #tpu.memory_space<vmem>>, vector<16xi32>,
      %mul3A_274 = arith.constant 16 : i32
      %mul3A_275 = arith.muli %while3A_268, %mul3A_274 : i32
      %get3A_276 = arith.index_cast %mul3A_275 : i32 to index
      %get3A_277 = tpu.vector_load %arg17[%get3A_276] {strides = array<i32>} : memref<2048xf32, #tpu.memory_space<vmem>>, vector<16xf32>,
      %sub3A_278 = vector.broadcast %multiple_of3A_141 : i32 to vector<16xi32>
      %sub3A_279 = arith.subi %get3A_273, %sub3A_278 : vector<16xi32>
      %iota3A_280 = tpu.iota {dimensions = array<i32: 0>} : vector<16xi32>
      %mul3A_281 = arith.constant 16 : i32
      %mul3A_282 = arith.muli %while3A_268, %mul3A_281 : i32
      %add3A_283 = vector.broadcast %mul3A_282 : i32 to vector<16xi32>
      %add3A_284 = arith.addi %iota3A_280, %add3A_283 : vector<16xi32>
      %ge3A = arith.constant 0 : i32
      %ge3A_285 = vector.broadcast %ge3A : i32 to vector<16xi32>
      %ge3A_286 = arith.cmpi sge, %sub3A_279, %ge3A_285 : vector<16xi32>
      %lt3A = arith.constant 32768 : i32
      %lt3A_287 = vector.broadcast %lt3A : i32 to vector<16xi32>
      %lt3A_288 = arith.cmpi slt, %sub3A_279, %lt3A_287 : vector<16xi32>
      %and3A_289 = arith.andi %ge3A_286, %lt3A_288 : vector<16xi1>
      %ge3A_290 = vector.broadcast %sub3A_153 : i32 to vector<16xi32>
      %ge3A_291 = arith.cmpi sge, %add3A_284, %ge3A_290 : vector<16xi32>
      %and3A_292 = arith.andi %and3A_289, %ge3A_291 : vector<16xi1>
      %max3A_293 = arith.constant 0 : i32
      %max3A_294 = vector.broadcast %max3A_293 : i32 to vector<16xi32>
      %max3A_295 = arith.maxsi %sub3A_279, %max3A_294 : vector<16xi32>
      %min3A_296 = arith.constant 32767 : i32
      %min3A_297 = vector.broadcast %min3A_296 : i32 to vector<16xi32>
      %min3A_298 = arith.minsi %max3A_295, %min3A_297 : vector<16xi32>
      %shift_right_arithmetic3A = arith.constant 12 : i32
      %shift_right_arithmetic3A_299 = vector.broadcast %shift_right_arithmetic3A : i32 to vector<16xi32>
      %shift_right_arithmetic3A_300 = arith.shrsi %min3A_298, %shift_right_arithmetic3A_299 : vector<16xi32>
      %and3A_301 = arith.constant 4095 : i32
      %and3A_302 = vector.broadcast %and3A_301 : i32 to vector<16xi32>
      %and3A_303 = arith.andi %min3A_298, %and3A_302 : vector<16xi32>
      %jit3A_304 = arith.constant 0.000000e+00 : f32
      %broadcast_in_dim3A_305 = vector.broadcast %jit3A_304 : f32 to vector<16xf32>
      %select_n3A_306 = arith.select %and3A_292, %get3A_277, %broadcast_in_dim3A_305 : vector<16xi1>, vector<16xf32>
      tpu.vector_store_idx %arg11[%shift_right_arithmetic3A_300, %and3A_303], %select_n3A_306 {add = true} : memref<8x4096xf32, #tpu.memory_space<vmem>>[vector<16xi32>, vector<16xi32>], vector<16xf32>,
      %while3A_307 = arith.constant 0 : i32
      scf.yield %while3A_307 : i32
    }
    %while3A_222 = arith.constant 1 : i32
    %while3A_223 = arith.constant 0 : i32
    %while3A_224 = arith.subi %select_n3A, %while3A_222 : i32
    %while3A_225 = arith.addi %while3A_222, %while3A_224 : i32
    %while3A_226 = arith.constant 1 : i32
    %while3A_227 = arith.divsi %while3A_224, %while3A_226 : i32
    %while3A_228 = arith.muli %while3A_227, %while3A_226 : i32
    %while3A_229 = arith.addi %while3A_222, %while3A_228 : i32
    %while3A_230 = arith.constant 1 : i32
    %while3A_231 = scf.for %while3A_268 = %while3A_222 to %while3A_229 step %while3A_230 iter_args(%while3A_269 = %while3A_223) -> (i32)  : i32 {
      %mul3A_270 = arith.constant 2048 : i32
      %mul3A_271 = arith.muli %while3A_268, %mul3A_270 : i32
      %add3A_272 = arith.addi %multiple_of3A_152, %mul3A_271 : i32
      %min3A_273 = arith.constant 522240 : i32
      %min3A_274 = arith.minsi %add3A_272, %min3A_273 : i32
      %multiple_of3A_275 = tpu.assume_multiple %min3A_274, 8 : i32
      "tpu.region"() ({
        %run_scoped3A = tpu.sem_alloc : memref<!tpu.dma_semaphore, #tpu.memory_space<semaphore_mem>>
        %dma_start3A_321 = tpu.memref_slice %arg3[%multiple_of3A_275] : memref<524288xi32, #tpu.memory_space<hbm>> -> memref<2048xi32, #tpu.memory_space<hbm>>
        %dma_start3A_322 = tpu.memref_slice %arg3[%multiple_of3A_275] : memref<524288xi32, #tpu.memory_space<hbm>> -> memref<2048xi32, #tpu.memory_space<hbm>>
        tpu.enqueue_dma source(%dma_start3A_322 : memref<2048xi32, #tpu.memory_space<hbm>>) target(%arg14 : memref<2048xi32, #tpu.memory_space<vmem>>) target_semaphore(%run_scoped3A : memref<!tpu.dma_semaphore, #tpu.memory_space<semaphore_mem>>)
        %dma_wait3A_323 = tpu.memref_slice %arg3[%multiple_of3A_275] : memref<524288xi32, #tpu.memory_space<hbm>> -> memref<2048xi32, #tpu.memory_space<hbm>>
        %dma_wait3A_324 = tpu.memref_slice %arg3[%multiple_of3A_275] : memref<524288xi32, #tpu.memory_space<hbm>> -> memref<2048xi32, #tpu.memory_space<hbm>>
        tpu.wait_dma2 semaphore(%run_scoped3A : memref<!tpu.dma_semaphore, #tpu.memory_space<semaphore_mem>>) src(%dma_wait3A_324 : memref<2048xi32, #tpu.memory_space<hbm>>) dst(%arg14 : memref<2048xi32, #tpu.memory_space<vmem>>)
        tpu.yield
      }) : () -> ()
      "tpu.region"() ({
        %run_scoped3A = tpu.sem_alloc : memref<!tpu.dma_semaphore, #tpu.memory_space<semaphore_mem>>
        %dma_start3A_321 = tpu.memref_slice %arg4[%multiple_of3A_275] : memref<524288xf32, #tpu.memory_space<hbm>> -> memref<2048xf32, #tpu.memory_space<hbm>>
        %dma_start3A_322 = tpu.memref_slice %arg4[%multiple_of3A_275] : memref<524288xf32, #tpu.memory_space<hbm>> -> memref<2048xf32, #tpu.memory_space<hbm>>
        tpu.enqueue_dma source(%dma_start3A_322 : memref<2048xf32, #tpu.memory_space<hbm>>) target(%arg17 : memref<2048xf32, #tpu.memory_space<vmem>>) target_semaphore(%run_scoped3A : memref<!tpu.dma_semaphore, #tpu.memory_space<semaphore_mem>>)
        %dma_wait3A_323 = tpu.memref_slice %arg4[%multiple_of3A_275] : memref<524288xf32, #tpu.memory_space<hbm>> -> memref<2048xf32, #tpu.memory_space<hbm>>
        %dma_wait3A_324 = tpu.memref_slice %arg4[%multiple_of3A_275] : memref<524288xf32, #tpu.memory_space<hbm>> -> memref<2048xf32, #tpu.memory_space<hbm>>
        tpu.wait_dma2 semaphore(%run_scoped3A : memref<!tpu.dma_semaphore, #tpu.memory_space<semaphore_mem>>) src(%dma_wait3A_324 : memref<2048xf32, #tpu.memory_space<hbm>>) dst(%arg17 : memref<2048xf32, #tpu.memory_space<vmem>>)
        tpu.yield
      }) : () -> ()
      %sub3A_276 = arith.subi %add3A_272, %multiple_of3A_275 : i32
      %sub3A_277 = arith.subi %squeeze3A_159, %multiple_of3A_275 : i32
      %add3A_278 = arith.constant 15 : i32
      %add3A_279 = arith.addi %sub3A_277, %add3A_278 : i32
      %jit3A_280 = arith.constant 16 : i32
      %div3A_281 = arith.divsi %add3A_279, %jit3A_280 : i32
      %sign3A_282 = arith.constant 0 : i32
      %sign3A_283 = arith.cmpi sgt, %add3A_279, %sign3A_282 : i32
      %sign3A_284 = arith.extui %sign3A_283 : i1 to i32
      %sign3A_285 = arith.constant 0 : i32
      %sign3A_286 = arith.cmpi slt, %add3A_279, %sign3A_285 : i32
      %sign3A_287 = arith.extui %sign3A_286 : i1 to i32
      %sign3A_288 = arith.subi %sign3A_284, %sign3A_287 : i32
      %sign3A_289 = arith.constant 0 : i32
      %sign3A_290 = arith.cmpi sgt, %jit3A_280, %sign3A_289 : i32
      %sign3A_291 = arith.extui %sign3A_290 : i1 to i32
      %sign3A_292 = arith.constant 0 : i32
      %sign3A_293 = arith.cmpi slt, %jit3A_280, %sign3A_292 : i32
      %sign3A_294 = arith.extui %sign3A_293 : i1 to i32
      %sign3A_295 = arith.subi %sign3A_291, %sign3A_294 : i32
      %ne3A_296 = arith.cmpi ne, %sign3A_288, %sign3A_295 : i32
      %rem3A_297 = arith.remsi %add3A_279, %jit3A_280 : i32
      %ne3A_298 = arith.constant 0 : i32
      %ne3A_299 = arith.cmpi ne, %rem3A_297, %ne3A_298 : i32
      %and3A_300 = arith.andi %ne3A_296, %ne3A_299 : i1
      %sub3A_301 = arith.constant 1 : i32
      %sub3A_302 = arith.subi %div3A_281, %sub3A_301 : i32
      %select_n3A_303 = arith.select %and3A_300, %sub3A_302, %div3A_281 : i32
      %jit3A_304 = arith.constant 0 : i32
      %jit3A_305 = arith.constant 128 : i32
      %max3A_306 = arith.maxsi %jit3A_304, %select_n3A_303 : i32
      %min3A_307 = arith.minsi %jit3A_305, %max3A_306 : i32
      %while3A_308 = arith.constant 0 : i32
      %while3A_309 = arith.constant 0 : i32
      %while3A_310 = arith.subi %min3A_307, %while3A_308 : i32
      %while3A_311 = arith.addi %while3A_308, %while3A_310 : i32
      %while3A_312 = arith.constant 1 : i32
      %while3A_313 = arith.divsi %while3A_310, %while3A_312 : i32
      %while3A_314 = arith.muli %while3A_313, %while3A_312 : i32
      %while3A_315 = arith.addi %while3A_308, %while3A_314 : i32
      %while3A_316 = arith.constant 1 : i32
      %while3A_317 = scf.for %while3A_321 = %while3A_308 to %while3A_315 step %while3A_316 iter_args(%while3A_322 = %while3A_309) -> (i32)  : i32 {
        %mul3A_323 = arith.constant 16 : i32
        %mul3A_324 = arith.muli %while3A_321, %mul3A_323 : i32
        %get3A_325 = arith.index_cast %mul3A_324 : i32 to index
        %get3A_326 = tpu.vector_load %arg14[%get3A_325] {strides = array<i32>} : memref<2048xi32, #tpu.memory_space<vmem>>, vector<16xi32>,
        %mul3A_327 = arith.constant 16 : i32
        %mul3A_328 = arith.muli %while3A_321, %mul3A_327 : i32
        %get3A_329 = arith.index_cast %mul3A_328 : i32 to index
        %get3A_330 = tpu.vector_load %arg17[%get3A_329] {strides = array<i32>} : memref<2048xf32, #tpu.memory_space<vmem>>, vector<16xf32>,
        %sub3A_331 = vector.broadcast %multiple_of3A_141 : i32 to vector<16xi32>
        %sub3A_332 = arith.subi %get3A_326, %sub3A_331 : vector<16xi32>
        %iota3A_333 = tpu.iota {dimensions = array<i32: 0>} : vector<16xi32>
        %mul3A_334 = arith.constant 16 : i32
        %mul3A_335 = arith.muli %while3A_321, %mul3A_334 : i32
        %add3A_336 = vector.broadcast %mul3A_335 : i32 to vector<16xi32>
        %add3A_337 = arith.addi %iota3A_333, %add3A_336 : vector<16xi32>
        %ge3A = arith.constant 0 : i32
        %ge3A_338 = vector.broadcast %ge3A : i32 to vector<16xi32>
        %ge3A_339 = arith.cmpi sge, %sub3A_332, %ge3A_338 : vector<16xi32>
        %lt3A = arith.constant 32768 : i32
        %lt3A_340 = vector.broadcast %lt3A : i32 to vector<16xi32>
        %lt3A_341 = arith.cmpi slt, %sub3A_332, %lt3A_340 : vector<16xi32>
        %and3A_342 = arith.andi %ge3A_339, %lt3A_341 : vector<16xi1>
        %ge3A_343 = vector.broadcast %sub3A_276 : i32 to vector<16xi32>
        %ge3A_344 = arith.cmpi sge, %add3A_337, %ge3A_343 : vector<16xi32>
        %and3A_345 = arith.andi %and3A_342, %ge3A_344 : vector<16xi1>
        %max3A_346 = arith.constant 0 : i32
        %max3A_347 = vector.broadcast %max3A_346 : i32 to vector<16xi32>
        %max3A_348 = arith.maxsi %sub3A_332, %max3A_347 : vector<16xi32>
        %min3A_349 = arith.constant 32767 : i32
        %min3A_350 = vector.broadcast %min3A_349 : i32 to vector<16xi32>
        %min3A_351 = arith.minsi %max3A_348, %min3A_350 : vector<16xi32>
        %shift_right_arithmetic3A = arith.constant 12 : i32
        %shift_right_arithmetic3A_352 = vector.broadcast %shift_right_arithmetic3A : i32 to vector<16xi32>
        %shift_right_arithmetic3A_353 = arith.shrsi %min3A_351, %shift_right_arithmetic3A_352 : vector<16xi32>
        %and3A_354 = arith.constant 4095 : i32
        %and3A_355 = vector.broadcast %and3A_354 : i32 to vector<16xi32>
        %and3A_356 = arith.andi %min3A_351, %and3A_355 : vector<16xi32>
        %jit3A_357 = arith.constant 0.000000e+00 : f32
        %broadcast_in_dim3A_358 = vector.broadcast %jit3A_357 : f32 to vector<16xf32>
        %select_n3A_359 = arith.select %and3A_345, %get3A_330, %broadcast_in_dim3A_358 : vector<16xi1>, vector<16xf32>
        tpu.vector_store_idx %arg11[%shift_right_arithmetic3A_353, %and3A_356], %select_n3A_359 {add = true} : memref<8x4096xf32, #tpu.memory_space<vmem>>[vector<16xi32>, vector<16xi32>], vector<16xf32>,
        %while3A_360 = arith.constant 0 : i32
        scf.yield %while3A_360 : i32
      }
      %while3A_318 = arith.constant 1 : i32
      %while3A_319 = scf.for %while3A_321 = %while3A_315 to %while3A_311 step %while3A_318 iter_args(%while3A_322 = %while3A_317) -> (i32)  : i32 {
        %mul3A_323 = arith.constant 16 : i32
        %mul3A_324 = arith.muli %while3A_321, %mul3A_323 : i32
        %get3A_325 = arith.index_cast %mul3A_324 : i32 to index
        %get3A_326 = tpu.vector_load %arg14[%get3A_325] {strides = array<i32>} : memref<2048xi32, #tpu.memory_space<vmem>>, vector<16xi32>,
        %mul3A_327 = arith.constant 16 : i32
        %mul3A_328 = arith.muli %while3A_321, %mul3A_327 : i32
        %get3A_329 = arith.index_cast %mul3A_328 : i32 to index
        %get3A_330 = tpu.vector_load %arg17[%get3A_329] {strides = array<i32>} : memref<2048xf32, #tpu.memory_space<vmem>>, vector<16xf32>,
        %sub3A_331 = vector.broadcast %multiple_of3A_141 : i32 to vector<16xi32>
        %sub3A_332 = arith.subi %get3A_326, %sub3A_331 : vector<16xi32>
        %iota3A_333 = tpu.iota {dimensions = array<i32: 0>} : vector<16xi32>
        %mul3A_334 = arith.constant 16 : i32
        %mul3A_335 = arith.muli %while3A_321, %mul3A_334 : i32
        %add3A_336 = vector.broadcast %mul3A_335 : i32 to vector<16xi32>
        %add3A_337 = arith.addi %iota3A_333, %add3A_336 : vector<16xi32>
        %ge3A = arith.constant 0 : i32
        %ge3A_338 = vector.broadcast %ge3A : i32 to vector<16xi32>
        %ge3A_339 = arith.cmpi sge, %sub3A_332, %ge3A_338 : vector<16xi32>
        %lt3A = arith.constant 32768 : i32
        %lt3A_340 = vector.broadcast %lt3A : i32 to vector<16xi32>
        %lt3A_341 = arith.cmpi slt, %sub3A_332, %lt3A_340 : vector<16xi32>
        %and3A_342 = arith.andi %ge3A_339, %lt3A_341 : vector<16xi1>
        %ge3A_343 = vector.broadcast %sub3A_276 : i32 to vector<16xi32>
        %ge3A_344 = arith.cmpi sge, %add3A_337, %ge3A_343 : vector<16xi32>
        %and3A_345 = arith.andi %and3A_342, %ge3A_344 : vector<16xi1>
        %max3A_346 = arith.constant 0 : i32
        %max3A_347 = vector.broadcast %max3A_346 : i32 to vector<16xi32>
        %max3A_348 = arith.maxsi %sub3A_332, %max3A_347 : vector<16xi32>
        %min3A_349 = arith.constant 32767 : i32
        %min3A_350 = vector.broadcast %min3A_349 : i32 to vector<16xi32>
        %min3A_351 = arith.minsi %max3A_348, %min3A_350 : vector<16xi32>
        %shift_right_arithmetic3A = arith.constant 12 : i32
        %shift_right_arithmetic3A_352 = vector.broadcast %shift_right_arithmetic3A : i32 to vector<16xi32>
        %shift_right_arithmetic3A_353 = arith.shrsi %min3A_351, %shift_right_arithmetic3A_352 : vector<16xi32>
        %and3A_354 = arith.constant 4095 : i32
        %and3A_355 = vector.broadcast %and3A_354 : i32 to vector<16xi32>
        %and3A_356 = arith.andi %min3A_351, %and3A_355 : vector<16xi32>
        %jit3A_357 = arith.constant 0.000000e+00 : f32
        %broadcast_in_dim3A_358 = vector.broadcast %jit3A_357 : f32 to vector<16xf32>
        %select_n3A_359 = arith.select %and3A_345, %get3A_330, %broadcast_in_dim3A_358 : vector<16xi1>, vector<16xf32>
        tpu.vector_store_idx %arg11[%shift_right_arithmetic3A_353, %and3A_356], %select_n3A_359 {add = true} : memref<8x4096xf32, #tpu.memory_space<vmem>>[vector<16xi32>, vector<16xi32>], vector<16xf32>,
        %while3A_360 = arith.constant 0 : i32
        scf.yield %while3A_360 : i32
      }
      %while3A_320 = arith.constant 0 : i32
      scf.yield %while3A_320 : i32
    }
    %while3A_232 = arith.constant 1 : i32
    %while3A_233 = scf.for %while3A_268 = %while3A_229 to %while3A_225 step %while3A_232 iter_args(%while3A_269 = %while3A_231) -> (i32)  : i32 {
      %mul3A_270 = arith.constant 2048 : i32
      %mul3A_271 = arith.muli %while3A_268, %mul3A_270 : i32
      %add3A_272 = arith.addi %multiple_of3A_152, %mul3A_271 : i32
      %min3A_273 = arith.constant 522240 : i32
      %min3A_274 = arith.minsi %add3A_272, %min3A_273 : i32
      %multiple_of3A_275 = tpu.assume_multiple %min3A_274, 8 : i32
      "tpu.region"() ({
        %run_scoped3A = tpu.sem_alloc : memref<!tpu.dma_semaphore, #tpu.memory_space<semaphore_mem>>
        %dma_start3A_321 = tpu.memref_slice %arg3[%multiple_of3A_275] : memref<524288xi32, #tpu.memory_space<hbm>> -> memref<2048xi32, #tpu.memory_space<hbm>>
        %dma_start3A_322 = tpu.memref_slice %arg3[%multiple_of3A_275] : memref<524288xi32, #tpu.memory_space<hbm>> -> memref<2048xi32, #tpu.memory_space<hbm>>
        tpu.enqueue_dma source(%dma_start3A_322 : memref<2048xi32, #tpu.memory_space<hbm>>) target(%arg14 : memref<2048xi32, #tpu.memory_space<vmem>>) target_semaphore(%run_scoped3A : memref<!tpu.dma_semaphore, #tpu.memory_space<semaphore_mem>>)
        %dma_wait3A_323 = tpu.memref_slice %arg3[%multiple_of3A_275] : memref<524288xi32, #tpu.memory_space<hbm>> -> memref<2048xi32, #tpu.memory_space<hbm>>
        %dma_wait3A_324 = tpu.memref_slice %arg3[%multiple_of3A_275] : memref<524288xi32, #tpu.memory_space<hbm>> -> memref<2048xi32, #tpu.memory_space<hbm>>
        tpu.wait_dma2 semaphore(%run_scoped3A : memref<!tpu.dma_semaphore, #tpu.memory_space<semaphore_mem>>) src(%dma_wait3A_324 : memref<2048xi32, #tpu.memory_space<hbm>>) dst(%arg14 : memref<2048xi32, #tpu.memory_space<vmem>>)
        tpu.yield
      }) : () -> ()
      "tpu.region"() ({
        %run_scoped3A = tpu.sem_alloc : memref<!tpu.dma_semaphore, #tpu.memory_space<semaphore_mem>>
        %dma_start3A_321 = tpu.memref_slice %arg4[%multiple_of3A_275] : memref<524288xf32, #tpu.memory_space<hbm>> -> memref<2048xf32, #tpu.memory_space<hbm>>
        %dma_start3A_322 = tpu.memref_slice %arg4[%multiple_of3A_275] : memref<524288xf32, #tpu.memory_space<hbm>> -> memref<2048xf32, #tpu.memory_space<hbm>>
        tpu.enqueue_dma source(%dma_start3A_322 : memref<2048xf32, #tpu.memory_space<hbm>>) target(%arg17 : memref<2048xf32, #tpu.memory_space<vmem>>) target_semaphore(%run_scoped3A : memref<!tpu.dma_semaphore, #tpu.memory_space<semaphore_mem>>)
        %dma_wait3A_323 = tpu.memref_slice %arg4[%multiple_of3A_275] : memref<524288xf32, #tpu.memory_space<hbm>> -> memref<2048xf32, #tpu.memory_space<hbm>>
        %dma_wait3A_324 = tpu.memref_slice %arg4[%multiple_of3A_275] : memref<524288xf32, #tpu.memory_space<hbm>> -> memref<2048xf32, #tpu.memory_space<hbm>>
        tpu.wait_dma2 semaphore(%run_scoped3A : memref<!tpu.dma_semaphore, #tpu.memory_space<semaphore_mem>>) src(%dma_wait3A_324 : memref<2048xf32, #tpu.memory_space<hbm>>) dst(%arg17 : memref<2048xf32, #tpu.memory_space<vmem>>)
        tpu.yield
      }) : () -> ()
      %sub3A_276 = arith.subi %add3A_272, %multiple_of3A_275 : i32
      %sub3A_277 = arith.subi %squeeze3A_159, %multiple_of3A_275 : i32
      %add3A_278 = arith.constant 15 : i32
      %add3A_279 = arith.addi %sub3A_277, %add3A_278 : i32
      %jit3A_280 = arith.constant 16 : i32
      %div3A_281 = arith.divsi %add3A_279, %jit3A_280 : i32
      %sign3A_282 = arith.constant 0 : i32
      %sign3A_283 = arith.cmpi sgt, %add3A_279, %sign3A_282 : i32
      %sign3A_284 = arith.extui %sign3A_283 : i1 to i32
      %sign3A_285 = arith.constant 0 : i32
      %sign3A_286 = arith.cmpi slt, %add3A_279, %sign3A_285 : i32
      %sign3A_287 = arith.extui %sign3A_286 : i1 to i32
      %sign3A_288 = arith.subi %sign3A_284, %sign3A_287 : i32
      %sign3A_289 = arith.constant 0 : i32
      %sign3A_290 = arith.cmpi sgt, %jit3A_280, %sign3A_289 : i32
      %sign3A_291 = arith.extui %sign3A_290 : i1 to i32
      %sign3A_292 = arith.constant 0 : i32
      %sign3A_293 = arith.cmpi slt, %jit3A_280, %sign3A_292 : i32
      %sign3A_294 = arith.extui %sign3A_293 : i1 to i32
      %sign3A_295 = arith.subi %sign3A_291, %sign3A_294 : i32
      %ne3A_296 = arith.cmpi ne, %sign3A_288, %sign3A_295 : i32
      %rem3A_297 = arith.remsi %add3A_279, %jit3A_280 : i32
      %ne3A_298 = arith.constant 0 : i32
      %ne3A_299 = arith.cmpi ne, %rem3A_297, %ne3A_298 : i32
      %and3A_300 = arith.andi %ne3A_296, %ne3A_299 : i1
      %sub3A_301 = arith.constant 1 : i32
      %sub3A_302 = arith.subi %div3A_281, %sub3A_301 : i32
      %select_n3A_303 = arith.select %and3A_300, %sub3A_302, %div3A_281 : i32
      %jit3A_304 = arith.constant 0 : i32
      %jit3A_305 = arith.constant 128 : i32
      %max3A_306 = arith.maxsi %jit3A_304, %select_n3A_303 : i32
      %min3A_307 = arith.minsi %jit3A_305, %max3A_306 : i32
      %while3A_308 = arith.constant 0 : i32
      %while3A_309 = arith.constant 0 : i32
      %while3A_310 = arith.subi %min3A_307, %while3A_308 : i32
      %while3A_311 = arith.addi %while3A_308, %while3A_310 : i32
      %while3A_312 = arith.constant 1 : i32
      %while3A_313 = arith.divsi %while3A_310, %while3A_312 : i32
      %while3A_314 = arith.muli %while3A_313, %while3A_312 : i32
      %while3A_315 = arith.addi %while3A_308, %while3A_314 : i32
      %while3A_316 = arith.constant 1 : i32
      %while3A_317 = scf.for %while3A_321 = %while3A_308 to %while3A_315 step %while3A_316 iter_args(%while3A_322 = %while3A_309) -> (i32)  : i32 {
        %mul3A_323 = arith.constant 16 : i32
        %mul3A_324 = arith.muli %while3A_321, %mul3A_323 : i32
        %get3A_325 = arith.index_cast %mul3A_324 : i32 to index
        %get3A_326 = tpu.vector_load %arg14[%get3A_325] {strides = array<i32>} : memref<2048xi32, #tpu.memory_space<vmem>>, vector<16xi32>,
        %mul3A_327 = arith.constant 16 : i32
        %mul3A_328 = arith.muli %while3A_321, %mul3A_327 : i32
        %get3A_329 = arith.index_cast %mul3A_328 : i32 to index
        %get3A_330 = tpu.vector_load %arg17[%get3A_329] {strides = array<i32>} : memref<2048xf32, #tpu.memory_space<vmem>>, vector<16xf32>,
        %sub3A_331 = vector.broadcast %multiple_of3A_141 : i32 to vector<16xi32>
        %sub3A_332 = arith.subi %get3A_326, %sub3A_331 : vector<16xi32>
        %iota3A_333 = tpu.iota {dimensions = array<i32: 0>} : vector<16xi32>
        %mul3A_334 = arith.constant 16 : i32
        %mul3A_335 = arith.muli %while3A_321, %mul3A_334 : i32
        %add3A_336 = vector.broadcast %mul3A_335 : i32 to vector<16xi32>
        %add3A_337 = arith.addi %iota3A_333, %add3A_336 : vector<16xi32>
        %ge3A = arith.constant 0 : i32
        %ge3A_338 = vector.broadcast %ge3A : i32 to vector<16xi32>
        %ge3A_339 = arith.cmpi sge, %sub3A_332, %ge3A_338 : vector<16xi32>
        %lt3A = arith.constant 32768 : i32
        %lt3A_340 = vector.broadcast %lt3A : i32 to vector<16xi32>
        %lt3A_341 = arith.cmpi slt, %sub3A_332, %lt3A_340 : vector<16xi32>
        %and3A_342 = arith.andi %ge3A_339, %lt3A_341 : vector<16xi1>
        %ge3A_343 = vector.broadcast %sub3A_276 : i32 to vector<16xi32>
        %ge3A_344 = arith.cmpi sge, %add3A_337, %ge3A_343 : vector<16xi32>
        %and3A_345 = arith.andi %and3A_342, %ge3A_344 : vector<16xi1>
        %max3A_346 = arith.constant 0 : i32
        %max3A_347 = vector.broadcast %max3A_346 : i32 to vector<16xi32>
        %max3A_348 = arith.maxsi %sub3A_332, %max3A_347 : vector<16xi32>
        %min3A_349 = arith.constant 32767 : i32
        %min3A_350 = vector.broadcast %min3A_349 : i32 to vector<16xi32>
        %min3A_351 = arith.minsi %max3A_348, %min3A_350 : vector<16xi32>
        %shift_right_arithmetic3A = arith.constant 12 : i32
        %shift_right_arithmetic3A_352 = vector.broadcast %shift_right_arithmetic3A : i32 to vector<16xi32>
        %shift_right_arithmetic3A_353 = arith.shrsi %min3A_351, %shift_right_arithmetic3A_352 : vector<16xi32>
        %and3A_354 = arith.constant 4095 : i32
        %and3A_355 = vector.broadcast %and3A_354 : i32 to vector<16xi32>
        %and3A_356 = arith.andi %min3A_351, %and3A_355 : vector<16xi32>
        %jit3A_357 = arith.constant 0.000000e+00 : f32
        %broadcast_in_dim3A_358 = vector.broadcast %jit3A_357 : f32 to vector<16xf32>
        %select_n3A_359 = arith.select %and3A_345, %get3A_330, %broadcast_in_dim3A_358 : vector<16xi1>, vector<16xf32>
        tpu.vector_store_idx %arg11[%shift_right_arithmetic3A_353, %and3A_356], %select_n3A_359 {add = true} : memref<8x4096xf32, #tpu.memory_space<vmem>>[vector<16xi32>, vector<16xi32>], vector<16xf32>,
        %while3A_360 = arith.constant 0 : i32
        scf.yield %while3A_360 : i32
      }
      %while3A_318 = arith.constant 1 : i32
      %while3A_319 = scf.for %while3A_321 = %while3A_315 to %while3A_311 step %while3A_318 iter_args(%while3A_322 = %while3A_317) -> (i32)  : i32 {
        %mul3A_323 = arith.constant 16 : i32
        %mul3A_324 = arith.muli %while3A_321, %mul3A_323 : i32
        %get3A_325 = arith.index_cast %mul3A_324 : i32 to index
        %get3A_326 = tpu.vector_load %arg14[%get3A_325] {strides = array<i32>} : memref<2048xi32, #tpu.memory_space<vmem>>, vector<16xi32>,
        %mul3A_327 = arith.constant 16 : i32
        %mul3A_328 = arith.muli %while3A_321, %mul3A_327 : i32
        %get3A_329 = arith.index_cast %mul3A_328 : i32 to index
        %get3A_330 = tpu.vector_load %arg17[%get3A_329] {strides = array<i32>} : memref<2048xf32, #tpu.memory_space<vmem>>, vector<16xf32>,
        %sub3A_331 = vector.broadcast %multiple_of3A_141 : i32 to vector<16xi32>
        %sub3A_332 = arith.subi %get3A_326, %sub3A_331 : vector<16xi32>
        %iota3A_333 = tpu.iota {dimensions = array<i32: 0>} : vector<16xi32>
        %mul3A_334 = arith.constant 16 : i32
        %mul3A_335 = arith.muli %while3A_321, %mul3A_334 : i32
        %add3A_336 = vector.broadcast %mul3A_335 : i32 to vector<16xi32>
        %add3A_337 = arith.addi %iota3A_333, %add3A_336 : vector<16xi32>
        %ge3A = arith.constant 0 : i32
        %ge3A_338 = vector.broadcast %ge3A : i32 to vector<16xi32>
        %ge3A_339 = arith.cmpi sge, %sub3A_332, %ge3A_338 : vector<16xi32>
        %lt3A = arith.constant 32768 : i32
        %lt3A_340 = vector.broadcast %lt3A : i32 to vector<16xi32>
        %lt3A_341 = arith.cmpi slt, %sub3A_332, %lt3A_340 : vector<16xi32>
        %and3A_342 = arith.andi %ge3A_339, %lt3A_341 : vector<16xi1>
        %ge3A_343 = vector.broadcast %sub3A_276 : i32 to vector<16xi32>
        %ge3A_344 = arith.cmpi sge, %add3A_337, %ge3A_343 : vector<16xi32>
        %and3A_345 = arith.andi %and3A_342, %ge3A_344 : vector<16xi1>
        %max3A_346 = arith.constant 0 : i32
        %max3A_347 = vector.broadcast %max3A_346 : i32 to vector<16xi32>
        %max3A_348 = arith.maxsi %sub3A_332, %max3A_347 : vector<16xi32>
        %min3A_349 = arith.constant 32767 : i32
        %min3A_350 = vector.broadcast %min3A_349 : i32 to vector<16xi32>
        %min3A_351 = arith.minsi %max3A_348, %min3A_350 : vector<16xi32>
        %shift_right_arithmetic3A = arith.constant 12 : i32
        %shift_right_arithmetic3A_352 = vector.broadcast %shift_right_arithmetic3A : i32 to vector<16xi32>
        %shift_right_arithmetic3A_353 = arith.shrsi %min3A_351, %shift_right_arithmetic3A_352 : vector<16xi32>
        %and3A_354 = arith.constant 4095 : i32
        %and3A_355 = vector.broadcast %and3A_354 : i32 to vector<16xi32>
        %and3A_356 = arith.andi %min3A_351, %and3A_355 : vector<16xi32>
        %jit3A_357 = arith.constant 0.000000e+00 : f32
        %broadcast_in_dim3A_358 = vector.broadcast %jit3A_357 : f32 to vector<16xf32>
        %select_n3A_359 = arith.select %and3A_345, %get3A_330, %broadcast_in_dim3A_358 : vector<16xi1>, vector<16xf32>
        tpu.vector_store_idx %arg11[%shift_right_arithmetic3A_353, %and3A_356], %select_n3A_359 {add = true} : memref<8x4096xf32, #tpu.memory_space<vmem>>[vector<16xi32>, vector<16xi32>], vector<16xf32>,
        %while3A_360 = arith.constant 0 : i32
        scf.yield %while3A_360 : i32
      }
      %while3A_320 = arith.constant 0 : i32
      scf.yield %while3A_320 : i32
    }
    %add3A_234 = arith.constant 15 : i32
    %add3A_235 = arith.addi %mul3A_2, %add3A_234 : i32
    %dma_start3A_236 = tpu.memref_reshape %arg5 : memref<4096x4096xf32, #tpu.memory_space<hbm>> -> memref<512x8x4096xf32, #tpu.memory_space<hbm>>
    %dma_start3A_237 = arith.constant 0 : i32
    %dma_start3A_238 = arith.constant 0 : i32
    %dma_start3A_239 = tpu.memref_slice %dma_start3A_236[%add3A_235, %dma_start3A_237, %dma_start3A_238] : memref<512x8x4096xf32, #tpu.memory_space<hbm>> -> memref<1x8x4096xf32, #tpu.memory_space<hbm>>
    %dma_start3A_240 = tpu.memref_squeeze %dma_start3A_239 : memref<1x8x4096xf32, #tpu.memory_space<hbm>> -> memref<8x4096xf32, #tpu.memory_space<hbm>>
    %dma_start3A_241 = tpu.memref_reshape %arg5 : memref<4096x4096xf32, #tpu.memory_space<hbm>> -> memref<512x8x4096xf32, #tpu.memory_space<hbm>>
    %dma_start3A_242 = arith.constant 0 : i32
    %dma_start3A_243 = arith.constant 0 : i32
    %dma_start3A_244 = tpu.memref_slice %dma_start3A_241[%add3A_235, %dma_start3A_242, %dma_start3A_243] : memref<512x8x4096xf32, #tpu.memory_space<hbm>> -> memref<1x8x4096xf32, #tpu.memory_space<hbm>>
    %dma_start3A_245 = tpu.memref_squeeze %dma_start3A_244 : memref<1x8x4096xf32, #tpu.memory_space<hbm>> -> memref<8x4096xf32, #tpu.memory_space<hbm>>
    tpu.enqueue_dma source(%arg11 : memref<8x4096xf32, #tpu.memory_space<vmem>>) target(%dma_start3A_245 : memref<8x4096xf32, #tpu.memory_space<hbm>>) target_semaphore(%arg23 : memref<!tpu.dma_semaphore, #tpu.memory_space<semaphore_mem>>)
    %dma_wait3A_246 = arith.constant 0 : i32
    %dma_wait3A_247 = tpu.memref_reshape %arg5 : memref<4096x4096xf32, #tpu.memory_space<hbm>> -> memref<512x8x4096xf32, #tpu.memory_space<hbm>>
    %dma_wait3A_248 = arith.constant 0 : i32
    %dma_wait3A_249 = arith.constant 0 : i32
    %dma_wait3A_250 = tpu.memref_slice %dma_wait3A_247[%dma_wait3A_246, %dma_wait3A_248, %dma_wait3A_249] : memref<512x8x4096xf32, #tpu.memory_space<hbm>> -> memref<1x8x4096xf32, #tpu.memory_space<hbm>>
    %dma_wait3A_251 = tpu.memref_squeeze %dma_wait3A_250 : memref<1x8x4096xf32, #tpu.memory_space<hbm>> -> memref<8x4096xf32, #tpu.memory_space<hbm>>
    %dma_wait3A_252 = tpu.memref_reshape %arg5 : memref<4096x4096xf32, #tpu.memory_space<hbm>> -> memref<512x8x4096xf32, #tpu.memory_space<hbm>>
    %dma_wait3A_253 = arith.constant 0 : i32
    %dma_wait3A_254 = arith.constant 0 : i32
    %dma_wait3A_255 = tpu.memref_slice %dma_wait3A_252[%dma_wait3A_246, %dma_wait3A_253, %dma_wait3A_254] : memref<512x8x4096xf32, #tpu.memory_space<hbm>> -> memref<1x8x4096xf32, #tpu.memory_space<hbm>>
    %dma_wait3A_256 = tpu.memref_squeeze %dma_wait3A_255 : memref<1x8x4096xf32, #tpu.memory_space<hbm>> -> memref<8x4096xf32, #tpu.memory_space<hbm>>
    tpu.wait_dma2 semaphore(%arg25 : memref<!tpu.dma_semaphore, #tpu.memory_space<semaphore_mem>>) src(%arg13 : memref<8x4096xf32, #tpu.memory_space<vmem>>) dst(%dma_wait3A_256 : memref<8x4096xf32, #tpu.memory_space<hbm>>)
    %dma_wait3A_257 = arith.constant 0 : i32
    %dma_wait3A_258 = tpu.memref_reshape %arg5 : memref<4096x4096xf32, #tpu.memory_space<hbm>> -> memref<512x8x4096xf32, #tpu.memory_space<hbm>>
    %dma_wait3A_259 = arith.constant 0 : i32
    %dma_wait3A_260 = arith.constant 0 : i32
    %dma_wait3A_261 = tpu.memref_slice %dma_wait3A_258[%dma_wait3A_257, %dma_wait3A_259, %dma_wait3A_260] : memref<512x8x4096xf32, #tpu.memory_space<hbm>> -> memref<1x8x4096xf32, #tpu.memory_space<hbm>>
    %dma_wait3A_262 = tpu.memref_squeeze %dma_wait3A_261 : memref<1x8x4096xf32, #tpu.memory_space<hbm>> -> memref<8x4096xf32, #tpu.memory_space<hbm>>
    %dma_wait3A_263 = tpu.memref_reshape %arg5 : memref<4096x4096xf32, #tpu.memory_space<hbm>> -> memref<512x8x4096xf32, #tpu.memory_space<hbm>>
    %dma_wait3A_264 = arith.constant 0 : i32
    %dma_wait3A_265 = arith.constant 0 : i32
    %dma_wait3A_266 = tpu.memref_slice %dma_wait3A_263[%dma_wait3A_257, %dma_wait3A_264, %dma_wait3A_265] : memref<512x8x4096xf32, #tpu.memory_space<hbm>> -> memref<1x8x4096xf32, #tpu.memory_space<hbm>>
    %dma_wait3A_267 = tpu.memref_squeeze %dma_wait3A_266 : memref<1x8x4096xf32, #tpu.memory_space<hbm>> -> memref<8x4096xf32, #tpu.memory_space<hbm>>
    tpu.wait_dma2 semaphore(%arg23 : memref<!tpu.dma_semaphore, #tpu.memory_space<semaphore_mem>>) src(%arg11 : memref<8x4096xf32, #tpu.memory_space<vmem>>) dst(%dma_wait3A_267 : memref<8x4096xf32, #tpu.memory_space<hbm>>)
    return
  }
}

</mosaic_0001>

<sc_bundles>
// kernel: kernel.3.cloned.1.call-start
scs
__scs_entry_jumppad:
0x0: {  	(pc) =	sbr.rel $0x88, $3  }
0x1: {  	(tag) =	ssettag $0x0;
	lr =	simm.s32 $0x1  }
0x2: {  	[smem:$0x3F9E] =	sst lr;
	_ =	strace $0xD0000000  }
0x3: {  	_ = 	snop  }
0x4: {  	_ = 	snop  }
0x5: {  	_ = 	snop  }
0x6: {  	_ = 	snop  }
0x7: {  	_ = 	snop  }
__scs_overlays_trampoline_lowered:
0x8: {  	[smem:$0x3FAD] =	sst s0  }
0x9: {  	[smem:$0x3FAE] =	sst s1  }
0xa: {  	[smem:$0x3FAF] =	sst s2  }
0xb: {  	[smem:$0x3FB0] =	sst s3  }
0xc: {  	[smem:$0x3FB1] =	sst s4  }
0xd: {  	[smem:$0x3FB2] =	sst s5  }
0xe: {  	[smem:$0x3FB3] =	sst s6  }
0xf: {  	[smem:$0x3FB4] =	sst s7  }
0x10: {  	[smem:$0x3FB5] =	sst s8  }
0x11: {  	[smem:$0x3FB6] =	sst s9;
	s0 =	simm.s32 @!p0 $0x0  }
0x12: {  	s1 =	sld [smem:$0x3F9C];
	s0 =	simm.s32 @p0 $0x1  }
0x13: {  	[smem:$0x3FB7] =	sst s0;
	s0 =	simm.s32 @!p1 $0x0  }
0x14: {  	s2 =	sld [smem:$0x3F9B];
	s0 =	simm.s32 @p1 $0x1  }
0x15: {  	[smem:$0x3FB8] =	sst s0;
	s0 =	simm.s32 @!p2 $0x0  }
0x16: {  	s3 =	sld [smem:$0x3FDB];
	s0 =	simm.s32 @p2 $0x1  }
0x17: {  	s4 =	simm.s32 $0x1BF5;
	[smem:$0x3FBA] =	sst s0  }
0x18: {  	s0 =	sld [smem:$0x3F9D];
	_ =	swait.ge [sflag:s4], $0x0  }
0x19: {  	s7 =	sld [smem:$0x3F9E]  }
0x1a: {  	s8 =	sadd.s32 $0xFFFFE003, lr  }
0x1b: {  	s9 =	sadd.s32 $0xFFFFFEF7, lr;
	s5 =	simm.s32 $0xFFFFFFFF;
	p2 =	slt.u32 s8, $0xFFFFF086  }
0x1c: {  	p1 =	slt.u32 s9, $0xF7A;
	s5 =	simm.s32 @!p2 $0x0  }
0x1d: {  	s5 =	simm.s32 @p1 $0x1;
	p0 =	seq.s32 s7, s2  }
0x1e: {  	s7 =	smul.u32 @!p0 $0xF7A, s2;
	p2 =	seq.s32 @!p0 s5, $0x0  }
0x1f: {  	s9 =	smul.u32 $0xF7A, s1;
	s8 =	simm.s32 @!p0 $0x1BF5;
	p2 =	por !p2, p0  }
0x20: {  	[sflag:s8] =	ssyncset.s32 @!p0 $0xFFFFF086;
	s6 =	sadd.s32 @!p0 s3, s7;
	s7 =	simm.s32 @!p0 $0x108  }
0x21: {  	s3 =	sadd.s32 s3, s9;
	s6 =	sadd.s32 @!p0 $0x88, s6;
	s7 =	simm.s32 @p2 $0x1082  }
0x22: {  	[simem:s7], [sflag:s8] =	dma.local @!p0 [hbm:s6], $0xF7A  }
0x23: {  	s9 =	sor.u32 $0xD0000000, s2;
	s6 =	simm.s32 $0x108;
	_ =	swait.ge @!p0 [sflag:s8], $0x0  }
0x24: {  	s3 =	sadd.s32 $0x88, s3;
	s6 =	simm.s32 @!p1 $0x1082;
	[sflag:s4] =	ssyncset.s32 $0xFFFFF086  }
0x25: {  	[simem:s6], [sflag:s4] =	dma.local [hbm:s3], $0xF7A  }
0x26: {  	[smem:$0x3F9E] =	sst s1;
	(tag) =	ssettag s2;
	_ =	strace s9  }
0x27: {  	s1 =	sld [smem:$0x3FAE]  }
0x28: {  	s2 =	sld [smem:$0x3FAF]  }
0x29: {  	s4 =	sld [smem:$0x3FB1]  }
0x2a: {  	p0 =	seq.s32 s5, $0x0;
	s5 =	sld [smem:$0x3FB2]  }
0x2b: {  	s6 =	sld [smem:$0x3FB3]  }
0x2c: {  	s7 =	sld [smem:$0x3FB4]  }
0x2d: {  	s3 =	simm.s32 $0x108;
	s8 =	sld [smem:$0x3FB5]  }
0x2e: {  	s3 =	simm.s32 @!p0 $0x1082;
	s9 =	sld [smem:$0x3FB6]  }
0x2f: {  	lr =	sadd.s32 s0, s3;
	s0 =	sld [smem:$0x3FAD]  }
0x30: {  	s3 =	sld [smem:$0x3FB0]  }
0x31: {  	[smem:$0x3FB9] =	sst s10  }
0x32: {  	s10 =	sld [smem:$0x3FB7];
	_ =	sdelay $0x3  }
0x33: {  	p0 =	seq.s32 s10, $0x1;
	s10 =	sld [smem:$0x3FB9];
	_ =	sdelay $0x3  }
0x34: {  	[smem:$0x3FB9] =	sst s10  }
0x35: {  	s10 =	sld [smem:$0x3FB8];
	_ =	sdelay $0x3  }
0x36: {  	p1 =	seq.s32 s10, $0x1;
	s10 =	sld [smem:$0x3FB9];
	_ =	sdelay $0x3  }
0x37: {  	[smem:$0x3FB9] =	sst s10  }
0x38: {  	s10 =	sld [smem:$0x3FBA]  }
0x39: {  	_ = 	snop;
	(pc) =	sbr.ind lr, $3  }
0x3a: {  	_ = 	snop  }
0x3b: {  	_ = 	snop  }
0x3c: {  	p2 =	seq.s32 s10, $0x1;
	s10 =	sld [smem:$0x3FB9]  }
0x3d: {  	_ =	shalt  }
0x3e: {  	_ =	shalt  }
0x3f: {  	_ =	shalt  }
0x40: {  	_ =	shalt  }
0x41: {  	_ =	shalt  }
0x42: {  	_ =	shalt  }
0x43: {  	_ =	shalt  }
0x44: {  	_ =	shalt  }
0x45: {  	_ =	shalt  }
0x46: {  	_ =	shalt  }
0x47: {  	_ =	shalt  }
0x48: {  	_ =	shalt  }
0x49: {  	_ =	shalt  }
0x4a: {  	_ =	shalt  }
0x4b: {  	_ =	shalt  }
0x4c: {  	_ =	shalt  }
0x4d: {  	_ =	shalt  }
0x4e: {  	_ =	shalt  }
0x4f: {  	_ =	shalt  }
0x50: {  	_ =	shalt  }
0x51: {  	_ =	shalt  }
0x52: {  	_ =	shalt  }
0x53: {  	_ =	shalt  }
0x54: {  	_ =	shalt  }
0x55: {  	_ =	shalt  }
0x56: {  	_ =	shalt  }
0x57: {  	_ =	shalt  }
0x58: {  	_ =	shalt  }
0x59: {  	_ =	shalt  }
0x5a: {  	_ =	shalt  }
0x5b: {  	_ =	shalt  }
0x5c: {  	_ =	shalt  }
0x5d: {  	_ =	shalt  }
0x5e: {  	_ =	shalt  }
0x5f: {  	_ =	shalt  }
0x60: {  	_ =	shalt  }
0x61: {  	_ =	shalt  }
0x62: {  	_ =	shalt  }
0x63: {  	_ =	shalt  }
0x64: {  	_ =	shalt  }
0x65: {  	_ =	shalt  }
0x66: {  	_ =	shalt  }
0x67: {  	_ =	shalt  }
0x68: {  	_ =	shalt  }
0x69: {  	_ =	shalt  }
0x6a: {  	_ =	shalt  }
0x6b: {  	_ =	shalt  }
0x6c: {  	_ =	shalt  }
0x6d: {  	_ =	shalt  }
0x6e: {  	_ =	shalt  }
0x6f: {  	_ =	shalt  }
0x70: {  	_ =	shalt  }
0x71: {  	_ =	shalt  }
0x72: {  	_ =	shalt  }
0x73: {  	_ =	shalt  }
0x74: {  	_ =	shalt  }
0x75: {  	_ =	shalt  }
0x76: {  	_ =	shalt  }
0x77: {  	_ =	shalt  }
0x78: {  	_ =	shalt  }
0x79: {  	_ =	shalt  }
0x7a: {  	_ =	shalt  }
0x7b: {  	_ =	shalt  }
0x7c: {  	_ =	shalt  }
0x7d: {  	_ =	shalt  }
0x7e: {  	_ =	shalt  }
0x7f: {  	_ =	shalt  }
0x80: {  	_ =	shalt  }
0x81: {  	_ =	shalt  }
0x82: {  	_ =	shalt  }
0x83: {  	_ =	shalt  }
0x84: {  	_ =	shalt  }
0x85: {  	_ =	shalt  }
0x86: {  	_ =	shalt  }
0x87: {  	_ =	shalt  }
.Lfunc_end0:
.L_simem_size_0:
called_computation_lowered:
.L_overlay_start_0:
0x88: {  	s2 =	sld [smem:$0x3FD9]  }
0x89: {  	s3 =	sld [smem:$0x3FFE];
	_ =	sdelay $0x1  }
0x8a: {  	s1 =	srdreg.scid  }
0x8b: {  	s0 =	sand.u32 $0x1, s1  }
0x8c: {  	s18 =	sshll.u32 s0, $0xA;
	s2 =	sadd.s32 s3, s2  }
0x8d: {  	s2 =	sadd.s32 s2, s18  }
0x8e: {  	[smem:$0x3FC5] =	sst s2  }
0x8f: {  	_ = 	snop  }
0x90: {  	s2 =	sld [smem:$0x3FC9]  }
0x91: {  	s19 =	sld [smem:$0x3FC8]  }
0x92: {  	s4 =	sld [smem:$0x3FC7]  }
0x93: {  	s5 =	sld [smem:$0x3FD0];
	(tm) =	ssettm $0x1  }
0x94: {  	s6 =	sld [smem:$0x3FFB];
	_ =	sdelay $0x3  }
0x95: {  	_ =	strace s6  }
0x96: {  	s6 =	sld [smem:$0x3FFC];
	_ =	sdelay $0x3  }
0x97: {  	_ =	strace s6  }
0x98: {  	s6 =	sld [smem:$0x3FFD];
	_ =	sdelay $0x3  }
0x99: {  	_ =	strace s6  }
0x9a: {  	_ =	strace $0x8FFFFFFF  }
0x9b: {  	s20 =	sld [smem:$0x3FDB];
	_ =	sdelay $0x1  }
0x9c: {  	s7 =	simm.s32 $_scs_section_size  }
0x9d: {  	s8 =	simm.s32 $_size__tile_overlayer_lowered;
	s9 =	simm.s32 $_tile_overlayer_lowered  }
0x9e: {  	s23 =	simm.s32 $0x1BFF;
	s22 =	sshll.u32 s9, $0x1;
	s6 =	sadd.s32 s7, s20  }
0x9f: {  	s10 =	simm.s32 $0x0;
	s21 =	sshll.u32 s8, $0x1;
	s8 =	sadd.s32 s22, s6  }
0xa0: {  	[timem:s10], [sflag:s23] =	dma.local [hbm:s8], s21  }
0xa1: {  	_ =	swait.ge [sflag:s23], s21  }
0xa2: {  	s7 =	ssub.s32 $0x0, s21;
	[sflag:s23] =	ssyncset.done $0x0  }
0xa3: {  	[sflag:s23] =	ssyncadd.s32 s7;
	_ =	sdelay $0x1  }
0xa4: {  	s24 =	simm.s32 $0x1B8B  }
0xa5: {  	_ =	swait.ge [sflag:s24], $0x1  }
0xa6: {  	[sflag:s24] =	ssyncset.done $0x0  }
0xa7: {  	s25 =	simm.s32 $0x1B8E;
	[sflag:s24] =	ssyncadd.s32 $0xFFFFFFFF  }
0xa8: {  	s26 =	simm.s32 $execute0_lowered;
	[smem:$0x3FD2] =	sst s25  }
0xa9: {  	s7 =	sshll.u32 s26, $0x1;
	_ =	strace $0x80000046;
	[dreg:$0x1] =	wrdreg $0xFFFFFFFF  }
0xaa: {  	s28 =	simm.s32 $_size_execute0_lowered;
	s6 =	sadd.s32 s6, s7;
	[dreg:$0x0] =	wrdreg $0x0  }
0xab: {  	s7 =	sshll.u32 s28, $0x1;
	[dreg:$0x2] =	wrdreg s6  }
0xac: {  	[dreg:$0x3] =	wrdreg s7  }
0xad: {  	[dreg:$0x4] =	wrdreg $0xC0  }
0xae: {  	_ =	task [dreg:s10], $0x5FFFF  }
0xaf: {  	[dreg:$0x1] =	wrdreg $0xFFFFFFFF  }
0xb0: {  	[dreg:$0x0] =	wrdreg $0x60  }
0xb1: {  	[dreg:$0x2] =	wrdreg s2  }
0xb2: {  	[dreg:$0x3] =	wrdreg s4  }
0xb3: {  	[dreg:$0x4] =	wrdreg s19  }
0xb4: {  	[dreg:$0x5] =	wrdreg s5  }
0xb5: {  	[dreg:$0x6] =	wrdreg $0x44800  }
0xb6: {  	[dreg:$0x7] =	wrdreg $0x9  }
0xb7: {  	_ =	task.clear_ibuf [dreg:s10], $0x8FFFF;
	_ =	strace $0x90000046  }
0xb8: {  	s29 =	simm.s32 $0x9;
	_ =	strace $0x80000048  }
0xb9: {  	_ =	swait.ge [sflag:s29], $0x1  }
0xba: {  	[sflag:s29] =	ssyncadd.s32 $0xFFFFFFFF  }
0xbb: {  	_ =	strace $0x90000048  }
0xbc: {  	_ =	sfence  }
0xbd: {  	s30 =	sld [smem:$0x0];
	_ =	sdelay $0x2  }
0xbe: {  	s31 =	sshll.u32 s1, $0xD;
	s1 =	sshrl.u32 s1, $0x2  }
0xbf: {  	s3 =	sand.u32 $0x4000, s31;
	s1 =	sadd.s32 s1, s30  }
0xc0: {  	s0 =	sor.u32 s3, s0;
	s1 =	sshll.u32 s1, $0x11  }
0xc1: {  	s0 =	sor.u32 s1, s0  }
0xc2: {  	s0 =	sadd.s32 $0x8F2B, s0  }
0xc3: {  	[sflag:s0] =	ssyncadd.remote.s32 $0x1  }
0xc4: {  	_ =	sfence.sel $0xFFFF  }
0xc5: {  	[dreg:$0x0] =	wrdreg $0xFFFFFFFF;
	(pc) =	sbr.abs _section_cstart, $3  }
0xc6: {  	[dreg:$0x1] =	wrdreg $0xFFFFFFFF  }
0xc7: {  	_ =	task.clear_ibuf [dreg:s10], $0x2FFFF;
	_ =	strace $0x9FFFFFFF  }
0xc8: {  	(tm) =	ssettm $0x7FFFFFFF  }
0xc9: {  	_ =	shalt  }
tec
execute0_lowered:
.L_overlay_start_1:
0x0: {  	(tag) =	ssettag $0x1  }
0x1: {  	s5 =	rddreg [dreg:$0x0]  }
0x2: {  	s2 =	rddreg [dreg:$0x1]  }
0x3: {  	s3 =	rddreg [dreg:$0x2]  }
0x4: {  	s9 =	rddreg [dreg:$0x3]  }
0x5: {  	s10 =	rddreg [dreg:$0x4]  }
0x6: {  	s0 =	srdreg.scid;
	s6 =	stileid.u32;
	s7 =	simm.s32 $0x0  }
0x7: {  	s19 =	simm.s32 $0x4680;
	s29 =	simm.s32 $0x1C680;
	s30 =	simm.s32 $0x1DE80  }
0x8: {  	s28 =	simm.s32 $0x1D680;
	s13 =	simm.s32 $0x4;
	s0 =	sand.u32 $0x1, s0  }
0x9: {  	s1 =	sshll.u32 s6, $0x5;
	[smem:$0x7FF] =	sst s7;
	s21 =	sshll.u32 s6, $0xC  }
0xa: {  	s23 =	sshll.u32 s6, $0x9;
	s24 =	sshll.u32 s6, $0x7;
	s6 =	simm.s32 $0x1EE80  }
0xb: {  	s4 =	sshll.u32 s0, $0x4;
	s0 =	ssub.s32 $0x2, s0;
	_ =	strace $0x80000047  }
0xc: {  	s11 =	sadd.s32 s2, s21;
	s21 =	simm.s32 $0x14680;
	s8 =	sor.u32 s4, s1  }
0xd: {  	s20 =	sshrl.u32 s0, $0x1;
	s1 =	sadd.s32 $0x400, s11;
	[dreg:$0x9] =	wrdreg s11  }
0xe: {  	s22 =	sadd.s32 $0x800, s11;
	s26 =	sadd.s32 $0xC00, s11;
	[dreg:$0xa] =	wrdreg s1  }
0xf: {  	s4 =	sshll.u32 s8, $0xC;
	s0 =	ssub.s32 s0, s20;
	[dreg:$0xb] =	wrdreg s22  }
0x10: {  	s1 =	sand.u32 $0x1000, s23;
	s25 =	sshll.u32 s8, $0xF;
	[dreg:$0xc] =	wrdreg s26  }
0x11: {  	s20 =	simm.s32 $0xC680;
	s22 =	simm.s32 $0x280;
	s4 =	sadd.s32 s5, s4  }
0x12: {  	s23 =	simm.s32 $0xD;
	s0 =	smax.u32 s0, $0x1;
	[dreg:$0x6] =	wrdreg s4  }
0x13: {  	s1 =	sadd.s32 s1, s10;
	s5 =	sadd.s32 $0x1000, s4;
	[dreg:$0xf] =	wrdreg s0  }
.Ltmp0:
0x14: {  	v3 =	vimm.s32 $0x1000;
	s4 =	sadd.s32 $0x2000, s4;
	[dreg:$0x7] =	wrdreg s5;
	(pc) =	sbr.rel .LBB2_1-.Ltmp0, $4  }
0x15: {  	[dreg:$0x8] =	wrdreg s4;
	s4 =	sand.u32 $0x380, s24;
	s5 =	sor.u32 $0x78000, s25  }
0x16: {  	v1 =	vlaneseq.u32;
	s0 =	simm.s32 $0x1CE80;
	s1 =	sadd.s32 s4, s1;
	s31 =	sshrl.u32 s5, $0x3  }
0x17: {  	v4 =	vimm.s32 $0x0;
	v5 =	vimm.s32 $0x800;
	v6 =	vimm.s32 $0x80000;
	s25 =	simm.s32 $0xA;
	[dreg:$0xd] =	wrdreg s1;
	s1 =	sadd.s32 s9, s31  }
0x18: {  	v2 =	vmul.u32 $0x8000, v1;
	v7 =	vmov s8;
	s4 =	simm.s32 $0x1E680;
	v0 =	vmov s5;
	s5 =	simm.s32 $0x0;
	[dreg:$0xe] =	wrdreg s1  }
.LBB2_80:
0x19: {  	s1 =	rddreg [dreg:$0xe];
	s26 =	simm.s32 $0x6  }
0x1a: {  	[hbm4b:s1+s7] =	stream.linear.scatter [tilespmem:s19], [sflag:$0x4], $0x8000, $0x38;
	[tilespmem:$0x1F680] =	vst v63  }
0x1b: {  	_ =	swait.ge [sflag:s26], $0x8000  }
0x1c: {  	[sflag:s26] =	ssyncset.done $0x0  }
0x1d: {  	[sflag:s26] =	ssyncadd.s32 $0xFFFF8000  }
0x1e: {  	_ =	swait.ge [sflag:s13], $0x8000  }
0x1f: {  	s5 =	rddreg [dreg:$0x10]  }
0x20: {  	s31 =	rddreg [dreg:$0xf];
	s5 =	sadd.s32 $0x1, s5  }
0x21: {  	p0 =	sne.s32 s5, s31  }
.Ltmp1:
0x22: {  	_ = 	snop;
	(pc) =	sbr.rel @!p0 .LBB2_81-.Ltmp1, $3  }
0x23: {  	_ =	sdelay $0x1  }
0x24: {  	[sflag:s13] =	ssyncset.done $0x0  }
0x25: {  	[sflag:s13] =	ssyncadd.s32 $0xFFFF8000  }
.LBB2_1:
0x26: {  	[dreg:$0x10] =	wrdreg s5  }
0x27: {  	s1 =	rddreg [dreg:$0x6]  }
0x28: {  	[tilespmem:s19], [sflag:$0x1] =	stream.linear.gather [hbm4b:s1+s7], $0x8000, $0x38;
	[tilespmem:$0x1F680] =	vst v63  }
0x29: {  	s24 =	rddreg [dreg:$0x7]  }
0x2a: {  	[tilespmem:s20], [sflag:$0x2] =	stream.linear.gather [hbm4b:s24+s7], $0x8000, $0x38;
	[tilespmem:$0x1F680] =	vst v63  }
0x2b: {  	s26 =	rddreg [dreg:$0x8]  }
0x2c: {  	[tilespmem:s21], [sflag:$0x3] =	stream.linear.gather [hbm4b:s26+s7], $0x8000, $0x38;
	[tilespmem:$0x1F680] =	vst v63  }
0x2d: {  	s31 =	rddreg [dreg:$0x9]  }
0x2e: {  	[tilespmem:s22], [sflag:$0xD] =	stream.linear.gather [hbm4b:s31+s7], $0x2000, $0x38;
	[tilespmem:$0x1F680] =	vst v63  }
0x2f: {  	_ =	swait.ge [sflag:s23], $0x2000  }
0x30: {  	[sflag:s23] =	ssyncset.done $0x0  }
0x31: {  	s5 =	simm.s32 $0x0;
	s1 =	simm.s32 $0x2280;
	[sflag:s23] =	ssyncadd.s32 $0xFFFFE000  }
.LBB2_2:
0x32: {  	v8 =	vld.idx.msk [tilespmem:v3+s22+$0x0], $0xffff;
	_ =	sdelay $0x1  }
0x33: {  	v9 =	vmov s5  }
0x34: {  	v9 =	vshll.u32 v9, $0xF  }
0x35: {  	v9 =	vor.u32 v2, v9  }
0x36: {  	vm0 =	vlt.s32 v8, v9  }
0x37: {  	v8 =	vsel vm0, $0x1800, v5;
	_ =	sdelay $0x4  }
0x38: {  	v10 =	vld.idx.msk [tilespmem:v8+s22+$0x0], $0xffff;
	_ =	sdelay $0x4  }
0x39: {  	v11 =	vsel vm0, $0x2000, v3;
	vm1 =	vlt.s32 v10, v9  }
0x3a: {  	v42 =	vsel vm0, $0x1001, v4;
	v12 =	vor.u32 $0x1, v8;
	v8 =	vsel vm1, v11, v8  }
0x3b: {  	v10 =	vsel vm1, v12, v42;
	v11 =	vadd.s32 $0xFFFFFFFF, v8  }
0x3c: {  	v12 =	vxor.u32 v11, v10  }
0x3d: {  	v11 =	vor.u32 v11, v10;
	v12 =	vshrl.u32 v12, $0x1  }
0x3e: {  	v11 =	vsub.s32 v11, v12;
	_ =	sdelay $0x4  }
0x3f: {  	v12 =	vld.idx.msk [tilespmem:v11+s22+$0x0], $0xffff;
	_ =	sdelay $0x4  }
0x40: {  	v43 =	vor.u32 $0x1, v11;
	vm4 =	vlt.s32 v12, v9  }
0x41: {  	v10 =	vsel vm4, v43, v10;
	v8 =	vsel vm4, v8, v11  }
0x42: {  	v11 =	vxor.u32 v8, v10  }
0x43: {  	v12 =	vand.u32 v8, v10;
	v11 =	vshrl.u32 v11, $0x1  }
0x44: {  	v11 =	vadd.s32 v11, v12;
	_ =	sdelay $0x4  }
0x45: {  	v12 =	vld.idx.msk [tilespmem:v11+s22+$0x0], $0xffff;
	_ =	sdelay $0x4  }
0x46: {  	v44 =	vadd.s32 $0x1, v11;
	vm5 =	vlt.s32 v12, v9  }
0x47: {  	v10 =	vsel vm5, v44, v10;
	v8 =	vsel vm5, v8, v11  }
0x48: {  	v11 =	vadd.s32 v8, v10  }
0x49: {  	v11 =	vshrl.u32 v11, $0x1;
	_ =	sdelay $0x4  }
0x4a: {  	v45 =	vld.idx.msk [tilespmem:v11+s22+$0x0], $0xffff;
	_ =	sdelay $0x4  }
0x4b: {  	v46 =	vadd.s32 $0x1, v11;
	vm6 =	vlt.s32 v45, v9  }
0x4c: {  	v10 =	vsel vm6, v46, v10;
	v8 =	vsel vm6, v8, v11  }
0x4d: {  	v11 =	vadd.s32 v8, v10  }
0x4e: {  	v11 =	vshrl.u32 v11, $0x1;
	_ =	sdelay $0x4  }
0x4f: {  	v47 =	vld.idx.msk [tilespmem:v11+s22+$0x0], $0xffff;
	_ =	sdelay $0x4  }
0x50: {  	v48 =	vadd.s32 $0x1, v11;
	vm7 =	vlt.s32 v47, v9  }
0x51: {  	v10 =	vsel vm7, v48, v10;
	v8 =	vsel vm7, v8, v11  }
0x52: {  	v11 =	vadd.s32 v8, v10  }
0x53: {  	v11 =	vshrl.u32 v11, $0x1;
	_ =	sdelay $0x4  }
0x54: {  	v49 =	vld.idx.msk [tilespmem:v11+s22+$0x0], $0xffff;
	_ =	sdelay $0x4  }
0x55: {  	v50 =	vadd.s32 $0x1, v11;
	vm8 =	vlt.s32 v49, v9  }
0x56: {  	v10 =	vsel vm8, v50, v10;
	v8 =	vsel vm8, v8, v11  }
0x57: {  	v11 =	vadd.s32 v8, v10  }
0x58: {  	v11 =	vshrl.u32 v11, $0x1;
	_ =	sdelay $0x4  }
0x59: {  	v51 =	vld.idx.msk [tilespmem:v11+s22+$0x0], $0xffff;
	_ =	sdelay $0x4  }
0x5a: {  	v52 =	vadd.s32 $0x1, v11;
	vm9 =	vlt.s32 v51, v9  }
0x5b: {  	v10 =	vsel vm9, v52, v10;
	v8 =	vsel vm9, v8, v11  }
0x5c: {  	v11 =	vadd.s32 v8, v10  }
0x5d: {  	v11 =	vshrl.u32 v11, $0x1;
	_ =	sdelay $0x4  }
0x5e: {  	v53 =	vld.idx.msk [tilespmem:v11+s22+$0x0], $0xffff;
	_ =	sdelay $0x4  }
0x5f: {  	v54 =	vadd.s32 $0x1, v11;
	vm10 =	vlt.s32 v53, v9  }
0x60: {  	v10 =	vsel vm10, v54, v10;
	v8 =	vsel vm10, v8, v11  }
0x61: {  	v11 =	vadd.s32 v8, v10  }
0x62: {  	v11 =	vshrl.u32 v11, $0x1;
	_ =	sdelay $0x4  }
0x63: {  	v55 =	vld.idx.msk [tilespmem:v11+s22+$0x0], $0xffff;
	_ =	sdelay $0x4  }
0x64: {  	v56 =	vadd.s32 $0x1, v11;
	vm11 =	vlt.s32 v55, v9  }
0x65: {  	v10 =	vsel vm11, v56, v10;
	v8 =	vsel vm11, v8, v11  }
0x66: {  	v11 =	vadd.s32 v8, v10  }
0x67: {  	v11 =	vshrl.u32 v11, $0x1;
	_ =	sdelay $0x4  }
0x68: {  	v57 =	vld.idx.msk [tilespmem:v11+s22+$0x0], $0xffff;
	_ =	sdelay $0x4  }
0x69: {  	v58 =	vadd.s32 $0x1, v11;
	vm12 =	vlt.s32 v57, v9  }
0x6a: {  	v10 =	vsel vm12, v58, v10;
	v8 =	vsel vm12, v8, v11  }
0x6b: {  	v11 =	vadd.s32 v8, v10  }
0x6c: {  	v11 =	vshrl.u32 v11, $0x1;
	_ =	sdelay $0x4  }
0x6d: {  	v59 =	vld.idx.msk [tilespmem:v11+s22+$0x0], $0xffff;
	_ =	sdelay $0x4  }
0x6e: {  	v60 =	vadd.s32 $0x1, v11;
	vm13 =	vlt.s32 v59, v9  }
0x6f: {  	v10 =	vsel vm13, v60, v10;
	v8 =	vsel vm13, v8, v11  }
0x70: {  	v11 =	vadd.s32 v8, v10  }
0x71: {  	v11 =	vshrl.u32 v11, $0x1;
	_ =	sdelay $0x4  }
0x72: {  	v61 =	vld.idx.msk [tilespmem:v11+s22+$0x0], $0xffff;
	_ =	sdelay $0x4  }
0x73: {  	v62 =	vadd.s32 $0x1, v11;
	vm14 =	vlt.s32 v61, v9  }
0x74: {  	v10 =	vsel vm14, v62, v10;
	v8 =	vsel vm14, v8, v11  }
0x75: {  	v8 =	vadd.s32 v8, v10  }
0x76: {  	v8 =	vshrl.u32 v8, $0x1  }
0x77: {  	v8 =	vmin.u32 v8, $0x1FFF;
	_ =	sdelay $0x4  }
0x78: {  	v63 =	vld.idx.msk [tilespmem:v8+s22+$0x0], $0xffff;
	_ =	sdelay $0x1  }
0x79: {  	p0 =	sne.s32 s5, $0x1F0  }
.Ltmp2:
0x7a: {  	_ = 	snop;
	(pc) =	sbr.rel @p0 .LBB2_2-.Ltmp2, $4  }
0x7b: {  	_ = 	snop  }
0x7c: {  	v8 =	vadd.s32 $0x1, v8;
	vm15 =	vlt.s32 v63, v9  }
0x7d: {  	v8 =	vsel vm15, v8, v10  }
0x7e: {  	s5 =	sadd.s32 $0x10, s5;
	[tilespmem:s1+$0x0] =	vst v8;
	s1 =	sadd.s32 $0x10, s1  }
0x7f: {  	s1 =	simm.s32 $0x0;
	s5 =	rddreg [dreg:$0xa]  }
0x80: {  	[tilespmem:s22], [sflag:$0xD] =	stream.linear.gather [hbm4b:s5+s1], $0x2000, $0x38;
	[tilespmem:$0x1F680] =	vst v63  }
0x81: {  	_ =	swait.ge [sflag:s23], $0x2000  }
0x82: {  	[sflag:s23] =	ssyncset.done $0x0  }
0x83: {  	s5 =	simm.s32 $0x2280;
	[sflag:s23] =	ssyncadd.s32 $0xFFFFE000  }
.LBB2_4:
0x84: {  	v8 =	vld.idx.msk [tilespmem:v3+s22+$0x0], $0xffff;
	_ =	sdelay $0x1  }
0x85: {  	v9 =	vmov s1  }
0x86: {  	v9 =	vshll.u32 v9, $0xF  }
0x87: {  	v9 =	vor.u32 v2, v9  }
0x88: {  	vm0 =	vlt.s32 v8, v9  }
0x89: {  	v8 =	vsel vm0, $0x1800, v5;
	_ =	sdelay $0x4  }
0x8a: {  	v10 =	vld.idx.msk [tilespmem:v8+s22+$0x0], $0xffff;
	_ =	sdelay $0x4  }
0x8b: {  	v11 =	vsel vm0, $0x2000, v3;
	vm1 =	vlt.s32 v10, v9  }
0x8c: {  	v41 =	vsel vm0, $0x1001, v4;
	v12 =	vor.u32 $0x1, v8;
	v8 =	vsel vm1, v11, v8  }
0x8d: {  	v10 =	vsel vm1, v12, v41;
	v11 =	vadd.s32 $0xFFFFFFFF, v8  }
0x8e: {  	v12 =	vxor.u32 v11, v10  }
0x8f: {  	v11 =	vor.u32 v11, v10;
	v12 =	vshrl.u32 v12, $0x1  }
0x90: {  	v11 =	vsub.s32 v11, v12;
	_ =	sdelay $0x4  }
0x91: {  	v12 =	vld.idx.msk [tilespmem:v11+s22+$0x0], $0xffff;
	_ =	sdelay $0x4  }
0x92: {  	v42 =	vor.u32 $0x1, v11;
	vm4 =	vlt.s32 v12, v9  }
0x93: {  	v10 =	vsel vm4, v42, v10;
	v8 =	vsel vm4, v8, v11  }
0x94: {  	v11 =	vxor.u32 v8, v10  }
0x95: {  	v12 =	vand.u32 v8, v10;
	v11 =	vshrl.u32 v11, $0x1  }
0x96: {  	v11 =	vadd.s32 v11, v12;
	_ =	sdelay $0x4  }
0x97: {  	v12 =	vld.idx.msk [tilespmem:v11+s22+$0x0], $0xffff;
	_ =	sdelay $0x4  }
0x98: {  	v43 =	vadd.s32 $0x1, v11;
	vm5 =	vlt.s32 v12, v9  }
0x99: {  	v10 =	vsel vm5, v43, v10;
	v8 =	vsel vm5, v8, v11  }
0x9a: {  	v11 =	vadd.s32 v8, v10  }
0x9b: {  	v11 =	vshrl.u32 v11, $0x1;
	_ =	sdelay $0x4  }
0x9c: {  	v44 =	vld.idx.msk [tilespmem:v11+s22+$0x0], $0xffff;
	_ =	sdelay $0x4  }
0x9d: {  	v45 =	vadd.s32 $0x1, v11;
	vm6 =	vlt.s32 v44, v9  }
0x9e: {  	v10 =	vsel vm6, v45, v10;
	v8 =	vsel vm6, v8, v11  }
0x9f: {  	v11 =	vadd.s32 v8, v10  }
0xa0: {  	v11 =	vshrl.u32 v11, $0x1;
	_ =	sdelay $0x4  }
0xa1: {  	v46 =	vld.idx.msk [tilespmem:v11+s22+$0x0], $0xffff;
	_ =	sdelay $0x4  }
0xa2: {  	v47 =	vadd.s32 $0x1, v11;
	vm7 =	vlt.s32 v46, v9  }
0xa3: {  	v10 =	vsel vm7, v47, v10;
	v8 =	vsel vm7, v8, v11  }
0xa4: {  	v11 =	vadd.s32 v8, v10  }
0xa5: {  	v11 =	vshrl.u32 v11, $0x1;
	_ =	sdelay $0x4  }
0xa6: {  	v48 =	vld.idx.msk [tilespmem:v11+s22+$0x0], $0xffff;
	_ =	sdelay $0x4  }
0xa7: {  	v49 =	vadd.s32 $0x1, v11;
	vm8 =	vlt.s32 v48, v9  }
0xa8: {  	v10 =	vsel vm8, v49, v10;
	v8 =	vsel vm8, v8, v11  }
0xa9: {  	v11 =	vadd.s32 v8, v10  }
0xaa: {  	v11 =	vshrl.u32 v11, $0x1;
	_ =	sdelay $0x4  }
0xab: {  	v50 =	vld.idx.msk [tilespmem:v11+s22+$0x0], $0xffff;
	_ =	sdelay $0x4  }
0xac: {  	v51 =	vadd.s32 $0x1, v11;
	vm9 =	vlt.s32 v50, v9  }
0xad: {  	v10 =	vsel vm9, v51, v10;
	v8 =	vsel vm9, v8, v11  }
0xae: {  	v11 =	vadd.s32 v8, v10  }
0xaf: {  	v11 =	vshrl.u32 v11, $0x1;
	_ =	sdelay $0x4  }
0xb0: {  	v52 =	vld.idx.msk [tilespmem:v11+s22+$0x0], $0xffff;
	_ =	sdelay $0x4  }
0xb1: {  	v53 =	vadd.s32 $0x1, v11;
	vm10 =	vlt.s32 v52, v9  }
0xb2: {  	v10 =	vsel vm10, v53, v10;
	v8 =	vsel vm10, v8, v11  }
0xb3: {  	v11 =	vadd.s32 v8, v10  }
0xb4: {  	v11 =	vshrl.u32 v11, $0x1;
	_ =	sdelay $0x4  }
0xb5: {  	v54 =	vld.idx.msk [tilespmem:v11+s22+$0x0], $0xffff;
	_ =	sdelay $0x4  }
0xb6: {  	v55 =	vadd.s32 $0x1, v11;
	vm11 =	vlt.s32 v54, v9  }
0xb7: {  	v10 =	vsel vm11, v55, v10;
	v8 =	vsel vm11, v8, v11  }
0xb8: {  	v11 =	vadd.s32 v8, v10  }
0xb9: {  	v11 =	vshrl.u32 v11, $0x1;
	_ =	sdelay $0x4  }
0xba: {  	v56 =	vld.idx.msk [tilespmem:v11+s22+$0x0], $0xffff;
	_ =	sdelay $0x4  }
0xbb: {  	v57 =	vadd.s32 $0x1, v11;
	vm12 =	vlt.s32 v56, v9  }
0xbc: {  	v10 =	vsel vm12, v57, v10;
	v8 =	vsel vm12, v8, v11  }
0xbd: {  	v11 =	vadd.s32 v8, v10  }
0xbe: {  	v11 =	vshrl.u32 v11, $0x1;
	_ =	sdelay $0x4  }
0xbf: {  	v58 =	vld.idx.msk [tilespmem:v11+s22+$0x0], $0xffff;
	_ =	sdelay $0x4  }
0xc0: {  	v59 =	vadd.s32 $0x1, v11;
	vm13 =	vlt.s32 v58, v9  }
0xc1: {  	v10 =	vsel vm13, v59, v10;
	v8 =	vsel vm13, v8, v11  }
0xc2: {  	v11 =	vadd.s32 v8, v10  }
0xc3: {  	v11 =	vshrl.u32 v11, $0x1;
	_ =	sdelay $0x4  }
0xc4: {  	v60 =	vld.idx.msk [tilespmem:v11+s22+$0x0], $0xffff;
	_ =	sdelay $0x4  }
0xc5: {  	v61 =	vadd.s32 $0x1, v11;
	vm14 =	vlt.s32 v60, v9  }
0xc6: {  	v10 =	vsel vm14, v61, v10;
	v8 =	vsel vm14, v8, v11  }
0xc7: {  	v8 =	vadd.s32 v8, v10  }
0xc8: {  	v8 =	vshrl.u32 v8, $0x1  }
0xc9: {  	v8 =	vmin.u32 v8, $0x1FFF;
	_ =	sdelay $0x4  }
0xca: {  	v62 =	vld.idx.msk [tilespmem:v8+s22+$0x0], $0xffff;
	_ =	sdelay $0x1  }
0xcb: {  	v63 =	vld [tilespmem:s5+$0x0]  }
0xcc: {  	p0 =	sne.s32 s1, $0x1F0  }
.Ltmp3:
0xcd: {  	_ = 	snop;
	(pc) =	sbr.rel @p0 .LBB2_4-.Ltmp3, $4  }
0xce: {  	v8 =	vadd.s32 $0x1, v8;
	vm15 =	vlt.s32 v62, v9  }
0xcf: {  	v8 =	vsel vm15, v8, v10  }
0xd0: {  	v8 =	vadd.s32 v63, v8  }
0xd1: {  	s1 =	sadd.s32 $0x10, s1;
	[tilespmem:s5+$0x0] =	vst v8;
	s5 =	sadd.s32 $0x10, s5  }
0xd2: {  	s1 =	simm.s32 $0x0;
	s5 =	rddreg [dreg:$0xb]  }
0xd3: {  	[tilespmem:s22], [sflag:$0xD] =	stream.linear.gather [hbm4b:s5+s1], $0x2000, $0x38;
	[tilespmem:$0x1F680] =	vst v63  }
0xd4: {  	_ =	swait.ge [sflag:s23], $0x2000  }
0xd5: {  	[sflag:s23] =	ssyncset.done $0x0  }
0xd6: {  	s5 =	simm.s32 $0x2280;
	[sflag:s23] =	ssyncadd.s32 $0xFFFFE000  }
.LBB2_6:
0xd7: {  	v8 =	vld.idx.msk [tilespmem:v3+s22+$0x0], $0xffff;
	_ =	sdelay $0x1  }
0xd8: {  	v9 =	vmov s1  }
0xd9: {  	v9 =	vshll.u32 v9, $0xF  }
0xda: {  	v9 =	vor.u32 v2, v9  }
0xdb: {  	vm0 =	vlt.s32 v8, v9  }
0xdc: {  	v8 =	vsel vm0, $0x1800, v5;
	_ =	sdelay $0x4  }
0xdd: {  	v10 =	vld.idx.msk [tilespmem:v8+s22+$0x0], $0xffff;
	_ =	sdelay $0x4  }
0xde: {  	v11 =	vsel vm0, $0x2000, v3;
	vm1 =	vlt.s32 v10, v9  }
0xdf: {  	v41 =	vsel vm0, $0x1001, v4;
	v12 =	vor.u32 $0x1, v8;
	v8 =	vsel vm1, v11, v8  }
0xe0: {  	v10 =	vsel vm1, v12, v41;
	v11 =	vadd.s32 $0xFFFFFFFF, v8  }
0xe1: {  	v12 =	vxor.u32 v11, v10  }
0xe2: {  	v11 =	vor.u32 v11, v10;
	v12 =	vshrl.u32 v12, $0x1  }
0xe3: {  	v11 =	vsub.s32 v11, v12;
	_ =	sdelay $0x4  }
0xe4: {  	v12 =	vld.idx.msk [tilespmem:v11+s22+$0x0], $0xffff;
	_ =	sdelay $0x4  }
0xe5: {  	v42 =	vor.u32 $0x1, v11;
	vm4 =	vlt.s32 v12, v9  }
0xe6: {  	v10 =	vsel vm4, v42, v10;
	v8 =	vsel vm4, v8, v11  }
0xe7: {  	v11 =	vxor.u32 v8, v10  }
0xe8: {  	v12 =	vand.u32 v8, v10;
	v11 =	vshrl.u32 v11, $0x1  }
0xe9: {  	v11 =	vadd.s32 v11, v12;
	_ =	sdelay $0x4  }
0xea: {  	v12 =	vld.idx.msk [tilespmem:v11+s22+$0x0], $0xffff;
	_ =	sdelay $0x4  }
0xeb: {  	v43 =	vadd.s32 $0x1, v11;
	vm5 =	vlt.s32 v12, v9  }
0xec: {  	v10 =	vsel vm5, v43, v10;
	v8 =	vsel vm5, v8, v11  }
0xed: {  	v11 =	vadd.s32 v8, v10  }
0xee: {  	v11 =	vshrl.u32 v11, $0x1;
	_ =	sdelay $0x4  }
0xef: {  	v44 =	vld.idx.msk [tilespmem:v11+s22+$0x0], $0xffff;
	_ =	sdelay $0x4  }
0xf0: {  	v45 =	vadd.s32 $0x1, v11;
	vm6 =	vlt.s32 v44, v9  }
0xf1: {  	v10 =	vsel vm6, v45, v10;
	v8 =	vsel vm6, v8, v11  }
0xf2: {  	v11 =	vadd.s32 v8, v10  }
0xf3: {  	v11 =	vshrl.u32 v11, $0x1;
	_ =	sdelay $0x4  }
0xf4: {  	v46 =	vld.idx.msk [tilespmem:v11+s22+$0x0], $0xffff;
	_ =	sdelay $0x4  }
0xf5: {  	v47 =	vadd.s32 $0x1, v11;
	vm7 =	vlt.s32 v46, v9  }
0xf6: {  	v10 =	vsel vm7, v47, v10;
	v8 =	vsel vm7, v8, v11  }
0xf7: {  	v11 =	vadd.s32 v8, v10  }
0xf8: {  	v11 =	vshrl.u32 v11, $0x1;
	_ =	sdelay $0x4  }
0xf9: {  	v48 =	vld.idx.msk [tilespmem:v11+s22+$0x0], $0xffff;
	_ =	sdelay $0x4  }
0xfa: {  	v49 =	vadd.s32 $0x1, v11;
	vm8 =	vlt.s32 v48, v9  }
0xfb: {  	v10 =	vsel vm8, v49, v10;
	v8 =	vsel vm8, v8, v11  }
0xfc: {  	v11 =	vadd.s32 v8, v10  }
0xfd: {  	v11 =	vshrl.u32 v11, $0x1;
	_ =	sdelay $0x4  }
0xfe: {  	v50 =	vld.idx.msk [tilespmem:v11+s22+$0x0], $0xffff;
	_ =	sdelay $0x4  }
0xff: {  	v51 =	vadd.s32 $0x1, v11;
	vm9 =	vlt.s32 v50, v9  }
0x100: {  	v10 =	vsel vm9, v51, v10;
	v8 =	vsel vm9, v8, v11  }
0x101: {  	v11 =	vadd.s32 v8, v10  }
0x102: {  	v11 =	vshrl.u32 v11, $0x1;
	_ =	sdelay $0x4  }
0x103: {  	v52 =	vld.idx.msk [tilespmem:v11+s22+$0x0], $0xffff;
	_ =	sdelay $0x4  }
0x104: {  	v53 =	vadd.s32 $0x1, v11;
	vm10 =	vlt.s32 v52, v9  }
0x105: {  	v10 =	vsel vm10, v53, v10;
	v8 =	vsel vm10, v8, v11  }
0x106: {  	v11 =	vadd.s32 v8, v10  }
0x107: {  	v11 =	vshrl.u32 v11, $0x1;
	_ =	sdelay $0x4  }
0x108: {  	v54 =	vld.idx.msk [tilespmem:v11+s22+$0x0], $0xffff;
	_ =	sdelay $0x4  }
0x109: {  	v55 =	vadd.s32 $0x1, v11;
	vm11 =	vlt.s32 v54, v9  }
0x10a: {  	v10 =	vsel vm11, v55, v10;
	v8 =	vsel vm11, v8, v11  }
0x10b: {  	v11 =	vadd.s32 v8, v10  }
0x10c: {  	v11 =	vshrl.u32 v11, $0x1;
	_ =	sdelay $0x4  }
0x10d: {  	v56 =	vld.idx.msk [tilespmem:v11+s22+$0x0], $0xffff;
	_ =	sdelay $0x4  }
0x10e: {  	v57 =	vadd.s32 $0x1, v11;
	vm12 =	vlt.s32 v56, v9  }
0x10f: {  	v10 =	vsel vm12, v57, v10;
	v8 =	vsel vm12, v8, v11  }
0x110: {  	v11 =	vadd.s32 v8, v10  }
0x111: {  	v11 =	vshrl.u32 v11, $0x1;
	_ =	sdelay $0x4  }
0x112: {  	v58 =	vld.idx.msk [tilespmem:v11+s22+$0x0], $0xffff;
	_ =	sdelay $0x4  }
0x113: {  	v59 =	vadd.s32 $0x1, v11;
	vm13 =	vlt.s32 v58, v9  }
0x114: {  	v10 =	vsel vm13, v59, v10;
	v8 =	vsel vm13, v8, v11  }
0x115: {  	v11 =	vadd.s32 v8, v10  }
0x116: {  	v11 =	vshrl.u32 v11, $0x1;
	_ =	sdelay $0x4  }
0x117: {  	v60 =	vld.idx.msk [tilespmem:v11+s22+$0x0], $0xffff;
	_ =	sdelay $0x4  }
0x118: {  	v61 =	vadd.s32 $0x1, v11;
	vm14 =	vlt.s32 v60, v9  }
0x119: {  	v10 =	vsel vm14, v61, v10;
	v8 =	vsel vm14, v8, v11  }
0x11a: {  	v8 =	vadd.s32 v8, v10  }
0x11b: {  	v8 =	vshrl.u32 v8, $0x1  }
0x11c: {  	v8 =	vmin.u32 v8, $0x1FFF;
	_ =	sdelay $0x4  }
0x11d: {  	v62 =	vld.idx.msk [tilespmem:v8+s22+$0x0], $0xffff;
	_ =	sdelay $0x1  }
0x11e: {  	v63 =	vld [tilespmem:s5+$0x0]  }
0x11f: {  	p0 =	sne.s32 s1, $0x1F0  }
.Ltmp4:
0x120: {  	_ = 	snop;
	(pc) =	sbr.rel @p0 .LBB2_6-.Ltmp4, $4  }
0x121: {  	v8 =	vadd.s32 $0x1, v8;
	vm15 =	vlt.s32 v62, v9  }
0x122: {  	v8 =	vsel vm15, v8, v10  }
0x123: {  	v8 =	vadd.s32 v63, v8  }
0x124: {  	s1 =	sadd.s32 $0x10, s1;
	[tilespmem:s5+$0x0] =	vst v8;
	s5 =	sadd.s32 $0x10, s5  }
0x125: {  	s1 =	simm.s32 $0x0;
	s5 =	rddreg [dreg:$0xc]  }
0x126: {  	[tilespmem:s22], [sflag:$0xD] =	stream.linear.gather [hbm4b:s5+s1], $0x2000, $0x38;
	[tilespmem:$0x1F680] =	vst v63  }
0x127: {  	_ =	swait.ge [sflag:s23], $0x2000  }
0x128: {  	[sflag:s23] =	ssyncset.done $0x0  }
0x129: {  	s5 =	simm.s32 $0x2280;
	[sflag:s23] =	ssyncadd.s32 $0xFFFFE000  }
.LBB2_8:
0x12a: {  	v8 =	vld.idx.msk [tilespmem:v3+s22+$0x0], $0xffff;
	_ =	sdelay $0x1  }
0x12b: {  	v9 =	vmov s1  }
0x12c: {  	v9 =	vshll.u32 v9, $0xF  }
0x12d: {  	v9 =	vor.u32 v2, v9  }
0x12e: {  	vm0 =	vlt.s32 v8, v9  }
0x12f: {  	v8 =	vsel vm0, $0x1800, v5;
	_ =	sdelay $0x4  }
0x130: {  	v10 =	vld.idx.msk [tilespmem:v8+s22+$0x0], $0xffff;
	_ =	sdelay $0x4  }
0x131: {  	v11 =	vsel vm0, $0x2000, v3;
	vm1 =	vlt.s32 v10, v9  }
0x132: {  	v41 =	vsel vm0, $0x1001, v4;
	v12 =	vor.u32 $0x1, v8;
	v8 =	vsel vm1, v11, v8  }
0x133: {  	v10 =	vsel vm1, v12, v41;
	v11 =	vadd.s32 $0xFFFFFFFF, v8  }
0x134: {  	v12 =	vxor.u32 v11, v10  }
0x135: {  	v11 =	vor.u32 v11, v10;
	v12 =	vshrl.u32 v12, $0x1  }
0x136: {  	v11 =	vsub.s32 v11, v12;
	_ =	sdelay $0x4  }
0x137: {  	v12 =	vld.idx.msk [tilespmem:v11+s22+$0x0], $0xffff;
	_ =	sdelay $0x4  }
0x138: {  	v42 =	vor.u32 $0x1, v11;
	vm4 =	vlt.s32 v12, v9  }
0x139: {  	v10 =	vsel vm4, v42, v10;
	v8 =	vsel vm4, v8, v11  }
0x13a: {  	v11 =	vxor.u32 v8, v10  }
0x13b: {  	v12 =	vand.u32 v8, v10;
	v11 =	vshrl.u32 v11, $0x1  }
0x13c: {  	v11 =	vadd.s32 v11, v12;
	_ =	sdelay $0x4  }
0x13d: {  	v12 =	vld.idx.msk [tilespmem:v11+s22+$0x0], $0xffff;
	_ =	sdelay $0x4  }
0x13e: {  	v43 =	vadd.s32 $0x1, v11;
	vm5 =	vlt.s32 v12, v9  }
0x13f: {  	v10 =	vsel vm5, v43, v10;
	v8 =	vsel vm5, v8, v11  }
0x140: {  	v11 =	vadd.s32 v8, v10  }
0x141: {  	v11 =	vshrl.u32 v11, $0x1;
	_ =	sdelay $0x4  }
0x142: {  	v44 =	vld.idx.msk [tilespmem:v11+s22+$0x0], $0xffff;
	_ =	sdelay $0x4  }
0x143: {  	v45 =	vadd.s32 $0x1, v11;
	vm6 =	vlt.s32 v44, v9  }
0x144: {  	v10 =	vsel vm6, v45, v10;
	v8 =	vsel vm6, v8, v11  }
0x145: {  	v11 =	vadd.s32 v8, v10  }
0x146: {  	v11 =	vshrl.u32 v11, $0x1;
	_ =	sdelay $0x4  }
0x147: {  	v46 =	vld.idx.msk [tilespmem:v11+s22+$0x0], $0xffff;
	_ =	sdelay $0x4  }
0x148: {  	v47 =	vadd.s32 $0x1, v11;
	vm7 =	vlt.s32 v46, v9  }
0x149: {  	v10 =	vsel vm7, v47, v10;
	v8 =	vsel vm7, v8, v11  }
0x14a: {  	v11 =	vadd.s32 v8, v10  }
0x14b: {  	v11 =	vshrl.u32 v11, $0x1;
	_ =	sdelay $0x4  }
0x14c: {  	v48 =	vld.idx.msk [tilespmem:v11+s22+$0x0], $0xffff;
	_ =	sdelay $0x4  }
0x14d: {  	v49 =	vadd.s32 $0x1, v11;
	vm8 =	vlt.s32 v48, v9  }
0x14e: {  	v10 =	vsel vm8, v49, v10;
	v8 =	vsel vm8, v8, v11  }
0x14f: {  	v11 =	vadd.s32 v8, v10  }
0x150: {  	v11 =	vshrl.u32 v11, $0x1;
	_ =	sdelay $0x4  }
0x151: {  	v50 =	vld.idx.msk [tilespmem:v11+s22+$0x0], $0xffff;
	_ =	sdelay $0x4  }
0x152: {  	v51 =	vadd.s32 $0x1, v11;
	vm9 =	vlt.s32 v50, v9  }
0x153: {  	v10 =	vsel vm9, v51, v10;
	v8 =	vsel vm9, v8, v11  }
0x154: {  	v11 =	vadd.s32 v8, v10  }
0x155: {  	v11 =	vshrl.u32 v11, $0x1;
	_ =	sdelay $0x4  }
0x156: {  	v52 =	vld.idx.msk [tilespmem:v11+s22+$0x0], $0xffff;
	_ =	sdelay $0x4  }
0x157: {  	v53 =	vadd.s32 $0x1, v11;
	vm10 =	vlt.s32 v52, v9  }
0x158: {  	v10 =	vsel vm10, v53, v10;
	v8 =	vsel vm10, v8, v11  }
0x159: {  	v11 =	vadd.s32 v8, v10  }
0x15a: {  	v11 =	vshrl.u32 v11, $0x1;
	_ =	sdelay $0x4  }
0x15b: {  	v54 =	vld.idx.msk [tilespmem:v11+s22+$0x0], $0xffff;
	_ =	sdelay $0x4  }
0x15c: {  	v55 =	vadd.s32 $0x1, v11;
	vm11 =	vlt.s32 v54, v9  }
0x15d: {  	v10 =	vsel vm11, v55, v10;
	v8 =	vsel vm11, v8, v11  }
0x15e: {  	v11 =	vadd.s32 v8, v10  }
0x15f: {  	v11 =	vshrl.u32 v11, $0x1;
	_ =	sdelay $0x4  }
0x160: {  	v56 =	vld.idx.msk [tilespmem:v11+s22+$0x0], $0xffff;
	_ =	sdelay $0x4  }
0x161: {  	v57 =	vadd.s32 $0x1, v11;
	vm12 =	vlt.s32 v56, v9  }
0x162: {  	v10 =	vsel vm12, v57, v10;
	v8 =	vsel vm12, v8, v11  }
0x163: {  	v11 =	vadd.s32 v8, v10  }
0x164: {  	v11 =	vshrl.u32 v11, $0x1;
	_ =	sdelay $0x4  }
0x165: {  	v58 =	vld.idx.msk [tilespmem:v11+s22+$0x0], $0xffff;
	_ =	sdelay $0x4  }
0x166: {  	v59 =	vadd.s32 $0x1, v11;
	vm13 =	vlt.s32 v58, v9  }
0x167: {  	v10 =	vsel vm13, v59, v10;
	v8 =	vsel vm13, v8, v11  }
0x168: {  	v11 =	vadd.s32 v8, v10  }
0x169: {  	v11 =	vshrl.u32 v11, $0x1;
	_ =	sdelay $0x4  }
0x16a: {  	v60 =	vld.idx.msk [tilespmem:v11+s22+$0x0], $0xffff;
	_ =	sdelay $0x4  }
0x16b: {  	v61 =	vadd.s32 $0x1, v11;
	vm14 =	vlt.s32 v60, v9  }
0x16c: {  	v10 =	vsel vm14, v61, v10;
	v8 =	vsel vm14, v8, v11  }
0x16d: {  	v8 =	vadd.s32 v8, v10  }
0x16e: {  	v8 =	vshrl.u32 v8, $0x1  }
0x16f: {  	v8 =	vmin.u32 v8, $0x1FFF;
	_ =	sdelay $0x4  }
0x170: {  	v62 =	vld.idx.msk [tilespmem:v8+s22+$0x0], $0xffff;
	_ =	sdelay $0x1  }
0x171: {  	v63 =	vld [tilespmem:s5+$0x0]  }
0x172: {  	p0 =	sne.s32 s1, $0x1F0  }
.Ltmp5:
0x173: {  	_ = 	snop;
	(pc) =	sbr.rel @p0 .LBB2_8-.Ltmp5, $4  }
0x174: {  	v8 =	vadd.s32 $0x1, v8;
	vm15 =	vlt.s32 v62, v9  }
0x175: {  	v8 =	vsel vm15, v8, v10  }
0x176: {  	v8 =	vadd.s32 v63, v8  }
0x177: {  	s1 =	sadd.s32 $0x10, s1;
	[tilespmem:s5+$0x0] =	vst v8;
	s5 =	sadd.s32 $0x10, s5  }
0x178: {  	s1 =	rddreg [dreg:$0xd]  }
0x179: {  	s5 =	simm.s32 $0x80;
	s9 =	simm.s32 $0x400;
	s10 =	simm.s32 $0x2280  }
0x17a: {  	[spmem:s1] =	stream.strided.scatter [tilespmem:s10], [sflag:$0xD], $0x200, s9, s5, $0x38;
	[tilespmem:$0x1F680] =	vst v63  }
0x17b: {  	_ =	swait.ge [sflag:s23], $0x200  }
0x17c: {  	[sflag:s23] =	ssyncset.done $0x0  }
0x17d: {  	[sflag:s23] =	ssyncadd.s32 $0xFFFFFE00  }
0x17e: {  	[bflag:$0x0] =	sbarrier.arrive $0xFFFF  }
0x17f: {  	s17 =	simm.s32 $0x2480;
	s16 =	rddreg [dreg:$0x4]  }
0x180: {  	[tilespmem:s17], [sflag:$0xD] =	stream.linear.gather [spmem:s16], $0x2000, $0x38;
	[tilespmem:$0x1F680] =	vst v63  }
0x181: {  	s1 =	simm.s32 $0x0;
	_ =	swait.ge [sflag:s23], $0x2000  }
0x182: {  	s18 =	sand.u32 $0x70, s1;
	s24 =	sand.u32 $0xC00, s1;
	[sflag:s23] =	ssyncset.done $0x0  }
0x183: {  	s5 =	sor.u32 s18, s24;
	[sflag:s23] =	ssyncadd.s32 $0xFFFFE000  }
0x184: {  	v8 =	vld [tilespmem:s5+$0x2500]  }
0x185: {  	v9 =	vld [tilespmem:s5+$0x2480]  }
0x186: {  	v10 =	vld [tilespmem:s5+$0x2580]  }
0x187: {  	v11 =	vld [tilespmem:s5+$0x2600]  }
0x188: {  	v12 =	vld [tilespmem:s5+$0x2680]  }
0x189: {  	v13 =	vld [tilespmem:s5+$0x2700]  }
0x18a: {  	v54 =	vld [tilespmem:s5+$0x2780];
	v8 =	vadd.s32 v9, v8  }
0x18b: {  	v55 =	vld [tilespmem:s5+$0x2800];
	v8 =	vadd.s32 v10, v8  }
0x18c: {  	v56 =	vld [tilespmem:s5+$0x3480];
	v8 =	vadd.s32 v11, v8  }
0x18d: {  	v57 =	vld [tilespmem:s5+$0x3500];
	v8 =	vadd.s32 v12, v8  }
0x18e: {  	v58 =	vld [tilespmem:s5+$0x3580];
	v8 =	vadd.s32 v13, v8  }
0x18f: {  	v59 =	vld [tilespmem:s5+$0x3600];
	v8 =	vadd.s32 v54, v8  }
0x190: {  	v60 =	vld [tilespmem:s5+$0x3680];
	v8 =	vadd.s32 v55, v8  }
0x191: {  	v61 =	vld [tilespmem:s5+$0x3700];
	v8 =	vadd.s32 v56, v8  }
0x192: {  	v62 =	vld [tilespmem:s5+$0x3780];
	v8 =	vadd.s32 v57, v8  }
0x193: {  	v63 =	vld [tilespmem:s5+$0x3800];
	v8 =	vadd.s32 v58, v8  }
0x194: {  	v8 =	vadd.s32 v59, v8  }
0x195: {  	v8 =	vadd.s32 v60, v8  }
0x196: {  	v8 =	vadd.s32 v61, v8  }
0x197: {  	s26 =	simm.s32 $0x10;
	s9 =	simm.s32 $0x80;
	v8 =	vadd.s32 v62, v8  }
0x198: {  	s31 =	sand.u32 $0xC00, s9;
	s5 =	sand.u32 $0x70, s26;
	v8 =	vadd.s32 v63, v8  }
0x199: {  	s10 =	simm.s32 $0x20;
	s5 =	sor.u32 s5, s31;
	[tilespmem:s1+$0x0] =	vst v8  }
.LBB2_10:
0x19a: {  	p0 =	sne.s32 s10, $0x1F0;
	v8 =	vld [tilespmem:s5+$0x2500]  }
0x19b: {  	v9 =	vld [tilespmem:s5+$0x2480]  }
0x19c: {  	v10 =	vld [tilespmem:s5+$0x2580]  }
0x19d: {  	v11 =	vld [tilespmem:s5+$0x2600]  }
0x19e: {  	v12 =	vld [tilespmem:s5+$0x2680]  }
0x19f: {  	v13 =	vld [tilespmem:s5+$0x2700]  }
0x1a0: {  	v8 =	vadd.s32 v9, v8;
	v9 =	vld [tilespmem:s5+$0x2780]  }
0x1a1: {  	v8 =	vadd.s32 v10, v8;
	v10 =	vld [tilespmem:s5+$0x2800]  }
0x1a2: {  	v8 =	vadd.s32 v11, v8;
	v11 =	vld [tilespmem:s5+$0x3480]  }
0x1a3: {  	v8 =	vadd.s32 v12, v8;
	v12 =	vld [tilespmem:s5+$0x3500]  }
0x1a4: {  	v8 =	vadd.s32 v13, v8;
	v13 =	vld [tilespmem:s5+$0x3580]  }
0x1a5: {  	v8 =	vadd.s32 v9, v8;
	v9 =	vld [tilespmem:s5+$0x3600]  }
0x1a6: {  	v8 =	vadd.s32 v10, v8;
	v10 =	vld [tilespmem:s5+$0x3680]  }
0x1a7: {  	v8 =	vadd.s32 v11, v8;
	v11 =	vld [tilespmem:s5+$0x3700]  }
0x1a8: {  	v8 =	vadd.s32 v12, v8;
	v12 =	vld [tilespmem:s5+$0x3780]  }
0x1a9: {  	v8 =	vadd.s32 v13, v8;
	v13 =	vld [tilespmem:s5+$0x3800]  }
0x1aa: {  	v8 =	vadd.s32 v9, v8  }
.Ltmp6:
0x1ab: {  	v8 =	vadd.s32 v10, v8;
	(pc) =	sbr.rel @p0 .LBB2_10-.Ltmp6, $4  }
0x1ac: {  	v8 =	vadd.s32 v11, v8  }
0x1ad: {  	s9 =	sadd.s32 $0x80, s9;
	v8 =	vadd.s32 v12, v8  }
0x1ae: {  	s1 =	sadd.s32 $0x10, s1;
	s11 =	sand.u32 $0xC00, s9;
	s5 =	sand.u32 $0x70, s10;
	v8 =	vadd.s32 v13, v8  }
0x1af: {  	s10 =	sadd.s32 $0x10, s10;
	s5 =	sor.u32 s5, s11;
	[tilespmem:s1+$0x0] =	vst v8  }
0x1b0: {  	v8 =	vld [tilespmem:s5+$0x2500]  }
0x1b1: {  	v9 =	vld [tilespmem:s5+$0x2480]  }
0x1b2: {  	v10 =	vld [tilespmem:s5+$0x2580]  }
0x1b3: {  	v11 =	vld [tilespmem:s5+$0x2600]  }
0x1b4: {  	v12 =	vld [tilespmem:s5+$0x2680]  }
0x1b5: {  	v13 =	vld [tilespmem:s5+$0x2700]  }
0x1b6: {  	v54 =	vld [tilespmem:s5+$0x2780];
	v8 =	vadd.s32 v9, v8  }
0x1b7: {  	v55 =	vld [tilespmem:s5+$0x2800];
	v8 =	vadd.s32 v10, v8  }
0x1b8: {  	v56 =	vld [tilespmem:s5+$0x3480];
	v8 =	vadd.s32 v11, v8  }
0x1b9: {  	v57 =	vld [tilespmem:s5+$0x3500];
	v8 =	vadd.s32 v12, v8  }
0x1ba: {  	v58 =	vld [tilespmem:s5+$0x3580];
	v8 =	vadd.s32 v13, v8  }
0x1bb: {  	v59 =	vld [tilespmem:s5+$0x3600];
	v8 =	vadd.s32 v54, v8  }
0x1bc: {  	v60 =	vld [tilespmem:s5+$0x3680];
	v8 =	vadd.s32 v55, v8  }
0x1bd: {  	v61 =	vld [tilespmem:s5+$0x3700];
	v8 =	vadd.s32 v56, v8  }
0x1be: {  	v62 =	vld [tilespmem:s5+$0x3780];
	v8 =	vadd.s32 v57, v8  }
0x1bf: {  	v63 =	vld [tilespmem:s5+$0x3800];
	v8 =	vadd.s32 v58, v8  }
0x1c0: {  	v8 =	vadd.s32 v59, v8  }
0x1c1: {  	v8 =	vadd.s32 v60, v8  }
0x1c2: {  	v8 =	vadd.s32 v61, v8  }
0x1c3: {  	v8 =	vadd.s32 v62, v8  }
0x1c4: {  	s1 =	sadd.s32 $0x10, s1;
	v8 =	vadd.s32 v63, v8  }
0x1c5: {  	[tilespmem:s1+$0x0] =	vst v8  }
0x1c6: {  	[tilespmem:$0x200] =	vst v6  }
0x1c7: {  	v8 =	vld [tilespmem:s8+$0x0];
	_ =	sdelay $0x4  }
0x1c8: {  	(v2sf) =	vpush v8, $0x0;
	_ =	sdelay $0xe  }
0x1c9: {  	s26 =	spop (v2sf)  }
0x1ca: {  	s1 =	sand.u32 $0xFFFFFFF8, s26  }
0x1cb: {  	p0 =	slt.s32 s1, $0x7F800  }
0x1cc: {  	s1 =	simm.s32 @!p0 $0x7F800  }
.Ltmp7:
0x1cd: {  	s1 =	sshrl.u32 s1, $0x3;
	(pc) =	sbr.rel .LBB2_12-.Ltmp7, $4  }
0x1ce: {  	s12 =	simm.s32 $0x0;
	s31 =	sadd.s32 s2, s1  }
0x1cf: {  	[tilespmem:s29], [sflag:$0x7] =	stream.linear.gather [hbm4b:s31+s12], $0x800, $0x38;
	[tilespmem:$0x1F680] =	vst v63  }
0x1d0: {  	s1 =	sadd.s32 s3, s1  }
0x1d1: {  	[tilespmem:s30], [sflag:$0xA] =	stream.linear.gather [hbm4b:s1+s12], $0x800, $0x38;
	[tilespmem:$0x1F680] =	vst v63  }
.LBB2_63:
0x1d2: {  	s12 =	sadd.s32 $0x1, s12  }
0x1d3: {  	p0 =	sne.s32 s12, $0x5  }
.Ltmp8:
0x1d4: {  	_ = 	snop;
	(pc) =	sbr.rel @!p0 .LBB2_64-.Ltmp8, $4  }
0x1d5: {  	_ = 	snop  }
0x1d6: {  	s1 =	sshll.u32 s9, $0xC;
	s5 =	rddreg [dreg:$0x3]  }
0x1d7: {  	s1 =	sadd.s32 s5, s1  }
0x1d8: {  	[hbm4b:s1+s7] =	stream.linear.scatter [tilespmem:s21], [sflag:$0x6], $0x8000, $0x38;
	[tilespmem:$0x1F680] =	vst v63  }
.LBB2_12:
0x1d9: {  	p0 =	seq.s32 s12, $0x0  }
0x1da: {  	s17 =	smul.u32 $0x3, s12;
	s1 =	simm.s32 @!p0 $0x5  }
0x1db: {  	_ =	swait.ge @!p0 [sflag:s1], $0x8000  }
0x1dc: {  	s15 =	sadd.s32 @!p0 $0x1, s17;
	[sflag:s1] =	ssyncset.done @!p0 $0x0  }
0x1dd: {  	s5 =	sadd.s32 @!p0 s8, s15;
	[sflag:s1] =	ssyncadd.s32 @!p0 $0xFFFF8000  }
0x1de: {  	s9 =	simm.s32 @!p0 $0xC680;
	s1 =	sshll.u32 @!p0 s5, $0xC;
	s5 =	rddreg [dreg:$0x0]  }
0x1df: {  	s15 =	simm.s32 @p0 $0x1;
	s1 =	sadd.s32 @!p0 s5, s1;
	s5 =	simm.s32 @!p0 $0x0  }
0x1e0: {  	[tilespmem:s9], [sflag:$0x2] =	stream.linear.gather @!p0 [hbm4b:s1+s5], $0x8000, $0x38;
	[tilespmem:$0x1F680] =	vst v63  }
0x1e1: {  	v8 =	vld.idx.msk [tilespmem:v7+s15+$0x0 ss:$0x1], $0xffff;
	_ =	sdelay $0x4  }
0x1e2: {  	(v2sf) =	vpush v8, $0x0;
	_ =	sdelay $0xe  }
0x1e3: {  	s10 =	spop (v2sf)  }
0x1e4: {  	s1 =	sand.u32 $0xFFFFFFF8, s10  }
0x1e5: {  	p1 =	slt.s32 s1, $0x7F800  }
0x1e6: {  	s1 =	simm.s32 @!p1 $0x7F800  }
0x1e7: {  	s1 =	sshrl.u32 s1, $0x3  }
0x1e8: {  	s11 =	sadd.s32 s2, s1  }
0x1e9: {  	[tilespmem:s0], [sflag:$0x8] =	stream.linear.gather [hbm4b:s11+s7], $0x800, $0x38;
	[tilespmem:$0x1F680] =	vst v63  }
0x1ea: {  	s14 =	simm.s32 $0x1;
	s1 =	sadd.s32 s3, s1  }
0x1eb: {  	[tilespmem:s4], [sflag:$0xB] =	stream.linear.gather [hbm4b:s1+s7], $0x800, $0x38;
	[tilespmem:$0x1F680] =	vst v63  }
0x1ec: {  	_ =	swait.ge [sflag:s14], $0x8000  }
0x1ed: {  	[sflag:s14] =	ssyncset.done $0x0  }
0x1ee: {  	s16 =	simm.s32 $0x7;
	[sflag:s14] =	ssyncadd.s32 $0xFFFF8000  }
0x1ef: {  	_ =	swait.ge [sflag:s16], $0x800  }
0x1f0: {  	[sflag:s16] =	ssyncset.done $0x0  }
0x1f1: {  	[sflag:s16] =	ssyncadd.s32 $0xFFFFF800  }
0x1f2: {  	_ =	swait.ge [sflag:s25], $0x800  }
0x1f3: {  	[sflag:s25] =	ssyncset.done $0x0  }
0x1f4: {  	[sflag:s25] =	ssyncadd.s32 $0xFFFFF800  }
0x1f5: {  	v8 =	vld.idx.msk [tilespmem:v7+s17+$0x0 ss:$0x1], $0xffff;
	_ =	sdelay $0x2  }
0x1f6: {  	v9 =	vld.idx.msk [tilespmem:v7+s15+$0x0 ss:$0x1], $0xffff;
	_ =	sdelay $0x1  }
0x1f7: {  	(v2sf) =	vpush v8, $0x0;
	_ =	sdelay $0x2  }
0x1f8: {  	(v2sf) =	vpush v9, $0x0;
	_ =	sdelay $0xb  }
0x1f9: {  	s18 =	spop (v2sf)  }
0x1fa: {  	s11 =	sand.u32 $0xFFFFFFF8, s18  }
0x1fb: {  	p1 =	slt.s32 s11, $0x7F800;
	s9 =	smov.u32 s11  }
0x1fc: {  	s1 =	spop (v2sf);
	s9 =	simm.s32 @!p1 $0x7F800  }
0x1fd: {  	s26 =	ssub.s32 s1, s9  }
0x1fe: {  	s24 =	sadd.s32 $0xF, s26  }
0x1ff: {  	s10 =	sand.u32 $0xF, s24  }
0x200: {  	s14 =	sshra.s32 s24, $0x1F;
	p6 =	slt.s32 s24, $0x1;
	p2 =	sne.s32 s10, $0x0  }
0x201: {  	s31 =	sshrl.u32 s14, $0x1C;
	p1 =	por !p6, !p2  }
0x202: {  	s10 =	simm.s32 $0x1;
	s5 =	sadd.s32 s31, s24;
	p1 =	por !p1, !p1  }
0x203: {  	s5 =	sshra.s32 s5, $0x4;
	s10 =	simm.s32 @!p1 $0x0  }
0x204: {  	s14 =	ssub.s32 s5, s10  }
0x205: {  	p1 =	slt.s32 s14, $0x1  }
.Ltmp9:
0x206: {  	_ = 	snop;
	(pc) =	sbr.rel @p1 .LBB2_15-.Ltmp9, $3  }
0x207: {  	_ =	sdelay $0x1  }
0x208: {  	s5 =	sadd.s32 s8, s17  }
0x209: {  	s18 =	sadd.s32 s8, s15;
	s10 =	sshll.u32 s5, $0xF  }
0x20a: {  	s15 =	smin.u32 s14, $0x80  }
0x20b: {  	p2 =	seq.s32 s15, $0x1  }
.Ltmp10:
0x20c: {  	_ = 	snop;
	(pc) =	sbr.rel @p2 .LBB2_14-.Ltmp10, $3  }
0x20d: {  	_ =	sdelay $0x1  }
0x20e: {  	s11 =	ssub.s32 s11, s9;
	s16 =	simm.s32 $0x1C680;
	s14 =	simm.s32 $0x1DE80  }
0x20f: {  	v9 =	vmov s10;
	p1 =	por $0x0, $0x0;
	v8 =	vmov s11;
	s11 =	simm.s32 $0x0;
	v10 =	vld [tilespmem:s16+$0x0];
	s15 =	sadd.s32 $0xFFFFFFFF, s15  }
0x210: {  	_ =	sdelay $0x3  }
0x211: {  	v10 =	vsub.s32 v10, v9  }
0x212: {  	vm0 =	vgt.s32 v10, $0x0  }
0x213: {  	v11 =	vnsel vm0, $0x0, v10  }
0x214: {  	v11 =	vmin.u32 v11, $0x7FFF  }
0x215: {  	v12 =	vshrl.u32 v11, $0x5  }
0x216: {  	v13 =	vand.u32 $0x7F, v11;
	v11 =	vshll.u32 v11, $0x3;
	v12 =	vand.u32 $0x380, v12  }
0x217: {  	v14 =	vld [tilespmem:s14+$0x0];
	v11 =	vand.u32 $0x7C00, v11;
	v12 =	vor.u32 v13, v12  }
0x218: {  	v11 =	vor.u32 v11, v12  }
0x219: {  	v63 =	vor.u32 s11, v1;
	p2 =	seq.s32 s15, $0x1  }
.Ltmp11:
0x21a: {  	vm1 =	vge.s32 v63, v8;
	vm15 =	vlt.u32 v10, $0x8000;
	(pc) =	sbr.rel @p2 .LBB2_21-.Ltmp11, $4  }
0x21b: {  	vm0 =	vmand vm1, vm15  }
0x21c: {  	v10 =	vnsel vm0, $0x0, v14  }
0x21d: {  	s31 =	simm.s32 $0x1C690;
	s24 =	sadd.s32 $0xFFFFFFFF, s15;
	[tilespmem:v11+s19+$0x0] =	vst.idx.add.f32.msk $0xffff, v10  }
0x21e: {  	p1 =	por $0x1, $0x1;
	s16 =	simm.s32 $0x1DE80;
	s15 =	simm.s32 $0x0;
	v10 =	vld [tilespmem:s31+$0x0]  }
.LBB2_22:
0x21f: {  	p2 =	seq.s32 s24, $0x1;
	_ =	sdelay $0x3  }
0x220: {  	v10 =	vsub.s32 v10, v9  }
0x221: {  	vm0 =	vgt.s32 v10, $0x0  }
0x222: {  	v11 =	vnsel vm0, $0x0, v10  }
0x223: {  	v11 =	vmin.u32 v11, $0x7FFF  }
0x224: {  	v12 =	vshrl.u32 v11, $0x5  }
0x225: {  	s16 =	sadd.s32 $0x10, s16;
	v13 =	vand.u32 $0x7F, v11;
	v11 =	vshll.u32 v11, $0x3;
	v12 =	vand.u32 $0x380, v12  }
0x226: {  	v11 =	vand.u32 $0x7C00, v11;
	v14 =	vld [tilespmem:s16+$0x0];
	v12 =	vor.u32 v13, v12  }
0x227: {  	s15 =	sadd.s32 $0x10, s15;
	v11 =	vor.u32 v11, v12  }
0x228: {  	v12 =	vor.u32 s15, v1  }
.Ltmp12:
0x229: {  	vm0 =	vlt.u32 v10, $0x8000;
	vm1 =	vge.s32 v12, v8;
	(pc) =	sbr.rel @!p2 .LBB2_22-.Ltmp12, $4  }
0x22a: {  	vm0 =	vmand vm1, vm0  }
0x22b: {  	v10 =	vnsel vm0, $0x0, v14  }
0x22c: {  	s31 =	sadd.s32 $0x10, s31;
	[tilespmem:v11+s19+$0x0] =	vst.idx.add.f32.msk $0xffff, v10  }
0x22d: {  	s24 =	sadd.s32 $0xFFFFFFFF, s24;
	v10 =	vld [tilespmem:s31+$0x0]  }
.LBB2_23:
0x22e: {  	_ =	sdelay $0x3  }
0x22f: {  	v9 =	vsub.s32 v10, v9  }
0x230: {  	vm0 =	vgt.s32 v9, $0x0  }
0x231: {  	v10 =	vnsel vm0, $0x0, v9  }
0x232: {  	v10 =	vmin.u32 v10, $0x7FFF  }
0x233: {  	s16 =	sadd.s32 @p1 $0x10, s16;
	v11 =	vshrl.u32 v10, $0x5  }
0x234: {  	s14 =	smov.u32 @p1 s16;
	v12 =	vand.u32 $0x7F, v10;
	v10 =	vshll.u32 v10, $0x3;
	v11 =	vand.u32 $0x380, v11  }
0x235: {  	v13 =	vld [tilespmem:s14+$0x0];
	s14 =	sadd.s32 @p1 $0x10, s15;
	v10 =	vand.u32 $0x7C00, v10;
	v11 =	vor.u32 v12, v11  }
0x236: {  	s11 =	smov.u32 @p1 s14;
	v10 =	vor.u32 v10, v11  }
0x237: {  	v63 =	vor.u32 s11, v1  }
0x238: {  	vm15 =	vlt.u32 v9, $0x8000;
	vm1 =	vge.s32 v63, v8  }
0x239: {  	vm0 =	vmand vm1, vm15  }
0x23a: {  	v8 =	vnsel vm0, $0x0, v13  }
0x23b: {  	[tilespmem:v10+s19+$0x0] =	vst.idx.add.f32.msk $0xffff, v8  }
.LBB2_15:
0x23c: {  	s11 =	sadd.s32 $0x7FF, s26  }
0x23d: {  	s14 =	sand.u32 $0x7FF, s11  }
0x23e: {  	s15 =	sshra.s32 s11, $0x1F;
	p1 =	slt.s32 s11, $0x1;
	p2 =	sne.s32 s14, $0x0  }
0x23f: {  	s31 =	sshrl.u32 s15, $0x15;
	p1 =	por !p1, !p2  }
0x240: {  	s14 =	simm.s32 $0x1;
	s11 =	sadd.s32 s31, s11;
	p1 =	por !p1, !p1  }
0x241: {  	s11 =	sshra.s32 s11, $0xB;
	s14 =	simm.s32 @!p1 $0x0  }
0x242: {  	s26 =	ssub.s32 s11, s14  }
0x243: {  	p1 =	slt.s32 s26, $0x2  }
.Ltmp13:
0x244: {  	_ = 	snop;
	(pc) =	sbr.rel @p1 .LBB2_29-.Ltmp13, $1  }
0x245: {  	_ =	sdelay $0x3  }
.Ltmp14:
0x246: {  	(pc) =	sbr.rel .LBB2_17-.Ltmp14, $2  }
0x247: {  	_ =	sdelay $0x2  }
0x248: {  	v8 =	vmov s10;
	s10 =	simm.s32 $0x1  }
.LBB2_19:
0x249: {  	s16 =	simm.s32 $0x1DE80;
	s15 =	simm.s32 $0x0  }
.LBB2_27:
0x24a: {  	v10 =	vsub.s32 v10, v8  }
0x24b: {  	vm0 =	vgt.s32 v10, $0x0  }
0x24c: {  	v11 =	vnsel vm0, $0x0, v10  }
0x24d: {  	v11 =	vmin.u32 v11, $0x7FFF  }
0x24e: {  	s16 =	sadd.s32 @p1 $0x10, s16;
	v12 =	vshrl.u32 v11, $0x5  }
0x24f: {  	s14 =	smov.u32 @p1 s16;
	v13 =	vand.u32 $0x7F, v11;
	v11 =	vshll.u32 v11, $0x3;
	v12 =	vand.u32 $0x380, v12  }
0x250: {  	v14 =	vld [tilespmem:s14+$0x0];
	s14 =	sadd.s32 @p1 $0x10, s15;
	v11 =	vand.u32 $0x7C00, v11;
	v12 =	vor.u32 v13, v12  }
0x251: {  	s11 =	smov.u32 @p1 s14;
	v11 =	vor.u32 v11, v12  }
0x252: {  	v63 =	vor.u32 s11, v1  }
0x253: {  	vm15 =	vlt.u32 v10, $0x8000;
	vm1 =	vge.s32 v63, v9  }
0x254: {  	vm0 =	vmand vm1, vm15  }
0x255: {  	v9 =	vnsel vm0, $0x0, v14  }
0x256: {  	[tilespmem:v11+s19+$0x0] =	vst.idx.add.f32.msk $0xffff, v9  }
.LBB2_28:
0x257: {  	s10 =	sadd.s32 $0x1, s10  }
0x258: {  	p1 =	sne.s32 s10, s26  }
.Ltmp15:
0x259: {  	_ = 	snop;
	(pc) =	sbr.rel @!p1 .LBB2_29-.Ltmp15, $1  }
0x25a: {  	_ =	sdelay $0x3  }
.LBB2_17:
0x25b: {  	s11 =	sshll.u32 s10, $0xB  }
0x25c: {  	s11 =	sadd.s32 s9, s11  }
0x25d: {  	p1 =	slt.s32 s11, $0x7F800;
	s14 =	smov.u32 s11  }
0x25e: {  	s14 =	simm.s32 @!p1 $0x7F800  }
0x25f: {  	s15 =	sshrl.u32 s14, $0x3  }
0x260: {  	s16 =	sadd.s32 s2, s15  }
0x261: {  	[tilespmem:s29], [sflag:$0xD] =	stream.linear.gather [hbm4b:s16+s7], $0x800, $0x38;
	[tilespmem:$0x1F680] =	vst v63  }
0x262: {  	_ =	swait.ge [sflag:s23], $0x800  }
0x263: {  	[sflag:s23] =	ssyncset.done $0x0  }
0x264: {  	s15 =	sadd.s32 s3, s15;
	s16 =	ssub.s32 s1, s14;
	[sflag:s23] =	ssyncadd.s32 $0xFFFFF800  }
0x265: {  	[tilespmem:s30], [sflag:$0xD] =	stream.linear.gather [hbm4b:s15+s7], $0x800, $0x38;
	[tilespmem:$0x1F680] =	vst v63  }
0x266: {  	s15 =	sadd.s32 $0xF, s16  }
0x267: {  	s24 =	sand.u32 $0xF, s15  }
0x268: {  	s31 =	sshra.s32 s15, $0x1F;
	p2 =	slt.s32 s15, $0x1;
	p6 =	sne.s32 s24, $0x0  }
0x269: {  	s16 =	sshrl.u32 s31, $0x1C;
	p1 =	por !p2, !p6  }
0x26a: {  	s15 =	sadd.s32 s16, s15;
	s16 =	simm.s32 $0x1;
	p1 =	por !p1, !p1  }
0x26b: {  	s15 =	sshra.s32 s15, $0x4;
	s16 =	simm.s32 @!p1 $0x0  }
0x26c: {  	s15 =	ssub.s32 s15, s16  }
0x26d: {  	p1 =	slt.s32 s15, $0x1  }
.Ltmp16:
0x26e: {  	_ = 	snop;
	(pc) =	sbr.rel @p1 .LBB2_28-.Ltmp16, $4  }
0x26f: {  	_ = 	snop  }
0x270: {  	_ =	swait.ge [sflag:s23], $0x800  }
0x271: {  	[sflag:s23] =	ssyncset.done $0x0  }
0x272: {  	[sflag:s23] =	ssyncadd.s32 $0xFFFFF800  }
0x273: {  	s15 =	smin.u32 s15, $0x80  }
0x274: {  	s16 =	simm.s32 $0x1C680;
	p2 =	sne.s32 s15, $0x1  }
.Ltmp17:
0x275: {  	v10 =	vld [tilespmem:s16+$0x0];
	(pc) =	sbr.rel @!p2 .LBB2_19-.Ltmp17, $3  }
0x276: {  	_ =	sdelay $0x1  }
0x277: {  	s11 =	ssub.s32 s11, s14;
	s14 =	simm.s32 $0x1DE80  }
0x278: {  	p1 =	por $0x0, $0x0;
	v9 =	vmov s11;
	s11 =	simm.s32 $0x0;
	s15 =	sadd.s32 $0xFFFFFFFF, s15  }
0x279: {  	v10 =	vsub.s32 v10, v8  }
0x27a: {  	vm0 =	vgt.s32 v10, $0x0  }
0x27b: {  	v11 =	vnsel vm0, $0x0, v10  }
0x27c: {  	v11 =	vmin.u32 v11, $0x7FFF  }
0x27d: {  	v12 =	vshrl.u32 v11, $0x5  }
0x27e: {  	v13 =	vand.u32 $0x7F, v11;
	v11 =	vshll.u32 v11, $0x3;
	v12 =	vand.u32 $0x380, v12  }
0x27f: {  	v14 =	vld [tilespmem:s14+$0x0];
	v11 =	vand.u32 $0x7C00, v11;
	v12 =	vor.u32 v13, v12  }
0x280: {  	v11 =	vor.u32 v11, v12  }
0x281: {  	v63 =	vor.u32 s11, v1  }
0x282: {  	vm15 =	vlt.u32 v10, $0x8000;
	vm1 =	vge.s32 v63, v9  }
0x283: {  	vm0 =	vmand vm1, vm15  }
0x284: {  	v10 =	vnsel vm0, $0x0, v14  }
0x285: {  	p2 =	sne.s32 s15, $0x1;
	s31 =	simm.s32 $0x1C690;
	[tilespmem:v11+s19+$0x0] =	vst.idx.add.f32.msk $0xffff, v10  }
.Ltmp18:
0x286: {  	v10 =	vld [tilespmem:s31+$0x0];
	(pc) =	sbr.rel @!p2 .LBB2_25-.Ltmp18, $3  }
0x287: {  	_ =	sdelay $0x1  }
0x288: {  	s24 =	sadd.s32 $0xFFFFFFFF, s15  }
0x289: {  	p1 =	por $0x1, $0x1;
	s16 =	simm.s32 $0x1DE80;
	s15 =	simm.s32 $0x0  }
.LBB2_26:
0x28a: {  	p2 =	sne.s32 s24, $0x1;
	_ =	sdelay $0x3  }
0x28b: {  	v10 =	vsub.s32 v10, v8  }
0x28c: {  	vm0 =	vgt.s32 v10, $0x0  }
0x28d: {  	v11 =	vnsel vm0, $0x0, v10  }
0x28e: {  	v11 =	vmin.u32 v11, $0x7FFF  }
0x28f: {  	v12 =	vshrl.u32 v11, $0x5  }
0x290: {  	s16 =	sadd.s32 $0x10, s16;
	v13 =	vand.u32 $0x7F, v11;
	v11 =	vshll.u32 v11, $0x3;
	v12 =	vand.u32 $0x380, v12  }
0x291: {  	v11 =	vand.u32 $0x7C00, v11;
	v12 =	vor.u32 v13, v12;
	v14 =	vld [tilespmem:s16+$0x0]  }
0x292: {  	s15 =	sadd.s32 $0x10, s15;
	v11 =	vor.u32 v11, v12  }
0x293: {  	v12 =	vor.u32 s15, v1  }
.Ltmp19:
0x294: {  	vm0 =	vlt.u32 v10, $0x8000;
	vm1 =	vge.s32 v12, v9;
	(pc) =	sbr.rel @p2 .LBB2_26-.Ltmp19, $4  }
0x295: {  	vm0 =	vmand vm1, vm0  }
0x296: {  	v10 =	vnsel vm0, $0x0, v14  }
0x297: {  	s31 =	sadd.s32 $0x10, s31;
	[tilespmem:v11+s19+$0x0] =	vst.idx.add.f32.msk $0xffff, v10  }
0x298: {  	s24 =	sadd.s32 $0xFFFFFFFF, s24;
	v10 =	vld [tilespmem:s31+$0x0]  }
.Ltmp20:
0x299: {  	_ = 	snop;
	(pc) =	sbr.rel .LBB2_27-.Ltmp20, $1  }
0x29a: {  	_ =	sdelay $0x3  }
.LBB2_25:
.Ltmp21:
0x29b: {  	(pc) =	sbr.rel .LBB2_27-.Ltmp21, $2  }
0x29c: {  	_ =	sdelay $0x2  }
0x29d: {  	s16 =	simm.s32 $0x1DE80;
	s15 =	simm.s32 $0x0  }
.LBB2_29:
0x29e: {  	s1 =	sshll.u32 s5, $0xC;
	s31 =	rddreg [dreg:$0x3]  }
0x29f: {  	s1 =	sadd.s32 s31, s1  }
0x2a0: {  	[hbm4b:s1+s7] =	stream.linear.scatter [tilespmem:s19], [sflag:$0x4], $0x8000, $0x38;
	[tilespmem:$0x1F680] =	vst v63  }
0x2a1: {  	s1 =	simm.s32 @!p0 $0x6  }
0x2a2: {  	_ =	swait.ge @!p0 [sflag:s1], $0x8000  }
0x2a3: {  	s9 =	sadd.s32 @!p0 $0x2, s17;
	[sflag:s1] =	ssyncset.done @!p0 $0x0  }
0x2a4: {  	s5 =	sadd.s32 @!p0 s8, s9;
	[sflag:s1] =	ssyncadd.s32 @!p0 $0xFFFF8000  }
0x2a5: {  	s10 =	simm.s32 @!p0 $0x14680;
	s1 =	sshll.u32 @!p0 s5, $0xC;
	s5 =	rddreg [dreg:$0x0]  }
0x2a6: {  	s9 =	simm.s32 @p0 $0x2;
	s1 =	sadd.s32 @!p0 s5, s1;
	s5 =	simm.s32 @!p0 $0x0  }
0x2a7: {  	[tilespmem:s10], [sflag:$0x3] =	stream.linear.gather @!p0 [hbm4b:s1+s5], $0x8000, $0x38;
	[tilespmem:$0x1F680] =	vst v63  }
0x2a8: {  	v8 =	vld.idx.msk [tilespmem:v7+s9+$0x0 ss:$0x1], $0xffff;
	_ =	sdelay $0x4  }
0x2a9: {  	(v2sf) =	vpush v8, $0x0;
	_ =	sdelay $0xe  }
0x2aa: {  	s5 =	spop (v2sf)  }
0x2ab: {  	s1 =	sand.u32 $0xFFFFFFF8, s5  }
0x2ac: {  	p0 =	slt.s32 s1, $0x7F800  }
0x2ad: {  	s1 =	simm.s32 @!p0 $0x7F800  }
0x2ae: {  	s1 =	sshrl.u32 s1, $0x3  }
0x2af: {  	s10 =	sadd.s32 s2, s1  }
0x2b0: {  	[tilespmem:s28], [sflag:$0x9] =	stream.linear.gather [hbm4b:s10+s7], $0x800, $0x38;
	[tilespmem:$0x1F680] =	vst v63  }
0x2b1: {  	s11 =	simm.s32 $0x2;
	s1 =	sadd.s32 s3, s1  }
0x2b2: {  	[tilespmem:s6], [sflag:$0xC] =	stream.linear.gather [hbm4b:s1+s7], $0x800, $0x38;
	[tilespmem:$0x1F680] =	vst v63  }
0x2b3: {  	_ =	swait.ge [sflag:s11], $0x8000  }
0x2b4: {  	[sflag:s11] =	ssyncset.done $0x0  }
0x2b5: {  	s14 =	simm.s32 $0x8;
	[sflag:s11] =	ssyncadd.s32 $0xFFFF8000  }
0x2b6: {  	_ =	swait.ge [sflag:s14], $0x800  }
0x2b7: {  	[sflag:s14] =	ssyncset.done $0x0  }
0x2b8: {  	s15 =	simm.s32 $0xB;
	[sflag:s14] =	ssyncadd.s32 $0xFFFFF800  }
0x2b9: {  	_ =	swait.ge [sflag:s15], $0x800  }
0x2ba: {  	[sflag:s15] =	ssyncset.done $0x0  }
0x2bb: {  	[sflag:s15] =	ssyncadd.s32 $0xFFFFF800  }
0x2bc: {  	v8 =	vld [tilespmem:s18+$0x0];
	_ =	sdelay $0x2  }
0x2bd: {  	v9 =	vld.idx.msk [tilespmem:v7+s9+$0x0 ss:$0x1], $0xffff;
	_ =	sdelay $0x1  }
0x2be: {  	(v2sf) =	vpush v8, $0x0;
	_ =	sdelay $0x2  }
0x2bf: {  	(v2sf) =	vpush v9, $0x0;
	_ =	sdelay $0xb  }
0x2c0: {  	s16 =	spop (v2sf)  }
0x2c1: {  	s11 =	sand.u32 $0xFFFFFFF8, s16  }
0x2c2: {  	p0 =	slt.s32 s11, $0x7F800;
	s1 =	smov.u32 s11  }
0x2c3: {  	s5 =	spop (v2sf);
	s1 =	simm.s32 @!p0 $0x7F800  }
0x2c4: {  	s26 =	ssub.s32 s5, s1  }
0x2c5: {  	s24 =	sadd.s32 $0xF, s26  }
0x2c6: {  	s14 =	sand.u32 $0xF, s24  }
0x2c7: {  	s15 =	sshra.s32 s24, $0x1F;
	p6 =	slt.s32 s24, $0x1;
	p1 =	sne.s32 s14, $0x0  }
0x2c8: {  	s31 =	sshrl.u32 s15, $0x1C;
	p0 =	por !p6, !p1  }
0x2c9: {  	s14 =	simm.s32 $0x1;
	s10 =	sadd.s32 s31, s24;
	p0 =	por !p0, !p0  }
0x2ca: {  	s10 =	sshra.s32 s10, $0x4;
	s14 =	simm.s32 @!p0 $0x0  }
0x2cb: {  	s14 =	ssub.s32 s10, s14  }
0x2cc: {  	p0 =	slt.s32 s14, $0x1  }
.Ltmp22:
0x2cd: {  	_ = 	snop;
	(pc) =	sbr.rel @p0 .LBB2_32-.Ltmp22, $2  }
0x2ce: {  	_ =	sdelay $0x2  }
0x2cf: {  	s9 =	sadd.s32 s8, s9;
	s10 =	sshll.u32 s18, $0xF  }
0x2d0: {  	s15 =	smin.u32 s14, $0x80  }
0x2d1: {  	p1 =	seq.s32 s15, $0x1  }
.Ltmp23:
0x2d2: {  	_ = 	snop;
	(pc) =	sbr.rel @p1 .LBB2_31-.Ltmp23, $3  }
0x2d3: {  	_ =	sdelay $0x1  }
0x2d4: {  	s11 =	ssub.s32 s11, s1;
	s16 =	simm.s32 $0x1CE80;
	s14 =	simm.s32 $0x1E680  }
0x2d5: {  	v9 =	vmov s10;
	p0 =	por $0x0, $0x0;
	v8 =	vmov s11;
	s11 =	simm.s32 $0x0;
	v10 =	vld [tilespmem:s16+$0x0];
	s15 =	sadd.s32 $0xFFFFFFFF, s15  }
0x2d6: {  	_ =	sdelay $0x3  }
0x2d7: {  	v10 =	vsub.s32 v10, v9  }
0x2d8: {  	vm0 =	vgt.s32 v10, $0x0  }
0x2d9: {  	v11 =	vnsel vm0, $0x0, v10  }
0x2da: {  	v11 =	vmin.u32 v11, $0x7FFF  }
0x2db: {  	v12 =	vshrl.u32 v11, $0x5  }
0x2dc: {  	v13 =	vand.u32 $0x7F, v11;
	v11 =	vshll.u32 v11, $0x3;
	v12 =	vand.u32 $0x380, v12  }
0x2dd: {  	v14 =	vld [tilespmem:s14+$0x0];
	v11 =	vand.u32 $0x7C00, v11;
	v12 =	vor.u32 v13, v12  }
0x2de: {  	v11 =	vor.u32 v11, v12  }
0x2df: {  	v63 =	vor.u32 s11, v1;
	p1 =	seq.s32 s15, $0x1  }
.Ltmp24:
0x2e0: {  	vm1 =	vge.s32 v63, v8;
	vm15 =	vlt.u32 v10, $0x8000;
	(pc) =	sbr.rel @p1 .LBB2_38-.Ltmp24, $4  }
0x2e1: {  	vm0 =	vmand vm1, vm15  }
0x2e2: {  	v10 =	vnsel vm0, $0x0, v14  }
0x2e3: {  	s31 =	simm.s32 $0x1CE90;
	s24 =	sadd.s32 $0xFFFFFFFF, s15;
	[tilespmem:v11+s20+$0x0] =	vst.idx.add.f32.msk $0xffff, v10  }
0x2e4: {  	p0 =	por $0x1, $0x1;
	s16 =	simm.s32 $0x1E680;
	s15 =	simm.s32 $0x0;
	v10 =	vld [tilespmem:s31+$0x0]  }
.LBB2_39:
0x2e5: {  	p1 =	seq.s32 s24, $0x1;
	_ =	sdelay $0x3  }
0x2e6: {  	v10 =	vsub.s32 v10, v9  }
0x2e7: {  	vm0 =	vgt.s32 v10, $0x0  }
0x2e8: {  	v11 =	vnsel vm0, $0x0, v10  }
0x2e9: {  	v11 =	vmin.u32 v11, $0x7FFF  }
0x2ea: {  	v12 =	vshrl.u32 v11, $0x5  }
0x2eb: {  	s16 =	sadd.s32 $0x10, s16;
	v13 =	vand.u32 $0x7F, v11;
	v11 =	vshll.u32 v11, $0x3;
	v12 =	vand.u32 $0x380, v12  }
0x2ec: {  	v11 =	vand.u32 $0x7C00, v11;
	v14 =	vld [tilespmem:s16+$0x0];
	v12 =	vor.u32 v13, v12  }
0x2ed: {  	s15 =	sadd.s32 $0x10, s15;
	v11 =	vor.u32 v11, v12  }
0x2ee: {  	v12 =	vor.u32 s15, v1  }
.Ltmp25:
0x2ef: {  	vm0 =	vlt.u32 v10, $0x8000;
	vm1 =	vge.s32 v12, v8;
	(pc) =	sbr.rel @!p1 .LBB2_39-.Ltmp25, $4  }
0x2f0: {  	vm0 =	vmand vm1, vm0  }
0x2f1: {  	v10 =	vnsel vm0, $0x0, v14  }
0x2f2: {  	s31 =	sadd.s32 $0x10, s31;
	[tilespmem:v11+s20+$0x0] =	vst.idx.add.f32.msk $0xffff, v10  }
0x2f3: {  	s24 =	sadd.s32 $0xFFFFFFFF, s24;
	v10 =	vld [tilespmem:s31+$0x0]  }
.LBB2_40:
0x2f4: {  	_ =	sdelay $0x3  }
0x2f5: {  	v9 =	vsub.s32 v10, v9  }
0x2f6: {  	vm0 =	vgt.s32 v9, $0x0  }
0x2f7: {  	v10 =	vnsel vm0, $0x0, v9  }
0x2f8: {  	v10 =	vmin.u32 v10, $0x7FFF  }
0x2f9: {  	s16 =	sadd.s32 @p0 $0x10, s16;
	v11 =	vshrl.u32 v10, $0x5  }
0x2fa: {  	s14 =	smov.u32 @p0 s16;
	v12 =	vand.u32 $0x7F, v10;
	v10 =	vshll.u32 v10, $0x3;
	v11 =	vand.u32 $0x380, v11  }
0x2fb: {  	v13 =	vld [tilespmem:s14+$0x0];
	s14 =	sadd.s32 @p0 $0x10, s15;
	v10 =	vand.u32 $0x7C00, v10;
	v11 =	vor.u32 v12, v11  }
0x2fc: {  	s11 =	smov.u32 @p0 s14;
	v10 =	vor.u32 v10, v11  }
0x2fd: {  	v63 =	vor.u32 s11, v1  }
0x2fe: {  	vm15 =	vlt.u32 v9, $0x8000;
	vm1 =	vge.s32 v63, v8  }
0x2ff: {  	vm0 =	vmand vm1, vm15  }
0x300: {  	v8 =	vnsel vm0, $0x0, v13  }
0x301: {  	[tilespmem:v10+s20+$0x0] =	vst.idx.add.f32.msk $0xffff, v8  }
.LBB2_32:
0x302: {  	s11 =	sadd.s32 $0x7FF, s26  }
0x303: {  	s14 =	sand.u32 $0x7FF, s11  }
0x304: {  	s15 =	sshra.s32 s11, $0x1F;
	p0 =	slt.s32 s11, $0x1;
	p1 =	sne.s32 s14, $0x0  }
0x305: {  	s31 =	sshrl.u32 s15, $0x15;
	p0 =	por !p0, !p1  }
0x306: {  	s14 =	simm.s32 $0x1;
	s11 =	sadd.s32 s31, s11;
	p0 =	por !p0, !p0  }
0x307: {  	s11 =	sshra.s32 s11, $0xB;
	s14 =	simm.s32 @!p0 $0x0  }
0x308: {  	s26 =	ssub.s32 s11, s14  }
0x309: {  	p0 =	slt.s32 s26, $0x2  }
.Ltmp26:
0x30a: {  	_ = 	snop;
	(pc) =	sbr.rel @p0 .LBB2_46-.Ltmp26, $1  }
0x30b: {  	_ =	sdelay $0x3  }
.Ltmp27:
0x30c: {  	(pc) =	sbr.rel .LBB2_34-.Ltmp27, $2  }
0x30d: {  	_ =	sdelay $0x2  }
0x30e: {  	v8 =	vmov s10;
	s10 =	simm.s32 $0x1  }
.LBB2_36:
0x30f: {  	s16 =	simm.s32 $0x1E680;
	s15 =	simm.s32 $0x0  }
.LBB2_44:
0x310: {  	v10 =	vsub.s32 v10, v8  }
0x311: {  	vm0 =	vgt.s32 v10, $0x0  }
0x312: {  	v11 =	vnsel vm0, $0x0, v10  }
0x313: {  	v11 =	vmin.u32 v11, $0x7FFF  }
0x314: {  	s16 =	sadd.s32 @p0 $0x10, s16;
	v12 =	vshrl.u32 v11, $0x5  }
0x315: {  	s14 =	smov.u32 @p0 s16;
	v13 =	vand.u32 $0x7F, v11;
	v11 =	vshll.u32 v11, $0x3;
	v12 =	vand.u32 $0x380, v12  }
0x316: {  	v14 =	vld [tilespmem:s14+$0x0];
	s14 =	sadd.s32 @p0 $0x10, s15;
	v11 =	vand.u32 $0x7C00, v11;
	v12 =	vor.u32 v13, v12  }
0x317: {  	s11 =	smov.u32 @p0 s14;
	v11 =	vor.u32 v11, v12  }
0x318: {  	v63 =	vor.u32 s11, v1  }
0x319: {  	vm15 =	vlt.u32 v10, $0x8000;
	vm1 =	vge.s32 v63, v9  }
0x31a: {  	vm0 =	vmand vm1, vm15  }
0x31b: {  	v9 =	vnsel vm0, $0x0, v14  }
0x31c: {  	[tilespmem:v11+s20+$0x0] =	vst.idx.add.f32.msk $0xffff, v9  }
.LBB2_45:
0x31d: {  	s10 =	sadd.s32 $0x1, s10  }
0x31e: {  	p0 =	sne.s32 s10, s26  }
.Ltmp28:
0x31f: {  	_ = 	snop;
	(pc) =	sbr.rel @!p0 .LBB2_46-.Ltmp28, $1  }
0x320: {  	_ =	sdelay $0x3  }
.LBB2_34:
0x321: {  	s11 =	sshll.u32 s10, $0xB  }
0x322: {  	s11 =	sadd.s32 s1, s11  }
0x323: {  	p0 =	slt.s32 s11, $0x7F800;
	s14 =	smov.u32 s11  }
0x324: {  	s14 =	simm.s32 @!p0 $0x7F800  }
0x325: {  	s15 =	sshrl.u32 s14, $0x3  }
0x326: {  	s16 =	sadd.s32 s2, s15  }
0x327: {  	[tilespmem:s0], [sflag:$0xD] =	stream.linear.gather [hbm4b:s16+s7], $0x800, $0x38;
	[tilespmem:$0x1F680] =	vst v63  }
0x328: {  	_ =	swait.ge [sflag:s23], $0x800  }
0x329: {  	[sflag:s23] =	ssyncset.done $0x0  }
0x32a: {  	s15 =	sadd.s32 s3, s15;
	s16 =	ssub.s32 s5, s14;
	[sflag:s23] =	ssyncadd.s32 $0xFFFFF800  }
0x32b: {  	[tilespmem:s4], [sflag:$0xD] =	stream.linear.gather [hbm4b:s15+s7], $0x800, $0x38;
	[tilespmem:$0x1F680] =	vst v63  }
0x32c: {  	s15 =	sadd.s32 $0xF, s16  }
0x32d: {  	s24 =	sand.u32 $0xF, s15  }
0x32e: {  	s31 =	sshra.s32 s15, $0x1F;
	p1 =	slt.s32 s15, $0x1;
	p6 =	sne.s32 s24, $0x0  }
0x32f: {  	s16 =	sshrl.u32 s31, $0x1C;
	p0 =	por !p1, !p6  }
0x330: {  	s15 =	sadd.s32 s16, s15;
	s16 =	simm.s32 $0x1;
	p0 =	por !p0, !p0  }
0x331: {  	s15 =	sshra.s32 s15, $0x4;
	s16 =	simm.s32 @!p0 $0x0  }
0x332: {  	s15 =	ssub.s32 s15, s16  }
0x333: {  	p0 =	slt.s32 s15, $0x1  }
.Ltmp29:
0x334: {  	_ = 	snop;
	(pc) =	sbr.rel @p0 .LBB2_45-.Ltmp29, $4  }
0x335: {  	_ = 	snop  }
0x336: {  	_ =	swait.ge [sflag:s23], $0x800  }
0x337: {  	[sflag:s23] =	ssyncset.done $0x0  }
0x338: {  	[sflag:s23] =	ssyncadd.s32 $0xFFFFF800  }
0x339: {  	s15 =	smin.u32 s15, $0x80  }
0x33a: {  	s16 =	simm.s32 $0x1CE80;
	p1 =	sne.s32 s15, $0x1  }
.Ltmp30:
0x33b: {  	v10 =	vld [tilespmem:s16+$0x0];
	(pc) =	sbr.rel @!p1 .LBB2_36-.Ltmp30, $3  }
0x33c: {  	_ =	sdelay $0x1  }
0x33d: {  	s11 =	ssub.s32 s11, s14;
	s14 =	simm.s32 $0x1E680  }
0x33e: {  	p0 =	por $0x0, $0x0;
	v9 =	vmov s11;
	s11 =	simm.s32 $0x0;
	s15 =	sadd.s32 $0xFFFFFFFF, s15  }
0x33f: {  	v10 =	vsub.s32 v10, v8  }
0x340: {  	vm0 =	vgt.s32 v10, $0x0  }
0x341: {  	v11 =	vnsel vm0, $0x0, v10  }
0x342: {  	v11 =	vmin.u32 v11, $0x7FFF  }
0x343: {  	v12 =	vshrl.u32 v11, $0x5  }
0x344: {  	v13 =	vand.u32 $0x7F, v11;
	v11 =	vshll.u32 v11, $0x3;
	v12 =	vand.u32 $0x380, v12  }
0x345: {  	v14 =	vld [tilespmem:s14+$0x0];
	v11 =	vand.u32 $0x7C00, v11;
	v12 =	vor.u32 v13, v12  }
0x346: {  	v11 =	vor.u32 v11, v12  }
0x347: {  	v63 =	vor.u32 s11, v1  }
0x348: {  	vm15 =	vlt.u32 v10, $0x8000;
	vm1 =	vge.s32 v63, v9  }
0x349: {  	vm0 =	vmand vm1, vm15  }
0x34a: {  	v10 =	vnsel vm0, $0x0, v14  }
0x34b: {  	p1 =	sne.s32 s15, $0x1;
	s31 =	simm.s32 $0x1CE90;
	[tilespmem:v11+s20+$0x0] =	vst.idx.add.f32.msk $0xffff, v10  }
.Ltmp31:
0x34c: {  	v10 =	vld [tilespmem:s31+$0x0];
	(pc) =	sbr.rel @!p1 .LBB2_42-.Ltmp31, $3  }
0x34d: {  	_ =	sdelay $0x1  }
0x34e: {  	s24 =	sadd.s32 $0xFFFFFFFF, s15  }
0x34f: {  	p0 =	por $0x1, $0x1;
	s16 =	simm.s32 $0x1E680;
	s15 =	simm.s32 $0x0  }
.LBB2_43:
0x350: {  	p1 =	sne.s32 s24, $0x1;
	_ =	sdelay $0x3  }
0x351: {  	v10 =	vsub.s32 v10, v8  }
0x352: {  	vm0 =	vgt.s32 v10, $0x0  }
0x353: {  	v11 =	vnsel vm0, $0x0, v10  }
0x354: {  	v11 =	vmin.u32 v11, $0x7FFF  }
0x355: {  	v12 =	vshrl.u32 v11, $0x5  }
0x356: {  	s16 =	sadd.s32 $0x10, s16;
	v13 =	vand.u32 $0x7F, v11;
	v11 =	vshll.u32 v11, $0x3;
	v12 =	vand.u32 $0x380, v12  }
0x357: {  	v11 =	vand.u32 $0x7C00, v11;
	v12 =	vor.u32 v13, v12;
	v14 =	vld [tilespmem:s16+$0x0]  }
0x358: {  	s15 =	sadd.s32 $0x10, s15;
	v11 =	vor.u32 v11, v12  }
0x359: {  	v12 =	vor.u32 s15, v1  }
.Ltmp32:
0x35a: {  	vm0 =	vlt.u32 v10, $0x8000;
	vm1 =	vge.s32 v12, v9;
	(pc) =	sbr.rel @p1 .LBB2_43-.Ltmp32, $4  }
0x35b: {  	vm0 =	vmand vm1, vm0  }
0x35c: {  	v10 =	vnsel vm0, $0x0, v14  }
0x35d: {  	s31 =	sadd.s32 $0x10, s31;
	[tilespmem:v11+s20+$0x0] =	vst.idx.add.f32.msk $0xffff, v10  }
0x35e: {  	s24 =	sadd.s32 $0xFFFFFFFF, s24;
	v10 =	vld [tilespmem:s31+$0x0]  }
.Ltmp33:
0x35f: {  	_ = 	snop;
	(pc) =	sbr.rel .LBB2_44-.Ltmp33, $1  }
0x360: {  	_ =	sdelay $0x3  }
.LBB2_42:
.Ltmp34:
0x361: {  	(pc) =	sbr.rel .LBB2_44-.Ltmp34, $2  }
0x362: {  	_ =	sdelay $0x2  }
0x363: {  	s16 =	simm.s32 $0x1E680;
	s15 =	simm.s32 $0x0  }
.LBB2_46:
0x364: {  	s1 =	sshll.u32 s18, $0xC;
	s5 =	rddreg [dreg:$0x3]  }
0x365: {  	s1 =	sadd.s32 s5, s1  }
0x366: {  	[hbm4b:s1+s7] =	stream.linear.scatter [tilespmem:s20], [sflag:$0x5], $0x8000, $0x38;
	[tilespmem:$0x1F680] =	vst v63  }
0x367: {  	_ =	swait.ge [sflag:s13], $0x8000  }
0x368: {  	s31 =	sadd.s32 $0x3, s17;
	[sflag:s13] =	ssyncset.done $0x0  }
0x369: {  	s11 =	sadd.s32 s8, s31;
	[sflag:s13] =	ssyncadd.s32 $0xFFFF8000  }
0x36a: {  	s5 =	sshll.u32 s11, $0xC;
	s10 =	rddreg [dreg:$0x0]  }
0x36b: {  	s5 =	sadd.s32 s10, s5  }
0x36c: {  	[tilespmem:s19], [sflag:$0x1] =	stream.linear.gather [hbm4b:s5+s7], $0x8000, $0x38;
	[tilespmem:$0x1F680] =	vst v63  }
0x36d: {  	v8 =	vld.idx.msk [tilespmem:v7+s31+$0x0 ss:$0x1], $0xffff;
	_ =	sdelay $0x4  }
0x36e: {  	(v2sf) =	vpush v8, $0x0;
	_ =	sdelay $0xe  }
0x36f: {  	s14 =	spop (v2sf)  }
0x370: {  	s5 =	sand.u32 $0xFFFFFFF8, s14  }
0x371: {  	p0 =	slt.s32 s5, $0x7F800  }
0x372: {  	s5 =	simm.s32 @!p0 $0x7F800  }
0x373: {  	s5 =	sshrl.u32 s5, $0x3  }
0x374: {  	s15 =	sadd.s32 s2, s5  }
0x375: {  	[tilespmem:s29], [sflag:$0x7] =	stream.linear.gather [hbm4b:s15+s7], $0x800, $0x38;
	[tilespmem:$0x1F680] =	vst v63  }
0x376: {  	s16 =	simm.s32 $0x3;
	s5 =	sadd.s32 s3, s5  }
0x377: {  	[tilespmem:s30], [sflag:$0xA] =	stream.linear.gather [hbm4b:s5+s7], $0x800, $0x38;
	[tilespmem:$0x1F680] =	vst v63  }
0x378: {  	_ =	swait.ge [sflag:s16], $0x8000  }
0x379: {  	[sflag:s16] =	ssyncset.done $0x0  }
0x37a: {  	s17 =	simm.s32 $0x9;
	[sflag:s16] =	ssyncadd.s32 $0xFFFF8000  }
0x37b: {  	_ =	swait.ge [sflag:s17], $0x800  }
0x37c: {  	[sflag:s17] =	ssyncset.done $0x0  }
0x37d: {  	s18 =	simm.s32 $0xC;
	[sflag:s17] =	ssyncadd.s32 $0xFFFFF800  }
0x37e: {  	_ =	swait.ge [sflag:s18], $0x800  }
0x37f: {  	[sflag:s18] =	ssyncset.done $0x0  }
0x380: {  	[sflag:s18] =	ssyncadd.s32 $0xFFFFF800  }
0x381: {  	v8 =	vld [tilespmem:s9+$0x0];
	_ =	sdelay $0x2  }
0x382: {  	v9 =	vld.idx.msk [tilespmem:v7+s31+$0x0 ss:$0x1], $0xffff;
	_ =	sdelay $0x1  }
0x383: {  	(v2sf) =	vpush v8, $0x0;
	_ =	sdelay $0x2  }
0x384: {  	(v2sf) =	vpush v9, $0x0;
	_ =	sdelay $0xb  }
0x385: {  	s24 =	spop (v2sf)  }
0x386: {  	s11 =	sand.u32 $0xFFFFFFF8, s24  }
0x387: {  	p0 =	slt.s32 s11, $0x7F800;
	s1 =	smov.u32 s11  }
0x388: {  	s5 =	spop (v2sf);
	s1 =	simm.s32 @!p0 $0x7F800  }
0x389: {  	s17 =	ssub.s32 s5, s1  }
0x38a: {  	s26 =	sadd.s32 $0xF, s17  }
0x38b: {  	s14 =	sand.u32 $0xF, s26  }
0x38c: {  	s15 =	sshra.s32 s26, $0x1F;
	p6 =	slt.s32 s26, $0x1;
	p1 =	sne.s32 s14, $0x0  }
0x38d: {  	s31 =	sshrl.u32 s15, $0x1C;
	p0 =	por !p6, !p1  }
0x38e: {  	s14 =	simm.s32 $0x1;
	s10 =	sadd.s32 s31, s26;
	p0 =	por !p0, !p0  }
0x38f: {  	s10 =	sshra.s32 s10, $0x4;
	s14 =	simm.s32 @!p0 $0x0  }
0x390: {  	s14 =	ssub.s32 s10, s14  }
0x391: {  	p0 =	slt.s32 s14, $0x1  }
.Ltmp35:
0x392: {  	_ = 	snop;
	(pc) =	sbr.rel @p0 .LBB2_49-.Ltmp35, $2  }
0x393: {  	_ =	sdelay $0x2  }
0x394: {  	s10 =	sshll.u32 s9, $0xF  }
0x395: {  	s15 =	smin.u32 s14, $0x80  }
0x396: {  	p1 =	seq.s32 s15, $0x1  }
.Ltmp36:
0x397: {  	_ = 	snop;
	(pc) =	sbr.rel @p1 .LBB2_48-.Ltmp36, $3  }
0x398: {  	_ =	sdelay $0x1  }
0x399: {  	s11 =	ssub.s32 s11, s1;
	s16 =	simm.s32 $0x1D680;
	s14 =	simm.s32 $0x1EE80  }
0x39a: {  	v9 =	vmov s10;
	p0 =	por $0x0, $0x0;
	v8 =	vmov s11;
	s11 =	simm.s32 $0x0;
	v10 =	vld [tilespmem:s16+$0x0];
	s15 =	sadd.s32 $0xFFFFFFFF, s15  }
0x39b: {  	_ =	sdelay $0x3  }
0x39c: {  	v10 =	vsub.s32 v10, v9  }
0x39d: {  	vm0 =	vgt.s32 v10, $0x0  }
0x39e: {  	v11 =	vnsel vm0, $0x0, v10  }
0x39f: {  	v11 =	vmin.u32 v11, $0x7FFF  }
0x3a0: {  	v12 =	vshrl.u32 v11, $0x5  }
0x3a1: {  	v13 =	vand.u32 $0x7F, v11;
	v11 =	vshll.u32 v11, $0x3;
	v12 =	vand.u32 $0x380, v12  }
0x3a2: {  	v14 =	vld [tilespmem:s14+$0x0];
	v11 =	vand.u32 $0x7C00, v11;
	v12 =	vor.u32 v13, v12  }
0x3a3: {  	v11 =	vor.u32 v11, v12  }
0x3a4: {  	v63 =	vor.u32 s11, v1;
	p1 =	seq.s32 s15, $0x1  }
.Ltmp37:
0x3a5: {  	vm1 =	vge.s32 v63, v8;
	vm15 =	vlt.u32 v10, $0x8000;
	(pc) =	sbr.rel @p1 .LBB2_55-.Ltmp37, $4  }
0x3a6: {  	vm0 =	vmand vm1, vm15  }
0x3a7: {  	v10 =	vnsel vm0, $0x0, v14  }
0x3a8: {  	s18 =	simm.s32 $0x1D690;
	s24 =	sadd.s32 $0xFFFFFFFF, s15;
	[tilespmem:v11+s21+$0x0] =	vst.idx.add.f32.msk $0xffff, v10  }
0x3a9: {  	p0 =	por $0x1, $0x1;
	s16 =	simm.s32 $0x1EE80;
	s15 =	simm.s32 $0x0;
	v10 =	vld [tilespmem:s18+$0x0]  }
.LBB2_56:
0x3aa: {  	p1 =	seq.s32 s24, $0x1;
	_ =	sdelay $0x3  }
0x3ab: {  	v10 =	vsub.s32 v10, v9  }
0x3ac: {  	vm0 =	vgt.s32 v10, $0x0  }
0x3ad: {  	v11 =	vnsel vm0, $0x0, v10  }
0x3ae: {  	v11 =	vmin.u32 v11, $0x7FFF  }
0x3af: {  	v12 =	vshrl.u32 v11, $0x5  }
0x3b0: {  	s16 =	sadd.s32 $0x10, s16;
	v13 =	vand.u32 $0x7F, v11;
	v11 =	vshll.u32 v11, $0x3;
	v12 =	vand.u32 $0x380, v12  }
0x3b1: {  	v11 =	vand.u32 $0x7C00, v11;
	v14 =	vld [tilespmem:s16+$0x0];
	v12 =	vor.u32 v13, v12  }
0x3b2: {  	s15 =	sadd.s32 $0x10, s15;
	v11 =	vor.u32 v11, v12  }
0x3b3: {  	v12 =	vor.u32 s15, v1  }
.Ltmp38:
0x3b4: {  	vm0 =	vlt.u32 v10, $0x8000;
	vm1 =	vge.s32 v12, v8;
	(pc) =	sbr.rel @!p1 .LBB2_56-.Ltmp38, $4  }
0x3b5: {  	vm0 =	vmand vm1, vm0  }
0x3b6: {  	v10 =	vnsel vm0, $0x0, v14  }
0x3b7: {  	s18 =	sadd.s32 $0x10, s18;
	[tilespmem:v11+s21+$0x0] =	vst.idx.add.f32.msk $0xffff, v10  }
0x3b8: {  	s24 =	sadd.s32 $0xFFFFFFFF, s24;
	v10 =	vld [tilespmem:s18+$0x0]  }
.LBB2_57:
0x3b9: {  	_ =	sdelay $0x3  }
0x3ba: {  	v9 =	vsub.s32 v10, v9  }
0x3bb: {  	vm0 =	vgt.s32 v9, $0x0  }
0x3bc: {  	v10 =	vnsel vm0, $0x0, v9  }
0x3bd: {  	v10 =	vmin.u32 v10, $0x7FFF  }
0x3be: {  	s16 =	sadd.s32 @p0 $0x10, s16;
	v11 =	vshrl.u32 v10, $0x5  }
0x3bf: {  	s14 =	smov.u32 @p0 s16;
	v12 =	vand.u32 $0x7F, v10;
	v10 =	vshll.u32 v10, $0x3;
	v11 =	vand.u32 $0x380, v11  }
0x3c0: {  	v13 =	vld [tilespmem:s14+$0x0];
	s14 =	sadd.s32 @p0 $0x10, s15;
	v10 =	vand.u32 $0x7C00, v10;
	v11 =	vor.u32 v12, v11  }
0x3c1: {  	s11 =	smov.u32 @p0 s14;
	v10 =	vor.u32 v10, v11  }
0x3c2: {  	v63 =	vor.u32 s11, v1  }
0x3c3: {  	vm15 =	vlt.u32 v9, $0x8000;
	vm1 =	vge.s32 v63, v8  }
0x3c4: {  	vm0 =	vmand vm1, vm15  }
0x3c5: {  	v8 =	vnsel vm0, $0x0, v13  }
0x3c6: {  	[tilespmem:v10+s21+$0x0] =	vst.idx.add.f32.msk $0xffff, v8  }
.LBB2_49:
0x3c7: {  	s11 =	sadd.s32 $0x7FF, s17  }
0x3c8: {  	s14 =	sand.u32 $0x7FF, s11  }
0x3c9: {  	s15 =	sshra.s32 s11, $0x1F;
	p0 =	slt.s32 s11, $0x1;
	p1 =	sne.s32 s14, $0x0  }
0x3ca: {  	s31 =	sshrl.u32 s15, $0x15;
	p0 =	por !p0, !p1  }
0x3cb: {  	s14 =	simm.s32 $0x1;
	s11 =	sadd.s32 s31, s11;
	p0 =	por !p0, !p0  }
0x3cc: {  	s11 =	sshra.s32 s11, $0xB;
	s14 =	simm.s32 @!p0 $0x0  }
0x3cd: {  	s17 =	ssub.s32 s11, s14  }
0x3ce: {  	p0 =	slt.s32 s17, $0x2  }
.Ltmp39:
0x3cf: {  	_ = 	snop;
	(pc) =	sbr.rel @p0 .LBB2_63-.Ltmp39, $1  }
0x3d0: {  	_ =	sdelay $0x3  }
.Ltmp40:
0x3d1: {  	(pc) =	sbr.rel .LBB2_51-.Ltmp40, $2  }
0x3d2: {  	_ =	sdelay $0x2  }
0x3d3: {  	v8 =	vmov s10;
	s10 =	simm.s32 $0x1  }
.LBB2_53:
0x3d4: {  	s16 =	simm.s32 $0x1EE80;
	s15 =	simm.s32 $0x0  }
.LBB2_61:
0x3d5: {  	v10 =	vsub.s32 v10, v8  }
0x3d6: {  	vm0 =	vgt.s32 v10, $0x0  }
0x3d7: {  	v11 =	vnsel vm0, $0x0, v10  }
0x3d8: {  	v11 =	vmin.u32 v11, $0x7FFF  }
0x3d9: {  	s16 =	sadd.s32 @p0 $0x10, s16;
	v12 =	vshrl.u32 v11, $0x5  }
0x3da: {  	s14 =	smov.u32 @p0 s16;
	v13 =	vand.u32 $0x7F, v11;
	v11 =	vshll.u32 v11, $0x3;
	v12 =	vand.u32 $0x380, v12  }
0x3db: {  	v14 =	vld [tilespmem:s14+$0x0];
	s14 =	sadd.s32 @p0 $0x10, s15;
	v11 =	vand.u32 $0x7C00, v11;
	v12 =	vor.u32 v13, v12  }
0x3dc: {  	s11 =	smov.u32 @p0 s14;
	v11 =	vor.u32 v11, v12  }
0x3dd: {  	v63 =	vor.u32 s11, v1  }
0x3de: {  	vm15 =	vlt.u32 v10, $0x8000;
	vm1 =	vge.s32 v63, v9  }
0x3df: {  	vm0 =	vmand vm1, vm15  }
0x3e0: {  	v9 =	vnsel vm0, $0x0, v14  }
0x3e1: {  	[tilespmem:v11+s21+$0x0] =	vst.idx.add.f32.msk $0xffff, v9  }
.LBB2_62:
0x3e2: {  	s10 =	sadd.s32 $0x1, s10  }
0x3e3: {  	p0 =	sne.s32 s10, s17  }
.Ltmp41:
0x3e4: {  	_ = 	snop;
	(pc) =	sbr.rel @!p0 .LBB2_63-.Ltmp41, $1  }
0x3e5: {  	_ =	sdelay $0x3  }
.LBB2_51:
0x3e6: {  	s11 =	sshll.u32 s10, $0xB  }
0x3e7: {  	s11 =	sadd.s32 s1, s11  }
0x3e8: {  	p0 =	slt.s32 s11, $0x7F800;
	s14 =	smov.u32 s11  }
0x3e9: {  	s14 =	simm.s32 @!p0 $0x7F800  }
0x3ea: {  	s15 =	sshrl.u32 s14, $0x3  }
0x3eb: {  	s16 =	sadd.s32 s2, s15  }
0x3ec: {  	[tilespmem:s28], [sflag:$0xD] =	stream.linear.gather [hbm4b:s16+s7], $0x800, $0x38;
	[tilespmem:$0x1F680] =	vst v63  }
0x3ed: {  	_ =	swait.ge [sflag:s23], $0x800  }
0x3ee: {  	[sflag:s23] =	ssyncset.done $0x0  }
0x3ef: {  	s24 =	ssub.s32 s5, s14;
	s15 =	sadd.s32 s3, s15;
	[sflag:s23] =	ssyncadd.s32 $0xFFFFF800  }
0x3f0: {  	[tilespmem:s6], [sflag:$0xD] =	stream.linear.gather [hbm4b:s15+s7], $0x800, $0x38;
	[tilespmem:$0x1F680] =	vst v63  }
0x3f1: {  	s15 =	sadd.s32 $0xF, s24  }
0x3f2: {  	s26 =	sand.u32 $0xF, s15  }
0x3f3: {  	s31 =	sshra.s32 s15, $0x1F;
	p1 =	slt.s32 s15, $0x1;
	p6 =	sne.s32 s26, $0x0  }
0x3f4: {  	s16 =	sshrl.u32 s31, $0x1C;
	p0 =	por !p1, !p6  }
0x3f5: {  	s15 =	sadd.s32 s16, s15;
	s16 =	simm.s32 $0x1;
	p0 =	por !p0, !p0  }
0x3f6: {  	s15 =	sshra.s32 s15, $0x4;
	s16 =	simm.s32 @!p0 $0x0  }
0x3f7: {  	s15 =	ssub.s32 s15, s16  }
0x3f8: {  	p0 =	slt.s32 s15, $0x1  }
.Ltmp42:
0x3f9: {  	_ = 	snop;
	(pc) =	sbr.rel @p0 .LBB2_62-.Ltmp42, $4  }
0x3fa: {  	_ = 	snop  }
0x3fb: {  	_ =	swait.ge [sflag:s23], $0x800  }
0x3fc: {  	[sflag:s23] =	ssyncset.done $0x0  }
0x3fd: {  	[sflag:s23] =	ssyncadd.s32 $0xFFFFF800  }
0x3fe: {  	s15 =	smin.u32 s15, $0x80  }
0x3ff: {  	s16 =	simm.s32 $0x1D680;
	p1 =	sne.s32 s15, $0x1  }
.Ltmp43:
0x400: {  	v10 =	vld [tilespmem:s16+$0x0];
	(pc) =	sbr.rel @!p1 .LBB2_53-.Ltmp43, $3  }
0x401: {  	_ =	sdelay $0x1  }
0x402: {  	s11 =	ssub.s32 s11, s14;
	s14 =	simm.s32 $0x1EE80  }
0x403: {  	p0 =	por $0x0, $0x0;
	v9 =	vmov s11;
	s11 =	simm.s32 $0x0;
	s15 =	sadd.s32 $0xFFFFFFFF, s15  }
0x404: {  	v10 =	vsub.s32 v10, v8  }
0x405: {  	vm0 =	vgt.s32 v10, $0x0  }
0x406: {  	v11 =	vnsel vm0, $0x0, v10  }
0x407: {  	v11 =	vmin.u32 v11, $0x7FFF  }
0x408: {  	v12 =	vshrl.u32 v11, $0x5  }
0x409: {  	v13 =	vand.u32 $0x7F, v11;
	v11 =	vshll.u32 v11, $0x3;
	v12 =	vand.u32 $0x380, v12  }
0x40a: {  	v14 =	vld [tilespmem:s14+$0x0];
	v11 =	vand.u32 $0x7C00, v11;
	v12 =	vor.u32 v13, v12  }
0x40b: {  	v11 =	vor.u32 v11, v12  }
0x40c: {  	v63 =	vor.u32 s11, v1  }
0x40d: {  	vm15 =	vlt.u32 v10, $0x8000;
	vm1 =	vge.s32 v63, v9  }
0x40e: {  	vm0 =	vmand vm1, vm15  }
0x40f: {  	v10 =	vnsel vm0, $0x0, v14  }
0x410: {  	p1 =	sne.s32 s15, $0x1;
	s18 =	simm.s32 $0x1D690;
	[tilespmem:v11+s21+$0x0] =	vst.idx.add.f32.msk $0xffff, v10  }
.Ltmp44:
0x411: {  	v10 =	vld [tilespmem:s18+$0x0];
	(pc) =	sbr.rel @!p1 .LBB2_59-.Ltmp44, $3  }
0x412: {  	_ =	sdelay $0x1  }
0x413: {  	s24 =	sadd.s32 $0xFFFFFFFF, s15  }
0x414: {  	p0 =	por $0x1, $0x1;
	s16 =	simm.s32 $0x1EE80;
	s15 =	simm.s32 $0x0  }
.LBB2_60:
0x415: {  	p1 =	sne.s32 s24, $0x1;
	_ =	sdelay $0x3  }
0x416: {  	v10 =	vsub.s32 v10, v8  }
0x417: {  	vm0 =	vgt.s32 v10, $0x0  }
0x418: {  	v11 =	vnsel vm0, $0x0, v10  }
0x419: {  	v11 =	vmin.u32 v11, $0x7FFF  }
0x41a: {  	v12 =	vshrl.u32 v11, $0x5  }
0x41b: {  	s16 =	sadd.s32 $0x10, s16;
	v13 =	vand.u32 $0x7F, v11;
	v11 =	vshll.u32 v11, $0x3;
	v12 =	vand.u32 $0x380, v12  }
0x41c: {  	v11 =	vand.u32 $0x7C00, v11;
	v12 =	vor.u32 v13, v12;
	v14 =	vld [tilespmem:s16+$0x0]  }
0x41d: {  	s15 =	sadd.s32 $0x10, s15;
	v11 =	vor.u32 v11, v12  }
0x41e: {  	v12 =	vor.u32 s15, v1  }
.Ltmp45:
0x41f: {  	vm0 =	vlt.u32 v10, $0x8000;
	vm1 =	vge.s32 v12, v9;
	(pc) =	sbr.rel @p1 .LBB2_60-.Ltmp45, $4  }
0x420: {  	vm0 =	vmand vm1, vm0  }
0x421: {  	v10 =	vnsel vm0, $0x0, v14  }
0x422: {  	s18 =	sadd.s32 $0x10, s18;
	[tilespmem:v11+s21+$0x0] =	vst.idx.add.f32.msk $0xffff, v10  }
0x423: {  	s24 =	sadd.s32 $0xFFFFFFFF, s24;
	v10 =	vld [tilespmem:s18+$0x0]  }
.Ltmp46:
0x424: {  	_ = 	snop;
	(pc) =	sbr.rel .LBB2_61-.Ltmp46, $1  }
0x425: {  	_ =	sdelay $0x3  }
.LBB2_59:
.Ltmp47:
0x426: {  	(pc) =	sbr.rel .LBB2_61-.Ltmp47, $2  }
0x427: {  	_ =	sdelay $0x2  }
0x428: {  	s16 =	simm.s32 $0x1EE80;
	s15 =	simm.s32 $0x0  }
.LBB2_14:
.Ltmp48:
0x429: {  	(pc) =	sbr.rel .LBB2_23-.Ltmp48, $2  }
0x42a: {  	_ =	sdelay $0x2  }
0x42b: {  	s16 =	simm.s32 $0x1DE80;
	s15 =	simm.s32 $0x0  }
.LBB2_31:
.Ltmp49:
0x42c: {  	(pc) =	sbr.rel .LBB2_40-.Ltmp49, $2  }
0x42d: {  	_ =	sdelay $0x2  }
0x42e: {  	s16 =	simm.s32 $0x1E680;
	s15 =	simm.s32 $0x0  }
.LBB2_48:
.Ltmp50:
0x42f: {  	(pc) =	sbr.rel .LBB2_57-.Ltmp50, $2  }
0x430: {  	_ =	sdelay $0x2  }
0x431: {  	s16 =	simm.s32 $0x1EE80;
	s15 =	simm.s32 $0x0  }
.LBB2_21:
.Ltmp51:
0x432: {  	(pc) =	sbr.rel .LBB2_23-.Ltmp51, $2  }
0x433: {  	_ =	sdelay $0x2  }
0x434: {  	s16 =	simm.s32 $0x1DE80;
	s15 =	simm.s32 $0x0  }
.LBB2_38:
.Ltmp52:
0x435: {  	(pc) =	sbr.rel .LBB2_40-.Ltmp52, $2  }
0x436: {  	_ =	sdelay $0x2  }
0x437: {  	s16 =	simm.s32 $0x1E680;
	s15 =	simm.s32 $0x0  }
.LBB2_55:
.Ltmp53:
0x438: {  	(pc) =	sbr.rel .LBB2_57-.Ltmp53, $2  }
0x439: {  	_ =	sdelay $0x2  }
0x43a: {  	s16 =	simm.s32 $0x1EE80;
	s15 =	simm.s32 $0x0  }
.LBB2_64:
0x43b: {  	s1 =	simm.s32 $0x5  }
0x43c: {  	_ =	swait.ge [sflag:s1], $0x8000  }
0x43d: {  	[sflag:s1] =	ssyncset.done $0x0  }
0x43e: {  	s18 =	simm.s32 $0x1;
	[sflag:s1] =	ssyncadd.s32 $0xFFFF8000  }
0x43f: {  	_ =	swait.ge [sflag:s18], $0x8000  }
0x440: {  	[sflag:s18] =	ssyncset.done $0x0  }
0x441: {  	s24 =	simm.s32 $0x7;
	[sflag:s18] =	ssyncadd.s32 $0xFFFF8000  }
0x442: {  	_ =	swait.ge [sflag:s24], $0x800  }
0x443: {  	[sflag:s24] =	ssyncset.done $0x0  }
0x444: {  	[sflag:s24] =	ssyncadd.s32 $0xFFFFF800  }
0x445: {  	_ =	swait.ge [sflag:s25], $0x800  }
0x446: {  	[sflag:s25] =	ssyncset.done $0x0  }
0x447: {  	[sflag:s25] =	ssyncadd.s32 $0xFFFFF800  }
0x448: {  	v8 =	vld [tilespmem:s8+$0xF];
	_ =	sdelay $0x2  }
0x449: {  	v9 =	vld [tilespmem:s8+$0x10];
	_ =	sdelay $0x1  }
0x44a: {  	(v2sf) =	vpush v8, $0x0;
	_ =	sdelay $0x2  }
0x44b: {  	(v2sf) =	vpush v9, $0x0;
	_ =	sdelay $0xb  }
0x44c: {  	s26 =	spop (v2sf)  }
0x44d: {  	s10 =	sand.u32 $0xFFFFFFF8, s26  }
0x44e: {  	p0 =	slt.s32 s10, $0x7F800;
	s1 =	smov.u32 s10  }
0x44f: {  	s5 =	spop (v2sf);
	s1 =	simm.s32 @!p0 $0x7F800  }
0x450: {  	s9 =	ssub.s32 s5, s1  }
0x451: {  	s11 =	sadd.s32 $0xF, s9  }
0x452: {  	s12 =	sand.u32 $0xF, s11  }
0x453: {  	s31 =	sshra.s32 s11, $0x1F;
	p1 =	slt.s32 s11, $0x1;
	p6 =	sne.s32 s12, $0x0  }
0x454: {  	s12 =	sshrl.u32 s31, $0x1C;
	p0 =	por !p1, !p6  }
0x455: {  	s11 =	sadd.s32 s12, s11;
	s12 =	simm.s32 $0x1;
	p0 =	por !p0, !p0  }
0x456: {  	s11 =	sshra.s32 s11, $0x4;
	s12 =	simm.s32 @!p0 $0x0  }
0x457: {  	s11 =	ssub.s32 s11, s12  }
0x458: {  	p0 =	slt.s32 s11, $0x1  }
.Ltmp54:
0x459: {  	_ = 	snop;
	(pc) =	sbr.rel @p0 .LBB2_71-.Ltmp54, $1  }
0x45a: {  	_ =	sdelay $0x3  }
0x45b: {  	s12 =	smin.u32 s11, $0x80  }
0x45c: {  	p1 =	seq.s32 s12, $0x1  }
.Ltmp55:
0x45d: {  	_ = 	snop;
	(pc) =	sbr.rel @p1 .LBB2_66-.Ltmp55, $3  }
0x45e: {  	_ =	sdelay $0x1  }
0x45f: {  	s10 =	ssub.s32 s10, s1;
	s14 =	simm.s32 $0x1C680;
	s11 =	simm.s32 $0x1DE80  }
0x460: {  	p0 =	por $0x0, $0x0;
	v8 =	vmov s10;
	s10 =	simm.s32 $0x0;
	v9 =	vld [tilespmem:s14+$0x0];
	s12 =	sadd.s32 $0xFFFFFFFF, s12  }
0x461: {  	_ =	sdelay $0x3  }
0x462: {  	v9 =	vsub.s32 v9, v0  }
0x463: {  	vm0 =	vgt.s32 v9, $0x0  }
0x464: {  	v10 =	vnsel vm0, $0x0, v9  }
0x465: {  	v10 =	vmin.u32 v10, $0x7FFF  }
0x466: {  	v11 =	vshrl.u32 v10, $0x5  }
0x467: {  	v12 =	vand.u32 $0x7F, v10;
	v10 =	vshll.u32 v10, $0x3;
	v11 =	vand.u32 $0x380, v11  }
0x468: {  	v13 =	vld [tilespmem:s11+$0x0];
	v10 =	vand.u32 $0x7C00, v10;
	v11 =	vor.u32 v12, v11  }
0x469: {  	v10 =	vor.u32 v10, v11  }
0x46a: {  	p1 =	seq.s32 s12, $0x1;
	v11 =	vor.u32 s10, v1  }
.Ltmp56:
0x46b: {  	vm15 =	vlt.u32 v9, $0x8000;
	vm1 =	vge.s32 v11, v8;
	(pc) =	sbr.rel @p1 .LBB2_68-.Ltmp56, $4  }
0x46c: {  	vm0 =	vmand vm1, vm15  }
0x46d: {  	v9 =	vnsel vm0, $0x0, v13  }
0x46e: {  	s15 =	simm.s32 $0x1C690;
	s16 =	sadd.s32 $0xFFFFFFFF, s12;
	[tilespmem:v10+s19+$0x0] =	vst.idx.add.f32.msk $0xffff, v9  }
0x46f: {  	p0 =	por $0x1, $0x1;
	s14 =	simm.s32 $0x1DE80;
	s12 =	simm.s32 $0x0;
	v9 =	vld [tilespmem:s15+$0x0]  }
.LBB2_69:
0x470: {  	p1 =	seq.s32 s16, $0x1;
	_ =	sdelay $0x3  }
0x471: {  	v9 =	vsub.s32 v9, v0  }
0x472: {  	vm0 =	vgt.s32 v9, $0x0  }
0x473: {  	v10 =	vnsel vm0, $0x0, v9  }
0x474: {  	v10 =	vmin.u32 v10, $0x7FFF  }
0x475: {  	v11 =	vshrl.u32 v10, $0x5  }
0x476: {  	s14 =	sadd.s32 $0x10, s14;
	v12 =	vand.u32 $0x7F, v10;
	v10 =	vshll.u32 v10, $0x3;
	v11 =	vand.u32 $0x380, v11  }
0x477: {  	v10 =	vand.u32 $0x7C00, v10;
	v13 =	vld [tilespmem:s14+$0x0];
	v11 =	vor.u32 v12, v11  }
0x478: {  	s12 =	sadd.s32 $0x10, s12;
	v10 =	vor.u32 v10, v11  }
0x479: {  	v11 =	vor.u32 s12, v1  }
.Ltmp57:
0x47a: {  	vm0 =	vlt.u32 v9, $0x8000;
	vm1 =	vge.s32 v11, v8;
	(pc) =	sbr.rel @!p1 .LBB2_69-.Ltmp57, $4  }
0x47b: {  	vm0 =	vmand vm1, vm0  }
0x47c: {  	v9 =	vnsel vm0, $0x0, v13  }
0x47d: {  	s15 =	sadd.s32 $0x10, s15;
	[tilespmem:v10+s19+$0x0] =	vst.idx.add.f32.msk $0xffff, v9  }
0x47e: {  	s16 =	sadd.s32 $0xFFFFFFFF, s16;
	v9 =	vld [tilespmem:s15+$0x0]  }
.LBB2_70:
0x47f: {  	_ =	sdelay $0x3  }
0x480: {  	v9 =	vsub.s32 v9, v0  }
0x481: {  	vm0 =	vgt.s32 v9, $0x0  }
0x482: {  	v10 =	vnsel vm0, $0x0, v9  }
0x483: {  	v10 =	vmin.u32 v10, $0x7FFF  }
0x484: {  	s14 =	sadd.s32 @p0 $0x10, s14;
	v11 =	vshrl.u32 v10, $0x5  }
0x485: {  	s11 =	smov.u32 @p0 s14;
	v12 =	vand.u32 $0x7F, v10;
	v10 =	vshll.u32 v10, $0x3;
	v11 =	vand.u32 $0x380, v11  }
0x486: {  	v13 =	vld [tilespmem:s11+$0x0];
	s11 =	sadd.s32 @p0 $0x10, s12;
	v10 =	vand.u32 $0x7C00, v10;
	v11 =	vor.u32 v12, v11  }
0x487: {  	s10 =	smov.u32 @p0 s11;
	v10 =	vor.u32 v10, v11  }
0x488: {  	v63 =	vor.u32 s10, v1  }
0x489: {  	vm15 =	vlt.u32 v9, $0x8000;
	vm1 =	vge.s32 v63, v8  }
0x48a: {  	vm0 =	vmand vm1, vm15  }
0x48b: {  	v8 =	vnsel vm0, $0x0, v13  }
0x48c: {  	[tilespmem:v10+s19+$0x0] =	vst.idx.add.f32.msk $0xffff, v8  }
.LBB2_71:
0x48d: {  	s9 =	sadd.s32 $0x7FF, s9  }
0x48e: {  	s10 =	sand.u32 $0x7FF, s9  }
0x48f: {  	s11 =	sshra.s32 s9, $0x1F;
	p0 =	slt.s32 s9, $0x1;
	p1 =	sne.s32 s10, $0x0  }
0x490: {  	s31 =	sshrl.u32 s11, $0x15;
	p0 =	por !p0, !p1  }
0x491: {  	s10 =	simm.s32 $0x1;
	s9 =	sadd.s32 s31, s9;
	p0 =	por !p0, !p0  }
0x492: {  	s9 =	sshra.s32 s9, $0xB;
	s10 =	simm.s32 @!p0 $0x0  }
0x493: {  	s9 =	ssub.s32 s9, s10  }
0x494: {  	p0 =	sgt.s32 s9, $0x1  }
.Ltmp58:
0x495: {  	_ = 	snop;
	(pc) =	sbr.rel @!p0 .LBB2_80-.Ltmp58, $4  }
.Ltmp59:
0x496: {  	_ = 	snop;
	(pc) =	sbr.rel @p0 .LBB2_72-.Ltmp59, $4  }
0x497: {  	_ = 	snop  }
0x498: {  	_ = 	snop  }
0x499: {  	s12 =	simm.s32 $0x1  }
0x49a: {  	_ = 	snop  }
.LBB2_74:
0x49b: {  	s15 =	simm.s32 $0x1DE80;
	s14 =	simm.s32 $0x0  }
.LBB2_78:
0x49c: {  	v9 =	vsub.s32 v9, v0  }
0x49d: {  	vm0 =	vgt.s32 v9, $0x0  }
0x49e: {  	v10 =	vnsel vm0, $0x0, v9  }
0x49f: {  	v10 =	vmin.u32 v10, $0x7FFF  }
0x4a0: {  	s15 =	sadd.s32 @p0 $0x10, s15;
	v11 =	vshrl.u32 v10, $0x5  }
0x4a1: {  	s11 =	smov.u32 @p0 s15;
	v12 =	vand.u32 $0x7F, v10;
	v10 =	vshll.u32 v10, $0x3;
	v11 =	vand.u32 $0x380, v11  }
0x4a2: {  	v13 =	vld [tilespmem:s11+$0x0];
	s11 =	sadd.s32 @p0 $0x10, s14;
	v10 =	vand.u32 $0x7C00, v10;
	v11 =	vor.u32 v12, v11  }
0x4a3: {  	s10 =	smov.u32 @p0 s11;
	v10 =	vor.u32 v10, v11  }
0x4a4: {  	v63 =	vor.u32 s10, v1  }
0x4a5: {  	vm15 =	vlt.u32 v9, $0x8000;
	vm1 =	vge.s32 v63, v8  }
0x4a6: {  	vm0 =	vmand vm1, vm15  }
0x4a7: {  	v8 =	vnsel vm0, $0x0, v13  }
0x4a8: {  	[tilespmem:v10+s19+$0x0] =	vst.idx.add.f32.msk $0xffff, v8  }
.LBB2_79:
0x4a9: {  	s12 =	sadd.s32 $0x1, s12  }
0x4aa: {  	p0 =	sne.s32 s12, s9  }
.Ltmp60:
0x4ab: {  	_ = 	snop;
	(pc) =	sbr.rel @!p0 .LBB2_80-.Ltmp60, $1  }
0x4ac: {  	_ =	sdelay $0x3  }
.LBB2_72:
0x4ad: {  	s10 =	sshll.u32 s12, $0xB  }
0x4ae: {  	s10 =	sadd.s32 s1, s10  }
0x4af: {  	p0 =	slt.s32 s10, $0x7F800;
	s11 =	smov.u32 s10  }
0x4b0: {  	s11 =	simm.s32 @!p0 $0x7F800  }
0x4b1: {  	s14 =	sshrl.u32 s11, $0x3  }
0x4b2: {  	s15 =	sadd.s32 s2, s14  }
0x4b3: {  	[tilespmem:s29], [sflag:$0xD] =	stream.linear.gather [hbm4b:s15+s7], $0x800, $0x38;
	[tilespmem:$0x1F680] =	vst v63  }
0x4b4: {  	_ =	swait.ge [sflag:s23], $0x800  }
0x4b5: {  	[sflag:s23] =	ssyncset.done $0x0  }
0x4b6: {  	s24 =	ssub.s32 s5, s11;
	s14 =	sadd.s32 s3, s14;
	[sflag:s23] =	ssyncadd.s32 $0xFFFFF800  }
0x4b7: {  	[tilespmem:s30], [sflag:$0xD] =	stream.linear.gather [hbm4b:s14+s7], $0x800, $0x38;
	[tilespmem:$0x1F680] =	vst v63  }
0x4b8: {  	s14 =	sadd.s32 $0xF, s24  }
0x4b9: {  	s26 =	sand.u32 $0xF, s14  }
0x4ba: {  	s31 =	sshra.s32 s14, $0x1F;
	p1 =	slt.s32 s14, $0x1;
	p6 =	sne.s32 s26, $0x0  }
0x4bb: {  	s15 =	sshrl.u32 s31, $0x1C;
	p0 =	por !p1, !p6  }
0x4bc: {  	s14 =	sadd.s32 s15, s14;
	s15 =	simm.s32 $0x1;
	p0 =	por !p0, !p0  }
0x4bd: {  	s14 =	sshra.s32 s14, $0x4;
	s15 =	simm.s32 @!p0 $0x0  }
0x4be: {  	s14 =	ssub.s32 s14, s15  }
0x4bf: {  	p0 =	slt.s32 s14, $0x1  }
.Ltmp61:
0x4c0: {  	_ = 	snop;
	(pc) =	sbr.rel @p0 .LBB2_79-.Ltmp61, $4  }
0x4c1: {  	_ = 	snop  }
0x4c2: {  	_ =	swait.ge [sflag:s23], $0x800  }
0x4c3: {  	[sflag:s23] =	ssyncset.done $0x0  }
0x4c4: {  	[sflag:s23] =	ssyncadd.s32 $0xFFFFF800  }
0x4c5: {  	s14 =	smin.u32 s14, $0x80  }
0x4c6: {  	s15 =	simm.s32 $0x1C680;
	p1 =	sne.s32 s14, $0x1  }
.Ltmp62:
0x4c7: {  	v9 =	vld [tilespmem:s15+$0x0];
	(pc) =	sbr.rel @!p1 .LBB2_74-.Ltmp62, $3  }
0x4c8: {  	_ =	sdelay $0x1  }
0x4c9: {  	s10 =	ssub.s32 s10, s11;
	s11 =	simm.s32 $0x1DE80  }
0x4ca: {  	p0 =	por $0x0, $0x0;
	v8 =	vmov s10;
	s10 =	simm.s32 $0x0;
	s14 =	sadd.s32 $0xFFFFFFFF, s14  }
0x4cb: {  	v9 =	vsub.s32 v9, v0  }
0x4cc: {  	vm0 =	vgt.s32 v9, $0x0  }
0x4cd: {  	v10 =	vnsel vm0, $0x0, v9  }
0x4ce: {  	v10 =	vmin.u32 v10, $0x7FFF  }
0x4cf: {  	v11 =	vshrl.u32 v10, $0x5  }
0x4d0: {  	v12 =	vand.u32 $0x7F, v10;
	v10 =	vshll.u32 v10, $0x3;
	v11 =	vand.u32 $0x380, v11  }
0x4d1: {  	v13 =	vld [tilespmem:s11+$0x0];
	v10 =	vand.u32 $0x7C00, v10;
	v11 =	vor.u32 v12, v11  }
0x4d2: {  	v10 =	vor.u32 v10, v11  }
0x4d3: {  	v11 =	vor.u32 s10, v1  }
0x4d4: {  	vm15 =	vlt.u32 v9, $0x8000;
	vm1 =	vge.s32 v11, v8  }
0x4d5: {  	vm0 =	vmand vm1, vm15  }
0x4d6: {  	v9 =	vnsel vm0, $0x0, v13  }
0x4d7: {  	p1 =	sne.s32 s14, $0x1;
	s16 =	simm.s32 $0x1C690;
	[tilespmem:v10+s19+$0x0] =	vst.idx.add.f32.msk $0xffff, v9  }
.Ltmp63:
0x4d8: {  	v9 =	vld [tilespmem:s16+$0x0];
	(pc) =	sbr.rel @!p1 .LBB2_76-.Ltmp63, $3  }
0x4d9: {  	_ =	sdelay $0x1  }
0x4da: {  	s17 =	sadd.s32 $0xFFFFFFFF, s14  }
0x4db: {  	p0 =	por $0x1, $0x1;
	s15 =	simm.s32 $0x1DE80;
	s14 =	simm.s32 $0x0  }
.LBB2_77:
0x4dc: {  	p1 =	sne.s32 s17, $0x1;
	_ =	sdelay $0x3  }
0x4dd: {  	v9 =	vsub.s32 v9, v0  }
0x4de: {  	vm0 =	vgt.s32 v9, $0x0  }
0x4df: {  	v10 =	vnsel vm0, $0x0, v9  }
0x4e0: {  	v10 =	vmin.u32 v10, $0x7FFF  }
0x4e1: {  	v11 =	vshrl.u32 v10, $0x5  }
0x4e2: {  	s15 =	sadd.s32 $0x10, s15;
	v12 =	vand.u32 $0x7F, v10;
	v10 =	vshll.u32 v10, $0x3;
	v11 =	vand.u32 $0x380, v11  }
0x4e3: {  	v10 =	vand.u32 $0x7C00, v10;
	v11 =	vor.u32 v12, v11;
	v13 =	vld [tilespmem:s15+$0x0]  }
0x4e4: {  	s14 =	sadd.s32 $0x10, s14;
	v10 =	vor.u32 v10, v11  }
0x4e5: {  	v11 =	vor.u32 s14, v1  }
.Ltmp64:
0x4e6: {  	vm0 =	vlt.u32 v9, $0x8000;
	vm1 =	vge.s32 v11, v8;
	(pc) =	sbr.rel @p1 .LBB2_77-.Ltmp64, $4  }
0x4e7: {  	vm0 =	vmand vm1, vm0  }
0x4e8: {  	v9 =	vnsel vm0, $0x0, v13  }
0x4e9: {  	s16 =	sadd.s32 $0x10, s16;
	[tilespmem:v10+s19+$0x0] =	vst.idx.add.f32.msk $0xffff, v9  }
0x4ea: {  	s17 =	sadd.s32 $0xFFFFFFFF, s17;
	v9 =	vld [tilespmem:s16+$0x0]  }
.Ltmp65:
0x4eb: {  	_ = 	snop;
	(pc) =	sbr.rel .LBB2_78-.Ltmp65, $1  }
0x4ec: {  	_ =	sdelay $0x3  }
.LBB2_76:
.Ltmp66:
0x4ed: {  	(pc) =	sbr.rel .LBB2_78-.Ltmp66, $2  }
0x4ee: {  	_ =	sdelay $0x2  }
0x4ef: {  	s15 =	simm.s32 $0x1DE80;
	s14 =	simm.s32 $0x0  }
.LBB2_66:
.Ltmp67:
0x4f0: {  	(pc) =	sbr.rel .LBB2_70-.Ltmp67, $2  }
0x4f1: {  	_ =	sdelay $0x2  }
0x4f2: {  	s14 =	simm.s32 $0x1DE80;
	s12 =	simm.s32 $0x0  }
.LBB2_68:
.Ltmp68:
0x4f3: {  	(pc) =	sbr.rel .LBB2_70-.Ltmp68, $2  }
0x4f4: {  	_ =	sdelay $0x2  }
0x4f5: {  	s14 =	simm.s32 $0x1DE80;
	s12 =	simm.s32 $0x0  }
.LBB2_81:
0x4f6: {  	_ =	sfence.sel $0x180000  }
0x4f7: {  	[bflag:$0x0] =	sbarrier.arrive $0xFFFF  }
0x4f8: {  	_ =	strace $0x90000047  }
0x4f9: {  	s0 =	stileid.u32;
	[bflag:$0x2] =	sbarrier.arrive $0xFFFF  }
0x4fa: {  	p0 =	sne.s32 s0, $0x0;
	s0 =	rddreg [dreg:$0x5]  }
0x4fb: {  	s0 =	sadd.s32 @!p0 $0x100000, s0  }
0x4fc: {  	[sflag:s0] =	ssyncadd.tile.s32 @!p0 $0x1;
	_ =	shalt  }
.Lfunc_end2:
_tile_overlayer_lowered:
.L_overlay_start_2:
0x4fd: {  	(tag) =	ssettag $0x2  }
0x4fe: {  	s0 =	rddreg [dreg:$0x0];
	s2 =	stileid.u32  }
0x4ff: {  	s1 =	rddreg [dreg:$0x1];
	p0 =	sne.s32 s2, $0x0  }
0x500: {  	s3 =	rddreg [dreg:$0x2];
	[bflag:$0x3] =	sbarrier.arrive $0xFFFF;
	s2 =	simm.s32 @!p0 $0x1C0D  }
0x501: {  	[timem:s3], [sflag:s2] =	dma.local @!p0 [hbm:s0], s1  }
0x502: {  	s0 =	simm.s32 @!p0 $0xD  }
0x503: {  	_ =	swait.ge @!p0 [sflag:s0], s1  }
0x504: {  	s1 =	ssub.s32 @!p0 $0x0, s1;
	[sflag:s0] =	ssyncset.done @!p0 $0x0  }
0x505: {  	[sflag:s0] =	ssyncadd.s32 @!p0 s1  }
0x506: {  	[bflag:$0x3] =	sbarrier.arrive $0xFFFF  }
0x507: {  	_ =	shalt  }

</sc_bundles>
